<compile_context>
chip_gen: v7x
topology: tpu7x:2x2x1
jax: 0.10.2.dev20260603
libtpu: 0.0.44.dev20260713+nightly
codegen_flags: <defaults>
</compile_context>

<pallas_src>
import jax
import jax.numpy as jnp
from jax import lax
from jax.experimental import pallas as pl
from jax.experimental.pallas import tpu as pltpu, tpu_sc as plsc

N = 50000
E = 800000
G = 512
EPS = 1e-5

NC = 2
NS = 16
ER = E // 128
EPR = 6272
NB = 4
NB64 = 4
NPS = N // NS
BR = 2000
GRID = N // BR

_mesh = plsc.VectorSubcoreMesh(core_axis_name="c", subcore_axis_name="s")
_sc_params = pltpu.CompilerParams(use_tc_tiling_on_sc=False)


def _f32(*shape):
    return jax.ShapeDtypeStruct(shape, jnp.float32)


def _deg_body(dst_hbm, zeros_hbm, ones_hbm, out_hbm, dacc, idx_v, ones_v, sem):
    c = lax.axis_index("c")
    s = lax.axis_index("s")
    rbase = s * NPS
    pltpu.sync_copy(zeros_hbm.at[pl.ds(rbase, NPS)], dacc.at[pl.ds(rbase, NPS)])
    pltpu.sync_copy(ones_hbm, ones_v)
    plsc.subcore_barrier()
    e0 = c * (EPR // 2) + s * (EPR // 2 // NS)

    def step(g, carry):
        base = e0 + g * NB
        pltpu.sync_copy(dst_hbm.at[pl.ds(base, NB)], idx_v)
        descs = [pltpu.async_copy(ones_v, dacc.at[idx_v.at[b]], sem, add=True)
                 for b in range(NB)]
        for d in descs:
            d.wait()
        return carry

    lax.fori_loop(0, EPR // 2 // NS // NB, step, 0)
    plsc.subcore_barrier()
    pltpu.sync_copy(dacc.at[pl.ds(rbase, NPS)], out_hbm.at[c, pl.ds(rbase, NPS)])


_deg_kernel = pl.kernel(
    _deg_body,
    out_type=_f32(2, N, 16),
    mesh=_mesh,
    scratch_types=[
        pltpu.VMEM_SHARED((N + 8, 16), jnp.float32),
        pltpu.VMEM((NB, 128), jnp.int32),
        pltpu.VMEM((128, 16), jnp.float32),
        pltpu.SemaphoreType.DMA,
    ],
    compiler_params=_sc_params,
)


def _agg16_body(xs_hbm, zeros_hbm, src_hbm, dst_hbm, out_hbm,
                acc, src_v, dst_v, rows_v, sem, sem2):
    c = lax.axis_index("c")
    s = lax.axis_index("s")
    rbase = s * NPS

    @pl.when(c == 0)
    def _():
        pltpu.sync_copy(xs_hbm.at[pl.ds(rbase, NPS)], acc.at[pl.ds(rbase, NPS)])

    @pl.when(c == 1)
    def _():
        pltpu.sync_copy(zeros_hbm.at[pl.ds(rbase, NPS)], acc.at[pl.ds(rbase, NPS)])

    plsc.subcore_barrier()
    e0 = c * (EPR // 2) + s * (EPR // 2 // NS)

    def step(g, carry):
        base = e0 + g * NB
        pltpu.sync_copy(src_hbm.at[pl.ds(base, NB)], src_v)
        pltpu.sync_copy(dst_hbm.at[pl.ds(base, NB)], dst_v)
        gds = [pltpu.async_copy(xs_hbm.at[src_v.at[b]], rows_v.at[b], sem)
               for b in range(NB)]
        for d in gds:
            d.wait()
        sds = [pltpu.async_copy(rows_v.at[b], acc.at[dst_v.at[b]],
                                sem2, add=True) for b in range(NB)]
        for d in sds:
            d.wait()
        return carry

    lax.fori_loop(0, EPR // 2 // NS // NB, step, 0)
    plsc.subcore_barrier()
    pltpu.sync_copy(acc.at[pl.ds(rbase, NPS)], out_hbm.at[c, pl.ds(rbase, NPS)])


_agg16_kernel = pl.kernel(
    _agg16_body,
    out_type=_f32(2, N, 16),
    mesh=_mesh,
    scratch_types=[
        pltpu.VMEM_SHARED((N + 8, 16), jnp.float32),
        pltpu.VMEM((NB, 128), jnp.int32),
        pltpu.VMEM((NB, 128), jnp.int32),
        pltpu.VMEM((NB, 128, 16), jnp.float32),
        pltpu.SemaphoreType.DMA,
        pltpu.SemaphoreType.DMA,
    ],
    compiler_params=_sc_params,
)


def _agg64_body(lo_hbm, hi_hbm, src_hbm, dst_hbm, out_lo, out_hi,
                acc, src_v, dst_v, rows_v, sem, sem2):
    c = lax.axis_index("c")
    s = lax.axis_index("s")
    rbase = s * NPS

    @pl.when(c == 0)
    def _():
        pltpu.sync_copy(lo_hbm.at[pl.ds(rbase, NPS)], acc.at[pl.ds(rbase, NPS)])

    @pl.when(c == 1)
    def _():
        pltpu.sync_copy(hi_hbm.at[pl.ds(rbase, NPS)], acc.at[pl.ds(rbase, NPS)])

    plsc.subcore_barrier()
    e0 = s * (EPR // NS)

    def edge_loop(table):
        def step(g, carry):
            base = e0 + g * NB64
            pltpu.sync_copy(src_hbm.at[pl.ds(base, NB64)], src_v)
            pltpu.sync_copy(dst_hbm.at[pl.ds(base, NB64)], dst_v)
            gds = [pltpu.async_copy(table.at[src_v.at[b]], rows_v.at[b], sem)
                   for b in range(NB64)]
            for d in gds:
                d.wait()
            sds = [pltpu.async_copy(rows_v.at[b], acc.at[dst_v.at[b]],
                                    sem2, add=True) for b in range(NB64)]
            for d in sds:
                d.wait()
            return carry

        lax.fori_loop(0, EPR // NS // NB64, step, 0)

    @pl.when(c == 0)
    def _():
        edge_loop(lo_hbm)

    @pl.when(c == 1)
    def _():
        edge_loop(hi_hbm)
    plsc.subcore_barrier()

    @pl.when(c == 0)
    def _():
        pltpu.sync_copy(acc.at[pl.ds(rbase, NPS)], out_lo.at[pl.ds(rbase, NPS)])

    @pl.when(c == 1)
    def _():
        pltpu.sync_copy(acc.at[pl.ds(rbase, NPS)], out_hi.at[pl.ds(rbase, NPS)])


_agg64_kernel = pl.kernel(
    _agg64_body,
    out_type=(_f32(N, 32), _f32(N, 32)),
    mesh=_mesh,
    scratch_types=[
        pltpu.VMEM_SHARED((N + 8, 32), jnp.float32),
        pltpu.VMEM((NB64, 128), jnp.int32),
        pltpu.VMEM((NB64, 128), jnp.int32),
        pltpu.VMEM((NB64, 128, 32), jnp.float32),
        pltpu.SemaphoreType.DMA,
        pltpu.SemaphoreType.DMA,
    ],
    compiler_params=_sc_params,
)


def _pool_body(h_hbm, b2d_hbm, zg_hbm, out_hbm, pacc, idx_v, rows_v):
    c = lax.axis_index("c")
    s = lax.axis_index("s")
    gbase = s * (G // NS)
    pltpu.sync_copy(zg_hbm.at[pl.ds(gbase, G // NS)],
                    pacc.at[pl.ds(gbase, G // NS)])
    plsc.subcore_barrier()
    w = c * NS + s
    r0 = w * 97 + jnp.minimum(w, 21)
    cnt = 97 + (w < 21).astype(jnp.int32)

    def step(j, carry):
        pltpu.sync_copy(b2d_hbm.at[j], idx_v)
        pltpu.sync_copy(h_hbm.at[pl.ds(j * 16, 16)], rows_v)
        pltpu.sync_copy(rows_v, pacc.at[idx_v], add=True)
        return carry

    lax.fori_loop(r0, r0 + cnt, step, 0)
    plsc.subcore_barrier()
    pltpu.sync_copy(pacc.at[pl.ds(gbase, G // NS)],
                    out_hbm.at[c, pl.ds(gbase, G // NS)])


_pool_kernel = pl.kernel(
    _pool_body,
    out_type=_f32(2, G, 64),
    mesh=_mesh,
    scratch_types=[
        pltpu.VMEM_SHARED((G, 64), jnp.float32),
        pltpu.VMEM((16,), jnp.int32),
        pltpu.VMEM((16, 64), jnp.float32),
    ],
    compiler_params=_sc_params,
)


def _dinv_from(dp):
    deg = dp[0] + dp[1] + 1.0
    return lax.rsqrt(deg)


def _t1a_body(x_ref, dp_ref, xs_ref):
    dinv = _dinv_from(dp_ref[...])
    xs_ref[...] = x_ref[...] * dinv


def _t2_body(p_ref, dp_ref, w1_ref, b1_ref, g1_ref, be1_ref, w2_ref,
             lo_ref, hi_ref):
    dinv = _dinv_from(dp_ref[...])
    dinv_col = dinv[:, 0:1]
    p = p_ref[...]
    y = (p[0] + p[1]) * dinv
    h1 = jnp.maximum(
        jnp.dot(y, w1_ref[...], preferred_element_type=jnp.float32,
                precision=lax.Precision.HIGHEST) + b1_ref[...], 0.0)
    h1 = h1 * g1_ref[...] + be1_ref[...]
    hs = jnp.dot(h1, w2_ref[...], preferred_element_type=jnp.float32,
                 precision=lax.Precision.HIGHEST) * dinv_col
    lo_ref[...] = hs[:, :32]
    hi_ref[...] = hs[:, 32:]


def _tmid_body(lo_in, hi_in, dp_ref, b_ref, w_ref, lo_ref, hi_ref):
    dinv = _dinv_from(dp_ref[...])
    dinv_col = dinv[:, 0:1]
    agg = jnp.concatenate([lo_in[...], hi_in[...]], axis=1)
    h = jnp.maximum(agg * dinv_col + b_ref[...], 0.0)
    hs = jnp.dot(h, w_ref[...], preferred_element_type=jnp.float32,
                 precision=lax.Precision.HIGHEST) * dinv_col
    lo_ref[...] = hs[:, :32]
    hi_ref[...] = hs[:, 32:]


def _t5_body(lo_in, hi_in, dp_ref, b_ref, out_ref):
    dinv = _dinv_from(dp_ref[...])
    dinv_col = dinv[:, 0:1]
    agg = jnp.concatenate([lo_in[...], hi_in[...]], axis=1)
    h = jnp.maximum(agg * dinv_col + b_ref[...], 0.0)
    lane = lax.broadcasted_iota(jnp.int32, h.shape, 1)
    out_ref[...] = jnp.where(lane == 63, 1.0, h)


def _t6_body(p_ref, wl_ref, bl_ref, g3_ref, be3_ref, wl2_ref, bl2_ref, out_ref):
    p = p_ref[...]
    ps = p[0] + p[1]
    cnt = jnp.maximum(ps[:, 63:64], 1.0)
    mean = ps / cnt
    z = jnp.maximum(
        jnp.dot(mean, wl_ref[...], preferred_element_type=jnp.float32,
                precision=lax.Precision.HIGHEST) + bl_ref[...], 0.0)
    z = z * g3_ref[...] + be3_ref[...]
    logits = jnp.dot(z, wl2_ref[...], preferred_element_type=jnp.float32,
                     precision=lax.Precision.HIGHEST) + bl2_ref[...]
    lane = lax.broadcasted_iota(jnp.int32, logits.shape, 1)
    m = jnp.where(lane < 4, logits, -1e30)
    mx = jnp.max(m, axis=1, keepdims=True)
    lse = jnp.log(jnp.sum(jnp.exp(m - mx), axis=1, keepdims=True))
    out_ref[...] = m - mx - lse


def _row_spec(w):
    return pl.BlockSpec((BR, w), lambda i: (i, 0))


def _full_spec(*shape):
    n = len(shape)
    return pl.BlockSpec(shape, lambda i: (0,) * n)


_dp_spec = pl.BlockSpec((2, BR, 16), lambda i: (0, i, 0))

_t1a = pl.pallas_call(
    _t1a_body, grid=(GRID,),
    in_specs=[_row_spec(16), _dp_spec],
    out_specs=_row_spec(16),
    out_shape=_f32(N, 16),
)

_t2 = pl.pallas_call(
    _t2_body, grid=(GRID,),
    in_specs=[_dp_spec, _dp_spec, _full_spec(16, 64), _full_spec(1, 64),
              _full_spec(1, 64), _full_spec(1, 64), _full_spec(64, 64)],
    out_specs=(_row_spec(32), _row_spec(32)),
    out_shape=(_f32(N, 32), _f32(N, 32)),
)

_tmid = pl.pallas_call(
    _tmid_body, grid=(GRID,),
    in_specs=[_row_spec(32), _row_spec(32), _dp_spec, _full_spec(1, 64),
              _full_spec(64, 64)],
    out_specs=(_row_spec(32), _row_spec(32)),
    out_shape=(_f32(N, 32), _f32(N, 32)),
)

_t5 = pl.pallas_call(
    _t5_body, grid=(GRID,),
    in_specs=[_row_spec(32), _row_spec(32), _dp_spec, _full_spec(1, 64)],
    out_specs=_row_spec(64),
    out_shape=_f32(N, 64),
)

_t6 = pl.pallas_call(
    _t6_body, grid=(1,),
    in_specs=[_full_spec(2, G, 64), _full_spec(64, 64), _full_spec(1, 64),
              _full_spec(1, 64), _full_spec(1, 64), _full_spec(64, 8),
              _full_spec(1, 8)],
    out_specs=_full_spec(G, 8),
    out_shape=_f32(G, 8),
)


def _pad2(a, r, c):
    return jnp.pad(a, ((0, r - a.shape[0]), (0, c - a.shape[1])))


def _padrow(v, c):
    return jnp.pad(v, (0, c - v.shape[0])).reshape(1, c)


def kernel(x, edge_index, batch, W1, b1, W2, b2, W3, b3, W4, b4,
           g1, be1, g3, be3, Wl, bl, Wl2, bl2):
    pad = EPR * 128 - E
    src2d = jnp.concatenate(
        [edge_index[0], jnp.zeros((pad,), jnp.int32)]).reshape(EPR, 128)
    dst2d = jnp.concatenate(
        [edge_index[1], jnp.full((pad,), N, jnp.int32)]).reshape(EPR, 128)
    batch2d = batch.reshape(3125, 16)

    inv_bn = 1.0 / jnp.sqrt(1.0 + EPS)
    W1p = _pad2(W1, 16, 64)
    W2p, W3p, W4p = (_pad2(w, 64, 64) for w in (W2, W3, W4))
    Wlp = _pad2(Wl, 64, 64)
    Wl2p = _pad2(Wl2, 64, 8)
    b1p, b2p, b3p, b4p = (_padrow(b, 64) for b in (b1, b2, b3, b4))
    blp = _padrow(bl, 64)
    bl2p = _padrow(bl2, 8)
    g1e = _padrow(g1 * inv_bn, 64)
    be1p = _padrow(be1, 64)
    g3e = _padrow(g3 * inv_bn, 64)
    be3p = _padrow(be3, 64)

    zerosN16 = jnp.zeros((N, 16), jnp.float32)
    ones128 = jnp.ones((128, 16), jnp.float32)
    zerosG = jnp.zeros((G, 64), jnp.float32)

    degp = _deg_kernel(dst2d, zerosN16, ones128)
    xs = _t1a(x, degp)
    p1 = _agg16_kernel(xs, zerosN16, src2d, dst2d)
    lo2, hi2 = _t2(p1, degp, W1p, b1p, g1e, be1p, W2p)
    alo2, ahi2 = _agg64_kernel(lo2, hi2, src2d, dst2d)
    lo3, hi3 = _tmid(alo2, ahi2, degp, b2p, W3p)
    alo3, ahi3 = _agg64_kernel(lo3, hi3, src2d, dst2d)
    lo4, hi4 = _tmid(alo3, ahi3, degp, b3p, W4p)
    alo4, ahi4 = _agg64_kernel(lo4, hi4, src2d, dst2d)
    hpool = _t5(alo4, ahi4, degp, b4p)
    pooled = _pool_kernel(hpool, batch2d, zerosG)
    out = _t6(pooled, Wlp, blp, g3e, be3p, Wl2p, bl2p)
    return out[:, :4]

# --- scband reference (transcript-rebuilt; emitter-appended) ---
"""Pipeline reference for scband-gcn-2-75797582839834 (READ-ONLY COPY).

The authoritative reference and input builder live on the scoring server;
editing this copy changes nothing except your own understanding.
"""

import jax, jax.numpy as jnp
import numpy as np

N = 50000
E = 800000
G = 512
EPS = 1e-5


def _init_linear(key, fan_in, fan_out):
    k1, k2 = jax.random.split(key)
    bound = 1.0 / np.sqrt(fan_in)
    W = jax.random.uniform(k1, (fan_in, fan_out), minval=-bound, maxval=bound, dtype=jnp.float32)
    b = jax.random.uniform(k2, (fan_out,), minval=-bound, maxval=bound, dtype=jnp.float32)
    return W, b


def setup_inputs(seed: int = 0):
    key = jax.random.key(seed)
    ks = jax.random.split(key, 12)
    x = jax.random.normal(ks[0], (N, 16), dtype=jnp.float32)
    edge_index = jax.random.randint(ks[1], (2, E), 0, N, dtype=jnp.int32)
    batch = jnp.sort(jax.random.randint(ks[2], (N,), 0, G, dtype=jnp.int32))
    W1, b1 = _init_linear(ks[3], 16, 60)
    W2, b2 = _init_linear(ks[4], 60, 60)
    W3, b3 = _init_linear(ks[5], 60, 60)
    W4, b4 = _init_linear(ks[6], 60, 60)
    Wl, bl = _init_linear(ks[7], 60, 60)
    Wl2, bl2 = _init_linear(ks[8], 60, 4)
    g1 = jnp.ones((60,), dtype=jnp.float32)
    be1 = jnp.zeros((60,), dtype=jnp.float32)
    g3 = jnp.ones((60,), dtype=jnp.float32)
    be3 = jnp.zeros((60,), dtype=jnp.float32)
    return {"x": x, "edge_index": edge_index, "batch": batch,
            "W1": W1, "b1": b1, "W2": W2, "b2": b2, "W3": W3, "b3": b3,
            "W4": W4, "b4": b4, "g1": g1, "be1": be1, "g3": g3, "be3": be3,
            "Wl": Wl, "bl": bl, "Wl2": Wl2, "bl2": bl2}


def _gcn_conv(x, W, b, src, dst):
    # PyG GCNConv: linear transform, add self-loops, symmetric normalization, scatter-add
    h = x @ W
    sl = jnp.arange(N, dtype=src.dtype)
    s = jnp.concatenate([src, sl])
    d = jnp.concatenate([dst, sl])
    deg = jax.ops.segment_sum(jnp.ones(s.shape[0], dtype=h.dtype), d, num_segments=N)
    dinv = jax.lax.rsqrt(deg)
    norm = dinv[s] * dinv[d]
    agg = jax.ops.segment_sum(h[s] * norm[:, None], d, num_segments=N)
    return agg + b


def _bn_eval(h, gamma, beta):
    # eval-mode BatchNorm1d with running_mean=0, running_var=1
    return (h / jnp.sqrt(1.0 + EPS)) * gamma + beta


def reference(x, edge_index, batch, W1, b1, W2, b2, W3, b3, W4, b4, g1, be1, g3, be3, Wl, bl, Wl2, bl2):
    src, dst = edge_index[0], edge_index[1]
    h = jax.nn.relu(_gcn_conv(x, W1, b1, src, dst))
    h = _bn_eval(h, g1, be1)
    h = jax.nn.relu(_gcn_conv(h, W2, b2, src, dst))
    h = jax.nn.relu(_gcn_conv(h, W3, b3, src, dst))
    # dropout p=0.2 is identity in eval mode
    h = jax.nn.relu(_gcn_conv(h, W4, b4, src, dst))
    counts = jax.ops.segment_sum(jnp.ones(N, dtype=h.dtype), batch, num_segments=G)
    hG = jax.ops.segment_sum(h, batch, num_segments=G) / jnp.maximum(counts, 1.0)[:, None]
    hG = jax.nn.relu(hG @ Wl + bl)
    hG = _bn_eval(hG, g3, be3)
    # dropout p=0.3 is identity in eval mode
    hG = hG @ Wl2 + bl2
    return jax.nn.log_softmax(hG, axis=1)

if __name__ == "__main__":
    import jax
    _d = setup_inputs()
    print(jax.jit(kernel)(*tuple(_d.values())))

</pallas_src>

<mosaic_0001>
#map = affine_map<(d0, d1) -> (0, 0)>
#map1 = affine_map<(d0, d1) -> (0, 0, 0)>
module attributes {stable_mosaic.version = 14 : i64} {
  func.func @_agg16_body(%arg0: i32, %arg1: i32, %arg2: memref<50000x16xf32, #tpu.memory_space<hbm>>, %arg3: memref<50000x16xf32, #tpu.memory_space<hbm>>, %arg4: memref<6272x128xi32, #tpu.memory_space<hbm>>, %arg5: memref<6272x128xi32, #tpu.memory_space<hbm>>, %arg6: memref<2x50000x16xf32, #tpu.memory_space<hbm>>, %arg7: memref<50008x16xf32, #tpu.memory_space<vmem_shared>>, %arg8: memref<4x128xi32, #tpu.memory_space<vmem>>, %arg9: memref<4x128xi32, #tpu.memory_space<vmem>>, %arg10: memref<4x128x16xf32, #tpu.memory_space<vmem>>, %arg11: memref<!tpu.dma_semaphore, #tpu.memory_space<semaphore_mem>>, %arg12: memref<!tpu.dma_semaphore, #tpu.memory_space<semaphore_mem>>) attributes {dimension_semantics = [#tpu.dimension_semantics<core_parallel>, #tpu.dimension_semantics<subcore_parallel>], iteration_bounds = array<i64: 2, 16>, scalar_prefetch = 0 : i64, scratch_operands = 6 : i64, tpu.core_type = #tpu.core_type<sc_vector_subcore>, window_params = [{transform_indices = #map}, {transform_indices = #map}, {transform_indices = #map}, {transform_indices = #map}, {transform_indices = #map1}]} {
    %mul3A = arith.constant 3125 : i32
    %mul3A_0 = arith.muli %arg1, %mul3A : i32
    %eq3A = arith.constant 0 : i32
    %eq3A_1 = arith.cmpi eq, %arg0, %eq3A : i32
    %convert_element_type3A = arith.extui %eq3A_1 : i1 to i32
    %cond3A = arith.constant 0 : i32
    %cond3A_2 = arith.cmpi ne, %convert_element_type3A, %cond3A : i32
    scf.if %cond3A_2 {
      "tpu.region"() ({
        %run_scoped3A = tpu.sem_alloc : memref<!tpu.dma_semaphore, #tpu.memory_space<semaphore_mem>>
        %dma_start3A = arith.constant 0 : i32
        %dma_start3A_18 = tpu.memref_slice %arg7[%mul3A_0, %dma_start3A] : memref<50008x16xf32, #tpu.memory_space<vmem_shared>> -> memref<3125x16xf32, #tpu.memory_space<vmem_shared>>
        %dma_start3A_19 = arith.constant 0 : i32
        %dma_start3A_20 = tpu.memref_slice %arg2[%mul3A_0, %dma_start3A_19] : memref<50000x16xf32, #tpu.memory_space<hbm>> -> memref<3125x16xf32, #tpu.memory_space<hbm>>
        tpu.enqueue_dma source(%dma_start3A_20 : memref<3125x16xf32, #tpu.memory_space<hbm>>) target(%dma_start3A_18 : memref<3125x16xf32, #tpu.memory_space<vmem_shared>>) target_semaphore(%run_scoped3A : memref<!tpu.dma_semaphore, #tpu.memory_space<semaphore_mem>>)
        %dma_wait3A = arith.constant 0 : i32
        %dma_wait3A_21 = tpu.memref_slice %arg7[%mul3A_0, %dma_wait3A] : memref<50008x16xf32, #tpu.memory_space<vmem_shared>> -> memref<3125x16xf32, #tpu.memory_space<vmem_shared>>
        %dma_wait3A_22 = arith.constant 0 : i32
        %dma_wait3A_23 = tpu.memref_slice %arg2[%mul3A_0, %dma_wait3A_22] : memref<50000x16xf32, #tpu.memory_space<hbm>> -> memref<3125x16xf32, #tpu.memory_space<hbm>>
        tpu.wait_dma2 semaphore(%run_scoped3A : memref<!tpu.dma_semaphore, #tpu.memory_space<semaphore_mem>>) src(%dma_wait3A_23 : memref<3125x16xf32, #tpu.memory_space<hbm>>) dst(%dma_wait3A_21 : memref<3125x16xf32, #tpu.memory_space<vmem_shared>>)
        tpu.yield
      }) : () -> ()
    } else {
    }
    %eq3A_3 = arith.constant 1 : i32
    %eq3A_4 = arith.cmpi eq, %arg0, %eq3A_3 : i32
    %convert_element_type3A_5 = arith.extui %eq3A_4 : i1 to i32
    %cond3A_6 = arith.constant 0 : i32
    %cond3A_7 = arith.cmpi ne, %convert_element_type3A_5, %cond3A_6 : i32
    scf.if %cond3A_7 {
      "tpu.region"() ({
        %run_scoped3A = tpu.sem_alloc : memref<!tpu.dma_semaphore, #tpu.memory_space<semaphore_mem>>
        %dma_start3A = arith.constant 0 : i32
        %dma_start3A_18 = tpu.memref_slice %arg7[%mul3A_0, %dma_start3A] : memref<50008x16xf32, #tpu.memory_space<vmem_shared>> -> memref<3125x16xf32, #tpu.memory_space<vmem_shared>>
        %dma_start3A_19 = arith.constant 0 : i32
        %dma_start3A_20 = tpu.memref_slice %arg3[%mul3A_0, %dma_start3A_19] : memref<50000x16xf32, #tpu.memory_space<hbm>> -> memref<3125x16xf32, #tpu.memory_space<hbm>>
        tpu.enqueue_dma source(%dma_start3A_20 : memref<3125x16xf32, #tpu.memory_space<hbm>>) target(%dma_start3A_18 : memref<3125x16xf32, #tpu.memory_space<vmem_shared>>) target_semaphore(%run_scoped3A : memref<!tpu.dma_semaphore, #tpu.memory_space<semaphore_mem>>)
        %dma_wait3A = arith.constant 0 : i32
        %dma_wait3A_21 = tpu.memref_slice %arg7[%mul3A_0, %dma_wait3A] : memref<50008x16xf32, #tpu.memory_space<vmem_shared>> -> memref<3125x16xf32, #tpu.memory_space<vmem_shared>>
        %dma_wait3A_22 = arith.constant 0 : i32
        %dma_wait3A_23 = tpu.memref_slice %arg3[%mul3A_0, %dma_wait3A_22] : memref<50000x16xf32, #tpu.memory_space<hbm>> -> memref<3125x16xf32, #tpu.memory_space<hbm>>
        tpu.wait_dma2 semaphore(%run_scoped3A : memref<!tpu.dma_semaphore, #tpu.memory_space<semaphore_mem>>) src(%dma_wait3A_23 : memref<3125x16xf32, #tpu.memory_space<hbm>>) dst(%dma_wait3A_21 : memref<3125x16xf32, #tpu.memory_space<vmem_shared>>)
        tpu.yield
      }) : () -> ()
    } else {
    }
    %barrier3A = arith.constant 0 : index
    tpu.barrier barrier_id(%barrier3A)
    %mul3A_8 = arith.constant 3136 : i32
    %mul3A_9 = arith.muli %arg0, %mul3A_8 : i32
    %mul3A_10 = arith.constant 196 : i32
    %mul3A_11 = arith.muli %arg1, %mul3A_10 : i32
    %add3A = arith.addi %mul3A_9, %mul3A_11 : i32
    %scan3A = arith.constant 0 : i32
    %scan3A_12 = arith.constant 0 : i32
    %scan3A_13 = arith.constant 49 : i32
    %scan3A_14 = arith.addi %scan3A_12, %scan3A_13 : i32
    %scan3A_15 = arith.constant 1 : i32
    scf.for %scan3A_18 = %scan3A_12 to %scan3A_14 step %scan3A_15  : i32 {
      %mul3A_19 = arith.constant 4 : i32
      %mul3A_20 = arith.muli %scan3A_18, %mul3A_19 : i32
      %add3A_21 = arith.addi %add3A, %mul3A_20 : i32
      "tpu.region"() ({
        %run_scoped3A = tpu.sem_alloc : memref<!tpu.dma_semaphore, #tpu.memory_space<semaphore_mem>>
        %dma_start3A_212 = arith.constant 0 : i32
        %dma_start3A_213 = tpu.memref_slice %arg4[%add3A_21, %dma_start3A_212] : memref<6272x128xi32, #tpu.memory_space<hbm>> -> memref<4x128xi32, #tpu.memory_space<hbm>>
        %dma_start3A_214 = arith.constant 0 : i32
        %dma_start3A_215 = tpu.memref_slice %arg4[%add3A_21, %dma_start3A_214] : memref<6272x128xi32, #tpu.memory_space<hbm>> -> memref<4x128xi32, #tpu.memory_space<hbm>>
        tpu.enqueue_dma source(%dma_start3A_215 : memref<4x128xi32, #tpu.memory_space<hbm>>) target(%arg8 : memref<4x128xi32, #tpu.memory_space<vmem>>) target_semaphore(%run_scoped3A : memref<!tpu.dma_semaphore, #tpu.memory_space<semaphore_mem>>)
        %dma_wait3A_216 = arith.constant 0 : i32
        %dma_wait3A_217 = tpu.memref_slice %arg4[%add3A_21, %dma_wait3A_216] : memref<6272x128xi32, #tpu.memory_space<hbm>> -> memref<4x128xi32, #tpu.memory_space<hbm>>
        %dma_wait3A_218 = arith.constant 0 : i32
        %dma_wait3A_219 = tpu.memref_slice %arg4[%add3A_21, %dma_wait3A_218] : memref<6272x128xi32, #tpu.memory_space<hbm>> -> memref<4x128xi32, #tpu.memory_space<hbm>>
        tpu.wait_dma2 semaphore(%run_scoped3A : memref<!tpu.dma_semaphore, #tpu.memory_space<semaphore_mem>>) src(%dma_wait3A_219 : memref<4x128xi32, #tpu.memory_space<hbm>>) dst(%arg8 : memref<4x128xi32, #tpu.memory_space<vmem>>)
        tpu.yield
      }) : () -> ()
      "tpu.region"() ({
        %run_scoped3A = tpu.sem_alloc : memref<!tpu.dma_semaphore, #tpu.memory_space<semaphore_mem>>
        %dma_start3A_212 = arith.constant 0 : i32
        %dma_start3A_213 = tpu.memref_slice %arg5[%add3A_21, %dma_start3A_212] : memref<6272x128xi32, #tpu.memory_space<hbm>> -> memref<4x128xi32, #tpu.memory_space<hbm>>
        %dma_start3A_214 = arith.constant 0 : i32
        %dma_start3A_215 = tpu.memref_slice %arg5[%add3A_21, %dma_start3A_214] : memref<6272x128xi32, #tpu.memory_space<hbm>> -> memref<4x128xi32, #tpu.memory_space<hbm>>
        tpu.enqueue_dma source(%dma_start3A_215 : memref<4x128xi32, #tpu.memory_space<hbm>>) target(%arg9 : memref<4x128xi32, #tpu.memory_space<vmem>>) target_semaphore(%run_scoped3A : memref<!tpu.dma_semaphore, #tpu.memory_space<semaphore_mem>>)
        %dma_wait3A_216 = arith.constant 0 : i32
        %dma_wait3A_217 = tpu.memref_slice %arg5[%add3A_21, %dma_wait3A_216] : memref<6272x128xi32, #tpu.memory_space<hbm>> -> memref<4x128xi32, #tpu.memory_space<hbm>>
        %dma_wait3A_218 = arith.constant 0 : i32
        %dma_wait3A_219 = tpu.memref_slice %arg5[%add3A_21, %dma_wait3A_218] : memref<6272x128xi32, #tpu.memory_space<hbm>> -> memref<4x128xi32, #tpu.memory_space<hbm>>
        tpu.wait_dma2 semaphore(%run_scoped3A : memref<!tpu.dma_semaphore, #tpu.memory_space<semaphore_mem>>) src(%dma_wait3A_219 : memref<4x128xi32, #tpu.memory_space<hbm>>) dst(%arg9 : memref<4x128xi32, #tpu.memory_space<vmem>>)
        tpu.yield
      }) : () -> ()
      %dma_start3A = arith.constant 0 : i32
      %dma_start3A_22 = arith.constant 0 : i32
      %dma_start3A_23 = arith.constant 0 : i32
      %dma_start3A_24 = arith.constant 0 : i32
      %dma_start3A_25 = tpu.memref_slice %arg10[%dma_start3A_22, %dma_start3A_23, %dma_start3A_24] : memref<4x128x16xf32, #tpu.memory_space<vmem>> -> memref<1x128x16xf32, #tpu.memory_space<vmem>>
      %dma_start3A_26 = tpu.memref_squeeze %dma_start3A_25 : memref<1x128x16xf32, #tpu.memory_space<vmem>> -> memref<128x16xf32, #tpu.memory_space<vmem>>
      %dma_start3A_27 = arith.constant 0 : i32
      %dma_start3A_28 = tpu.memref_slice %arg8[%dma_start3A, %dma_start3A_27] : memref<4x128xi32, #tpu.memory_space<vmem>> -> memref<1x128xi32, #tpu.memory_space<vmem>>
      %dma_start3A_29 = tpu.memref_squeeze %dma_start3A_28 : memref<1x128xi32, #tpu.memory_space<vmem>> -> memref<128xi32, #tpu.memory_space<vmem>>
      %dma_start3A_30 = arith.constant 0 : i32
      %dma_start3A_31 = arith.constant 0 : i32
      %dma_start3A_32 = tpu.memref_slice %arg2[%dma_start3A_30, %dma_start3A_31] : memref<50000x16xf32, #tpu.memory_space<hbm>> -> memref<50000x16xf32, #tpu.memory_space<hbm>>
      tpu.enqueue_indirect_dma source(%dma_start3A_32 : memref<50000x16xf32, #tpu.memory_space<hbm>>) target(%dma_start3A_26 : memref<128x16xf32, #tpu.memory_space<vmem>>) offsets(%dma_start3A_29 : memref<128xi32, #tpu.memory_space<vmem>>) semaphore(%arg11 : memref<!tpu.dma_semaphore, #tpu.memory_space<semaphore_mem>>)
      %dma_start3A_33 = arith.constant 1 : i32
      %dma_start3A_34 = arith.constant 1 : i32
      %dma_start3A_35 = arith.constant 0 : i32
      %dma_start3A_36 = arith.constant 0 : i32
      %dma_start3A_37 = tpu.memref_slice %arg10[%dma_start3A_34, %dma_start3A_35, %dma_start3A_36] : memref<4x128x16xf32, #tpu.memory_space<vmem>> -> memref<1x128x16xf32, #tpu.memory_space<vmem>>
      %dma_start3A_38 = tpu.memref_squeeze %dma_start3A_37 : memref<1x128x16xf32, #tpu.memory_space<vmem>> -> memref<128x16xf32, #tpu.memory_space<vmem>>
      %dma_start3A_39 = arith.constant 0 : i32
      %dma_start3A_40 = tpu.memref_slice %arg8[%dma_start3A_33, %dma_start3A_39] : memref<4x128xi32, #tpu.memory_space<vmem>> -> memref<1x128xi32, #tpu.memory_space<vmem>>
      %dma_start3A_41 = tpu.memref_squeeze %dma_start3A_40 : memref<1x128xi32, #tpu.memory_space<vmem>> -> memref<128xi32, #tpu.memory_space<vmem>>
      %dma_start3A_42 = arith.constant 0 : i32
      %dma_start3A_43 = arith.constant 0 : i32
      %dma_start3A_44 = tpu.memref_slice %arg2[%dma_start3A_42, %dma_start3A_43] : memref<50000x16xf32, #tpu.memory_space<hbm>> -> memref<50000x16xf32, #tpu.memory_space<hbm>>
      tpu.enqueue_indirect_dma source(%dma_start3A_44 : memref<50000x16xf32, #tpu.memory_space<hbm>>) target(%dma_start3A_38 : memref<128x16xf32, #tpu.memory_space<vmem>>) offsets(%dma_start3A_41 : memref<128xi32, #tpu.memory_space<vmem>>) semaphore(%arg11 : memref<!tpu.dma_semaphore, #tpu.memory_space<semaphore_mem>>)
      %dma_start3A_45 = arith.constant 2 : i32
      %dma_start3A_46 = arith.constant 2 : i32
      %dma_start3A_47 = arith.constant 0 : i32
      %dma_start3A_48 = arith.constant 0 : i32
      %dma_start3A_49 = tpu.memref_slice %arg10[%dma_start3A_46, %dma_start3A_47, %dma_start3A_48] : memref<4x128x16xf32, #tpu.memory_space<vmem>> -> memref<1x128x16xf32, #tpu.memory_space<vmem>>
      %dma_start3A_50 = tpu.memref_squeeze %dma_start3A_49 : memref<1x128x16xf32, #tpu.memory_space<vmem>> -> memref<128x16xf32, #tpu.memory_space<vmem>>
      %dma_start3A_51 = arith.constant 0 : i32
      %dma_start3A_52 = tpu.memref_slice %arg8[%dma_start3A_45, %dma_start3A_51] : memref<4x128xi32, #tpu.memory_space<vmem>> -> memref<1x128xi32, #tpu.memory_space<vmem>>
      %dma_start3A_53 = tpu.memref_squeeze %dma_start3A_52 : memref<1x128xi32, #tpu.memory_space<vmem>> -> memref<128xi32, #tpu.memory_space<vmem>>
      %dma_start3A_54 = arith.constant 0 : i32
      %dma_start3A_55 = arith.constant 0 : i32
      %dma_start3A_56 = tpu.memref_slice %arg2[%dma_start3A_54, %dma_start3A_55] : memref<50000x16xf32, #tpu.memory_space<hbm>> -> memref<50000x16xf32, #tpu.memory_space<hbm>>
      tpu.enqueue_indirect_dma source(%dma_start3A_56 : memref<50000x16xf32, #tpu.memory_space<hbm>>) target(%dma_start3A_50 : memref<128x16xf32, #tpu.memory_space<vmem>>) offsets(%dma_start3A_53 : memref<128xi32, #tpu.memory_space<vmem>>) semaphore(%arg11 : memref<!tpu.dma_semaphore, #tpu.memory_space<semaphore_mem>>)
      %dma_start3A_57 = arith.constant 3 : i32
      %dma_start3A_58 = arith.constant 3 : i32
      %dma_start3A_59 = arith.constant 0 : i32
      %dma_start3A_60 = arith.constant 0 : i32
      %dma_start3A_61 = tpu.memref_slice %arg10[%dma_start3A_58, %dma_start3A_59, %dma_start3A_60] : memref<4x128x16xf32, #tpu.memory_space<vmem>> -> memref<1x128x16xf32, #tpu.memory_space<vmem>>
      %dma_start3A_62 = tpu.memref_squeeze %dma_start3A_61 : memref<1x128x16xf32, #tpu.memory_space<vmem>> -> memref<128x16xf32, #tpu.memory_space<vmem>>
      %dma_start3A_63 = arith.constant 0 : i32
      %dma_start3A_64 = tpu.memref_slice %arg8[%dma_start3A_57, %dma_start3A_63] : memref<4x128xi32, #tpu.memory_space<vmem>> -> memref<1x128xi32, #tpu.memory_space<vmem>>
      %dma_start3A_65 = tpu.memref_squeeze %dma_start3A_64 : memref<1x128xi32, #tpu.memory_space<vmem>> -> memref<128xi32, #tpu.memory_space<vmem>>
      %dma_start3A_66 = arith.constant 0 : i32
      %dma_start3A_67 = arith.constant 0 : i32
      %dma_start3A_68 = tpu.memref_slice %arg2[%dma_start3A_66, %dma_start3A_67] : memref<50000x16xf32, #tpu.memory_space<hbm>> -> memref<50000x16xf32, #tpu.memory_space<hbm>>
      tpu.enqueue_indirect_dma source(%dma_start3A_68 : memref<50000x16xf32, #tpu.memory_space<hbm>>) target(%dma_start3A_62 : memref<128x16xf32, #tpu.memory_space<vmem>>) offsets(%dma_start3A_65 : memref<128xi32, #tpu.memory_space<vmem>>) semaphore(%arg11 : memref<!tpu.dma_semaphore, #tpu.memory_space<semaphore_mem>>)
      %dma_wait3A = arith.constant 0 : i32
      %dma_wait3A_69 = arith.constant 0 : i32
      %dma_wait3A_70 = arith.constant 0 : i32
      %dma_wait3A_71 = arith.constant 0 : i32
      %dma_wait3A_72 = tpu.memref_slice %arg10[%dma_wait3A_69, %dma_wait3A_70, %dma_wait3A_71] : memref<4x128x16xf32, #tpu.memory_space<vmem>> -> memref<1x128x16xf32, #tpu.memory_space<vmem>>
      %dma_wait3A_73 = tpu.memref_squeeze %dma_wait3A_72 : memref<1x128x16xf32, #tpu.memory_space<vmem>> -> memref<128x16xf32, #tpu.memory_space<vmem>>
      %dma_wait3A_74 = arith.constant 0 : i32
      %dma_wait3A_75 = tpu.memref_slice %arg8[%dma_wait3A, %dma_wait3A_74] : memref<4x128xi32, #tpu.memory_space<vmem>> -> memref<1x128xi32, #tpu.memory_space<vmem>>
      %dma_wait3A_76 = tpu.memref_squeeze %dma_wait3A_75 : memref<1x128xi32, #tpu.memory_space<vmem>> -> memref<128xi32, #tpu.memory_space<vmem>>
      %dma_wait3A_77 = arith.constant 0 : i32
      %dma_wait3A_78 = arith.constant 0 : i32
      %dma_wait3A_79 = tpu.memref_slice %arg2[%dma_wait3A_77, %dma_wait3A_78] : memref<50000x16xf32, #tpu.memory_space<hbm>> -> memref<50000x16xf32, #tpu.memory_space<hbm>>
      tpu.wait_indirect_dma semaphore(%arg11 : memref<!tpu.dma_semaphore, #tpu.memory_space<semaphore_mem>>) src(%dma_wait3A_79 : memref<50000x16xf32, #tpu.memory_space<hbm>>) dst(%dma_wait3A_73 : memref<128x16xf32, #tpu.memory_space<vmem>>)
      %dma_wait3A_80 = arith.constant 1 : i32
      %dma_wait3A_81 = arith.constant 1 : i32
      %dma_wait3A_82 = arith.constant 0 : i32
      %dma_wait3A_83 = arith.constant 0 : i32
      %dma_wait3A_84 = tpu.memref_slice %arg10[%dma_wait3A_81, %dma_wait3A_82, %dma_wait3A_83] : memref<4x128x16xf32, #tpu.memory_space<vmem>> -> memref<1x128x16xf32, #tpu.memory_space<vmem>>
      %dma_wait3A_85 = tpu.memref_squeeze %dma_wait3A_84 : memref<1x128x16xf32, #tpu.memory_space<vmem>> -> memref<128x16xf32, #tpu.memory_space<vmem>>
      %dma_wait3A_86 = arith.constant 0 : i32
      %dma_wait3A_87 = tpu.memref_slice %arg8[%dma_wait3A_80, %dma_wait3A_86] : memref<4x128xi32, #tpu.memory_space<vmem>> -> memref<1x128xi32, #tpu.memory_space<vmem>>
      %dma_wait3A_88 = tpu.memref_squeeze %dma_wait3A_87 : memref<1x128xi32, #tpu.memory_space<vmem>> -> memref<128xi32, #tpu.memory_space<vmem>>
      %dma_wait3A_89 = arith.constant 0 : i32
      %dma_wait3A_90 = arith.constant 0 : i32
      %dma_wait3A_91 = tpu.memref_slice %arg2[%dma_wait3A_89, %dma_wait3A_90] : memref<50000x16xf32, #tpu.memory_space<hbm>> -> memref<50000x16xf32, #tpu.memory_space<hbm>>
      tpu.wait_indirect_dma semaphore(%arg11 : memref<!tpu.dma_semaphore, #tpu.memory_space<semaphore_mem>>) src(%dma_wait3A_91 : memref<50000x16xf32, #tpu.memory_space<hbm>>) dst(%dma_wait3A_85 : memref<128x16xf32, #tpu.memory_space<vmem>>)
      %dma_wait3A_92 = arith.constant 2 : i32
      %dma_wait3A_93 = arith.constant 2 : i32
      %dma_wait3A_94 = arith.constant 0 : i32
      %dma_wait3A_95 = arith.constant 0 : i32
      %dma_wait3A_96 = tpu.memref_slice %arg10[%dma_wait3A_93, %dma_wait3A_94, %dma_wait3A_95] : memref<4x128x16xf32, #tpu.memory_space<vmem>> -> memref<1x128x16xf32, #tpu.memory_space<vmem>>
      %dma_wait3A_97 = tpu.memref_squeeze %dma_wait3A_96 : memref<1x128x16xf32, #tpu.memory_space<vmem>> -> memref<128x16xf32, #tpu.memory_space<vmem>>
      %dma_wait3A_98 = arith.constant 0 : i32
      %dma_wait3A_99 = tpu.memref_slice %arg8[%dma_wait3A_92, %dma_wait3A_98] : memref<4x128xi32, #tpu.memory_space<vmem>> -> memref<1x128xi32, #tpu.memory_space<vmem>>
      %dma_wait3A_100 = tpu.memref_squeeze %dma_wait3A_99 : memref<1x128xi32, #tpu.memory_space<vmem>> -> memref<128xi32, #tpu.memory_space<vmem>>
      %dma_wait3A_101 = arith.constant 0 : i32
      %dma_wait3A_102 = arith.constant 0 : i32
      %dma_wait3A_103 = tpu.memref_slice %arg2[%dma_wait3A_101, %dma_wait3A_102] : memref<50000x16xf32, #tpu.memory_space<hbm>> -> memref<50000x16xf32, #tpu.memory_space<hbm>>
      tpu.wait_indirect_dma semaphore(%arg11 : memref<!tpu.dma_semaphore, #tpu.memory_space<semaphore_mem>>) src(%dma_wait3A_103 : memref<50000x16xf32, #tpu.memory_space<hbm>>) dst(%dma_wait3A_97 : memref<128x16xf32, #tpu.memory_space<vmem>>)
      %dma_wait3A_104 = arith.constant 3 : i32
      %dma_wait3A_105 = arith.constant 3 : i32
      %dma_wait3A_106 = arith.constant 0 : i32
      %dma_wait3A_107 = arith.constant 0 : i32
      %dma_wait3A_108 = tpu.memref_slice %arg10[%dma_wait3A_105, %dma_wait3A_106, %dma_wait3A_107] : memref<4x128x16xf32, #tpu.memory_space<vmem>> -> memref<1x128x16xf32, #tpu.memory_space<vmem>>
      %dma_wait3A_109 = tpu.memref_squeeze %dma_wait3A_108 : memref<1x128x16xf32, #tpu.memory_space<vmem>> -> memref<128x16xf32, #tpu.memory_space<vmem>>
      %dma_wait3A_110 = arith.constant 0 : i32
      %dma_wait3A_111 = tpu.memref_slice %arg8[%dma_wait3A_104, %dma_wait3A_110] : memref<4x128xi32, #tpu.memory_space<vmem>> -> memref<1x128xi32, #tpu.memory_space<vmem>>
      %dma_wait3A_112 = tpu.memref_squeeze %dma_wait3A_111 : memref<1x128xi32, #tpu.memory_space<vmem>> -> memref<128xi32, #tpu.memory_space<vmem>>
      %dma_wait3A_113 = arith.constant 0 : i32
      %dma_wait3A_114 = arith.constant 0 : i32
      %dma_wait3A_115 = tpu.memref_slice %arg2[%dma_wait3A_113, %dma_wait3A_114] : memref<50000x16xf32, #tpu.memory_space<hbm>> -> memref<50000x16xf32, #tpu.memory_space<hbm>>
      tpu.wait_indirect_dma semaphore(%arg11 : memref<!tpu.dma_semaphore, #tpu.memory_space<semaphore_mem>>) src(%dma_wait3A_115 : memref<50000x16xf32, #tpu.memory_space<hbm>>) dst(%dma_wait3A_109 : memref<128x16xf32, #tpu.memory_space<vmem>>)
      %dma_start3A_116 = arith.constant 0 : i32
      %dma_start3A_117 = arith.constant 0 : i32
      %dma_start3A_118 = arith.constant 0 : i32
      %dma_start3A_119 = arith.constant 0 : i32
      %dma_start3A_120 = tpu.memref_slice %arg10[%dma_start3A_116, %dma_start3A_118, %dma_start3A_119] : memref<4x128x16xf32, #tpu.memory_space<vmem>> -> memref<1x128x16xf32, #tpu.memory_space<vmem>>
      %dma_start3A_121 = tpu.memref_squeeze %dma_start3A_120 : memref<1x128x16xf32, #tpu.memory_space<vmem>> -> memref<128x16xf32, #tpu.memory_space<vmem>>
      %dma_start3A_122 = arith.constant 0 : i32
      %dma_start3A_123 = tpu.memref_slice %arg9[%dma_start3A_117, %dma_start3A_122] : memref<4x128xi32, #tpu.memory_space<vmem>> -> memref<1x128xi32, #tpu.memory_space<vmem>>
      %dma_start3A_124 = tpu.memref_squeeze %dma_start3A_123 : memref<1x128xi32, #tpu.memory_space<vmem>> -> memref<128xi32, #tpu.memory_space<vmem>>
      %dma_start3A_125 = arith.constant 0 : i32
      %dma_start3A_126 = arith.constant 0 : i32
      %dma_start3A_127 = tpu.memref_slice %arg7[%dma_start3A_125, %dma_start3A_126] : memref<50008x16xf32, #tpu.memory_space<vmem_shared>> -> memref<50008x16xf32, #tpu.memory_space<vmem_shared>>
      tpu.enqueue_indirect_dma source(%dma_start3A_121 : memref<128x16xf32, #tpu.memory_space<vmem>>) target(%dma_start3A_127 : memref<50008x16xf32, #tpu.memory_space<vmem_shared>>) offsets(%dma_start3A_124 : memref<128xi32, #tpu.memory_space<vmem>>) semaphore(%arg12 : memref<!tpu.dma_semaphore, #tpu.memory_space<semaphore_mem>>) {add = true}
      %dma_start3A_128 = arith.constant 1 : i32
      %dma_start3A_129 = arith.constant 1 : i32
      %dma_start3A_130 = arith.constant 0 : i32
      %dma_start3A_131 = arith.constant 0 : i32
      %dma_start3A_132 = tpu.memref_slice %arg10[%dma_start3A_128, %dma_start3A_130, %dma_start3A_131] : memref<4x128x16xf32, #tpu.memory_space<vmem>> -> memref<1x128x16xf32, #tpu.memory_space<vmem>>
      %dma_start3A_133 = tpu.memref_squeeze %dma_start3A_132 : memref<1x128x16xf32, #tpu.memory_space<vmem>> -> memref<128x16xf32, #tpu.memory_space<vmem>>
      %dma_start3A_134 = arith.constant 0 : i32
      %dma_start3A_135 = tpu.memref_slice %arg9[%dma_start3A_129, %dma_start3A_134] : memref<4x128xi32, #tpu.memory_space<vmem>> -> memref<1x128xi32, #tpu.memory_space<vmem>>
      %dma_start3A_136 = tpu.memref_squeeze %dma_start3A_135 : memref<1x128xi32, #tpu.memory_space<vmem>> -> memref<128xi32, #tpu.memory_space<vmem>>
      %dma_start3A_137 = arith.constant 0 : i32
      %dma_start3A_138 = arith.constant 0 : i32
      %dma_start3A_139 = tpu.memref_slice %arg7[%dma_start3A_137, %dma_start3A_138] : memref<50008x16xf32, #tpu.memory_space<vmem_shared>> -> memref<50008x16xf32, #tpu.memory_space<vmem_shared>>
      tpu.enqueue_indirect_dma source(%dma_start3A_133 : memref<128x16xf32, #tpu.memory_space<vmem>>) target(%dma_start3A_139 : memref<50008x16xf32, #tpu.memory_space<vmem_shared>>) offsets(%dma_start3A_136 : memref<128xi32, #tpu.memory_space<vmem>>) semaphore(%arg12 : memref<!tpu.dma_semaphore, #tpu.memory_space<semaphore_mem>>) {add = true}
      %dma_start3A_140 = arith.constant 2 : i32
      %dma_start3A_141 = arith.constant 2 : i32
      %dma_start3A_142 = arith.constant 0 : i32
      %dma_start3A_143 = arith.constant 0 : i32
      %dma_start3A_144 = tpu.memref_slice %arg10[%dma_start3A_140, %dma_start3A_142, %dma_start3A_143] : memref<4x128x16xf32, #tpu.memory_space<vmem>> -> memref<1x128x16xf32, #tpu.memory_space<vmem>>
      %dma_start3A_145 = tpu.memref_squeeze %dma_start3A_144 : memref<1x128x16xf32, #tpu.memory_space<vmem>> -> memref<128x16xf32, #tpu.memory_space<vmem>>
      %dma_start3A_146 = arith.constant 0 : i32
      %dma_start3A_147 = tpu.memref_slice %arg9[%dma_start3A_141, %dma_start3A_146] : memref<4x128xi32, #tpu.memory_space<vmem>> -> memref<1x128xi32, #tpu.memory_space<vmem>>
      %dma_start3A_148 = tpu.memref_squeeze %dma_start3A_147 : memref<1x128xi32, #tpu.memory_space<vmem>> -> memref<128xi32, #tpu.memory_space<vmem>>
      %dma_start3A_149 = arith.constant 0 : i32
      %dma_start3A_150 = arith.constant 0 : i32
      %dma_start3A_151 = tpu.memref_slice %arg7[%dma_start3A_149, %dma_start3A_150] : memref<50008x16xf32, #tpu.memory_space<vmem_shared>> -> memref<50008x16xf32, #tpu.memory_space<vmem_shared>>
      tpu.enqueue_indirect_dma source(%dma_start3A_145 : memref<128x16xf32, #tpu.memory_space<vmem>>) target(%dma_start3A_151 : memref<50008x16xf32, #tpu.memory_space<vmem_shared>>) offsets(%dma_start3A_148 : memref<128xi32, #tpu.memory_space<vmem>>) semaphore(%arg12 : memref<!tpu.dma_semaphore, #tpu.memory_space<semaphore_mem>>) {add = true}
      %dma_start3A_152 = arith.constant 3 : i32
      %dma_start3A_153 = arith.constant 3 : i32
      %dma_start3A_154 = arith.constant 0 : i32
      %dma_start3A_155 = arith.constant 0 : i32
      %dma_start3A_156 = tpu.memref_slice %arg10[%dma_start3A_152, %dma_start3A_154, %dma_start3A_155] : memref<4x128x16xf32, #tpu.memory_space<vmem>> -> memref<1x128x16xf32, #tpu.memory_space<vmem>>
      %dma_start3A_157 = tpu.memref_squeeze %dma_start3A_156 : memref<1x128x16xf32, #tpu.memory_space<vmem>> -> memref<128x16xf32, #tpu.memory_space<vmem>>
      %dma_start3A_158 = arith.constant 0 : i32
      %dma_start3A_159 = tpu.memref_slice %arg9[%dma_start3A_153, %dma_start3A_158] : memref<4x128xi32, #tpu.memory_space<vmem>> -> memref<1x128xi32, #tpu.memory_space<vmem>>
      %dma_start3A_160 = tpu.memref_squeeze %dma_start3A_159 : memref<1x128xi32, #tpu.memory_space<vmem>> -> memref<128xi32, #tpu.memory_space<vmem>>
      %dma_start3A_161 = arith.constant 0 : i32
      %dma_start3A_162 = arith.constant 0 : i32
      %dma_start3A_163 = tpu.memref_slice %arg7[%dma_start3A_161, %dma_start3A_162] : memref<50008x16xf32, #tpu.memory_space<vmem_shared>> -> memref<50008x16xf32, #tpu.memory_space<vmem_shared>>
      tpu.enqueue_indirect_dma source(%dma_start3A_157 : memref<128x16xf32, #tpu.memory_space<vmem>>) target(%dma_start3A_163 : memref<50008x16xf32, #tpu.memory_space<vmem_shared>>) offsets(%dma_start3A_160 : memref<128xi32, #tpu.memory_space<vmem>>) semaphore(%arg12 : memref<!tpu.dma_semaphore, #tpu.memory_space<semaphore_mem>>) {add = true}
      %dma_wait3A_164 = arith.constant 0 : i32
      %dma_wait3A_165 = arith.constant 0 : i32
      %dma_wait3A_166 = arith.constant 0 : i32
      %dma_wait3A_167 = arith.constant 0 : i32
      %dma_wait3A_168 = tpu.memref_slice %arg10[%dma_wait3A_164, %dma_wait3A_166, %dma_wait3A_167] : memref<4x128x16xf32, #tpu.memory_space<vmem>> -> memref<1x128x16xf32, #tpu.memory_space<vmem>>
      %dma_wait3A_169 = tpu.memref_squeeze %dma_wait3A_168 : memref<1x128x16xf32, #tpu.memory_space<vmem>> -> memref<128x16xf32, #tpu.memory_space<vmem>>
      %dma_wait3A_170 = arith.constant 0 : i32
      %dma_wait3A_171 = tpu.memref_slice %arg9[%dma_wait3A_165, %dma_wait3A_170] : memref<4x128xi32, #tpu.memory_space<vmem>> -> memref<1x128xi32, #tpu.memory_space<vmem>>
      %dma_wait3A_172 = tpu.memref_squeeze %dma_wait3A_171 : memref<1x128xi32, #tpu.memory_space<vmem>> -> memref<128xi32, #tpu.memory_space<vmem>>
      %dma_wait3A_173 = arith.constant 0 : i32
      %dma_wait3A_174 = arith.constant 0 : i32
      %dma_wait3A_175 = tpu.memref_slice %arg7[%dma_wait3A_173, %dma_wait3A_174] : memref<50008x16xf32, #tpu.memory_space<vmem_shared>> -> memref<50008x16xf32, #tpu.memory_space<vmem_shared>>
      tpu.wait_indirect_dma semaphore(%arg12 : memref<!tpu.dma_semaphore, #tpu.memory_space<semaphore_mem>>) src(%dma_wait3A_169 : memref<128x16xf32, #tpu.memory_space<vmem>>) dst(%dma_wait3A_175 : memref<50008x16xf32, #tpu.memory_space<vmem_shared>>)
      %dma_wait3A_176 = arith.constant 1 : i32
      %dma_wait3A_177 = arith.constant 1 : i32
      %dma_wait3A_178 = arith.constant 0 : i32
      %dma_wait3A_179 = arith.constant 0 : i32
      %dma_wait3A_180 = tpu.memref_slice %arg10[%dma_wait3A_176, %dma_wait3A_178, %dma_wait3A_179] : memref<4x128x16xf32, #tpu.memory_space<vmem>> -> memref<1x128x16xf32, #tpu.memory_space<vmem>>
      %dma_wait3A_181 = tpu.memref_squeeze %dma_wait3A_180 : memref<1x128x16xf32, #tpu.memory_space<vmem>> -> memref<128x16xf32, #tpu.memory_space<vmem>>
      %dma_wait3A_182 = arith.constant 0 : i32
      %dma_wait3A_183 = tpu.memref_slice %arg9[%dma_wait3A_177, %dma_wait3A_182] : memref<4x128xi32, #tpu.memory_space<vmem>> -> memref<1x128xi32, #tpu.memory_space<vmem>>
      %dma_wait3A_184 = tpu.memref_squeeze %dma_wait3A_183 : memref<1x128xi32, #tpu.memory_space<vmem>> -> memref<128xi32, #tpu.memory_space<vmem>>
      %dma_wait3A_185 = arith.constant 0 : i32
      %dma_wait3A_186 = arith.constant 0 : i32
      %dma_wait3A_187 = tpu.memref_slice %arg7[%dma_wait3A_185, %dma_wait3A_186] : memref<50008x16xf32, #tpu.memory_space<vmem_shared>> -> memref<50008x16xf32, #tpu.memory_space<vmem_shared>>
      tpu.wait_indirect_dma semaphore(%arg12 : memref<!tpu.dma_semaphore, #tpu.memory_space<semaphore_mem>>) src(%dma_wait3A_181 : memref<128x16xf32, #tpu.memory_space<vmem>>) dst(%dma_wait3A_187 : memref<50008x16xf32, #tpu.memory_space<vmem_shared>>)
      %dma_wait3A_188 = arith.constant 2 : i32
      %dma_wait3A_189 = arith.constant 2 : i32
      %dma_wait3A_190 = arith.constant 0 : i32
      %dma_wait3A_191 = arith.constant 0 : i32
      %dma_wait3A_192 = tpu.memref_slice %arg10[%dma_wait3A_188, %dma_wait3A_190, %dma_wait3A_191] : memref<4x128x16xf32, #tpu.memory_space<vmem>> -> memref<1x128x16xf32, #tpu.memory_space<vmem>>
      %dma_wait3A_193 = tpu.memref_squeeze %dma_wait3A_192 : memref<1x128x16xf32, #tpu.memory_space<vmem>> -> memref<128x16xf32, #tpu.memory_space<vmem>>
      %dma_wait3A_194 = arith.constant 0 : i32
      %dma_wait3A_195 = tpu.memref_slice %arg9[%dma_wait3A_189, %dma_wait3A_194] : memref<4x128xi32, #tpu.memory_space<vmem>> -> memref<1x128xi32, #tpu.memory_space<vmem>>
      %dma_wait3A_196 = tpu.memref_squeeze %dma_wait3A_195 : memref<1x128xi32, #tpu.memory_space<vmem>> -> memref<128xi32, #tpu.memory_space<vmem>>
      %dma_wait3A_197 = arith.constant 0 : i32
      %dma_wait3A_198 = arith.constant 0 : i32
      %dma_wait3A_199 = tpu.memref_slice %arg7[%dma_wait3A_197, %dma_wait3A_198] : memref<50008x16xf32, #tpu.memory_space<vmem_shared>> -> memref<50008x16xf32, #tpu.memory_space<vmem_shared>>
      tpu.wait_indirect_dma semaphore(%arg12 : memref<!tpu.dma_semaphore, #tpu.memory_space<semaphore_mem>>) src(%dma_wait3A_193 : memref<128x16xf32, #tpu.memory_space<vmem>>) dst(%dma_wait3A_199 : memref<50008x16xf32, #tpu.memory_space<vmem_shared>>)
      %dma_wait3A_200 = arith.constant 3 : i32
      %dma_wait3A_201 = arith.constant 3 : i32
      %dma_wait3A_202 = arith.constant 0 : i32
      %dma_wait3A_203 = arith.constant 0 : i32
      %dma_wait3A_204 = tpu.memref_slice %arg10[%dma_wait3A_200, %dma_wait3A_202, %dma_wait3A_203] : memref<4x128x16xf32, #tpu.memory_space<vmem>> -> memref<1x128x16xf32, #tpu.memory_space<vmem>>
      %dma_wait3A_205 = tpu.memref_squeeze %dma_wait3A_204 : memref<1x128x16xf32, #tpu.memory_space<vmem>> -> memref<128x16xf32, #tpu.memory_space<vmem>>
      %dma_wait3A_206 = arith.constant 0 : i32
      %dma_wait3A_207 = tpu.memref_slice %arg9[%dma_wait3A_201, %dma_wait3A_206] : memref<4x128xi32, #tpu.memory_space<vmem>> -> memref<1x128xi32, #tpu.memory_space<vmem>>
      %dma_wait3A_208 = tpu.memref_squeeze %dma_wait3A_207 : memref<1x128xi32, #tpu.memory_space<vmem>> -> memref<128xi32, #tpu.memory_space<vmem>>
      %dma_wait3A_209 = arith.constant 0 : i32
      %dma_wait3A_210 = arith.constant 0 : i32
      %dma_wait3A_211 = tpu.memref_slice %arg7[%dma_wait3A_209, %dma_wait3A_210] : memref<50008x16xf32, #tpu.memory_space<vmem_shared>> -> memref<50008x16xf32, #tpu.memory_space<vmem_shared>>
      tpu.wait_indirect_dma semaphore(%arg12 : memref<!tpu.dma_semaphore, #tpu.memory_space<semaphore_mem>>) src(%dma_wait3A_205 : memref<128x16xf32, #tpu.memory_space<vmem>>) dst(%dma_wait3A_211 : memref<50008x16xf32, #tpu.memory_space<vmem_shared>>)
    }
    %scan3A_16 = arith.constant 49 : i32
    %barrier3A_17 = arith.constant 0 : index
    tpu.barrier barrier_id(%barrier3A_17)
    "tpu.region"() ({
      %run_scoped3A = tpu.sem_alloc : memref<!tpu.dma_semaphore, #tpu.memory_space<semaphore_mem>>
      %dma_start3A = arith.constant 0 : i32
      %dma_start3A_18 = tpu.memref_slice %arg6[%arg0, %mul3A_0, %dma_start3A] : memref<2x50000x16xf32, #tpu.memory_space<hbm>> -> memref<1x3125x16xf32, #tpu.memory_space<hbm>>
      %dma_start3A_19 = tpu.memref_squeeze %dma_start3A_18 : memref<1x3125x16xf32, #tpu.memory_space<hbm>> -> memref<3125x16xf32, #tpu.memory_space<hbm>>
      %dma_start3A_20 = arith.constant 0 : i32
      %dma_start3A_21 = tpu.memref_slice %arg7[%mul3A_0, %dma_start3A_20] : memref<50008x16xf32, #tpu.memory_space<vmem_shared>> -> memref<3125x16xf32, #tpu.memory_space<vmem_shared>>
      tpu.enqueue_dma source(%dma_start3A_21 : memref<3125x16xf32, #tpu.memory_space<vmem_shared>>) target(%dma_start3A_19 : memref<3125x16xf32, #tpu.memory_space<hbm>>) target_semaphore(%run_scoped3A : memref<!tpu.dma_semaphore, #tpu.memory_space<semaphore_mem>>)
      %dma_wait3A = arith.constant 0 : i32
      %dma_wait3A_22 = tpu.memref_slice %arg6[%arg0, %mul3A_0, %dma_wait3A] : memref<2x50000x16xf32, #tpu.memory_space<hbm>> -> memref<1x3125x16xf32, #tpu.memory_space<hbm>>
      %dma_wait3A_23 = tpu.memref_squeeze %dma_wait3A_22 : memref<1x3125x16xf32, #tpu.memory_space<hbm>> -> memref<3125x16xf32, #tpu.memory_space<hbm>>
      %dma_wait3A_24 = arith.constant 0 : i32
      %dma_wait3A_25 = tpu.memref_slice %arg7[%mul3A_0, %dma_wait3A_24] : memref<50008x16xf32, #tpu.memory_space<vmem_shared>> -> memref<3125x16xf32, #tpu.memory_space<vmem_shared>>
      tpu.wait_dma2 semaphore(%run_scoped3A : memref<!tpu.dma_semaphore, #tpu.memory_space<semaphore_mem>>) src(%dma_wait3A_25 : memref<3125x16xf32, #tpu.memory_space<vmem_shared>>) dst(%dma_wait3A_23 : memref<3125x16xf32, #tpu.memory_space<hbm>>)
      tpu.yield
    }) : () -> ()
    return
  }
}

#map = affine_map<(d0, d1) -> (0, 0)>
#map1 = affine_map<(d0, d1) -> (0, 0, 0)>
module attributes {stable_mosaic.version = 14 : i64} {
  func.func @_deg_body(%arg0: i32, %arg1: i32, %arg2: memref<6272x128xi32, #tpu.memory_space<hbm>>, %arg3: memref<50000x16xf32, #tpu.memory_space<hbm>>, %arg4: memref<128x16xf32, #tpu.memory_space<hbm>>, %arg5: memref<2x50000x16xf32, #tpu.memory_space<hbm>>, %arg6: memref<50008x16xf32, #tpu.memory_space<vmem_shared>>, %arg7: memref<4x128xi32, #tpu.memory_space<vmem>>, %arg8: memref<128x16xf32, #tpu.memory_space<vmem>>, %arg9: memref<!tpu.dma_semaphore, #tpu.memory_space<semaphore_mem>>) attributes {dimension_semantics = [#tpu.dimension_semantics<core_parallel>, #tpu.dimension_semantics<subcore_parallel>], iteration_bounds = array<i64: 2, 16>, scalar_prefetch = 0 : i64, scratch_operands = 4 : i64, tpu.core_type = #tpu.core_type<sc_vector_subcore>, window_params = [{transform_indices = #map}, {transform_indices = #map}, {transform_indices = #map}, {transform_indices = #map1}]} {
    %mul3A = arith.constant 3125 : i32
    %mul3A_0 = arith.muli %arg1, %mul3A : i32
    "tpu.region"() ({
      %run_scoped3A = tpu.sem_alloc : memref<!tpu.dma_semaphore, #tpu.memory_space<semaphore_mem>>
      %dma_start3A = arith.constant 0 : i32
      %dma_start3A_11 = tpu.memref_slice %arg6[%mul3A_0, %dma_start3A] : memref<50008x16xf32, #tpu.memory_space<vmem_shared>> -> memref<3125x16xf32, #tpu.memory_space<vmem_shared>>
      %dma_start3A_12 = arith.constant 0 : i32
      %dma_start3A_13 = tpu.memref_slice %arg3[%mul3A_0, %dma_start3A_12] : memref<50000x16xf32, #tpu.memory_space<hbm>> -> memref<3125x16xf32, #tpu.memory_space<hbm>>
      tpu.enqueue_dma source(%dma_start3A_13 : memref<3125x16xf32, #tpu.memory_space<hbm>>) target(%dma_start3A_11 : memref<3125x16xf32, #tpu.memory_space<vmem_shared>>) target_semaphore(%run_scoped3A : memref<!tpu.dma_semaphore, #tpu.memory_space<semaphore_mem>>)
      %dma_wait3A = arith.constant 0 : i32
      %dma_wait3A_14 = tpu.memref_slice %arg6[%mul3A_0, %dma_wait3A] : memref<50008x16xf32, #tpu.memory_space<vmem_shared>> -> memref<3125x16xf32, #tpu.memory_space<vmem_shared>>
      %dma_wait3A_15 = arith.constant 0 : i32
      %dma_wait3A_16 = tpu.memref_slice %arg3[%mul3A_0, %dma_wait3A_15] : memref<50000x16xf32, #tpu.memory_space<hbm>> -> memref<3125x16xf32, #tpu.memory_space<hbm>>
      tpu.wait_dma2 semaphore(%run_scoped3A : memref<!tpu.dma_semaphore, #tpu.memory_space<semaphore_mem>>) src(%dma_wait3A_16 : memref<3125x16xf32, #tpu.memory_space<hbm>>) dst(%dma_wait3A_14 : memref<3125x16xf32, #tpu.memory_space<vmem_shared>>)
      tpu.yield
    }) : () -> ()
    "tpu.region"() ({
      %run_scoped3A = tpu.sem_alloc : memref<!tpu.dma_semaphore, #tpu.memory_space<semaphore_mem>>
      tpu.enqueue_dma source(%arg4 : memref<128x16xf32, #tpu.memory_space<hbm>>) target(%arg8 : memref<128x16xf32, #tpu.memory_space<vmem>>) target_semaphore(%run_scoped3A : memref<!tpu.dma_semaphore, #tpu.memory_space<semaphore_mem>>)
      tpu.wait_dma2 semaphore(%run_scoped3A : memref<!tpu.dma_semaphore, #tpu.memory_space<semaphore_mem>>) src(%arg4 : memref<128x16xf32, #tpu.memory_space<hbm>>) dst(%arg8 : memref<128x16xf32, #tpu.memory_space<vmem>>)
      tpu.yield
    }) : () -> ()
    %barrier3A = arith.constant 0 : index
    tpu.barrier barrier_id(%barrier3A)
    %mul3A_1 = arith.constant 3136 : i32
    %mul3A_2 = arith.muli %arg0, %mul3A_1 : i32
    %mul3A_3 = arith.constant 196 : i32
    %mul3A_4 = arith.muli %arg1, %mul3A_3 : i32
    %add3A = arith.addi %mul3A_2, %mul3A_4 : i32
    %scan3A = arith.constant 0 : i32
    %scan3A_5 = arith.constant 0 : i32
    %scan3A_6 = arith.constant 49 : i32
    %scan3A_7 = arith.addi %scan3A_5, %scan3A_6 : i32
    %scan3A_8 = arith.constant 1 : i32
    scf.for %scan3A_11 = %scan3A_5 to %scan3A_7 step %scan3A_8  : i32 {
      %mul3A_12 = arith.constant 4 : i32
      %mul3A_13 = arith.muli %scan3A_11, %mul3A_12 : i32
      %add3A_14 = arith.addi %add3A, %mul3A_13 : i32
      "tpu.region"() ({
        %run_scoped3A = tpu.sem_alloc : memref<!tpu.dma_semaphore, #tpu.memory_space<semaphore_mem>>
        %dma_start3A_69 = arith.constant 0 : i32
        %dma_start3A_70 = tpu.memref_slice %arg2[%add3A_14, %dma_start3A_69] : memref<6272x128xi32, #tpu.memory_space<hbm>> -> memref<4x128xi32, #tpu.memory_space<hbm>>
        %dma_start3A_71 = arith.constant 0 : i32
        %dma_start3A_72 = tpu.memref_slice %arg2[%add3A_14, %dma_start3A_71] : memref<6272x128xi32, #tpu.memory_space<hbm>> -> memref<4x128xi32, #tpu.memory_space<hbm>>
        tpu.enqueue_dma source(%dma_start3A_72 : memref<4x128xi32, #tpu.memory_space<hbm>>) target(%arg7 : memref<4x128xi32, #tpu.memory_space<vmem>>) target_semaphore(%run_scoped3A : memref<!tpu.dma_semaphore, #tpu.memory_space<semaphore_mem>>)
        %dma_wait3A_73 = arith.constant 0 : i32
        %dma_wait3A_74 = tpu.memref_slice %arg2[%add3A_14, %dma_wait3A_73] : memref<6272x128xi32, #tpu.memory_space<hbm>> -> memref<4x128xi32, #tpu.memory_space<hbm>>
        %dma_wait3A_75 = arith.constant 0 : i32
        %dma_wait3A_76 = tpu.memref_slice %arg2[%add3A_14, %dma_wait3A_75] : memref<6272x128xi32, #tpu.memory_space<hbm>> -> memref<4x128xi32, #tpu.memory_space<hbm>>
        tpu.wait_dma2 semaphore(%run_scoped3A : memref<!tpu.dma_semaphore, #tpu.memory_space<semaphore_mem>>) src(%dma_wait3A_76 : memref<4x128xi32, #tpu.memory_space<hbm>>) dst(%arg7 : memref<4x128xi32, #tpu.memory_space<vmem>>)
        tpu.yield
      }) : () -> ()
      %dma_start3A = arith.constant 0 : i32
      %dma_start3A_15 = arith.constant 0 : i32
      %dma_start3A_16 = tpu.memref_slice %arg7[%dma_start3A, %dma_start3A_15] : memref<4x128xi32, #tpu.memory_space<vmem>> -> memref<1x128xi32, #tpu.memory_space<vmem>>
      %dma_start3A_17 = tpu.memref_squeeze %dma_start3A_16 : memref<1x128xi32, #tpu.memory_space<vmem>> -> memref<128xi32, #tpu.memory_space<vmem>>
      %dma_start3A_18 = arith.constant 0 : i32
      %dma_start3A_19 = arith.constant 0 : i32
      %dma_start3A_20 = tpu.memref_slice %arg6[%dma_start3A_18, %dma_start3A_19] : memref<50008x16xf32, #tpu.memory_space<vmem_shared>> -> memref<50008x16xf32, #tpu.memory_space<vmem_shared>>
      tpu.enqueue_indirect_dma source(%arg8 : memref<128x16xf32, #tpu.memory_space<vmem>>) target(%dma_start3A_20 : memref<50008x16xf32, #tpu.memory_space<vmem_shared>>) offsets(%dma_start3A_17 : memref<128xi32, #tpu.memory_space<vmem>>) semaphore(%arg9 : memref<!tpu.dma_semaphore, #tpu.memory_space<semaphore_mem>>) {add = true}
      %dma_start3A_21 = arith.constant 1 : i32
      %dma_start3A_22 = arith.constant 0 : i32
      %dma_start3A_23 = tpu.memref_slice %arg7[%dma_start3A_21, %dma_start3A_22] : memref<4x128xi32, #tpu.memory_space<vmem>> -> memref<1x128xi32, #tpu.memory_space<vmem>>
      %dma_start3A_24 = tpu.memref_squeeze %dma_start3A_23 : memref<1x128xi32, #tpu.memory_space<vmem>> -> memref<128xi32, #tpu.memory_space<vmem>>
      %dma_start3A_25 = arith.constant 0 : i32
      %dma_start3A_26 = arith.constant 0 : i32
      %dma_start3A_27 = tpu.memref_slice %arg6[%dma_start3A_25, %dma_start3A_26] : memref<50008x16xf32, #tpu.memory_space<vmem_shared>> -> memref<50008x16xf32, #tpu.memory_space<vmem_shared>>
      tpu.enqueue_indirect_dma source(%arg8 : memref<128x16xf32, #tpu.memory_space<vmem>>) target(%dma_start3A_27 : memref<50008x16xf32, #tpu.memory_space<vmem_shared>>) offsets(%dma_start3A_24 : memref<128xi32, #tpu.memory_space<vmem>>) semaphore(%arg9 : memref<!tpu.dma_semaphore, #tpu.memory_space<semaphore_mem>>) {add = true}
      %dma_start3A_28 = arith.constant 2 : i32
      %dma_start3A_29 = arith.constant 0 : i32
      %dma_start3A_30 = tpu.memref_slice %arg7[%dma_start3A_28, %dma_start3A_29] : memref<4x128xi32, #tpu.memory_space<vmem>> -> memref<1x128xi32, #tpu.memory_space<vmem>>
      %dma_start3A_31 = tpu.memref_squeeze %dma_start3A_30 : memref<1x128xi32, #tpu.memory_space<vmem>> -> memref<128xi32, #tpu.memory_space<vmem>>
      %dma_start3A_32 = arith.constant 0 : i32
      %dma_start3A_33 = arith.constant 0 : i32
      %dma_start3A_34 = tpu.memref_slice %arg6[%dma_start3A_32, %dma_start3A_33] : memref<50008x16xf32, #tpu.memory_space<vmem_shared>> -> memref<50008x16xf32, #tpu.memory_space<vmem_shared>>
      tpu.enqueue_indirect_dma source(%arg8 : memref<128x16xf32, #tpu.memory_space<vmem>>) target(%dma_start3A_34 : memref<50008x16xf32, #tpu.memory_space<vmem_shared>>) offsets(%dma_start3A_31 : memref<128xi32, #tpu.memory_space<vmem>>) semaphore(%arg9 : memref<!tpu.dma_semaphore, #tpu.memory_space<semaphore_mem>>) {add = true}
      %dma_start3A_35 = arith.constant 3 : i32
      %dma_start3A_36 = arith.constant 0 : i32
      %dma_start3A_37 = tpu.memref_slice %arg7[%dma_start3A_35, %dma_start3A_36] : memref<4x128xi32, #tpu.memory_space<vmem>> -> memref<1x128xi32, #tpu.memory_space<vmem>>
      %dma_start3A_38 = tpu.memref_squeeze %dma_start3A_37 : memref<1x128xi32, #tpu.memory_space<vmem>> -> memref<128xi32, #tpu.memory_space<vmem>>
      %dma_start3A_39 = arith.constant 0 : i32
      %dma_start3A_40 = arith.constant 0 : i32
      %dma_start3A_41 = tpu.memref_slice %arg6[%dma_start3A_39, %dma_start3A_40] : memref<50008x16xf32, #tpu.memory_space<vmem_shared>> -> memref<50008x16xf32, #tpu.memory_space<vmem_shared>>
      tpu.enqueue_indirect_dma source(%arg8 : memref<128x16xf32, #tpu.memory_space<vmem>>) target(%dma_start3A_41 : memref<50008x16xf32, #tpu.memory_space<vmem_shared>>) offsets(%dma_start3A_38 : memref<128xi32, #tpu.memory_space<vmem>>) semaphore(%arg9 : memref<!tpu.dma_semaphore, #tpu.memory_space<semaphore_mem>>) {add = true}
      %dma_wait3A = arith.constant 0 : i32
      %dma_wait3A_42 = arith.constant 0 : i32
      %dma_wait3A_43 = tpu.memref_slice %arg7[%dma_wait3A, %dma_wait3A_42] : memref<4x128xi32, #tpu.memory_space<vmem>> -> memref<1x128xi32, #tpu.memory_space<vmem>>
      %dma_wait3A_44 = tpu.memref_squeeze %dma_wait3A_43 : memref<1x128xi32, #tpu.memory_space<vmem>> -> memref<128xi32, #tpu.memory_space<vmem>>
      %dma_wait3A_45 = arith.constant 0 : i32
      %dma_wait3A_46 = arith.constant 0 : i32
      %dma_wait3A_47 = tpu.memref_slice %arg6[%dma_wait3A_45, %dma_wait3A_46] : memref<50008x16xf32, #tpu.memory_space<vmem_shared>> -> memref<50008x16xf32, #tpu.memory_space<vmem_shared>>
      tpu.wait_indirect_dma semaphore(%arg9 : memref<!tpu.dma_semaphore, #tpu.memory_space<semaphore_mem>>) src(%arg8 : memref<128x16xf32, #tpu.memory_space<vmem>>) dst(%dma_wait3A_47 : memref<50008x16xf32, #tpu.memory_space<vmem_shared>>)
      %dma_wait3A_48 = arith.constant 1 : i32
      %dma_wait3A_49 = arith.constant 0 : i32
      %dma_wait3A_50 = tpu.memref_slice %arg7[%dma_wait3A_48, %dma_wait3A_49] : memref<4x128xi32, #tpu.memory_space<vmem>> -> memref<1x128xi32, #tpu.memory_space<vmem>>
      %dma_wait3A_51 = tpu.memref_squeeze %dma_wait3A_50 : memref<1x128xi32, #tpu.memory_space<vmem>> -> memref<128xi32, #tpu.memory_space<vmem>>
      %dma_wait3A_52 = arith.constant 0 : i32
      %dma_wait3A_53 = arith.constant 0 : i32
      %dma_wait3A_54 = tpu.memref_slice %arg6[%dma_wait3A_52, %dma_wait3A_53] : memref<50008x16xf32, #tpu.memory_space<vmem_shared>> -> memref<50008x16xf32, #tpu.memory_space<vmem_shared>>
      tpu.wait_indirect_dma semaphore(%arg9 : memref<!tpu.dma_semaphore, #tpu.memory_space<semaphore_mem>>) src(%arg8 : memref<128x16xf32, #tpu.memory_space<vmem>>) dst(%dma_wait3A_54 : memref<50008x16xf32, #tpu.memory_space<vmem_shared>>)
      %dma_wait3A_55 = arith.constant 2 : i32
      %dma_wait3A_56 = arith.constant 0 : i32
      %dma_wait3A_57 = tpu.memref_slice %arg7[%dma_wait3A_55, %dma_wait3A_56] : memref<4x128xi32, #tpu.memory_space<vmem>> -> memref<1x128xi32, #tpu.memory_space<vmem>>
      %dma_wait3A_58 = tpu.memref_squeeze %dma_wait3A_57 : memref<1x128xi32, #tpu.memory_space<vmem>> -> memref<128xi32, #tpu.memory_space<vmem>>
      %dma_wait3A_59 = arith.constant 0 : i32
      %dma_wait3A_60 = arith.constant 0 : i32
      %dma_wait3A_61 = tpu.memref_slice %arg6[%dma_wait3A_59, %dma_wait3A_60] : memref<50008x16xf32, #tpu.memory_space<vmem_shared>> -> memref<50008x16xf32, #tpu.memory_space<vmem_shared>>
      tpu.wait_indirect_dma semaphore(%arg9 : memref<!tpu.dma_semaphore, #tpu.memory_space<semaphore_mem>>) src(%arg8 : memref<128x16xf32, #tpu.memory_space<vmem>>) dst(%dma_wait3A_61 : memref<50008x16xf32, #tpu.memory_space<vmem_shared>>)
      %dma_wait3A_62 = arith.constant 3 : i32
      %dma_wait3A_63 = arith.constant 0 : i32
      %dma_wait3A_64 = tpu.memref_slice %arg7[%dma_wait3A_62, %dma_wait3A_63] : memref<4x128xi32, #tpu.memory_space<vmem>> -> memref<1x128xi32, #tpu.memory_space<vmem>>
      %dma_wait3A_65 = tpu.memref_squeeze %dma_wait3A_64 : memref<1x128xi32, #tpu.memory_space<vmem>> -> memref<128xi32, #tpu.memory_space<vmem>>
      %dma_wait3A_66 = arith.constant 0 : i32
      %dma_wait3A_67 = arith.constant 0 : i32
      %dma_wait3A_68 = tpu.memref_slice %arg6[%dma_wait3A_66, %dma_wait3A_67] : memref<50008x16xf32, #tpu.memory_space<vmem_shared>> -> memref<50008x16xf32, #tpu.memory_space<vmem_shared>>
      tpu.wait_indirect_dma semaphore(%arg9 : memref<!tpu.dma_semaphore, #tpu.memory_space<semaphore_mem>>) src(%arg8 : memref<128x16xf32, #tpu.memory_space<vmem>>) dst(%dma_wait3A_68 : memref<50008x16xf32, #tpu.memory_space<vmem_shared>>)
    }
    %scan3A_9 = arith.constant 49 : i32
    %barrier3A_10 = arith.constant 0 : index
    tpu.barrier barrier_id(%barrier3A_10)
    "tpu.region"() ({
      %run_scoped3A = tpu.sem_alloc : memref<!tpu.dma_semaphore, #tpu.memory_space<semaphore_mem>>
      %dma_start3A = arith.constant 0 : i32
      %dma_start3A_11 = tpu.memref_slice %arg5[%arg0, %mul3A_0, %dma_start3A] : memref<2x50000x16xf32, #tpu.memory_space<hbm>> -> memref<1x3125x16xf32, #tpu.memory_space<hbm>>
      %dma_start3A_12 = tpu.memref_squeeze %dma_start3A_11 : memref<1x3125x16xf32, #tpu.memory_space<hbm>> -> memref<3125x16xf32, #tpu.memory_space<hbm>>
      %dma_start3A_13 = arith.constant 0 : i32
      %dma_start3A_14 = tpu.memref_slice %arg6[%mul3A_0, %dma_start3A_13] : memref<50008x16xf32, #tpu.memory_space<vmem_shared>> -> memref<3125x16xf32, #tpu.memory_space<vmem_shared>>
      tpu.enqueue_dma source(%dma_start3A_14 : memref<3125x16xf32, #tpu.memory_space<vmem_shared>>) target(%dma_start3A_12 : memref<3125x16xf32, #tpu.memory_space<hbm>>) target_semaphore(%run_scoped3A : memref<!tpu.dma_semaphore, #tpu.memory_space<semaphore_mem>>)
      %dma_wait3A = arith.constant 0 : i32
      %dma_wait3A_15 = tpu.memref_slice %arg5[%arg0, %mul3A_0, %dma_wait3A] : memref<2x50000x16xf32, #tpu.memory_space<hbm>> -> memref<1x3125x16xf32, #tpu.memory_space<hbm>>
      %dma_wait3A_16 = tpu.memref_squeeze %dma_wait3A_15 : memref<1x3125x16xf32, #tpu.memory_space<hbm>> -> memref<3125x16xf32, #tpu.memory_space<hbm>>
      %dma_wait3A_17 = arith.constant 0 : i32
      %dma_wait3A_18 = tpu.memref_slice %arg6[%mul3A_0, %dma_wait3A_17] : memref<50008x16xf32, #tpu.memory_space<vmem_shared>> -> memref<3125x16xf32, #tpu.memory_space<vmem_shared>>
      tpu.wait_dma2 semaphore(%run_scoped3A : memref<!tpu.dma_semaphore, #tpu.memory_space<semaphore_mem>>) src(%dma_wait3A_18 : memref<3125x16xf32, #tpu.memory_space<vmem_shared>>) dst(%dma_wait3A_16 : memref<3125x16xf32, #tpu.memory_space<hbm>>)
      tpu.yield
    }) : () -> ()
    return
  }
}

#map = affine_map<(d0, d1) -> (0, 0)>
module attributes {stable_mosaic.version = 14 : i64} {
  func.func @_agg64_body(%arg0: i32, %arg1: i32, %arg2: memref<50000x32xf32, #tpu.memory_space<hbm>>, %arg3: memref<50000x32xf32, #tpu.memory_space<hbm>>, %arg4: memref<6272x128xi32, #tpu.memory_space<hbm>>, %arg5: memref<6272x128xi32, #tpu.memory_space<hbm>>, %arg6: memref<50000x32xf32, #tpu.memory_space<hbm>>, %arg7: memref<50000x32xf32, #tpu.memory_space<hbm>>, %arg8: memref<50008x32xf32, #tpu.memory_space<vmem_shared>>, %arg9: memref<4x128xi32, #tpu.memory_space<vmem>>, %arg10: memref<4x128xi32, #tpu.memory_space<vmem>>, %arg11: memref<4x128x32xf32, #tpu.memory_space<vmem>>, %arg12: memref<!tpu.dma_semaphore, #tpu.memory_space<semaphore_mem>>, %arg13: memref<!tpu.dma_semaphore, #tpu.memory_space<semaphore_mem>>) attributes {dimension_semantics = [#tpu.dimension_semantics<core_parallel>, #tpu.dimension_semantics<subcore_parallel>], iteration_bounds = array<i64: 2, 16>, scalar_prefetch = 0 : i64, scratch_operands = 6 : i64, tpu.core_type = #tpu.core_type<sc_vector_subcore>, window_params = [{transform_indices = #map}, {transform_indices = #map}, {transform_indices = #map}, {transform_indices = #map}, {transform_indices = #map}, {transform_indices = #map}]} {
    %mul3A = arith.constant 3125 : i32
    %mul3A_0 = arith.muli %arg1, %mul3A : i32
    %eq3A = arith.constant 0 : i32
    %eq3A_1 = arith.cmpi eq, %arg0, %eq3A : i32
    %convert_element_type3A = arith.extui %eq3A_1 : i1 to i32
    %cond3A = arith.constant 0 : i32
    %cond3A_2 = arith.cmpi ne, %convert_element_type3A, %cond3A : i32
    scf.if %cond3A_2 {
      "tpu.region"() ({
        %run_scoped3A = tpu.sem_alloc : memref<!tpu.dma_semaphore, #tpu.memory_space<semaphore_mem>>
        %dma_start3A = arith.constant 0 : i32
        %dma_start3A_31 = tpu.memref_slice %arg8[%mul3A_0, %dma_start3A] : memref<50008x32xf32, #tpu.memory_space<vmem_shared>> -> memref<3125x32xf32, #tpu.memory_space<vmem_shared>>
        %dma_start3A_32 = arith.constant 0 : i32
        %dma_start3A_33 = tpu.memref_slice %arg2[%mul3A_0, %dma_start3A_32] : memref<50000x32xf32, #tpu.memory_space<hbm>> -> memref<3125x32xf32, #tpu.memory_space<hbm>>
        tpu.enqueue_dma source(%dma_start3A_33 : memref<3125x32xf32, #tpu.memory_space<hbm>>) target(%dma_start3A_31 : memref<3125x32xf32, #tpu.memory_space<vmem_shared>>) target_semaphore(%run_scoped3A : memref<!tpu.dma_semaphore, #tpu.memory_space<semaphore_mem>>)
        %dma_wait3A = arith.constant 0 : i32
        %dma_wait3A_34 = tpu.memref_slice %arg8[%mul3A_0, %dma_wait3A] : memref<50008x32xf32, #tpu.memory_space<vmem_shared>> -> memref<3125x32xf32, #tpu.memory_space<vmem_shared>>
        %dma_wait3A_35 = arith.constant 0 : i32
        %dma_wait3A_36 = tpu.memref_slice %arg2[%mul3A_0, %dma_wait3A_35] : memref<50000x32xf32, #tpu.memory_space<hbm>> -> memref<3125x32xf32, #tpu.memory_space<hbm>>
        tpu.wait_dma2 semaphore(%run_scoped3A : memref<!tpu.dma_semaphore, #tpu.memory_space<semaphore_mem>>) src(%dma_wait3A_36 : memref<3125x32xf32, #tpu.memory_space<hbm>>) dst(%dma_wait3A_34 : memref<3125x32xf32, #tpu.memory_space<vmem_shared>>)
        tpu.yield
      }) : () -> ()
    } else {
    }
    %eq3A_3 = arith.constant 1 : i32
    %eq3A_4 = arith.cmpi eq, %arg0, %eq3A_3 : i32
    %convert_element_type3A_5 = arith.extui %eq3A_4 : i1 to i32
    %cond3A_6 = arith.constant 0 : i32
    %cond3A_7 = arith.cmpi ne, %convert_element_type3A_5, %cond3A_6 : i32
    scf.if %cond3A_7 {
      "tpu.region"() ({
        %run_scoped3A = tpu.sem_alloc : memref<!tpu.dma_semaphore, #tpu.memory_space<semaphore_mem>>
        %dma_start3A = arith.constant 0 : i32
        %dma_start3A_31 = tpu.memref_slice %arg8[%mul3A_0, %dma_start3A] : memref<50008x32xf32, #tpu.memory_space<vmem_shared>> -> memref<3125x32xf32, #tpu.memory_space<vmem_shared>>
        %dma_start3A_32 = arith.constant 0 : i32
        %dma_start3A_33 = tpu.memref_slice %arg3[%mul3A_0, %dma_start3A_32] : memref<50000x32xf32, #tpu.memory_space<hbm>> -> memref<3125x32xf32, #tpu.memory_space<hbm>>
        tpu.enqueue_dma source(%dma_start3A_33 : memref<3125x32xf32, #tpu.memory_space<hbm>>) target(%dma_start3A_31 : memref<3125x32xf32, #tpu.memory_space<vmem_shared>>) target_semaphore(%run_scoped3A : memref<!tpu.dma_semaphore, #tpu.memory_space<semaphore_mem>>)
        %dma_wait3A = arith.constant 0 : i32
        %dma_wait3A_34 = tpu.memref_slice %arg8[%mul3A_0, %dma_wait3A] : memref<50008x32xf32, #tpu.memory_space<vmem_shared>> -> memref<3125x32xf32, #tpu.memory_space<vmem_shared>>
        %dma_wait3A_35 = arith.constant 0 : i32
        %dma_wait3A_36 = tpu.memref_slice %arg3[%mul3A_0, %dma_wait3A_35] : memref<50000x32xf32, #tpu.memory_space<hbm>> -> memref<3125x32xf32, #tpu.memory_space<hbm>>
        tpu.wait_dma2 semaphore(%run_scoped3A : memref<!tpu.dma_semaphore, #tpu.memory_space<semaphore_mem>>) src(%dma_wait3A_36 : memref<3125x32xf32, #tpu.memory_space<hbm>>) dst(%dma_wait3A_34 : memref<3125x32xf32, #tpu.memory_space<vmem_shared>>)
        tpu.yield
      }) : () -> ()
    } else {
    }
    %barrier3A = arith.constant 0 : index
    tpu.barrier barrier_id(%barrier3A)
    %mul3A_8 = arith.constant 392 : i32
    %mul3A_9 = arith.muli %arg1, %mul3A_8 : i32
    %eq3A_10 = arith.constant 0 : i32
    %eq3A_11 = arith.cmpi eq, %arg0, %eq3A_10 : i32
    %convert_element_type3A_12 = arith.extui %eq3A_11 : i1 to i32
    %cond3A_13 = arith.constant 0 : i32
    %cond3A_14 = arith.cmpi ne, %convert_element_type3A_12, %cond3A_13 : i32
    scf.if %cond3A_14 {
      %scan3A = arith.constant 0 : i32
      %scan3A_31 = arith.constant 0 : i32
      %scan3A_32 = arith.constant 98 : i32
      %scan3A_33 = arith.addi %scan3A_31, %scan3A_32 : i32
      %scan3A_34 = arith.constant 1 : i32
      scf.for %scan3A_36 = %scan3A_31 to %scan3A_33 step %scan3A_34  : i32 {
        %mul3A_37 = arith.constant 4 : i32
        %mul3A_38 = arith.muli %scan3A_36, %mul3A_37 : i32
        %add3A = arith.addi %mul3A_9, %mul3A_38 : i32
        "tpu.region"() ({
          %run_scoped3A = tpu.sem_alloc : memref<!tpu.dma_semaphore, #tpu.memory_space<semaphore_mem>>
          %dma_start3A_229 = arith.constant 0 : i32
          %dma_start3A_230 = tpu.memref_slice %arg4[%add3A, %dma_start3A_229] : memref<6272x128xi32, #tpu.memory_space<hbm>> -> memref<4x128xi32, #tpu.memory_space<hbm>>
          %dma_start3A_231 = arith.constant 0 : i32
          %dma_start3A_232 = tpu.memref_slice %arg4[%add3A, %dma_start3A_231] : memref<6272x128xi32, #tpu.memory_space<hbm>> -> memref<4x128xi32, #tpu.memory_space<hbm>>
          tpu.enqueue_dma source(%dma_start3A_232 : memref<4x128xi32, #tpu.memory_space<hbm>>) target(%arg9 : memref<4x128xi32, #tpu.memory_space<vmem>>) target_semaphore(%run_scoped3A : memref<!tpu.dma_semaphore, #tpu.memory_space<semaphore_mem>>)
          %dma_wait3A_233 = arith.constant 0 : i32
          %dma_wait3A_234 = tpu.memref_slice %arg4[%add3A, %dma_wait3A_233] : memref<6272x128xi32, #tpu.memory_space<hbm>> -> memref<4x128xi32, #tpu.memory_space<hbm>>
          %dma_wait3A_235 = arith.constant 0 : i32
          %dma_wait3A_236 = tpu.memref_slice %arg4[%add3A, %dma_wait3A_235] : memref<6272x128xi32, #tpu.memory_space<hbm>> -> memref<4x128xi32, #tpu.memory_space<hbm>>
          tpu.wait_dma2 semaphore(%run_scoped3A : memref<!tpu.dma_semaphore, #tpu.memory_space<semaphore_mem>>) src(%dma_wait3A_236 : memref<4x128xi32, #tpu.memory_space<hbm>>) dst(%arg9 : memref<4x128xi32, #tpu.memory_space<vmem>>)
          tpu.yield
        }) : () -> ()
        "tpu.region"() ({
          %run_scoped3A = tpu.sem_alloc : memref<!tpu.dma_semaphore, #tpu.memory_space<semaphore_mem>>
          %dma_start3A_229 = arith.constant 0 : i32
          %dma_start3A_230 = tpu.memref_slice %arg5[%add3A, %dma_start3A_229] : memref<6272x128xi32, #tpu.memory_space<hbm>> -> memref<4x128xi32, #tpu.memory_space<hbm>>
          %dma_start3A_231 = arith.constant 0 : i32
          %dma_start3A_232 = tpu.memref_slice %arg5[%add3A, %dma_start3A_231] : memref<6272x128xi32, #tpu.memory_space<hbm>> -> memref<4x128xi32, #tpu.memory_space<hbm>>
          tpu.enqueue_dma source(%dma_start3A_232 : memref<4x128xi32, #tpu.memory_space<hbm>>) target(%arg10 : memref<4x128xi32, #tpu.memory_space<vmem>>) target_semaphore(%run_scoped3A : memref<!tpu.dma_semaphore, #tpu.memory_space<semaphore_mem>>)
          %dma_wait3A_233 = arith.constant 0 : i32
          %dma_wait3A_234 = tpu.memref_slice %arg5[%add3A, %dma_wait3A_233] : memref<6272x128xi32, #tpu.memory_space<hbm>> -> memref<4x128xi32, #tpu.memory_space<hbm>>
          %dma_wait3A_235 = arith.constant 0 : i32
          %dma_wait3A_236 = tpu.memref_slice %arg5[%add3A, %dma_wait3A_235] : memref<6272x128xi32, #tpu.memory_space<hbm>> -> memref<4x128xi32, #tpu.memory_space<hbm>>
          tpu.wait_dma2 semaphore(%run_scoped3A : memref<!tpu.dma_semaphore, #tpu.memory_space<semaphore_mem>>) src(%dma_wait3A_236 : memref<4x128xi32, #tpu.memory_space<hbm>>) dst(%arg10 : memref<4x128xi32, #tpu.memory_space<vmem>>)
          tpu.yield
        }) : () -> ()
        %dma_start3A = arith.constant 0 : i32
        %dma_start3A_39 = arith.constant 0 : i32
        %dma_start3A_40 = arith.constant 0 : i32
        %dma_start3A_41 = arith.constant 0 : i32
        %dma_start3A_42 = tpu.memref_slice %arg11[%dma_start3A_39, %dma_start3A_40, %dma_start3A_41] : memref<4x128x32xf32, #tpu.memory_space<vmem>> -> memref<1x128x32xf32, #tpu.memory_space<vmem>>
        %dma_start3A_43 = tpu.memref_squeeze %dma_start3A_42 : memref<1x128x32xf32, #tpu.memory_space<vmem>> -> memref<128x32xf32, #tpu.memory_space<vmem>>
        %dma_start3A_44 = arith.constant 0 : i32
        %dma_start3A_45 = tpu.memref_slice %arg9[%dma_start3A, %dma_start3A_44] : memref<4x128xi32, #tpu.memory_space<vmem>> -> memref<1x128xi32, #tpu.memory_space<vmem>>
        %dma_start3A_46 = tpu.memref_squeeze %dma_start3A_45 : memref<1x128xi32, #tpu.memory_space<vmem>> -> memref<128xi32, #tpu.memory_space<vmem>>
        %dma_start3A_47 = arith.constant 0 : i32
        %dma_start3A_48 = arith.constant 0 : i32
        %dma_start3A_49 = tpu.memref_slice %arg2[%dma_start3A_47, %dma_start3A_48] : memref<50000x32xf32, #tpu.memory_space<hbm>> -> memref<50000x32xf32, #tpu.memory_space<hbm>>
        tpu.enqueue_indirect_dma source(%dma_start3A_49 : memref<50000x32xf32, #tpu.memory_space<hbm>>) target(%dma_start3A_43 : memref<128x32xf32, #tpu.memory_space<vmem>>) offsets(%dma_start3A_46 : memref<128xi32, #tpu.memory_space<vmem>>) semaphore(%arg12 : memref<!tpu.dma_semaphore, #tpu.memory_space<semaphore_mem>>)
        %dma_start3A_50 = arith.constant 1 : i32
        %dma_start3A_51 = arith.constant 1 : i32
        %dma_start3A_52 = arith.constant 0 : i32
        %dma_start3A_53 = arith.constant 0 : i32
        %dma_start3A_54 = tpu.memref_slice %arg11[%dma_start3A_51, %dma_start3A_52, %dma_start3A_53] : memref<4x128x32xf32, #tpu.memory_space<vmem>> -> memref<1x128x32xf32, #tpu.memory_space<vmem>>
        %dma_start3A_55 = tpu.memref_squeeze %dma_start3A_54 : memref<1x128x32xf32, #tpu.memory_space<vmem>> -> memref<128x32xf32, #tpu.memory_space<vmem>>
        %dma_start3A_56 = arith.constant 0 : i32
        %dma_start3A_57 = tpu.memref_slice %arg9[%dma_start3A_50, %dma_start3A_56] : memref<4x128xi32, #tpu.memory_space<vmem>> -> memref<1x128xi32, #tpu.memory_space<vmem>>
        %dma_start3A_58 = tpu.memref_squeeze %dma_start3A_57 : memref<1x128xi32, #tpu.memory_space<vmem>> -> memref<128xi32, #tpu.memory_space<vmem>>
        %dma_start3A_59 = arith.constant 0 : i32
        %dma_start3A_60 = arith.constant 0 : i32
        %dma_start3A_61 = tpu.memref_slice %arg2[%dma_start3A_59, %dma_start3A_60] : memref<50000x32xf32, #tpu.memory_space<hbm>> -> memref<50000x32xf32, #tpu.memory_space<hbm>>
        tpu.enqueue_indirect_dma source(%dma_start3A_61 : memref<50000x32xf32, #tpu.memory_space<hbm>>) target(%dma_start3A_55 : memref<128x32xf32, #tpu.memory_space<vmem>>) offsets(%dma_start3A_58 : memref<128xi32, #tpu.memory_space<vmem>>) semaphore(%arg12 : memref<!tpu.dma_semaphore, #tpu.memory_space<semaphore_mem>>)
        %dma_start3A_62 = arith.constant 2 : i32
        %dma_start3A_63 = arith.constant 2 : i32
        %dma_start3A_64 = arith.constant 0 : i32
        %dma_start3A_65 = arith.constant 0 : i32
        %dma_start3A_66 = tpu.memref_slice %arg11[%dma_start3A_63, %dma_start3A_64, %dma_start3A_65] : memref<4x128x32xf32, #tpu.memory_space<vmem>> -> memref<1x128x32xf32, #tpu.memory_space<vmem>>
        %dma_start3A_67 = tpu.memref_squeeze %dma_start3A_66 : memref<1x128x32xf32, #tpu.memory_space<vmem>> -> memref<128x32xf32, #tpu.memory_space<vmem>>
        %dma_start3A_68 = arith.constant 0 : i32
        %dma_start3A_69 = tpu.memref_slice %arg9[%dma_start3A_62, %dma_start3A_68] : memref<4x128xi32, #tpu.memory_space<vmem>> -> memref<1x128xi32, #tpu.memory_space<vmem>>
        %dma_start3A_70 = tpu.memref_squeeze %dma_start3A_69 : memref<1x128xi32, #tpu.memory_space<vmem>> -> memref<128xi32, #tpu.memory_space<vmem>>
        %dma_start3A_71 = arith.constant 0 : i32
        %dma_start3A_72 = arith.constant 0 : i32
        %dma_start3A_73 = tpu.memref_slice %arg2[%dma_start3A_71, %dma_start3A_72] : memref<50000x32xf32, #tpu.memory_space<hbm>> -> memref<50000x32xf32, #tpu.memory_space<hbm>>
        tpu.enqueue_indirect_dma source(%dma_start3A_73 : memref<50000x32xf32, #tpu.memory_space<hbm>>) target(%dma_start3A_67 : memref<128x32xf32, #tpu.memory_space<vmem>>) offsets(%dma_start3A_70 : memref<128xi32, #tpu.memory_space<vmem>>) semaphore(%arg12 : memref<!tpu.dma_semaphore, #tpu.memory_space<semaphore_mem>>)
        %dma_start3A_74 = arith.constant 3 : i32
        %dma_start3A_75 = arith.constant 3 : i32
        %dma_start3A_76 = arith.constant 0 : i32
        %dma_start3A_77 = arith.constant 0 : i32
        %dma_start3A_78 = tpu.memref_slice %arg11[%dma_start3A_75, %dma_start3A_76, %dma_start3A_77] : memref<4x128x32xf32, #tpu.memory_space<vmem>> -> memref<1x128x32xf32, #tpu.memory_space<vmem>>
        %dma_start3A_79 = tpu.memref_squeeze %dma_start3A_78 : memref<1x128x32xf32, #tpu.memory_space<vmem>> -> memref<128x32xf32, #tpu.memory_space<vmem>>
        %dma_start3A_80 = arith.constant 0 : i32
        %dma_start3A_81 = tpu.memref_slice %arg9[%dma_start3A_74, %dma_start3A_80] : memref<4x128xi32, #tpu.memory_space<vmem>> -> memref<1x128xi32, #tpu.memory_space<vmem>>
        %dma_start3A_82 = tpu.memref_squeeze %dma_start3A_81 : memref<1x128xi32, #tpu.memory_space<vmem>> -> memref<128xi32, #tpu.memory_space<vmem>>
        %dma_start3A_83 = arith.constant 0 : i32
        %dma_start3A_84 = arith.constant 0 : i32
        %dma_start3A_85 = tpu.memref_slice %arg2[%dma_start3A_83, %dma_start3A_84] : memref<50000x32xf32, #tpu.memory_space<hbm>> -> memref<50000x32xf32, #tpu.memory_space<hbm>>
        tpu.enqueue_indirect_dma source(%dma_start3A_85 : memref<50000x32xf32, #tpu.memory_space<hbm>>) target(%dma_start3A_79 : memref<128x32xf32, #tpu.memory_space<vmem>>) offsets(%dma_start3A_82 : memref<128xi32, #tpu.memory_space<vmem>>) semaphore(%arg12 : memref<!tpu.dma_semaphore, #tpu.memory_space<semaphore_mem>>)
        %dma_wait3A = arith.constant 0 : i32
        %dma_wait3A_86 = arith.constant 0 : i32
        %dma_wait3A_87 = arith.constant 0 : i32
        %dma_wait3A_88 = arith.constant 0 : i32
        %dma_wait3A_89 = tpu.memref_slice %arg11[%dma_wait3A_86, %dma_wait3A_87, %dma_wait3A_88] : memref<4x128x32xf32, #tpu.memory_space<vmem>> -> memref<1x128x32xf32, #tpu.memory_space<vmem>>
        %dma_wait3A_90 = tpu.memref_squeeze %dma_wait3A_89 : memref<1x128x32xf32, #tpu.memory_space<vmem>> -> memref<128x32xf32, #tpu.memory_space<vmem>>
        %dma_wait3A_91 = arith.constant 0 : i32
        %dma_wait3A_92 = tpu.memref_slice %arg9[%dma_wait3A, %dma_wait3A_91] : memref<4x128xi32, #tpu.memory_space<vmem>> -> memref<1x128xi32, #tpu.memory_space<vmem>>
        %dma_wait3A_93 = tpu.memref_squeeze %dma_wait3A_92 : memref<1x128xi32, #tpu.memory_space<vmem>> -> memref<128xi32, #tpu.memory_space<vmem>>
        %dma_wait3A_94 = arith.constant 0 : i32
        %dma_wait3A_95 = arith.constant 0 : i32
        %dma_wait3A_96 = tpu.memref_slice %arg2[%dma_wait3A_94, %dma_wait3A_95] : memref<50000x32xf32, #tpu.memory_space<hbm>> -> memref<50000x32xf32, #tpu.memory_space<hbm>>
        tpu.wait_indirect_dma semaphore(%arg12 : memref<!tpu.dma_semaphore, #tpu.memory_space<semaphore_mem>>) src(%dma_wait3A_96 : memref<50000x32xf32, #tpu.memory_space<hbm>>) dst(%dma_wait3A_90 : memref<128x32xf32, #tpu.memory_space<vmem>>)
        %dma_wait3A_97 = arith.constant 1 : i32
        %dma_wait3A_98 = arith.constant 1 : i32
        %dma_wait3A_99 = arith.constant 0 : i32
        %dma_wait3A_100 = arith.constant 0 : i32
        %dma_wait3A_101 = tpu.memref_slice %arg11[%dma_wait3A_98, %dma_wait3A_99, %dma_wait3A_100] : memref<4x128x32xf32, #tpu.memory_space<vmem>> -> memref<1x128x32xf32, #tpu.memory_space<vmem>>
        %dma_wait3A_102 = tpu.memref_squeeze %dma_wait3A_101 : memref<1x128x32xf32, #tpu.memory_space<vmem>> -> memref<128x32xf32, #tpu.memory_space<vmem>>
        %dma_wait3A_103 = arith.constant 0 : i32
        %dma_wait3A_104 = tpu.memref_slice %arg9[%dma_wait3A_97, %dma_wait3A_103] : memref<4x128xi32, #tpu.memory_space<vmem>> -> memref<1x128xi32, #tpu.memory_space<vmem>>
        %dma_wait3A_105 = tpu.memref_squeeze %dma_wait3A_104 : memref<1x128xi32, #tpu.memory_space<vmem>> -> memref<128xi32, #tpu.memory_space<vmem>>
        %dma_wait3A_106 = arith.constant 0 : i32
        %dma_wait3A_107 = arith.constant 0 : i32
        %dma_wait3A_108 = tpu.memref_slice %arg2[%dma_wait3A_106, %dma_wait3A_107] : memref<50000x32xf32, #tpu.memory_space<hbm>> -> memref<50000x32xf32, #tpu.memory_space<hbm>>
        tpu.wait_indirect_dma semaphore(%arg12 : memref<!tpu.dma_semaphore, #tpu.memory_space<semaphore_mem>>) src(%dma_wait3A_108 : memref<50000x32xf32, #tpu.memory_space<hbm>>) dst(%dma_wait3A_102 : memref<128x32xf32, #tpu.memory_space<vmem>>)
        %dma_wait3A_109 = arith.constant 2 : i32
        %dma_wait3A_110 = arith.constant 2 : i32
        %dma_wait3A_111 = arith.constant 0 : i32
        %dma_wait3A_112 = arith.constant 0 : i32
        %dma_wait3A_113 = tpu.memref_slice %arg11[%dma_wait3A_110, %dma_wait3A_111, %dma_wait3A_112] : memref<4x128x32xf32, #tpu.memory_space<vmem>> -> memref<1x128x32xf32, #tpu.memory_space<vmem>>
        %dma_wait3A_114 = tpu.memref_squeeze %dma_wait3A_113 : memref<1x128x32xf32, #tpu.memory_space<vmem>> -> memref<128x32xf32, #tpu.memory_space<vmem>>
        %dma_wait3A_115 = arith.constant 0 : i32
        %dma_wait3A_116 = tpu.memref_slice %arg9[%dma_wait3A_109, %dma_wait3A_115] : memref<4x128xi32, #tpu.memory_space<vmem>> -> memref<1x128xi32, #tpu.memory_space<vmem>>
        %dma_wait3A_117 = tpu.memref_squeeze %dma_wait3A_116 : memref<1x128xi32, #tpu.memory_space<vmem>> -> memref<128xi32, #tpu.memory_space<vmem>>
        %dma_wait3A_118 = arith.constant 0 : i32
        %dma_wait3A_119 = arith.constant 0 : i32
        %dma_wait3A_120 = tpu.memref_slice %arg2[%dma_wait3A_118, %dma_wait3A_119] : memref<50000x32xf32, #tpu.memory_space<hbm>> -> memref<50000x32xf32, #tpu.memory_space<hbm>>
        tpu.wait_indirect_dma semaphore(%arg12 : memref<!tpu.dma_semaphore, #tpu.memory_space<semaphore_mem>>) src(%dma_wait3A_120 : memref<50000x32xf32, #tpu.memory_space<hbm>>) dst(%dma_wait3A_114 : memref<128x32xf32, #tpu.memory_space<vmem>>)
        %dma_wait3A_121 = arith.constant 3 : i32
        %dma_wait3A_122 = arith.constant 3 : i32
        %dma_wait3A_123 = arith.constant 0 : i32
        %dma_wait3A_124 = arith.constant 0 : i32
        %dma_wait3A_125 = tpu.memref_slice %arg11[%dma_wait3A_122, %dma_wait3A_123, %dma_wait3A_124] : memref<4x128x32xf32, #tpu.memory_space<vmem>> -> memref<1x128x32xf32, #tpu.memory_space<vmem>>
        %dma_wait3A_126 = tpu.memref_squeeze %dma_wait3A_125 : memref<1x128x32xf32, #tpu.memory_space<vmem>> -> memref<128x32xf32, #tpu.memory_space<vmem>>
        %dma_wait3A_127 = arith.constant 0 : i32
        %dma_wait3A_128 = tpu.memref_slice %arg9[%dma_wait3A_121, %dma_wait3A_127] : memref<4x128xi32, #tpu.memory_space<vmem>> -> memref<1x128xi32, #tpu.memory_space<vmem>>
        %dma_wait3A_129 = tpu.memref_squeeze %dma_wait3A_128 : memref<1x128xi32, #tpu.memory_space<vmem>> -> memref<128xi32, #tpu.memory_space<vmem>>
        %dma_wait3A_130 = arith.constant 0 : i32
        %dma_wait3A_131 = arith.constant 0 : i32
        %dma_wait3A_132 = tpu.memref_slice %arg2[%dma_wait3A_130, %dma_wait3A_131] : memref<50000x32xf32, #tpu.memory_space<hbm>> -> memref<50000x32xf32, #tpu.memory_space<hbm>>
        tpu.wait_indirect_dma semaphore(%arg12 : memref<!tpu.dma_semaphore, #tpu.memory_space<semaphore_mem>>) src(%dma_wait3A_132 : memref<50000x32xf32, #tpu.memory_space<hbm>>) dst(%dma_wait3A_126 : memref<128x32xf32, #tpu.memory_space<vmem>>)
        %dma_start3A_133 = arith.constant 0 : i32
        %dma_start3A_134 = arith.constant 0 : i32
        %dma_start3A_135 = arith.constant 0 : i32
        %dma_start3A_136 = arith.constant 0 : i32
        %dma_start3A_137 = tpu.memref_slice %arg11[%dma_start3A_133, %dma_start3A_135, %dma_start3A_136] : memref<4x128x32xf32, #tpu.memory_space<vmem>> -> memref<1x128x32xf32, #tpu.memory_space<vmem>>
        %dma_start3A_138 = tpu.memref_squeeze %dma_start3A_137 : memref<1x128x32xf32, #tpu.memory_space<vmem>> -> memref<128x32xf32, #tpu.memory_space<vmem>>
        %dma_start3A_139 = arith.constant 0 : i32
        %dma_start3A_140 = tpu.memref_slice %arg10[%dma_start3A_134, %dma_start3A_139] : memref<4x128xi32, #tpu.memory_space<vmem>> -> memref<1x128xi32, #tpu.memory_space<vmem>>
        %dma_start3A_141 = tpu.memref_squeeze %dma_start3A_140 : memref<1x128xi32, #tpu.memory_space<vmem>> -> memref<128xi32, #tpu.memory_space<vmem>>
        %dma_start3A_142 = arith.constant 0 : i32
        %dma_start3A_143 = arith.constant 0 : i32
        %dma_start3A_144 = tpu.memref_slice %arg8[%dma_start3A_142, %dma_start3A_143] : memref<50008x32xf32, #tpu.memory_space<vmem_shared>> -> memref<50008x32xf32, #tpu.memory_space<vmem_shared>>
        tpu.enqueue_indirect_dma source(%dma_start3A_138 : memref<128x32xf32, #tpu.memory_space<vmem>>) target(%dma_start3A_144 : memref<50008x32xf32, #tpu.memory_space<vmem_shared>>) offsets(%dma_start3A_141 : memref<128xi32, #tpu.memory_space<vmem>>) semaphore(%arg13 : memref<!tpu.dma_semaphore, #tpu.memory_space<semaphore_mem>>) {add = true}
        %dma_start3A_145 = arith.constant 1 : i32
        %dma_start3A_146 = arith.constant 1 : i32
        %dma_start3A_147 = arith.constant 0 : i32
        %dma_start3A_148 = arith.constant 0 : i32
        %dma_start3A_149 = tpu.memref_slice %arg11[%dma_start3A_145, %dma_start3A_147, %dma_start3A_148] : memref<4x128x32xf32, #tpu.memory_space<vmem>> -> memref<1x128x32xf32, #tpu.memory_space<vmem>>
        %dma_start3A_150 = tpu.memref_squeeze %dma_start3A_149 : memref<1x128x32xf32, #tpu.memory_space<vmem>> -> memref<128x32xf32, #tpu.memory_space<vmem>>
        %dma_start3A_151 = arith.constant 0 : i32
        %dma_start3A_152 = tpu.memref_slice %arg10[%dma_start3A_146, %dma_start3A_151] : memref<4x128xi32, #tpu.memory_space<vmem>> -> memref<1x128xi32, #tpu.memory_space<vmem>>
        %dma_start3A_153 = tpu.memref_squeeze %dma_start3A_152 : memref<1x128xi32, #tpu.memory_space<vmem>> -> memref<128xi32, #tpu.memory_space<vmem>>
        %dma_start3A_154 = arith.constant 0 : i32
        %dma_start3A_155 = arith.constant 0 : i32
        %dma_start3A_156 = tpu.memref_slice %arg8[%dma_start3A_154, %dma_start3A_155] : memref<50008x32xf32, #tpu.memory_space<vmem_shared>> -> memref<50008x32xf32, #tpu.memory_space<vmem_shared>>
        tpu.enqueue_indirect_dma source(%dma_start3A_150 : memref<128x32xf32, #tpu.memory_space<vmem>>) target(%dma_start3A_156 : memref<50008x32xf32, #tpu.memory_space<vmem_shared>>) offsets(%dma_start3A_153 : memref<128xi32, #tpu.memory_space<vmem>>) semaphore(%arg13 : memref<!tpu.dma_semaphore, #tpu.memory_space<semaphore_mem>>) {add = true}
        %dma_start3A_157 = arith.constant 2 : i32
        %dma_start3A_158 = arith.constant 2 : i32
        %dma_start3A_159 = arith.constant 0 : i32
        %dma_start3A_160 = arith.constant 0 : i32
        %dma_start3A_161 = tpu.memref_slice %arg11[%dma_start3A_157, %dma_start3A_159, %dma_start3A_160] : memref<4x128x32xf32, #tpu.memory_space<vmem>> -> memref<1x128x32xf32, #tpu.memory_space<vmem>>
        %dma_start3A_162 = tpu.memref_squeeze %dma_start3A_161 : memref<1x128x32xf32, #tpu.memory_space<vmem>> -> memref<128x32xf32, #tpu.memory_space<vmem>>
        %dma_start3A_163 = arith.constant 0 : i32
        %dma_start3A_164 = tpu.memref_slice %arg10[%dma_start3A_158, %dma_start3A_163] : memref<4x128xi32, #tpu.memory_space<vmem>> -> memref<1x128xi32, #tpu.memory_space<vmem>>
        %dma_start3A_165 = tpu.memref_squeeze %dma_start3A_164 : memref<1x128xi32, #tpu.memory_space<vmem>> -> memref<128xi32, #tpu.memory_space<vmem>>
        %dma_start3A_166 = arith.constant 0 : i32
        %dma_start3A_167 = arith.constant 0 : i32
        %dma_start3A_168 = tpu.memref_slice %arg8[%dma_start3A_166, %dma_start3A_167] : memref<50008x32xf32, #tpu.memory_space<vmem_shared>> -> memref<50008x32xf32, #tpu.memory_space<vmem_shared>>
        tpu.enqueue_indirect_dma source(%dma_start3A_162 : memref<128x32xf32, #tpu.memory_space<vmem>>) target(%dma_start3A_168 : memref<50008x32xf32, #tpu.memory_space<vmem_shared>>) offsets(%dma_start3A_165 : memref<128xi32, #tpu.memory_space<vmem>>) semaphore(%arg13 : memref<!tpu.dma_semaphore, #tpu.memory_space<semaphore_mem>>) {add = true}
        %dma_start3A_169 = arith.constant 3 : i32
        %dma_start3A_170 = arith.constant 3 : i32
        %dma_start3A_171 = arith.constant 0 : i32
        %dma_start3A_172 = arith.constant 0 : i32
        %dma_start3A_173 = tpu.memref_slice %arg11[%dma_start3A_169, %dma_start3A_171, %dma_start3A_172] : memref<4x128x32xf32, #tpu.memory_space<vmem>> -> memref<1x128x32xf32, #tpu.memory_space<vmem>>
        %dma_start3A_174 = tpu.memref_squeeze %dma_start3A_173 : memref<1x128x32xf32, #tpu.memory_space<vmem>> -> memref<128x32xf32, #tpu.memory_space<vmem>>
        %dma_start3A_175 = arith.constant 0 : i32
        %dma_start3A_176 = tpu.memref_slice %arg10[%dma_start3A_170, %dma_start3A_175] : memref<4x128xi32, #tpu.memory_space<vmem>> -> memref<1x128xi32, #tpu.memory_space<vmem>>
        %dma_start3A_177 = tpu.memref_squeeze %dma_start3A_176 : memref<1x128xi32, #tpu.memory_space<vmem>> -> memref<128xi32, #tpu.memory_space<vmem>>
        %dma_start3A_178 = arith.constant 0 : i32
        %dma_start3A_179 = arith.constant 0 : i32
        %dma_start3A_180 = tpu.memref_slice %arg8[%dma_start3A_178, %dma_start3A_179] : memref<50008x32xf32, #tpu.memory_space<vmem_shared>> -> memref<50008x32xf32, #tpu.memory_space<vmem_shared>>
        tpu.enqueue_indirect_dma source(%dma_start3A_174 : memref<128x32xf32, #tpu.memory_space<vmem>>) target(%dma_start3A_180 : memref<50008x32xf32, #tpu.memory_space<vmem_shared>>) offsets(%dma_start3A_177 : memref<128xi32, #tpu.memory_space<vmem>>) semaphore(%arg13 : memref<!tpu.dma_semaphore, #tpu.memory_space<semaphore_mem>>) {add = true}
        %dma_wait3A_181 = arith.constant 0 : i32
        %dma_wait3A_182 = arith.constant 0 : i32
        %dma_wait3A_183 = arith.constant 0 : i32
        %dma_wait3A_184 = arith.constant 0 : i32
        %dma_wait3A_185 = tpu.memref_slice %arg11[%dma_wait3A_181, %dma_wait3A_183, %dma_wait3A_184] : memref<4x128x32xf32, #tpu.memory_space<vmem>> -> memref<1x128x32xf32, #tpu.memory_space<vmem>>
        %dma_wait3A_186 = tpu.memref_squeeze %dma_wait3A_185 : memref<1x128x32xf32, #tpu.memory_space<vmem>> -> memref<128x32xf32, #tpu.memory_space<vmem>>
        %dma_wait3A_187 = arith.constant 0 : i32
        %dma_wait3A_188 = tpu.memref_slice %arg10[%dma_wait3A_182, %dma_wait3A_187] : memref<4x128xi32, #tpu.memory_space<vmem>> -> memref<1x128xi32, #tpu.memory_space<vmem>>
        %dma_wait3A_189 = tpu.memref_squeeze %dma_wait3A_188 : memref<1x128xi32, #tpu.memory_space<vmem>> -> memref<128xi32, #tpu.memory_space<vmem>>
        %dma_wait3A_190 = arith.constant 0 : i32
        %dma_wait3A_191 = arith.constant 0 : i32
        %dma_wait3A_192 = tpu.memref_slice %arg8[%dma_wait3A_190, %dma_wait3A_191] : memref<50008x32xf32, #tpu.memory_space<vmem_shared>> -> memref<50008x32xf32, #tpu.memory_space<vmem_shared>>
        tpu.wait_indirect_dma semaphore(%arg13 : memref<!tpu.dma_semaphore, #tpu.memory_space<semaphore_mem>>) src(%dma_wait3A_186 : memref<128x32xf32, #tpu.memory_space<vmem>>) dst(%dma_wait3A_192 : memref<50008x32xf32, #tpu.memory_space<vmem_shared>>)
        %dma_wait3A_193 = arith.constant 1 : i32
        %dma_wait3A_194 = arith.constant 1 : i32
        %dma_wait3A_195 = arith.constant 0 : i32
        %dma_wait3A_196 = arith.constant 0 : i32
        %dma_wait3A_197 = tpu.memref_slice %arg11[%dma_wait3A_193, %dma_wait3A_195, %dma_wait3A_196] : memref<4x128x32xf32, #tpu.memory_space<vmem>> -> memref<1x128x32xf32, #tpu.memory_space<vmem>>
        %dma_wait3A_198 = tpu.memref_squeeze %dma_wait3A_197 : memref<1x128x32xf32, #tpu.memory_space<vmem>> -> memref<128x32xf32, #tpu.memory_space<vmem>>
        %dma_wait3A_199 = arith.constant 0 : i32
        %dma_wait3A_200 = tpu.memref_slice %arg10[%dma_wait3A_194, %dma_wait3A_199] : memref<4x128xi32, #tpu.memory_space<vmem>> -> memref<1x128xi32, #tpu.memory_space<vmem>>
        %dma_wait3A_201 = tpu.memref_squeeze %dma_wait3A_200 : memref<1x128xi32, #tpu.memory_space<vmem>> -> memref<128xi32, #tpu.memory_space<vmem>>
        %dma_wait3A_202 = arith.constant 0 : i32
        %dma_wait3A_203 = arith.constant 0 : i32
        %dma_wait3A_204 = tpu.memref_slice %arg8[%dma_wait3A_202, %dma_wait3A_203] : memref<50008x32xf32, #tpu.memory_space<vmem_shared>> -> memref<50008x32xf32, #tpu.memory_space<vmem_shared>>
        tpu.wait_indirect_dma semaphore(%arg13 : memref<!tpu.dma_semaphore, #tpu.memory_space<semaphore_mem>>) src(%dma_wait3A_198 : memref<128x32xf32, #tpu.memory_space<vmem>>) dst(%dma_wait3A_204 : memref<50008x32xf32, #tpu.memory_space<vmem_shared>>)
        %dma_wait3A_205 = arith.constant 2 : i32
        %dma_wait3A_206 = arith.constant 2 : i32
        %dma_wait3A_207 = arith.constant 0 : i32
        %dma_wait3A_208 = arith.constant 0 : i32
        %dma_wait3A_209 = tpu.memref_slice %arg11[%dma_wait3A_205, %dma_wait3A_207, %dma_wait3A_208] : memref<4x128x32xf32, #tpu.memory_space<vmem>> -> memref<1x128x32xf32, #tpu.memory_space<vmem>>
        %dma_wait3A_210 = tpu.memref_squeeze %dma_wait3A_209 : memref<1x128x32xf32, #tpu.memory_space<vmem>> -> memref<128x32xf32, #tpu.memory_space<vmem>>
        %dma_wait3A_211 = arith.constant 0 : i32
        %dma_wait3A_212 = tpu.memref_slice %arg10[%dma_wait3A_206, %dma_wait3A_211] : memref<4x128xi32, #tpu.memory_space<vmem>> -> memref<1x128xi32, #tpu.memory_space<vmem>>
        %dma_wait3A_213 = tpu.memref_squeeze %dma_wait3A_212 : memref<1x128xi32, #tpu.memory_space<vmem>> -> memref<128xi32, #tpu.memory_space<vmem>>
        %dma_wait3A_214 = arith.constant 0 : i32
        %dma_wait3A_215 = arith.constant 0 : i32
        %dma_wait3A_216 = tpu.memref_slice %arg8[%dma_wait3A_214, %dma_wait3A_215] : memref<50008x32xf32, #tpu.memory_space<vmem_shared>> -> memref<50008x32xf32, #tpu.memory_space<vmem_shared>>
        tpu.wait_indirect_dma semaphore(%arg13 : memref<!tpu.dma_semaphore, #tpu.memory_space<semaphore_mem>>) src(%dma_wait3A_210 : memref<128x32xf32, #tpu.memory_space<vmem>>) dst(%dma_wait3A_216 : memref<50008x32xf32, #tpu.memory_space<vmem_shared>>)
        %dma_wait3A_217 = arith.constant 3 : i32
        %dma_wait3A_218 = arith.constant 3 : i32
        %dma_wait3A_219 = arith.constant 0 : i32
        %dma_wait3A_220 = arith.constant 0 : i32
        %dma_wait3A_221 = tpu.memref_slice %arg11[%dma_wait3A_217, %dma_wait3A_219, %dma_wait3A_220] : memref<4x128x32xf32, #tpu.memory_space<vmem>> -> memref<1x128x32xf32, #tpu.memory_space<vmem>>
        %dma_wait3A_222 = tpu.memref_squeeze %dma_wait3A_221 : memref<1x128x32xf32, #tpu.memory_space<vmem>> -> memref<128x32xf32, #tpu.memory_space<vmem>>
        %dma_wait3A_223 = arith.constant 0 : i32
        %dma_wait3A_224 = tpu.memref_slice %arg10[%dma_wait3A_218, %dma_wait3A_223] : memref<4x128xi32, #tpu.memory_space<vmem>> -> memref<1x128xi32, #tpu.memory_space<vmem>>
        %dma_wait3A_225 = tpu.memref_squeeze %dma_wait3A_224 : memref<1x128xi32, #tpu.memory_space<vmem>> -> memref<128xi32, #tpu.memory_space<vmem>>
        %dma_wait3A_226 = arith.constant 0 : i32
        %dma_wait3A_227 = arith.constant 0 : i32
        %dma_wait3A_228 = tpu.memref_slice %arg8[%dma_wait3A_226, %dma_wait3A_227] : memref<50008x32xf32, #tpu.memory_space<vmem_shared>> -> memref<50008x32xf32, #tpu.memory_space<vmem_shared>>
        tpu.wait_indirect_dma semaphore(%arg13 : memref<!tpu.dma_semaphore, #tpu.memory_space<semaphore_mem>>) src(%dma_wait3A_222 : memref<128x32xf32, #tpu.memory_space<vmem>>) dst(%dma_wait3A_228 : memref<50008x32xf32, #tpu.memory_space<vmem_shared>>)
      }
      %scan3A_35 = arith.constant 98 : i32
    } else {
    }
    %eq3A_15 = arith.constant 1 : i32
    %eq3A_16 = arith.cmpi eq, %arg0, %eq3A_15 : i32
    %convert_element_type3A_17 = arith.extui %eq3A_16 : i1 to i32
    %cond3A_18 = arith.constant 0 : i32
    %cond3A_19 = arith.cmpi ne, %convert_element_type3A_17, %cond3A_18 : i32
    scf.if %cond3A_19 {
      %scan3A = arith.constant 0 : i32
      %scan3A_31 = arith.constant 0 : i32
      %scan3A_32 = arith.constant 98 : i32
      %scan3A_33 = arith.addi %scan3A_31, %scan3A_32 : i32
      %scan3A_34 = arith.constant 1 : i32
      scf.for %scan3A_36 = %scan3A_31 to %scan3A_33 step %scan3A_34  : i32 {
        %mul3A_37 = arith.constant 4 : i32
        %mul3A_38 = arith.muli %scan3A_36, %mul3A_37 : i32
        %add3A = arith.addi %mul3A_9, %mul3A_38 : i32
        "tpu.region"() ({
          %run_scoped3A = tpu.sem_alloc : memref<!tpu.dma_semaphore, #tpu.memory_space<semaphore_mem>>
          %dma_start3A_229 = arith.constant 0 : i32
          %dma_start3A_230 = tpu.memref_slice %arg4[%add3A, %dma_start3A_229] : memref<6272x128xi32, #tpu.memory_space<hbm>> -> memref<4x128xi32, #tpu.memory_space<hbm>>
          %dma_start3A_231 = arith.constant 0 : i32
          %dma_start3A_232 = tpu.memref_slice %arg4[%add3A, %dma_start3A_231] : memref<6272x128xi32, #tpu.memory_space<hbm>> -> memref<4x128xi32, #tpu.memory_space<hbm>>
          tpu.enqueue_dma source(%dma_start3A_232 : memref<4x128xi32, #tpu.memory_space<hbm>>) target(%arg9 : memref<4x128xi32, #tpu.memory_space<vmem>>) target_semaphore(%run_scoped3A : memref<!tpu.dma_semaphore, #tpu.memory_space<semaphore_mem>>)
          %dma_wait3A_233 = arith.constant 0 : i32
          %dma_wait3A_234 = tpu.memref_slice %arg4[%add3A, %dma_wait3A_233] : memref<6272x128xi32, #tpu.memory_space<hbm>> -> memref<4x128xi32, #tpu.memory_space<hbm>>
          %dma_wait3A_235 = arith.constant 0 : i32
          %dma_wait3A_236 = tpu.memref_slice %arg4[%add3A, %dma_wait3A_235] : memref<6272x128xi32, #tpu.memory_space<hbm>> -> memref<4x128xi32, #tpu.memory_space<hbm>>
          tpu.wait_dma2 semaphore(%run_scoped3A : memref<!tpu.dma_semaphore, #tpu.memory_space<semaphore_mem>>) src(%dma_wait3A_236 : memref<4x128xi32, #tpu.memory_space<hbm>>) dst(%arg9 : memref<4x128xi32, #tpu.memory_space<vmem>>)
          tpu.yield
        }) : () -> ()
        "tpu.region"() ({
          %run_scoped3A = tpu.sem_alloc : memref<!tpu.dma_semaphore, #tpu.memory_space<semaphore_mem>>
          %dma_start3A_229 = arith.constant 0 : i32
          %dma_start3A_230 = tpu.memref_slice %arg5[%add3A, %dma_start3A_229] : memref<6272x128xi32, #tpu.memory_space<hbm>> -> memref<4x128xi32, #tpu.memory_space<hbm>>
          %dma_start3A_231 = arith.constant 0 : i32
          %dma_start3A_232 = tpu.memref_slice %arg5[%add3A, %dma_start3A_231] : memref<6272x128xi32, #tpu.memory_space<hbm>> -> memref<4x128xi32, #tpu.memory_space<hbm>>
          tpu.enqueue_dma source(%dma_start3A_232 : memref<4x128xi32, #tpu.memory_space<hbm>>) target(%arg10 : memref<4x128xi32, #tpu.memory_space<vmem>>) target_semaphore(%run_scoped3A : memref<!tpu.dma_semaphore, #tpu.memory_space<semaphore_mem>>)
          %dma_wait3A_233 = arith.constant 0 : i32
          %dma_wait3A_234 = tpu.memref_slice %arg5[%add3A, %dma_wait3A_233] : memref<6272x128xi32, #tpu.memory_space<hbm>> -> memref<4x128xi32, #tpu.memory_space<hbm>>
          %dma_wait3A_235 = arith.constant 0 : i32
          %dma_wait3A_236 = tpu.memref_slice %arg5[%add3A, %dma_wait3A_235] : memref<6272x128xi32, #tpu.memory_space<hbm>> -> memref<4x128xi32, #tpu.memory_space<hbm>>
          tpu.wait_dma2 semaphore(%run_scoped3A : memref<!tpu.dma_semaphore, #tpu.memory_space<semaphore_mem>>) src(%dma_wait3A_236 : memref<4x128xi32, #tpu.memory_space<hbm>>) dst(%arg10 : memref<4x128xi32, #tpu.memory_space<vmem>>)
          tpu.yield
        }) : () -> ()
        %dma_start3A = arith.constant 0 : i32
        %dma_start3A_39 = arith.constant 0 : i32
        %dma_start3A_40 = arith.constant 0 : i32
        %dma_start3A_41 = arith.constant 0 : i32
        %dma_start3A_42 = tpu.memref_slice %arg11[%dma_start3A_39, %dma_start3A_40, %dma_start3A_41] : memref<4x128x32xf32, #tpu.memory_space<vmem>> -> memref<1x128x32xf32, #tpu.memory_space<vmem>>
        %dma_start3A_43 = tpu.memref_squeeze %dma_start3A_42 : memref<1x128x32xf32, #tpu.memory_space<vmem>> -> memref<128x32xf32, #tpu.memory_space<vmem>>
        %dma_start3A_44 = arith.constant 0 : i32
        %dma_start3A_45 = tpu.memref_slice %arg9[%dma_start3A, %dma_start3A_44] : memref<4x128xi32, #tpu.memory_space<vmem>> -> memref<1x128xi32, #tpu.memory_space<vmem>>
        %dma_start3A_46 = tpu.memref_squeeze %dma_start3A_45 : memref<1x128xi32, #tpu.memory_space<vmem>> -> memref<128xi32, #tpu.memory_space<vmem>>
        %dma_start3A_47 = arith.constant 0 : i32
        %dma_start3A_48 = arith.constant 0 : i32
        %dma_start3A_49 = tpu.memref_slice %arg3[%dma_start3A_47, %dma_start3A_48] : memref<50000x32xf32, #tpu.memory_space<hbm>> -> memref<50000x32xf32, #tpu.memory_space<hbm>>
        tpu.enqueue_indirect_dma source(%dma_start3A_49 : memref<50000x32xf32, #tpu.memory_space<hbm>>) target(%dma_start3A_43 : memref<128x32xf32, #tpu.memory_space<vmem>>) offsets(%dma_start3A_46 : memref<128xi32, #tpu.memory_space<vmem>>) semaphore(%arg12 : memref<!tpu.dma_semaphore, #tpu.memory_space<semaphore_mem>>)
        %dma_start3A_50 = arith.constant 1 : i32
        %dma_start3A_51 = arith.constant 1 : i32
        %dma_start3A_52 = arith.constant 0 : i32
        %dma_start3A_53 = arith.constant 0 : i32
        %dma_start3A_54 = tpu.memref_slice %arg11[%dma_start3A_51, %dma_start3A_52, %dma_start3A_53] : memref<4x128x32xf32, #tpu.memory_space<vmem>> -> memref<1x128x32xf32, #tpu.memory_space<vmem>>
        %dma_start3A_55 = tpu.memref_squeeze %dma_start3A_54 : memref<1x128x32xf32, #tpu.memory_space<vmem>> -> memref<128x32xf32, #tpu.memory_space<vmem>>
        %dma_start3A_56 = arith.constant 0 : i32
        %dma_start3A_57 = tpu.memref_slice %arg9[%dma_start3A_50, %dma_start3A_56] : memref<4x128xi32, #tpu.memory_space<vmem>> -> memref<1x128xi32, #tpu.memory_space<vmem>>
        %dma_start3A_58 = tpu.memref_squeeze %dma_start3A_57 : memref<1x128xi32, #tpu.memory_space<vmem>> -> memref<128xi32, #tpu.memory_space<vmem>>
        %dma_start3A_59 = arith.constant 0 : i32
        %dma_start3A_60 = arith.constant 0 : i32
        %dma_start3A_61 = tpu.memref_slice %arg3[%dma_start3A_59, %dma_start3A_60] : memref<50000x32xf32, #tpu.memory_space<hbm>> -> memref<50000x32xf32, #tpu.memory_space<hbm>>
        tpu.enqueue_indirect_dma source(%dma_start3A_61 : memref<50000x32xf32, #tpu.memory_space<hbm>>) target(%dma_start3A_55 : memref<128x32xf32, #tpu.memory_space<vmem>>) offsets(%dma_start3A_58 : memref<128xi32, #tpu.memory_space<vmem>>) semaphore(%arg12 : memref<!tpu.dma_semaphore, #tpu.memory_space<semaphore_mem>>)
        %dma_start3A_62 = arith.constant 2 : i32
        %dma_start3A_63 = arith.constant 2 : i32
        %dma_start3A_64 = arith.constant 0 : i32
        %dma_start3A_65 = arith.constant 0 : i32
        %dma_start3A_66 = tpu.memref_slice %arg11[%dma_start3A_63, %dma_start3A_64, %dma_start3A_65] : memref<4x128x32xf32, #tpu.memory_space<vmem>> -> memref<1x128x32xf32, #tpu.memory_space<vmem>>
        %dma_start3A_67 = tpu.memref_squeeze %dma_start3A_66 : memref<1x128x32xf32, #tpu.memory_space<vmem>> -> memref<128x32xf32, #tpu.memory_space<vmem>>
        %dma_start3A_68 = arith.constant 0 : i32
        %dma_start3A_69 = tpu.memref_slice %arg9[%dma_start3A_62, %dma_start3A_68] : memref<4x128xi32, #tpu.memory_space<vmem>> -> memref<1x128xi32, #tpu.memory_space<vmem>>
        %dma_start3A_70 = tpu.memref_squeeze %dma_start3A_69 : memref<1x128xi32, #tpu.memory_space<vmem>> -> memref<128xi32, #tpu.memory_space<vmem>>
        %dma_start3A_71 = arith.constant 0 : i32
        %dma_start3A_72 = arith.constant 0 : i32
        %dma_start3A_73 = tpu.memref_slice %arg3[%dma_start3A_71, %dma_start3A_72] : memref<50000x32xf32, #tpu.memory_space<hbm>> -> memref<50000x32xf32, #tpu.memory_space<hbm>>
        tpu.enqueue_indirect_dma source(%dma_start3A_73 : memref<50000x32xf32, #tpu.memory_space<hbm>>) target(%dma_start3A_67 : memref<128x32xf32, #tpu.memory_space<vmem>>) offsets(%dma_start3A_70 : memref<128xi32, #tpu.memory_space<vmem>>) semaphore(%arg12 : memref<!tpu.dma_semaphore, #tpu.memory_space<semaphore_mem>>)
        %dma_start3A_74 = arith.constant 3 : i32
        %dma_start3A_75 = arith.constant 3 : i32
        %dma_start3A_76 = arith.constant 0 : i32
        %dma_start3A_77 = arith.constant 0 : i32
        %dma_start3A_78 = tpu.memref_slice %arg11[%dma_start3A_75, %dma_start3A_76, %dma_start3A_77] : memref<4x128x32xf32, #tpu.memory_space<vmem>> -> memref<1x128x32xf32, #tpu.memory_space<vmem>>
        %dma_start3A_79 = tpu.memref_squeeze %dma_start3A_78 : memref<1x128x32xf32, #tpu.memory_space<vmem>> -> memref<128x32xf32, #tpu.memory_space<vmem>>
        %dma_start3A_80 = arith.constant 0 : i32
        %dma_start3A_81 = tpu.memref_slice %arg9[%dma_start3A_74, %dma_start3A_80] : memref<4x128xi32, #tpu.memory_space<vmem>> -> memref<1x128xi32, #tpu.memory_space<vmem>>
        %dma_start3A_82 = tpu.memref_squeeze %dma_start3A_81 : memref<1x128xi32, #tpu.memory_space<vmem>> -> memref<128xi32, #tpu.memory_space<vmem>>
        %dma_start3A_83 = arith.constant 0 : i32
        %dma_start3A_84 = arith.constant 0 : i32
        %dma_start3A_85 = tpu.memref_slice %arg3[%dma_start3A_83, %dma_start3A_84] : memref<50000x32xf32, #tpu.memory_space<hbm>> -> memref<50000x32xf32, #tpu.memory_space<hbm>>
        tpu.enqueue_indirect_dma source(%dma_start3A_85 : memref<50000x32xf32, #tpu.memory_space<hbm>>) target(%dma_start3A_79 : memref<128x32xf32, #tpu.memory_space<vmem>>) offsets(%dma_start3A_82 : memref<128xi32, #tpu.memory_space<vmem>>) semaphore(%arg12 : memref<!tpu.dma_semaphore, #tpu.memory_space<semaphore_mem>>)
        %dma_wait3A = arith.constant 0 : i32
        %dma_wait3A_86 = arith.constant 0 : i32
        %dma_wait3A_87 = arith.constant 0 : i32
        %dma_wait3A_88 = arith.constant 0 : i32
        %dma_wait3A_89 = tpu.memref_slice %arg11[%dma_wait3A_86, %dma_wait3A_87, %dma_wait3A_88] : memref<4x128x32xf32, #tpu.memory_space<vmem>> -> memref<1x128x32xf32, #tpu.memory_space<vmem>>
        %dma_wait3A_90 = tpu.memref_squeeze %dma_wait3A_89 : memref<1x128x32xf32, #tpu.memory_space<vmem>> -> memref<128x32xf32, #tpu.memory_space<vmem>>
        %dma_wait3A_91 = arith.constant 0 : i32
        %dma_wait3A_92 = tpu.memref_slice %arg9[%dma_wait3A, %dma_wait3A_91] : memref<4x128xi32, #tpu.memory_space<vmem>> -> memref<1x128xi32, #tpu.memory_space<vmem>>
        %dma_wait3A_93 = tpu.memref_squeeze %dma_wait3A_92 : memref<1x128xi32, #tpu.memory_space<vmem>> -> memref<128xi32, #tpu.memory_space<vmem>>
        %dma_wait3A_94 = arith.constant 0 : i32
        %dma_wait3A_95 = arith.constant 0 : i32
        %dma_wait3A_96 = tpu.memref_slice %arg3[%dma_wait3A_94, %dma_wait3A_95] : memref<50000x32xf32, #tpu.memory_space<hbm>> -> memref<50000x32xf32, #tpu.memory_space<hbm>>
        tpu.wait_indirect_dma semaphore(%arg12 : memref<!tpu.dma_semaphore, #tpu.memory_space<semaphore_mem>>) src(%dma_wait3A_96 : memref<50000x32xf32, #tpu.memory_space<hbm>>) dst(%dma_wait3A_90 : memref<128x32xf32, #tpu.memory_space<vmem>>)
        %dma_wait3A_97 = arith.constant 1 : i32
        %dma_wait3A_98 = arith.constant 1 : i32
        %dma_wait3A_99 = arith.constant 0 : i32
        %dma_wait3A_100 = arith.constant 0 : i32
        %dma_wait3A_101 = tpu.memref_slice %arg11[%dma_wait3A_98, %dma_wait3A_99, %dma_wait3A_100] : memref<4x128x32xf32, #tpu.memory_space<vmem>> -> memref<1x128x32xf32, #tpu.memory_space<vmem>>
        %dma_wait3A_102 = tpu.memref_squeeze %dma_wait3A_101 : memref<1x128x32xf32, #tpu.memory_space<vmem>> -> memref<128x32xf32, #tpu.memory_space<vmem>>
        %dma_wait3A_103 = arith.constant 0 : i32
        %dma_wait3A_104 = tpu.memref_slice %arg9[%dma_wait3A_97, %dma_wait3A_103] : memref<4x128xi32, #tpu.memory_space<vmem>> -> memref<1x128xi32, #tpu.memory_space<vmem>>
        %dma_wait3A_105 = tpu.memref_squeeze %dma_wait3A_104 : memref<1x128xi32, #tpu.memory_space<vmem>> -> memref<128xi32, #tpu.memory_space<vmem>>
        %dma_wait3A_106 = arith.constant 0 : i32
        %dma_wait3A_107 = arith.constant 0 : i32
        %dma_wait3A_108 = tpu.memref_slice %arg3[%dma_wait3A_106, %dma_wait3A_107] : memref<50000x32xf32, #tpu.memory_space<hbm>> -> memref<50000x32xf32, #tpu.memory_space<hbm>>
        tpu.wait_indirect_dma semaphore(%arg12 : memref<!tpu.dma_semaphore, #tpu.memory_space<semaphore_mem>>) src(%dma_wait3A_108 : memref<50000x32xf32, #tpu.memory_space<hbm>>) dst(%dma_wait3A_102 : memref<128x32xf32, #tpu.memory_space<vmem>>)
        %dma_wait3A_109 = arith.constant 2 : i32
        %dma_wait3A_110 = arith.constant 2 : i32
        %dma_wait3A_111 = arith.constant 0 : i32
        %dma_wait3A_112 = arith.constant 0 : i32
        %dma_wait3A_113 = tpu.memref_slice %arg11[%dma_wait3A_110, %dma_wait3A_111, %dma_wait3A_112] : memref<4x128x32xf32, #tpu.memory_space<vmem>> -> memref<1x128x32xf32, #tpu.memory_space<vmem>>
        %dma_wait3A_114 = tpu.memref_squeeze %dma_wait3A_113 : memref<1x128x32xf32, #tpu.memory_space<vmem>> -> memref<128x32xf32, #tpu.memory_space<vmem>>
        %dma_wait3A_115 = arith.constant 0 : i32
        %dma_wait3A_116 = tpu.memref_slice %arg9[%dma_wait3A_109, %dma_wait3A_115] : memref<4x128xi32, #tpu.memory_space<vmem>> -> memref<1x128xi32, #tpu.memory_space<vmem>>
        %dma_wait3A_117 = tpu.memref_squeeze %dma_wait3A_116 : memref<1x128xi32, #tpu.memory_space<vmem>> -> memref<128xi32, #tpu.memory_space<vmem>>
        %dma_wait3A_118 = arith.constant 0 : i32
        %dma_wait3A_119 = arith.constant 0 : i32
        %dma_wait3A_120 = tpu.memref_slice %arg3[%dma_wait3A_118, %dma_wait3A_119] : memref<50000x32xf32, #tpu.memory_space<hbm>> -> memref<50000x32xf32, #tpu.memory_space<hbm>>
        tpu.wait_indirect_dma semaphore(%arg12 : memref<!tpu.dma_semaphore, #tpu.memory_space<semaphore_mem>>) src(%dma_wait3A_120 : memref<50000x32xf32, #tpu.memory_space<hbm>>) dst(%dma_wait3A_114 : memref<128x32xf32, #tpu.memory_space<vmem>>)
        %dma_wait3A_121 = arith.constant 3 : i32
        %dma_wait3A_122 = arith.constant 3 : i32
        %dma_wait3A_123 = arith.constant 0 : i32
        %dma_wait3A_124 = arith.constant 0 : i32
        %dma_wait3A_125 = tpu.memref_slice %arg11[%dma_wait3A_122, %dma_wait3A_123, %dma_wait3A_124] : memref<4x128x32xf32, #tpu.memory_space<vmem>> -> memref<1x128x32xf32, #tpu.memory_space<vmem>>
        %dma_wait3A_126 = tpu.memref_squeeze %dma_wait3A_125 : memref<1x128x32xf32, #tpu.memory_space<vmem>> -> memref<128x32xf32, #tpu.memory_space<vmem>>
        %dma_wait3A_127 = arith.constant 0 : i32
        %dma_wait3A_128 = tpu.memref_slice %arg9[%dma_wait3A_121, %dma_wait3A_127] : memref<4x128xi32, #tpu.memory_space<vmem>> -> memref<1x128xi32, #tpu.memory_space<vmem>>
        %dma_wait3A_129 = tpu.memref_squeeze %dma_wait3A_128 : memref<1x128xi32, #tpu.memory_space<vmem>> -> memref<128xi32, #tpu.memory_space<vmem>>
        %dma_wait3A_130 = arith.constant 0 : i32
        %dma_wait3A_131 = arith.constant 0 : i32
        %dma_wait3A_132 = tpu.memref_slice %arg3[%dma_wait3A_130, %dma_wait3A_131] : memref<50000x32xf32, #tpu.memory_space<hbm>> -> memref<50000x32xf32, #tpu.memory_space<hbm>>
        tpu.wait_indirect_dma semaphore(%arg12 : memref<!tpu.dma_semaphore, #tpu.memory_space<semaphore_mem>>) src(%dma_wait3A_132 : memref<50000x32xf32, #tpu.memory_space<hbm>>) dst(%dma_wait3A_126 : memref<128x32xf32, #tpu.memory_space<vmem>>)
        %dma_start3A_133 = arith.constant 0 : i32
        %dma_start3A_134 = arith.constant 0 : i32
        %dma_start3A_135 = arith.constant 0 : i32
        %dma_start3A_136 = arith.constant 0 : i32
        %dma_start3A_137 = tpu.memref_slice %arg11[%dma_start3A_133, %dma_start3A_135, %dma_start3A_136] : memref<4x128x32xf32, #tpu.memory_space<vmem>> -> memref<1x128x32xf32, #tpu.memory_space<vmem>>
        %dma_start3A_138 = tpu.memref_squeeze %dma_start3A_137 : memref<1x128x32xf32, #tpu.memory_space<vmem>> -> memref<128x32xf32, #tpu.memory_space<vmem>>
        %dma_start3A_139 = arith.constant 0 : i32
        %dma_start3A_140 = tpu.memref_slice %arg10[%dma_start3A_134, %dma_start3A_139] : memref<4x128xi32, #tpu.memory_space<vmem>> -> memref<1x128xi32, #tpu.memory_space<vmem>>
        %dma_start3A_141 = tpu.memref_squeeze %dma_start3A_140 : memref<1x128xi32, #tpu.memory_space<vmem>> -> memref<128xi32, #tpu.memory_space<vmem>>
        %dma_start3A_142 = arith.constant 0 : i32
        %dma_start3A_143 = arith.constant 0 : i32
        %dma_start3A_144 = tpu.memref_slice %arg8[%dma_start3A_142, %dma_start3A_143] : memref<50008x32xf32, #tpu.memory_space<vmem_shared>> -> memref<50008x32xf32, #tpu.memory_space<vmem_shared>>
        tpu.enqueue_indirect_dma source(%dma_start3A_138 : memref<128x32xf32, #tpu.memory_space<vmem>>) target(%dma_start3A_144 : memref<50008x32xf32, #tpu.memory_space<vmem_shared>>) offsets(%dma_start3A_141 : memref<128xi32, #tpu.memory_space<vmem>>) semaphore(%arg13 : memref<!tpu.dma_semaphore, #tpu.memory_space<semaphore_mem>>) {add = true}
        %dma_start3A_145 = arith.constant 1 : i32
        %dma_start3A_146 = arith.constant 1 : i32
        %dma_start3A_147 = arith.constant 0 : i32
        %dma_start3A_148 = arith.constant 0 : i32
        %dma_start3A_149 = tpu.memref_slice %arg11[%dma_start3A_145, %dma_start3A_147, %dma_start3A_148] : memref<4x128x32xf32, #tpu.memory_space<vmem>> -> memref<1x128x32xf32, #tpu.memory_space<vmem>>
        %dma_start3A_150 = tpu.memref_squeeze %dma_start3A_149 : memref<1x128x32xf32, #tpu.memory_space<vmem>> -> memref<128x32xf32, #tpu.memory_space<vmem>>
        %dma_start3A_151 = arith.constant 0 : i32
        %dma_start3A_152 = tpu.memref_slice %arg10[%dma_start3A_146, %dma_start3A_151] : memref<4x128xi32, #tpu.memory_space<vmem>> -> memref<1x128xi32, #tpu.memory_space<vmem>>
        %dma_start3A_153 = tpu.memref_squeeze %dma_start3A_152 : memref<1x128xi32, #tpu.memory_space<vmem>> -> memref<128xi32, #tpu.memory_space<vmem>>
        %dma_start3A_154 = arith.constant 0 : i32
        %dma_start3A_155 = arith.constant 0 : i32
        %dma_start3A_156 = tpu.memref_slice %arg8[%dma_start3A_154, %dma_start3A_155] : memref<50008x32xf32, #tpu.memory_space<vmem_shared>> -> memref<50008x32xf32, #tpu.memory_space<vmem_shared>>
        tpu.enqueue_indirect_dma source(%dma_start3A_150 : memref<128x32xf32, #tpu.memory_space<vmem>>) target(%dma_start3A_156 : memref<50008x32xf32, #tpu.memory_space<vmem_shared>>) offsets(%dma_start3A_153 : memref<128xi32, #tpu.memory_space<vmem>>) semaphore(%arg13 : memref<!tpu.dma_semaphore, #tpu.memory_space<semaphore_mem>>) {add = true}
        %dma_start3A_157 = arith.constant 2 : i32
        %dma_start3A_158 = arith.constant 2 : i32
        %dma_start3A_159 = arith.constant 0 : i32
        %dma_start3A_160 = arith.constant 0 : i32
        %dma_start3A_161 = tpu.memref_slice %arg11[%dma_start3A_157, %dma_start3A_159, %dma_start3A_160] : memref<4x128x32xf32, #tpu.memory_space<vmem>> -> memref<1x128x32xf32, #tpu.memory_space<vmem>>
        %dma_start3A_162 = tpu.memref_squeeze %dma_start3A_161 : memref<1x128x32xf32, #tpu.memory_space<vmem>> -> memref<128x32xf32, #tpu.memory_space<vmem>>
        %dma_start3A_163 = arith.constant 0 : i32
        %dma_start3A_164 = tpu.memref_slice %arg10[%dma_start3A_158, %dma_start3A_163] : memref<4x128xi32, #tpu.memory_space<vmem>> -> memref<1x128xi32, #tpu.memory_space<vmem>>
        %dma_start3A_165 = tpu.memref_squeeze %dma_start3A_164 : memref<1x128xi32, #tpu.memory_space<vmem>> -> memref<128xi32, #tpu.memory_space<vmem>>
        %dma_start3A_166 = arith.constant 0 : i32
        %dma_start3A_167 = arith.constant 0 : i32
        %dma_start3A_168 = tpu.memref_slice %arg8[%dma_start3A_166, %dma_start3A_167] : memref<50008x32xf32, #tpu.memory_space<vmem_shared>> -> memref<50008x32xf32, #tpu.memory_space<vmem_shared>>
        tpu.enqueue_indirect_dma source(%dma_start3A_162 : memref<128x32xf32, #tpu.memory_space<vmem>>) target(%dma_start3A_168 : memref<50008x32xf32, #tpu.memory_space<vmem_shared>>) offsets(%dma_start3A_165 : memref<128xi32, #tpu.memory_space<vmem>>) semaphore(%arg13 : memref<!tpu.dma_semaphore, #tpu.memory_space<semaphore_mem>>) {add = true}
        %dma_start3A_169 = arith.constant 3 : i32
        %dma_start3A_170 = arith.constant 3 : i32
        %dma_start3A_171 = arith.constant 0 : i32
        %dma_start3A_172 = arith.constant 0 : i32
        %dma_start3A_173 = tpu.memref_slice %arg11[%dma_start3A_169, %dma_start3A_171, %dma_start3A_172] : memref<4x128x32xf32, #tpu.memory_space<vmem>> -> memref<1x128x32xf32, #tpu.memory_space<vmem>>
        %dma_start3A_174 = tpu.memref_squeeze %dma_start3A_173 : memref<1x128x32xf32, #tpu.memory_space<vmem>> -> memref<128x32xf32, #tpu.memory_space<vmem>>
        %dma_start3A_175 = arith.constant 0 : i32
        %dma_start3A_176 = tpu.memref_slice %arg10[%dma_start3A_170, %dma_start3A_175] : memref<4x128xi32, #tpu.memory_space<vmem>> -> memref<1x128xi32, #tpu.memory_space<vmem>>
        %dma_start3A_177 = tpu.memref_squeeze %dma_start3A_176 : memref<1x128xi32, #tpu.memory_space<vmem>> -> memref<128xi32, #tpu.memory_space<vmem>>
        %dma_start3A_178 = arith.constant 0 : i32
        %dma_start3A_179 = arith.constant 0 : i32
        %dma_start3A_180 = tpu.memref_slice %arg8[%dma_start3A_178, %dma_start3A_179] : memref<50008x32xf32, #tpu.memory_space<vmem_shared>> -> memref<50008x32xf32, #tpu.memory_space<vmem_shared>>
        tpu.enqueue_indirect_dma source(%dma_start3A_174 : memref<128x32xf32, #tpu.memory_space<vmem>>) target(%dma_start3A_180 : memref<50008x32xf32, #tpu.memory_space<vmem_shared>>) offsets(%dma_start3A_177 : memref<128xi32, #tpu.memory_space<vmem>>) semaphore(%arg13 : memref<!tpu.dma_semaphore, #tpu.memory_space<semaphore_mem>>) {add = true}
        %dma_wait3A_181 = arith.constant 0 : i32
        %dma_wait3A_182 = arith.constant 0 : i32
        %dma_wait3A_183 = arith.constant 0 : i32
        %dma_wait3A_184 = arith.constant 0 : i32
        %dma_wait3A_185 = tpu.memref_slice %arg11[%dma_wait3A_181, %dma_wait3A_183, %dma_wait3A_184] : memref<4x128x32xf32, #tpu.memory_space<vmem>> -> memref<1x128x32xf32, #tpu.memory_space<vmem>>
        %dma_wait3A_186 = tpu.memref_squeeze %dma_wait3A_185 : memref<1x128x32xf32, #tpu.memory_space<vmem>> -> memref<128x32xf32, #tpu.memory_space<vmem>>
        %dma_wait3A_187 = arith.constant 0 : i32
        %dma_wait3A_188 = tpu.memref_slice %arg10[%dma_wait3A_182, %dma_wait3A_187] : memref<4x128xi32, #tpu.memory_space<vmem>> -> memref<1x128xi32, #tpu.memory_space<vmem>>
        %dma_wait3A_189 = tpu.memref_squeeze %dma_wait3A_188 : memref<1x128xi32, #tpu.memory_space<vmem>> -> memref<128xi32, #tpu.memory_space<vmem>>
        %dma_wait3A_190 = arith.constant 0 : i32
        %dma_wait3A_191 = arith.constant 0 : i32
        %dma_wait3A_192 = tpu.memref_slice %arg8[%dma_wait3A_190, %dma_wait3A_191] : memref<50008x32xf32, #tpu.memory_space<vmem_shared>> -> memref<50008x32xf32, #tpu.memory_space<vmem_shared>>
        tpu.wait_indirect_dma semaphore(%arg13 : memref<!tpu.dma_semaphore, #tpu.memory_space<semaphore_mem>>) src(%dma_wait3A_186 : memref<128x32xf32, #tpu.memory_space<vmem>>) dst(%dma_wait3A_192 : memref<50008x32xf32, #tpu.memory_space<vmem_shared>>)
        %dma_wait3A_193 = arith.constant 1 : i32
        %dma_wait3A_194 = arith.constant 1 : i32
        %dma_wait3A_195 = arith.constant 0 : i32
        %dma_wait3A_196 = arith.constant 0 : i32
        %dma_wait3A_197 = tpu.memref_slice %arg11[%dma_wait3A_193, %dma_wait3A_195, %dma_wait3A_196] : memref<4x128x32xf32, #tpu.memory_space<vmem>> -> memref<1x128x32xf32, #tpu.memory_space<vmem>>
        %dma_wait3A_198 = tpu.memref_squeeze %dma_wait3A_197 : memref<1x128x32xf32, #tpu.memory_space<vmem>> -> memref<128x32xf32, #tpu.memory_space<vmem>>
        %dma_wait3A_199 = arith.constant 0 : i32
        %dma_wait3A_200 = tpu.memref_slice %arg10[%dma_wait3A_194, %dma_wait3A_199] : memref<4x128xi32, #tpu.memory_space<vmem>> -> memref<1x128xi32, #tpu.memory_space<vmem>>
        %dma_wait3A_201 = tpu.memref_squeeze %dma_wait3A_200 : memref<1x128xi32, #tpu.memory_space<vmem>> -> memref<128xi32, #tpu.memory_space<vmem>>
        %dma_wait3A_202 = arith.constant 0 : i32
        %dma_wait3A_203 = arith.constant 0 : i32
        %dma_wait3A_204 = tpu.memref_slice %arg8[%dma_wait3A_202, %dma_wait3A_203] : memref<50008x32xf32, #tpu.memory_space<vmem_shared>> -> memref<50008x32xf32, #tpu.memory_space<vmem_shared>>
        tpu.wait_indirect_dma semaphore(%arg13 : memref<!tpu.dma_semaphore, #tpu.memory_space<semaphore_mem>>) src(%dma_wait3A_198 : memref<128x32xf32, #tpu.memory_space<vmem>>) dst(%dma_wait3A_204 : memref<50008x32xf32, #tpu.memory_space<vmem_shared>>)
        %dma_wait3A_205 = arith.constant 2 : i32
        %dma_wait3A_206 = arith.constant 2 : i32
        %dma_wait3A_207 = arith.constant 0 : i32
        %dma_wait3A_208 = arith.constant 0 : i32
        %dma_wait3A_209 = tpu.memref_slice %arg11[%dma_wait3A_205, %dma_wait3A_207, %dma_wait3A_208] : memref<4x128x32xf32, #tpu.memory_space<vmem>> -> memref<1x128x32xf32, #tpu.memory_space<vmem>>
        %dma_wait3A_210 = tpu.memref_squeeze %dma_wait3A_209 : memref<1x128x32xf32, #tpu.memory_space<vmem>> -> memref<128x32xf32, #tpu.memory_space<vmem>>
        %dma_wait3A_211 = arith.constant 0 : i32
        %dma_wait3A_212 = tpu.memref_slice %arg10[%dma_wait3A_206, %dma_wait3A_211] : memref<4x128xi32, #tpu.memory_space<vmem>> -> memref<1x128xi32, #tpu.memory_space<vmem>>
        %dma_wait3A_213 = tpu.memref_squeeze %dma_wait3A_212 : memref<1x128xi32, #tpu.memory_space<vmem>> -> memref<128xi32, #tpu.memory_space<vmem>>
        %dma_wait3A_214 = arith.constant 0 : i32
        %dma_wait3A_215 = arith.constant 0 : i32
        %dma_wait3A_216 = tpu.memref_slice %arg8[%dma_wait3A_214, %dma_wait3A_215] : memref<50008x32xf32, #tpu.memory_space<vmem_shared>> -> memref<50008x32xf32, #tpu.memory_space<vmem_shared>>
        tpu.wait_indirect_dma semaphore(%arg13 : memref<!tpu.dma_semaphore, #tpu.memory_space<semaphore_mem>>) src(%dma_wait3A_210 : memref<128x32xf32, #tpu.memory_space<vmem>>) dst(%dma_wait3A_216 : memref<50008x32xf32, #tpu.memory_space<vmem_shared>>)
        %dma_wait3A_217 = arith.constant 3 : i32
        %dma_wait3A_218 = arith.constant 3 : i32
        %dma_wait3A_219 = arith.constant 0 : i32
        %dma_wait3A_220 = arith.constant 0 : i32
        %dma_wait3A_221 = tpu.memref_slice %arg11[%dma_wait3A_217, %dma_wait3A_219, %dma_wait3A_220] : memref<4x128x32xf32, #tpu.memory_space<vmem>> -> memref<1x128x32xf32, #tpu.memory_space<vmem>>
        %dma_wait3A_222 = tpu.memref_squeeze %dma_wait3A_221 : memref<1x128x32xf32, #tpu.memory_space<vmem>> -> memref<128x32xf32, #tpu.memory_space<vmem>>
        %dma_wait3A_223 = arith.constant 0 : i32
        %dma_wait3A_224 = tpu.memref_slice %arg10[%dma_wait3A_218, %dma_wait3A_223] : memref<4x128xi32, #tpu.memory_space<vmem>> -> memref<1x128xi32, #tpu.memory_space<vmem>>
        %dma_wait3A_225 = tpu.memref_squeeze %dma_wait3A_224 : memref<1x128xi32, #tpu.memory_space<vmem>> -> memref<128xi32, #tpu.memory_space<vmem>>
        %dma_wait3A_226 = arith.constant 0 : i32
        %dma_wait3A_227 = arith.constant 0 : i32
        %dma_wait3A_228 = tpu.memref_slice %arg8[%dma_wait3A_226, %dma_wait3A_227] : memref<50008x32xf32, #tpu.memory_space<vmem_shared>> -> memref<50008x32xf32, #tpu.memory_space<vmem_shared>>
        tpu.wait_indirect_dma semaphore(%arg13 : memref<!tpu.dma_semaphore, #tpu.memory_space<semaphore_mem>>) src(%dma_wait3A_222 : memref<128x32xf32, #tpu.memory_space<vmem>>) dst(%dma_wait3A_228 : memref<50008x32xf32, #tpu.memory_space<vmem_shared>>)
      }
      %scan3A_35 = arith.constant 98 : i32
    } else {
    }
    %barrier3A_20 = arith.constant 0 : index
    tpu.barrier barrier_id(%barrier3A_20)
    %eq3A_21 = arith.constant 0 : i32
    %eq3A_22 = arith.cmpi eq, %arg0, %eq3A_21 : i32
    %convert_element_type3A_23 = arith.extui %eq3A_22 : i1 to i32
    %cond3A_24 = arith.constant 0 : i32
    %cond3A_25 = arith.cmpi ne, %convert_element_type3A_23, %cond3A_24 : i32
    scf.if %cond3A_25 {
      "tpu.region"() ({
        %run_scoped3A = tpu.sem_alloc : memref<!tpu.dma_semaphore, #tpu.memory_space<semaphore_mem>>
        %dma_start3A = arith.constant 0 : i32
        %dma_start3A_31 = tpu.memref_slice %arg6[%mul3A_0, %dma_start3A] : memref<50000x32xf32, #tpu.memory_space<hbm>> -> memref<3125x32xf32, #tpu.memory_space<hbm>>
        %dma_start3A_32 = arith.constant 0 : i32
        %dma_start3A_33 = tpu.memref_slice %arg8[%mul3A_0, %dma_start3A_32] : memref<50008x32xf32, #tpu.memory_space<vmem_shared>> -> memref<3125x32xf32, #tpu.memory_space<vmem_shared>>
        tpu.enqueue_dma source(%dma_start3A_33 : memref<3125x32xf32, #tpu.memory_space<vmem_shared>>) target(%dma_start3A_31 : memref<3125x32xf32, #tpu.memory_space<hbm>>) target_semaphore(%run_scoped3A : memref<!tpu.dma_semaphore, #tpu.memory_space<semaphore_mem>>)
        %dma_wait3A = arith.constant 0 : i32
        %dma_wait3A_34 = tpu.memref_slice %arg6[%mul3A_0, %dma_wait3A] : memref<50000x32xf32, #tpu.memory_space<hbm>> -> memref<3125x32xf32, #tpu.memory_space<hbm>>
        %dma_wait3A_35 = arith.constant 0 : i32
        %dma_wait3A_36 = tpu.memref_slice %arg8[%mul3A_0, %dma_wait3A_35] : memref<50008x32xf32, #tpu.memory_space<vmem_shared>> -> memref<3125x32xf32, #tpu.memory_space<vmem_shared>>
        tpu.wait_dma2 semaphore(%run_scoped3A : memref<!tpu.dma_semaphore, #tpu.memory_space<semaphore_mem>>) src(%dma_wait3A_36 : memref<3125x32xf32, #tpu.memory_space<vmem_shared>>) dst(%dma_wait3A_34 : memref<3125x32xf32, #tpu.memory_space<hbm>>)
        tpu.yield
      }) : () -> ()
    } else {
    }
    %eq3A_26 = arith.constant 1 : i32
    %eq3A_27 = arith.cmpi eq, %arg0, %eq3A_26 : i32
    %convert_element_type3A_28 = arith.extui %eq3A_27 : i1 to i32
    %cond3A_29 = arith.constant 0 : i32
    %cond3A_30 = arith.cmpi ne, %convert_element_type3A_28, %cond3A_29 : i32
    scf.if %cond3A_30 {
      "tpu.region"() ({
        %run_scoped3A = tpu.sem_alloc : memref<!tpu.dma_semaphore, #tpu.memory_space<semaphore_mem>>
        %dma_start3A = arith.constant 0 : i32
        %dma_start3A_31 = tpu.memref_slice %arg7[%mul3A_0, %dma_start3A] : memref<50000x32xf32, #tpu.memory_space<hbm>> -> memref<3125x32xf32, #tpu.memory_space<hbm>>
        %dma_start3A_32 = arith.constant 0 : i32
        %dma_start3A_33 = tpu.memref_slice %arg8[%mul3A_0, %dma_start3A_32] : memref<50008x32xf32, #tpu.memory_space<vmem_shared>> -> memref<3125x32xf32, #tpu.memory_space<vmem_shared>>
        tpu.enqueue_dma source(%dma_start3A_33 : memref<3125x32xf32, #tpu.memory_space<vmem_shared>>) target(%dma_start3A_31 : memref<3125x32xf32, #tpu.memory_space<hbm>>) target_semaphore(%run_scoped3A : memref<!tpu.dma_semaphore, #tpu.memory_space<semaphore_mem>>)
        %dma_wait3A = arith.constant 0 : i32
        %dma_wait3A_34 = tpu.memref_slice %arg7[%mul3A_0, %dma_wait3A] : memref<50000x32xf32, #tpu.memory_space<hbm>> -> memref<3125x32xf32, #tpu.memory_space<hbm>>
        %dma_wait3A_35 = arith.constant 0 : i32
        %dma_wait3A_36 = tpu.memref_slice %arg8[%mul3A_0, %dma_wait3A_35] : memref<50008x32xf32, #tpu.memory_space<vmem_shared>> -> memref<3125x32xf32, #tpu.memory_space<vmem_shared>>
        tpu.wait_dma2 semaphore(%run_scoped3A : memref<!tpu.dma_semaphore, #tpu.memory_space<semaphore_mem>>) src(%dma_wait3A_36 : memref<3125x32xf32, #tpu.memory_space<vmem_shared>>) dst(%dma_wait3A_34 : memref<3125x32xf32, #tpu.memory_space<hbm>>)
        tpu.yield
      }) : () -> ()
    } else {
    }
    return
  }
}

#map = affine_map<(d0, d1) -> (0, 0)>
module attributes {stable_mosaic.version = 14 : i64} {
  func.func @_agg64_body(%arg0: i32, %arg1: i32, %arg2: memref<50000x32xf32, #tpu.memory_space<hbm>>, %arg3: memref<50000x32xf32, #tpu.memory_space<hbm>>, %arg4: memref<6272x128xi32, #tpu.memory_space<hbm>>, %arg5: memref<6272x128xi32, #tpu.memory_space<hbm>>, %arg6: memref<50000x32xf32, #tpu.memory_space<hbm>>, %arg7: memref<50000x32xf32, #tpu.memory_space<hbm>>, %arg8: memref<50008x32xf32, #tpu.memory_space<vmem_shared>>, %arg9: memref<4x128xi32, #tpu.memory_space<vmem>>, %arg10: memref<4x128xi32, #tpu.memory_space<vmem>>, %arg11: memref<4x128x32xf32, #tpu.memory_space<vmem>>, %arg12: memref<!tpu.dma_semaphore, #tpu.memory_space<semaphore_mem>>, %arg13: memref<!tpu.dma_semaphore, #tpu.memory_space<semaphore_mem>>) attributes {dimension_semantics = [#tpu.dimension_semantics<core_parallel>, #tpu.dimension_semantics<subcore_parallel>], iteration_bounds = array<i64: 2, 16>, scalar_prefetch = 0 : i64, scratch_operands = 6 : i64, tpu.core_type = #tpu.core_type<sc_vector_subcore>, window_params = [{transform_indices = #map}, {transform_indices = #map}, {transform_indices = #map}, {transform_indices = #map}, {transform_indices = #map}, {transform_indices = #map}]} {
    %mul3A = arith.constant 3125 : i32
    %mul3A_0 = arith.muli %arg1, %mul3A : i32
    %eq3A = arith.constant 0 : i32
    %eq3A_1 = arith.cmpi eq, %arg0, %eq3A : i32
    %convert_element_type3A = arith.extui %eq3A_1 : i1 to i32
    %cond3A = arith.constant 0 : i32
    %cond3A_2 = arith.cmpi ne, %convert_element_type3A, %cond3A : i32
    scf.if %cond3A_2 {
      "tpu.region"() ({
        %run_scoped3A = tpu.sem_alloc : memref<!tpu.dma_semaphore, #tpu.memory_space<semaphore_mem>>
        %dma_start3A = arith.constant 0 : i32
        %dma_start3A_31 = tpu.memref_slice %arg8[%mul3A_0, %dma_start3A] : memref<50008x32xf32, #tpu.memory_space<vmem_shared>> -> memref<3125x32xf32, #tpu.memory_space<vmem_shared>>
        %dma_start3A_32 = arith.constant 0 : i32
        %dma_start3A_33 = tpu.memref_slice %arg2[%mul3A_0, %dma_start3A_32] : memref<50000x32xf32, #tpu.memory_space<hbm>> -> memref<3125x32xf32, #tpu.memory_space<hbm>>
        tpu.enqueue_dma source(%dma_start3A_33 : memref<3125x32xf32, #tpu.memory_space<hbm>>) target(%dma_start3A_31 : memref<3125x32xf32, #tpu.memory_space<vmem_shared>>) target_semaphore(%run_scoped3A : memref<!tpu.dma_semaphore, #tpu.memory_space<semaphore_mem>>)
        %dma_wait3A = arith.constant 0 : i32
        %dma_wait3A_34 = tpu.memref_slice %arg8[%mul3A_0, %dma_wait3A] : memref<50008x32xf32, #tpu.memory_space<vmem_shared>> -> memref<3125x32xf32, #tpu.memory_space<vmem_shared>>
        %dma_wait3A_35 = arith.constant 0 : i32
        %dma_wait3A_36 = tpu.memref_slice %arg2[%mul3A_0, %dma_wait3A_35] : memref<50000x32xf32, #tpu.memory_space<hbm>> -> memref<3125x32xf32, #tpu.memory_space<hbm>>
        tpu.wait_dma2 semaphore(%run_scoped3A : memref<!tpu.dma_semaphore, #tpu.memory_space<semaphore_mem>>) src(%dma_wait3A_36 : memref<3125x32xf32, #tpu.memory_space<hbm>>) dst(%dma_wait3A_34 : memref<3125x32xf32, #tpu.memory_space<vmem_shared>>)
        tpu.yield
      }) : () -> ()
    } else {
    }
    %eq3A_3 = arith.constant 1 : i32
    %eq3A_4 = arith.cmpi eq, %arg0, %eq3A_3 : i32
    %convert_element_type3A_5 = arith.extui %eq3A_4 : i1 to i32
    %cond3A_6 = arith.constant 0 : i32
    %cond3A_7 = arith.cmpi ne, %convert_element_type3A_5, %cond3A_6 : i32
    scf.if %cond3A_7 {
      "tpu.region"() ({
        %run_scoped3A = tpu.sem_alloc : memref<!tpu.dma_semaphore, #tpu.memory_space<semaphore_mem>>
        %dma_start3A = arith.constant 0 : i32
        %dma_start3A_31 = tpu.memref_slice %arg8[%mul3A_0, %dma_start3A] : memref<50008x32xf32, #tpu.memory_space<vmem_shared>> -> memref<3125x32xf32, #tpu.memory_space<vmem_shared>>
        %dma_start3A_32 = arith.constant 0 : i32
        %dma_start3A_33 = tpu.memref_slice %arg3[%mul3A_0, %dma_start3A_32] : memref<50000x32xf32, #tpu.memory_space<hbm>> -> memref<3125x32xf32, #tpu.memory_space<hbm>>
        tpu.enqueue_dma source(%dma_start3A_33 : memref<3125x32xf32, #tpu.memory_space<hbm>>) target(%dma_start3A_31 : memref<3125x32xf32, #tpu.memory_space<vmem_shared>>) target_semaphore(%run_scoped3A : memref<!tpu.dma_semaphore, #tpu.memory_space<semaphore_mem>>)
        %dma_wait3A = arith.constant 0 : i32
        %dma_wait3A_34 = tpu.memref_slice %arg8[%mul3A_0, %dma_wait3A] : memref<50008x32xf32, #tpu.memory_space<vmem_shared>> -> memref<3125x32xf32, #tpu.memory_space<vmem_shared>>
        %dma_wait3A_35 = arith.constant 0 : i32
        %dma_wait3A_36 = tpu.memref_slice %arg3[%mul3A_0, %dma_wait3A_35] : memref<50000x32xf32, #tpu.memory_space<hbm>> -> memref<3125x32xf32, #tpu.memory_space<hbm>>
        tpu.wait_dma2 semaphore(%run_scoped3A : memref<!tpu.dma_semaphore, #tpu.memory_space<semaphore_mem>>) src(%dma_wait3A_36 : memref<3125x32xf32, #tpu.memory_space<hbm>>) dst(%dma_wait3A_34 : memref<3125x32xf32, #tpu.memory_space<vmem_shared>>)
        tpu.yield
      }) : () -> ()
    } else {
    }
    %barrier3A = arith.constant 0 : index
    tpu.barrier barrier_id(%barrier3A)
    %mul3A_8 = arith.constant 392 : i32
    %mul3A_9 = arith.muli %arg1, %mul3A_8 : i32
    %eq3A_10 = arith.constant 0 : i32
    %eq3A_11 = arith.cmpi eq, %arg0, %eq3A_10 : i32
    %convert_element_type3A_12 = arith.extui %eq3A_11 : i1 to i32
    %cond3A_13 = arith.constant 0 : i32
    %cond3A_14 = arith.cmpi ne, %convert_element_type3A_12, %cond3A_13 : i32
    scf.if %cond3A_14 {
      %scan3A = arith.constant 0 : i32
      %scan3A_31 = arith.constant 0 : i32
      %scan3A_32 = arith.constant 98 : i32
      %scan3A_33 = arith.addi %scan3A_31, %scan3A_32 : i32
      %scan3A_34 = arith.constant 1 : i32
      scf.for %scan3A_36 = %scan3A_31 to %scan3A_33 step %scan3A_34  : i32 {
        %mul3A_37 = arith.constant 4 : i32
        %mul3A_38 = arith.muli %scan3A_36, %mul3A_37 : i32
        %add3A = arith.addi %mul3A_9, %mul3A_38 : i32
        "tpu.region"() ({
          %run_scoped3A = tpu.sem_alloc : memref<!tpu.dma_semaphore, #tpu.memory_space<semaphore_mem>>
          %dma_start3A_229 = arith.constant 0 : i32
          %dma_start3A_230 = tpu.memref_slice %arg4[%add3A, %dma_start3A_229] : memref<6272x128xi32, #tpu.memory_space<hbm>> -> memref<4x128xi32, #tpu.memory_space<hbm>>
          %dma_start3A_231 = arith.constant 0 : i32
          %dma_start3A_232 = tpu.memref_slice %arg4[%add3A, %dma_start3A_231] : memref<6272x128xi32, #tpu.memory_space<hbm>> -> memref<4x128xi32, #tpu.memory_space<hbm>>
          tpu.enqueue_dma source(%dma_start3A_232 : memref<4x128xi32, #tpu.memory_space<hbm>>) target(%arg9 : memref<4x128xi32, #tpu.memory_space<vmem>>) target_semaphore(%run_scoped3A : memref<!tpu.dma_semaphore, #tpu.memory_space<semaphore_mem>>)
          %dma_wait3A_233 = arith.constant 0 : i32
          %dma_wait3A_234 = tpu.memref_slice %arg4[%add3A, %dma_wait3A_233] : memref<6272x128xi32, #tpu.memory_space<hbm>> -> memref<4x128xi32, #tpu.memory_space<hbm>>
          %dma_wait3A_235 = arith.constant 0 : i32
          %dma_wait3A_236 = tpu.memref_slice %arg4[%add3A, %dma_wait3A_235] : memref<6272x128xi32, #tpu.memory_space<hbm>> -> memref<4x128xi32, #tpu.memory_space<hbm>>
          tpu.wait_dma2 semaphore(%run_scoped3A : memref<!tpu.dma_semaphore, #tpu.memory_space<semaphore_mem>>) src(%dma_wait3A_236 : memref<4x128xi32, #tpu.memory_space<hbm>>) dst(%arg9 : memref<4x128xi32, #tpu.memory_space<vmem>>)
          tpu.yield
        }) : () -> ()
        "tpu.region"() ({
          %run_scoped3A = tpu.sem_alloc : memref<!tpu.dma_semaphore, #tpu.memory_space<semaphore_mem>>
          %dma_start3A_229 = arith.constant 0 : i32
          %dma_start3A_230 = tpu.memref_slice %arg5[%add3A, %dma_start3A_229] : memref<6272x128xi32, #tpu.memory_space<hbm>> -> memref<4x128xi32, #tpu.memory_space<hbm>>
          %dma_start3A_231 = arith.constant 0 : i32
          %dma_start3A_232 = tpu.memref_slice %arg5[%add3A, %dma_start3A_231] : memref<6272x128xi32, #tpu.memory_space<hbm>> -> memref<4x128xi32, #tpu.memory_space<hbm>>
          tpu.enqueue_dma source(%dma_start3A_232 : memref<4x128xi32, #tpu.memory_space<hbm>>) target(%arg10 : memref<4x128xi32, #tpu.memory_space<vmem>>) target_semaphore(%run_scoped3A : memref<!tpu.dma_semaphore, #tpu.memory_space<semaphore_mem>>)
          %dma_wait3A_233 = arith.constant 0 : i32
          %dma_wait3A_234 = tpu.memref_slice %arg5[%add3A, %dma_wait3A_233] : memref<6272x128xi32, #tpu.memory_space<hbm>> -> memref<4x128xi32, #tpu.memory_space<hbm>>
          %dma_wait3A_235 = arith.constant 0 : i32
          %dma_wait3A_236 = tpu.memref_slice %arg5[%add3A, %dma_wait3A_235] : memref<6272x128xi32, #tpu.memory_space<hbm>> -> memref<4x128xi32, #tpu.memory_space<hbm>>
          tpu.wait_dma2 semaphore(%run_scoped3A : memref<!tpu.dma_semaphore, #tpu.memory_space<semaphore_mem>>) src(%dma_wait3A_236 : memref<4x128xi32, #tpu.memory_space<hbm>>) dst(%arg10 : memref<4x128xi32, #tpu.memory_space<vmem>>)
          tpu.yield
        }) : () -> ()
        %dma_start3A = arith.constant 0 : i32
        %dma_start3A_39 = arith.constant 0 : i32
        %dma_start3A_40 = arith.constant 0 : i32
        %dma_start3A_41 = arith.constant 0 : i32
        %dma_start3A_42 = tpu.memref_slice %arg11[%dma_start3A_39, %dma_start3A_40, %dma_start3A_41] : memref<4x128x32xf32, #tpu.memory_space<vmem>> -> memref<1x128x32xf32, #tpu.memory_space<vmem>>
        %dma_start3A_43 = tpu.memref_squeeze %dma_start3A_42 : memref<1x128x32xf32, #tpu.memory_space<vmem>> -> memref<128x32xf32, #tpu.memory_space<vmem>>
        %dma_start3A_44 = arith.constant 0 : i32
        %dma_start3A_45 = tpu.memref_slice %arg9[%dma_start3A, %dma_start3A_44] : memref<4x128xi32, #tpu.memory_space<vmem>> -> memref<1x128xi32, #tpu.memory_space<vmem>>
        %dma_start3A_46 = tpu.memref_squeeze %dma_start3A_45 : memref<1x128xi32, #tpu.memory_space<vmem>> -> memref<128xi32, #tpu.memory_space<vmem>>
        %dma_start3A_47 = arith.constant 0 : i32
        %dma_start3A_48 = arith.constant 0 : i32
        %dma_start3A_49 = tpu.memref_slice %arg2[%dma_start3A_47, %dma_start3A_48] : memref<50000x32xf32, #tpu.memory_space<hbm>> -> memref<50000x32xf32, #tpu.memory_space<hbm>>
        tpu.enqueue_indirect_dma source(%dma_start3A_49 : memref<50000x32xf32, #tpu.memory_space<hbm>>) target(%dma_start3A_43 : memref<128x32xf32, #tpu.memory_space<vmem>>) offsets(%dma_start3A_46 : memref<128xi32, #tpu.memory_space<vmem>>) semaphore(%arg12 : memref<!tpu.dma_semaphore, #tpu.memory_space<semaphore_mem>>)
        %dma_start3A_50 = arith.constant 1 : i32
        %dma_start3A_51 = arith.constant 1 : i32
        %dma_start3A_52 = arith.constant 0 : i32
        %dma_start3A_53 = arith.constant 0 : i32
        %dma_start3A_54 = tpu.memref_slice %arg11[%dma_start3A_51, %dma_start3A_52, %dma_start3A_53] : memref<4x128x32xf32, #tpu.memory_space<vmem>> -> memref<1x128x32xf32, #tpu.memory_space<vmem>>
        %dma_start3A_55 = tpu.memref_squeeze %dma_start3A_54 : memref<1x128x32xf32, #tpu.memory_space<vmem>> -> memref<128x32xf32, #tpu.memory_space<vmem>>
        %dma_start3A_56 = arith.constant 0 : i32
        %dma_start3A_57 = tpu.memref_slice %arg9[%dma_start3A_50, %dma_start3A_56] : memref<4x128xi32, #tpu.memory_space<vmem>> -> memref<1x128xi32, #tpu.memory_space<vmem>>
        %dma_start3A_58 = tpu.memref_squeeze %dma_start3A_57 : memref<1x128xi32, #tpu.memory_space<vmem>> -> memref<128xi32, #tpu.memory_space<vmem>>
        %dma_start3A_59 = arith.constant 0 : i32
        %dma_start3A_60 = arith.constant 0 : i32
        %dma_start3A_61 = tpu.memref_slice %arg2[%dma_start3A_59, %dma_start3A_60] : memref<50000x32xf32, #tpu.memory_space<hbm>> -> memref<50000x32xf32, #tpu.memory_space<hbm>>
        tpu.enqueue_indirect_dma source(%dma_start3A_61 : memref<50000x32xf32, #tpu.memory_space<hbm>>) target(%dma_start3A_55 : memref<128x32xf32, #tpu.memory_space<vmem>>) offsets(%dma_start3A_58 : memref<128xi32, #tpu.memory_space<vmem>>) semaphore(%arg12 : memref<!tpu.dma_semaphore, #tpu.memory_space<semaphore_mem>>)
        %dma_start3A_62 = arith.constant 2 : i32
        %dma_start3A_63 = arith.constant 2 : i32
        %dma_start3A_64 = arith.constant 0 : i32
        %dma_start3A_65 = arith.constant 0 : i32
        %dma_start3A_66 = tpu.memref_slice %arg11[%dma_start3A_63, %dma_start3A_64, %dma_start3A_65] : memref<4x128x32xf32, #tpu.memory_space<vmem>> -> memref<1x128x32xf32, #tpu.memory_space<vmem>>
        %dma_start3A_67 = tpu.memref_squeeze %dma_start3A_66 : memref<1x128x32xf32, #tpu.memory_space<vmem>> -> memref<128x32xf32, #tpu.memory_space<vmem>>
        %dma_start3A_68 = arith.constant 0 : i32
        %dma_start3A_69 = tpu.memref_slice %arg9[%dma_start3A_62, %dma_start3A_68] : memref<4x128xi32, #tpu.memory_space<vmem>> -> memref<1x128xi32, #tpu.memory_space<vmem>>
        %dma_start3A_70 = tpu.memref_squeeze %dma_start3A_69 : memref<1x128xi32, #tpu.memory_space<vmem>> -> memref<128xi32, #tpu.memory_space<vmem>>
        %dma_start3A_71 = arith.constant 0 : i32
        %dma_start3A_72 = arith.constant 0 : i32
        %dma_start3A_73 = tpu.memref_slice %arg2[%dma_start3A_71, %dma_start3A_72] : memref<50000x32xf32, #tpu.memory_space<hbm>> -> memref<50000x32xf32, #tpu.memory_space<hbm>>
        tpu.enqueue_indirect_dma source(%dma_start3A_73 : memref<50000x32xf32, #tpu.memory_space<hbm>>) target(%dma_start3A_67 : memref<128x32xf32, #tpu.memory_space<vmem>>) offsets(%dma_start3A_70 : memref<128xi32, #tpu.memory_space<vmem>>) semaphore(%arg12 : memref<!tpu.dma_semaphore, #tpu.memory_space<semaphore_mem>>)
        %dma_start3A_74 = arith.constant 3 : i32
        %dma_start3A_75 = arith.constant 3 : i32
        %dma_start3A_76 = arith.constant 0 : i32
        %dma_start3A_77 = arith.constant 0 : i32
        %dma_start3A_78 = tpu.memref_slice %arg11[%dma_start3A_75, %dma_start3A_76, %dma_start3A_77] : memref<4x128x32xf32, #tpu.memory_space<vmem>> -> memref<1x128x32xf32, #tpu.memory_space<vmem>>
        %dma_start3A_79 = tpu.memref_squeeze %dma_start3A_78 : memref<1x128x32xf32, #tpu.memory_space<vmem>> -> memref<128x32xf32, #tpu.memory_space<vmem>>
        %dma_start3A_80 = arith.constant 0 : i32
        %dma_start3A_81 = tpu.memref_slice %arg9[%dma_start3A_74, %dma_start3A_80] : memref<4x128xi32, #tpu.memory_space<vmem>> -> memref<1x128xi32, #tpu.memory_space<vmem>>
        %dma_start3A_82 = tpu.memref_squeeze %dma_start3A_81 : memref<1x128xi32, #tpu.memory_space<vmem>> -> memref<128xi32, #tpu.memory_space<vmem>>
        %dma_start3A_83 = arith.constant 0 : i32
        %dma_start3A_84 = arith.constant 0 : i32
        %dma_start3A_85 = tpu.memref_slice %arg2[%dma_start3A_83, %dma_start3A_84] : memref<50000x32xf32, #tpu.memory_space<hbm>> -> memref<50000x32xf32, #tpu.memory_space<hbm>>
        tpu.enqueue_indirect_dma source(%dma_start3A_85 : memref<50000x32xf32, #tpu.memory_space<hbm>>) target(%dma_start3A_79 : memref<128x32xf32, #tpu.memory_space<vmem>>) offsets(%dma_start3A_82 : memref<128xi32, #tpu.memory_space<vmem>>) semaphore(%arg12 : memref<!tpu.dma_semaphore, #tpu.memory_space<semaphore_mem>>)
        %dma_wait3A = arith.constant 0 : i32
        %dma_wait3A_86 = arith.constant 0 : i32
        %dma_wait3A_87 = arith.constant 0 : i32
        %dma_wait3A_88 = arith.constant 0 : i32
        %dma_wait3A_89 = tpu.memref_slice %arg11[%dma_wait3A_86, %dma_wait3A_87, %dma_wait3A_88] : memref<4x128x32xf32, #tpu.memory_space<vmem>> -> memref<1x128x32xf32, #tpu.memory_space<vmem>>
        %dma_wait3A_90 = tpu.memref_squeeze %dma_wait3A_89 : memref<1x128x32xf32, #tpu.memory_space<vmem>> -> memref<128x32xf32, #tpu.memory_space<vmem>>
        %dma_wait3A_91 = arith.constant 0 : i32
        %dma_wait3A_92 = tpu.memref_slice %arg9[%dma_wait3A, %dma_wait3A_91] : memref<4x128xi32, #tpu.memory_space<vmem>> -> memref<1x128xi32, #tpu.memory_space<vmem>>
        %dma_wait3A_93 = tpu.memref_squeeze %dma_wait3A_92 : memref<1x128xi32, #tpu.memory_space<vmem>> -> memref<128xi32, #tpu.memory_space<vmem>>
        %dma_wait3A_94 = arith.constant 0 : i32
        %dma_wait3A_95 = arith.constant 0 : i32
        %dma_wait3A_96 = tpu.memref_slice %arg2[%dma_wait3A_94, %dma_wait3A_95] : memref<50000x32xf32, #tpu.memory_space<hbm>> -> memref<50000x32xf32, #tpu.memory_space<hbm>>
        tpu.wait_indirect_dma semaphore(%arg12 : memref<!tpu.dma_semaphore, #tpu.memory_space<semaphore_mem>>) src(%dma_wait3A_96 : memref<50000x32xf32, #tpu.memory_space<hbm>>) dst(%dma_wait3A_90 : memref<128x32xf32, #tpu.memory_space<vmem>>)
        %dma_wait3A_97 = arith.constant 1 : i32
        %dma_wait3A_98 = arith.constant 1 : i32
        %dma_wait3A_99 = arith.constant 0 : i32
        %dma_wait3A_100 = arith.constant 0 : i32
        %dma_wait3A_101 = tpu.memref_slice %arg11[%dma_wait3A_98, %dma_wait3A_99, %dma_wait3A_100] : memref<4x128x32xf32, #tpu.memory_space<vmem>> -> memref<1x128x32xf32, #tpu.memory_space<vmem>>
        %dma_wait3A_102 = tpu.memref_squeeze %dma_wait3A_101 : memref<1x128x32xf32, #tpu.memory_space<vmem>> -> memref<128x32xf32, #tpu.memory_space<vmem>>
        %dma_wait3A_103 = arith.constant 0 : i32
        %dma_wait3A_104 = tpu.memref_slice %arg9[%dma_wait3A_97, %dma_wait3A_103] : memref<4x128xi32, #tpu.memory_space<vmem>> -> memref<1x128xi32, #tpu.memory_space<vmem>>
        %dma_wait3A_105 = tpu.memref_squeeze %dma_wait3A_104 : memref<1x128xi32, #tpu.memory_space<vmem>> -> memref<128xi32, #tpu.memory_space<vmem>>
        %dma_wait3A_106 = arith.constant 0 : i32
        %dma_wait3A_107 = arith.constant 0 : i32
        %dma_wait3A_108 = tpu.memref_slice %arg2[%dma_wait3A_106, %dma_wait3A_107] : memref<50000x32xf32, #tpu.memory_space<hbm>> -> memref<50000x32xf32, #tpu.memory_space<hbm>>
        tpu.wait_indirect_dma semaphore(%arg12 : memref<!tpu.dma_semaphore, #tpu.memory_space<semaphore_mem>>) src(%dma_wait3A_108 : memref<50000x32xf32, #tpu.memory_space<hbm>>) dst(%dma_wait3A_102 : memref<128x32xf32, #tpu.memory_space<vmem>>)
        %dma_wait3A_109 = arith.constant 2 : i32
        %dma_wait3A_110 = arith.constant 2 : i32
        %dma_wait3A_111 = arith.constant 0 : i32
        %dma_wait3A_112 = arith.constant 0 : i32
        %dma_wait3A_113 = tpu.memref_slice %arg11[%dma_wait3A_110, %dma_wait3A_111, %dma_wait3A_112] : memref<4x128x32xf32, #tpu.memory_space<vmem>> -> memref<1x128x32xf32, #tpu.memory_space<vmem>>
        %dma_wait3A_114 = tpu.memref_squeeze %dma_wait3A_113 : memref<1x128x32xf32, #tpu.memory_space<vmem>> -> memref<128x32xf32, #tpu.memory_space<vmem>>
        %dma_wait3A_115 = arith.constant 0 : i32
        %dma_wait3A_116 = tpu.memref_slice %arg9[%dma_wait3A_109, %dma_wait3A_115] : memref<4x128xi32, #tpu.memory_space<vmem>> -> memref<1x128xi32, #tpu.memory_space<vmem>>
        %dma_wait3A_117 = tpu.memref_squeeze %dma_wait3A_116 : memref<1x128xi32, #tpu.memory_space<vmem>> -> memref<128xi32, #tpu.memory_space<vmem>>
        %dma_wait3A_118 = arith.constant 0 : i32
        %dma_wait3A_119 = arith.constant 0 : i32
        %dma_wait3A_120 = tpu.memref_slice %arg2[%dma_wait3A_118, %dma_wait3A_119] : memref<50000x32xf32, #tpu.memory_space<hbm>> -> memref<50000x32xf32, #tpu.memory_space<hbm>>
        tpu.wait_indirect_dma semaphore(%arg12 : memref<!tpu.dma_semaphore, #tpu.memory_space<semaphore_mem>>) src(%dma_wait3A_120 : memref<50000x32xf32, #tpu.memory_space<hbm>>) dst(%dma_wait3A_114 : memref<128x32xf32, #tpu.memory_space<vmem>>)
        %dma_wait3A_121 = arith.constant 3 : i32
        %dma_wait3A_122 = arith.constant 3 : i32
        %dma_wait3A_123 = arith.constant 0 : i32
        %dma_wait3A_124 = arith.constant 0 : i32
        %dma_wait3A_125 = tpu.memref_slice %arg11[%dma_wait3A_122, %dma_wait3A_123, %dma_wait3A_124] : memref<4x128x32xf32, #tpu.memory_space<vmem>> -> memref<1x128x32xf32, #tpu.memory_space<vmem>>
        %dma_wait3A_126 = tpu.memref_squeeze %dma_wait3A_125 : memref<1x128x32xf32, #tpu.memory_space<vmem>> -> memref<128x32xf32, #tpu.memory_space<vmem>>
        %dma_wait3A_127 = arith.constant 0 : i32
        %dma_wait3A_128 = tpu.memref_slice %arg9[%dma_wait3A_121, %dma_wait3A_127] : memref<4x128xi32, #tpu.memory_space<vmem>> -> memref<1x128xi32, #tpu.memory_space<vmem>>
        %dma_wait3A_129 = tpu.memref_squeeze %dma_wait3A_128 : memref<1x128xi32, #tpu.memory_space<vmem>> -> memref<128xi32, #tpu.memory_space<vmem>>
        %dma_wait3A_130 = arith.constant 0 : i32
        %dma_wait3A_131 = arith.constant 0 : i32
        %dma_wait3A_132 = tpu.memref_slice %arg2[%dma_wait3A_130, %dma_wait3A_131] : memref<50000x32xf32, #tpu.memory_space<hbm>> -> memref<50000x32xf32, #tpu.memory_space<hbm>>
        tpu.wait_indirect_dma semaphore(%arg12 : memref<!tpu.dma_semaphore, #tpu.memory_space<semaphore_mem>>) src(%dma_wait3A_132 : memref<50000x32xf32, #tpu.memory_space<hbm>>) dst(%dma_wait3A_126 : memref<128x32xf32, #tpu.memory_space<vmem>>)
        %dma_start3A_133 = arith.constant 0 : i32
        %dma_start3A_134 = arith.constant 0 : i32
        %dma_start3A_135 = arith.constant 0 : i32
        %dma_start3A_136 = arith.constant 0 : i32
        %dma_start3A_137 = tpu.memref_slice %arg11[%dma_start3A_133, %dma_start3A_135, %dma_start3A_136] : memref<4x128x32xf32, #tpu.memory_space<vmem>> -> memref<1x128x32xf32, #tpu.memory_space<vmem>>
        %dma_start3A_138 = tpu.memref_squeeze %dma_start3A_137 : memref<1x128x32xf32, #tpu.memory_space<vmem>> -> memref<128x32xf32, #tpu.memory_space<vmem>>
        %dma_start3A_139 = arith.constant 0 : i32
        %dma_start3A_140 = tpu.memref_slice %arg10[%dma_start3A_134, %dma_start3A_139] : memref<4x128xi32, #tpu.memory_space<vmem>> -> memref<1x128xi32, #tpu.memory_space<vmem>>
        %dma_start3A_141 = tpu.memref_squeeze %dma_start3A_140 : memref<1x128xi32, #tpu.memory_space<vmem>> -> memref<128xi32, #tpu.memory_space<vmem>>
        %dma_start3A_142 = arith.constant 0 : i32
        %dma_start3A_143 = arith.constant 0 : i32
        %dma_start3A_144 = tpu.memref_slice %arg8[%dma_start3A_142, %dma_start3A_143] : memref<50008x32xf32, #tpu.memory_space<vmem_shared>> -> memref<50008x32xf32, #tpu.memory_space<vmem_shared>>
        tpu.enqueue_indirect_dma source(%dma_start3A_138 : memref<128x32xf32, #tpu.memory_space<vmem>>) target(%dma_start3A_144 : memref<50008x32xf32, #tpu.memory_space<vmem_shared>>) offsets(%dma_start3A_141 : memref<128xi32, #tpu.memory_space<vmem>>) semaphore(%arg13 : memref<!tpu.dma_semaphore, #tpu.memory_space<semaphore_mem>>) {add = true}
        %dma_start3A_145 = arith.constant 1 : i32
        %dma_start3A_146 = arith.constant 1 : i32
        %dma_start3A_147 = arith.constant 0 : i32
        %dma_start3A_148 = arith.constant 0 : i32
        %dma_start3A_149 = tpu.memref_slice %arg11[%dma_start3A_145, %dma_start3A_147, %dma_start3A_148] : memref<4x128x32xf32, #tpu.memory_space<vmem>> -> memref<1x128x32xf32, #tpu.memory_space<vmem>>
        %dma_start3A_150 = tpu.memref_squeeze %dma_start3A_149 : memref<1x128x32xf32, #tpu.memory_space<vmem>> -> memref<128x32xf32, #tpu.memory_space<vmem>>
        %dma_start3A_151 = arith.constant 0 : i32
        %dma_start3A_152 = tpu.memref_slice %arg10[%dma_start3A_146, %dma_start3A_151] : memref<4x128xi32, #tpu.memory_space<vmem>> -> memref<1x128xi32, #tpu.memory_space<vmem>>
        %dma_start3A_153 = tpu.memref_squeeze %dma_start3A_152 : memref<1x128xi32, #tpu.memory_space<vmem>> -> memref<128xi32, #tpu.memory_space<vmem>>
        %dma_start3A_154 = arith.constant 0 : i32
        %dma_start3A_155 = arith.constant 0 : i32
        %dma_start3A_156 = tpu.memref_slice %arg8[%dma_start3A_154, %dma_start3A_155] : memref<50008x32xf32, #tpu.memory_space<vmem_shared>> -> memref<50008x32xf32, #tpu.memory_space<vmem_shared>>
        tpu.enqueue_indirect_dma source(%dma_start3A_150 : memref<128x32xf32, #tpu.memory_space<vmem>>) target(%dma_start3A_156 : memref<50008x32xf32, #tpu.memory_space<vmem_shared>>) offsets(%dma_start3A_153 : memref<128xi32, #tpu.memory_space<vmem>>) semaphore(%arg13 : memref<!tpu.dma_semaphore, #tpu.memory_space<semaphore_mem>>) {add = true}
        %dma_start3A_157 = arith.constant 2 : i32
        %dma_start3A_158 = arith.constant 2 : i32
        %dma_start3A_159 = arith.constant 0 : i32
        %dma_start3A_160 = arith.constant 0 : i32
        %dma_start3A_161 = tpu.memref_slice %arg11[%dma_start3A_157, %dma_start3A_159, %dma_start3A_160] : memref<4x128x32xf32, #tpu.memory_space<vmem>> -> memref<1x128x32xf32, #tpu.memory_space<vmem>>
        %dma_start3A_162 = tpu.memref_squeeze %dma_start3A_161 : memref<1x128x32xf32, #tpu.memory_space<vmem>> -> memref<128x32xf32, #tpu.memory_space<vmem>>
        %dma_start3A_163 = arith.constant 0 : i32
        %dma_start3A_164 = tpu.memref_slice %arg10[%dma_start3A_158, %dma_start3A_163] : memref<4x128xi32, #tpu.memory_space<vmem>> -> memref<1x128xi32, #tpu.memory_space<vmem>>
        %dma_start3A_165 = tpu.memref_squeeze %dma_start3A_164 : memref<1x128xi32, #tpu.memory_space<vmem>> -> memref<128xi32, #tpu.memory_space<vmem>>
        %dma_start3A_166 = arith.constant 0 : i32
        %dma_start3A_167 = arith.constant 0 : i32
        %dma_start3A_168 = tpu.memref_slice %arg8[%dma_start3A_166, %dma_start3A_167] : memref<50008x32xf32, #tpu.memory_space<vmem_shared>> -> memref<50008x32xf32, #tpu.memory_space<vmem_shared>>
        tpu.enqueue_indirect_dma source(%dma_start3A_162 : memref<128x32xf32, #tpu.memory_space<vmem>>) target(%dma_start3A_168 : memref<50008x32xf32, #tpu.memory_space<vmem_shared>>) offsets(%dma_start3A_165 : memref<128xi32, #tpu.memory_space<vmem>>) semaphore(%arg13 : memref<!tpu.dma_semaphore, #tpu.memory_space<semaphore_mem>>) {add = true}
        %dma_start3A_169 = arith.constant 3 : i32
        %dma_start3A_170 = arith.constant 3 : i32
        %dma_start3A_171 = arith.constant 0 : i32
        %dma_start3A_172 = arith.constant 0 : i32
        %dma_start3A_173 = tpu.memref_slice %arg11[%dma_start3A_169, %dma_start3A_171, %dma_start3A_172] : memref<4x128x32xf32, #tpu.memory_space<vmem>> -> memref<1x128x32xf32, #tpu.memory_space<vmem>>
        %dma_start3A_174 = tpu.memref_squeeze %dma_start3A_173 : memref<1x128x32xf32, #tpu.memory_space<vmem>> -> memref<128x32xf32, #tpu.memory_space<vmem>>
        %dma_start3A_175 = arith.constant 0 : i32
        %dma_start3A_176 = tpu.memref_slice %arg10[%dma_start3A_170, %dma_start3A_175] : memref<4x128xi32, #tpu.memory_space<vmem>> -> memref<1x128xi32, #tpu.memory_space<vmem>>
        %dma_start3A_177 = tpu.memref_squeeze %dma_start3A_176 : memref<1x128xi32, #tpu.memory_space<vmem>> -> memref<128xi32, #tpu.memory_space<vmem>>
        %dma_start3A_178 = arith.constant 0 : i32
        %dma_start3A_179 = arith.constant 0 : i32
        %dma_start3A_180 = tpu.memref_slice %arg8[%dma_start3A_178, %dma_start3A_179] : memref<50008x32xf32, #tpu.memory_space<vmem_shared>> -> memref<50008x32xf32, #tpu.memory_space<vmem_shared>>
        tpu.enqueue_indirect_dma source(%dma_start3A_174 : memref<128x32xf32, #tpu.memory_space<vmem>>) target(%dma_start3A_180 : memref<50008x32xf32, #tpu.memory_space<vmem_shared>>) offsets(%dma_start3A_177 : memref<128xi32, #tpu.memory_space<vmem>>) semaphore(%arg13 : memref<!tpu.dma_semaphore, #tpu.memory_space<semaphore_mem>>) {add = true}
        %dma_wait3A_181 = arith.constant 0 : i32
        %dma_wait3A_182 = arith.constant 0 : i32
        %dma_wait3A_183 = arith.constant 0 : i32
        %dma_wait3A_184 = arith.constant 0 : i32
        %dma_wait3A_185 = tpu.memref_slice %arg11[%dma_wait3A_181, %dma_wait3A_183, %dma_wait3A_184] : memref<4x128x32xf32, #tpu.memory_space<vmem>> -> memref<1x128x32xf32, #tpu.memory_space<vmem>>
        %dma_wait3A_186 = tpu.memref_squeeze %dma_wait3A_185 : memref<1x128x32xf32, #tpu.memory_space<vmem>> -> memref<128x32xf32, #tpu.memory_space<vmem>>
        %dma_wait3A_187 = arith.constant 0 : i32
        %dma_wait3A_188 = tpu.memref_slice %arg10[%dma_wait3A_182, %dma_wait3A_187] : memref<4x128xi32, #tpu.memory_space<vmem>> -> memref<1x128xi32, #tpu.memory_space<vmem>>
        %dma_wait3A_189 = tpu.memref_squeeze %dma_wait3A_188 : memref<1x128xi32, #tpu.memory_space<vmem>> -> memref<128xi32, #tpu.memory_space<vmem>>
        %dma_wait3A_190 = arith.constant 0 : i32
        %dma_wait3A_191 = arith.constant 0 : i32
        %dma_wait3A_192 = tpu.memref_slice %arg8[%dma_wait3A_190, %dma_wait3A_191] : memref<50008x32xf32, #tpu.memory_space<vmem_shared>> -> memref<50008x32xf32, #tpu.memory_space<vmem_shared>>
        tpu.wait_indirect_dma semaphore(%arg13 : memref<!tpu.dma_semaphore, #tpu.memory_space<semaphore_mem>>) src(%dma_wait3A_186 : memref<128x32xf32, #tpu.memory_space<vmem>>) dst(%dma_wait3A_192 : memref<50008x32xf32, #tpu.memory_space<vmem_shared>>)
        %dma_wait3A_193 = arith.constant 1 : i32
        %dma_wait3A_194 = arith.constant 1 : i32
        %dma_wait3A_195 = arith.constant 0 : i32
        %dma_wait3A_196 = arith.constant 0 : i32
        %dma_wait3A_197 = tpu.memref_slice %arg11[%dma_wait3A_193, %dma_wait3A_195, %dma_wait3A_196] : memref<4x128x32xf32, #tpu.memory_space<vmem>> -> memref<1x128x32xf32, #tpu.memory_space<vmem>>
        %dma_wait3A_198 = tpu.memref_squeeze %dma_wait3A_197 : memref<1x128x32xf32, #tpu.memory_space<vmem>> -> memref<128x32xf32, #tpu.memory_space<vmem>>
        %dma_wait3A_199 = arith.constant 0 : i32
        %dma_wait3A_200 = tpu.memref_slice %arg10[%dma_wait3A_194, %dma_wait3A_199] : memref<4x128xi32, #tpu.memory_space<vmem>> -> memref<1x128xi32, #tpu.memory_space<vmem>>
        %dma_wait3A_201 = tpu.memref_squeeze %dma_wait3A_200 : memref<1x128xi32, #tpu.memory_space<vmem>> -> memref<128xi32, #tpu.memory_space<vmem>>
        %dma_wait3A_202 = arith.constant 0 : i32
        %dma_wait3A_203 = arith.constant 0 : i32
        %dma_wait3A_204 = tpu.memref_slice %arg8[%dma_wait3A_202, %dma_wait3A_203] : memref<50008x32xf32, #tpu.memory_space<vmem_shared>> -> memref<50008x32xf32, #tpu.memory_space<vmem_shared>>
        tpu.wait_indirect_dma semaphore(%arg13 : memref<!tpu.dma_semaphore, #tpu.memory_space<semaphore_mem>>) src(%dma_wait3A_198 : memref<128x32xf32, #tpu.memory_space<vmem>>) dst(%dma_wait3A_204 : memref<50008x32xf32, #tpu.memory_space<vmem_shared>>)
        %dma_wait3A_205 = arith.constant 2 : i32
        %dma_wait3A_206 = arith.constant 2 : i32
        %dma_wait3A_207 = arith.constant 0 : i32
        %dma_wait3A_208 = arith.constant 0 : i32
        %dma_wait3A_209 = tpu.memref_slice %arg11[%dma_wait3A_205, %dma_wait3A_207, %dma_wait3A_208] : memref<4x128x32xf32, #tpu.memory_space<vmem>> -> memref<1x128x32xf32, #tpu.memory_space<vmem>>
        %dma_wait3A_210 = tpu.memref_squeeze %dma_wait3A_209 : memref<1x128x32xf32, #tpu.memory_space<vmem>> -> memref<128x32xf32, #tpu.memory_space<vmem>>
        %dma_wait3A_211 = arith.constant 0 : i32
        %dma_wait3A_212 = tpu.memref_slice %arg10[%dma_wait3A_206, %dma_wait3A_211] : memref<4x128xi32, #tpu.memory_space<vmem>> -> memref<1x128xi32, #tpu.memory_space<vmem>>
        %dma_wait3A_213 = tpu.memref_squeeze %dma_wait3A_212 : memref<1x128xi32, #tpu.memory_space<vmem>> -> memref<128xi32, #tpu.memory_space<vmem>>
        %dma_wait3A_214 = arith.constant 0 : i32
        %dma_wait3A_215 = arith.constant 0 : i32
        %dma_wait3A_216 = tpu.memref_slice %arg8[%dma_wait3A_214, %dma_wait3A_215] : memref<50008x32xf32, #tpu.memory_space<vmem_shared>> -> memref<50008x32xf32, #tpu.memory_space<vmem_shared>>
        tpu.wait_indirect_dma semaphore(%arg13 : memref<!tpu.dma_semaphore, #tpu.memory_space<semaphore_mem>>) src(%dma_wait3A_210 : memref<128x32xf32, #tpu.memory_space<vmem>>) dst(%dma_wait3A_216 : memref<50008x32xf32, #tpu.memory_space<vmem_shared>>)
        %dma_wait3A_217 = arith.constant 3 : i32
        %dma_wait3A_218 = arith.constant 3 : i32
        %dma_wait3A_219 = arith.constant 0 : i32
        %dma_wait3A_220 = arith.constant 0 : i32
        %dma_wait3A_221 = tpu.memref_slice %arg11[%dma_wait3A_217, %dma_wait3A_219, %dma_wait3A_220] : memref<4x128x32xf32, #tpu.memory_space<vmem>> -> memref<1x128x32xf32, #tpu.memory_space<vmem>>
        %dma_wait3A_222 = tpu.memref_squeeze %dma_wait3A_221 : memref<1x128x32xf32, #tpu.memory_space<vmem>> -> memref<128x32xf32, #tpu.memory_space<vmem>>
        %dma_wait3A_223 = arith.constant 0 : i32
        %dma_wait3A_224 = tpu.memref_slice %arg10[%dma_wait3A_218, %dma_wait3A_223] : memref<4x128xi32, #tpu.memory_space<vmem>> -> memref<1x128xi32, #tpu.memory_space<vmem>>
        %dma_wait3A_225 = tpu.memref_squeeze %dma_wait3A_224 : memref<1x128xi32, #tpu.memory_space<vmem>> -> memref<128xi32, #tpu.memory_space<vmem>>
        %dma_wait3A_226 = arith.constant 0 : i32
        %dma_wait3A_227 = arith.constant 0 : i32
        %dma_wait3A_228 = tpu.memref_slice %arg8[%dma_wait3A_226, %dma_wait3A_227] : memref<50008x32xf32, #tpu.memory_space<vmem_shared>> -> memref<50008x32xf32, #tpu.memory_space<vmem_shared>>
        tpu.wait_indirect_dma semaphore(%arg13 : memref<!tpu.dma_semaphore, #tpu.memory_space<semaphore_mem>>) src(%dma_wait3A_222 : memref<128x32xf32, #tpu.memory_space<vmem>>) dst(%dma_wait3A_228 : memref<50008x32xf32, #tpu.memory_space<vmem_shared>>)
      }
      %scan3A_35 = arith.constant 98 : i32
    } else {
    }
    %eq3A_15 = arith.constant 1 : i32
    %eq3A_16 = arith.cmpi eq, %arg0, %eq3A_15 : i32
    %convert_element_type3A_17 = arith.extui %eq3A_16 : i1 to i32
    %cond3A_18 = arith.constant 0 : i32
    %cond3A_19 = arith.cmpi ne, %convert_element_type3A_17, %cond3A_18 : i32
    scf.if %cond3A_19 {
      %scan3A = arith.constant 0 : i32
      %scan3A_31 = arith.constant 0 : i32
      %scan3A_32 = arith.constant 98 : i32
      %scan3A_33 = arith.addi %scan3A_31, %scan3A_32 : i32
      %scan3A_34 = arith.constant 1 : i32
      scf.for %scan3A_36 = %scan3A_31 to %scan3A_33 step %scan3A_34  : i32 {
        %mul3A_37 = arith.constant 4 : i32
        %mul3A_38 = arith.muli %scan3A_36, %mul3A_37 : i32
        %add3A = arith.addi %mul3A_9, %mul3A_38 : i32
        "tpu.region"() ({
          %run_scoped3A = tpu.sem_alloc : memref<!tpu.dma_semaphore, #tpu.memory_space<semaphore_mem>>
          %dma_start3A_229 = arith.constant 0 : i32
          %dma_start3A_230 = tpu.memref_slice %arg4[%add3A, %dma_start3A_229] : memref<6272x128xi32, #tpu.memory_space<hbm>> -> memref<4x128xi32, #tpu.memory_space<hbm>>
          %dma_start3A_231 = arith.constant 0 : i32
          %dma_start3A_232 = tpu.memref_slice %arg4[%add3A, %dma_start3A_231] : memref<6272x128xi32, #tpu.memory_space<hbm>> -> memref<4x128xi32, #tpu.memory_space<hbm>>
          tpu.enqueue_dma source(%dma_start3A_232 : memref<4x128xi32, #tpu.memory_space<hbm>>) target(%arg9 : memref<4x128xi32, #tpu.memory_space<vmem>>) target_semaphore(%run_scoped3A : memref<!tpu.dma_semaphore, #tpu.memory_space<semaphore_mem>>)
          %dma_wait3A_233 = arith.constant 0 : i32
          %dma_wait3A_234 = tpu.memref_slice %arg4[%add3A, %dma_wait3A_233] : memref<6272x128xi32, #tpu.memory_space<hbm>> -> memref<4x128xi32, #tpu.memory_space<hbm>>
          %dma_wait3A_235 = arith.constant 0 : i32
          %dma_wait3A_236 = tpu.memref_slice %arg4[%add3A, %dma_wait3A_235] : memref<6272x128xi32, #tpu.memory_space<hbm>> -> memref<4x128xi32, #tpu.memory_space<hbm>>
          tpu.wait_dma2 semaphore(%run_scoped3A : memref<!tpu.dma_semaphore, #tpu.memory_space<semaphore_mem>>) src(%dma_wait3A_236 : memref<4x128xi32, #tpu.memory_space<hbm>>) dst(%arg9 : memref<4x128xi32, #tpu.memory_space<vmem>>)
          tpu.yield
        }) : () -> ()
        "tpu.region"() ({
          %run_scoped3A = tpu.sem_alloc : memref<!tpu.dma_semaphore, #tpu.memory_space<semaphore_mem>>
          %dma_start3A_229 = arith.constant 0 : i32
          %dma_start3A_230 = tpu.memref_slice %arg5[%add3A, %dma_start3A_229] : memref<6272x128xi32, #tpu.memory_space<hbm>> -> memref<4x128xi32, #tpu.memory_space<hbm>>
          %dma_start3A_231 = arith.constant 0 : i32
          %dma_start3A_232 = tpu.memref_slice %arg5[%add3A, %dma_start3A_231] : memref<6272x128xi32, #tpu.memory_space<hbm>> -> memref<4x128xi32, #tpu.memory_space<hbm>>
          tpu.enqueue_dma source(%dma_start3A_232 : memref<4x128xi32, #tpu.memory_space<hbm>>) target(%arg10 : memref<4x128xi32, #tpu.memory_space<vmem>>) target_semaphore(%run_scoped3A : memref<!tpu.dma_semaphore, #tpu.memory_space<semaphore_mem>>)
          %dma_wait3A_233 = arith.constant 0 : i32
          %dma_wait3A_234 = tpu.memref_slice %arg5[%add3A, %dma_wait3A_233] : memref<6272x128xi32, #tpu.memory_space<hbm>> -> memref<4x128xi32, #tpu.memory_space<hbm>>
          %dma_wait3A_235 = arith.constant 0 : i32
          %dma_wait3A_236 = tpu.memref_slice %arg5[%add3A, %dma_wait3A_235] : memref<6272x128xi32, #tpu.memory_space<hbm>> -> memref<4x128xi32, #tpu.memory_space<hbm>>
          tpu.wait_dma2 semaphore(%run_scoped3A : memref<!tpu.dma_semaphore, #tpu.memory_space<semaphore_mem>>) src(%dma_wait3A_236 : memref<4x128xi32, #tpu.memory_space<hbm>>) dst(%arg10 : memref<4x128xi32, #tpu.memory_space<vmem>>)
          tpu.yield
        }) : () -> ()
        %dma_start3A = arith.constant 0 : i32
        %dma_start3A_39 = arith.constant 0 : i32
        %dma_start3A_40 = arith.constant 0 : i32
        %dma_start3A_41 = arith.constant 0 : i32
        %dma_start3A_42 = tpu.memref_slice %arg11[%dma_start3A_39, %dma_start3A_40, %dma_start3A_41] : memref<4x128x32xf32, #tpu.memory_space<vmem>> -> memref<1x128x32xf32, #tpu.memory_space<vmem>>
        %dma_start3A_43 = tpu.memref_squeeze %dma_start3A_42 : memref<1x128x32xf32, #tpu.memory_space<vmem>> -> memref<128x32xf32, #tpu.memory_space<vmem>>
        %dma_start3A_44 = arith.constant 0 : i32
        %dma_start3A_45 = tpu.memref_slice %arg9[%dma_start3A, %dma_start3A_44] : memref<4x128xi32, #tpu.memory_space<vmem>> -> memref<1x128xi32, #tpu.memory_space<vmem>>
        %dma_start3A_46 = tpu.memref_squeeze %dma_start3A_45 : memref<1x128xi32, #tpu.memory_space<vmem>> -> memref<128xi32, #tpu.memory_space<vmem>>
        %dma_start3A_47 = arith.constant 0 : i32
        %dma_start3A_48 = arith.constant 0 : i32
        %dma_start3A_49 = tpu.memref_slice %arg3[%dma_start3A_47, %dma_start3A_48] : memref<50000x32xf32, #tpu.memory_space<hbm>> -> memref<50000x32xf32, #tpu.memory_space<hbm>>
        tpu.enqueue_indirect_dma source(%dma_start3A_49 : memref<50000x32xf32, #tpu.memory_space<hbm>>) target(%dma_start3A_43 : memref<128x32xf32, #tpu.memory_space<vmem>>) offsets(%dma_start3A_46 : memref<128xi32, #tpu.memory_space<vmem>>) semaphore(%arg12 : memref<!tpu.dma_semaphore, #tpu.memory_space<semaphore_mem>>)
        %dma_start3A_50 = arith.constant 1 : i32
        %dma_start3A_51 = arith.constant 1 : i32
        %dma_start3A_52 = arith.constant 0 : i32
        %dma_start3A_53 = arith.constant 0 : i32
        %dma_start3A_54 = tpu.memref_slice %arg11[%dma_start3A_51, %dma_start3A_52, %dma_start3A_53] : memref<4x128x32xf32, #tpu.memory_space<vmem>> -> memref<1x128x32xf32, #tpu.memory_space<vmem>>
        %dma_start3A_55 = tpu.memref_squeeze %dma_start3A_54 : memref<1x128x32xf32, #tpu.memory_space<vmem>> -> memref<128x32xf32, #tpu.memory_space<vmem>>
        %dma_start3A_56 = arith.constant 0 : i32
        %dma_start3A_57 = tpu.memref_slice %arg9[%dma_start3A_50, %dma_start3A_56] : memref<4x128xi32, #tpu.memory_space<vmem>> -> memref<1x128xi32, #tpu.memory_space<vmem>>
        %dma_start3A_58 = tpu.memref_squeeze %dma_start3A_57 : memref<1x128xi32, #tpu.memory_space<vmem>> -> memref<128xi32, #tpu.memory_space<vmem>>
        %dma_start3A_59 = arith.constant 0 : i32
        %dma_start3A_60 = arith.constant 0 : i32
        %dma_start3A_61 = tpu.memref_slice %arg3[%dma_start3A_59, %dma_start3A_60] : memref<50000x32xf32, #tpu.memory_space<hbm>> -> memref<50000x32xf32, #tpu.memory_space<hbm>>
        tpu.enqueue_indirect_dma source(%dma_start3A_61 : memref<50000x32xf32, #tpu.memory_space<hbm>>) target(%dma_start3A_55 : memref<128x32xf32, #tpu.memory_space<vmem>>) offsets(%dma_start3A_58 : memref<128xi32, #tpu.memory_space<vmem>>) semaphore(%arg12 : memref<!tpu.dma_semaphore, #tpu.memory_space<semaphore_mem>>)
        %dma_start3A_62 = arith.constant 2 : i32
        %dma_start3A_63 = arith.constant 2 : i32
        %dma_start3A_64 = arith.constant 0 : i32
        %dma_start3A_65 = arith.constant 0 : i32
        %dma_start3A_66 = tpu.memref_slice %arg11[%dma_start3A_63, %dma_start3A_64, %dma_start3A_65] : memref<4x128x32xf32, #tpu.memory_space<vmem>> -> memref<1x128x32xf32, #tpu.memory_space<vmem>>
        %dma_start3A_67 = tpu.memref_squeeze %dma_start3A_66 : memref<1x128x32xf32, #tpu.memory_space<vmem>> -> memref<128x32xf32, #tpu.memory_space<vmem>>
        %dma_start3A_68 = arith.constant 0 : i32
        %dma_start3A_69 = tpu.memref_slice %arg9[%dma_start3A_62, %dma_start3A_68] : memref<4x128xi32, #tpu.memory_space<vmem>> -> memref<1x128xi32, #tpu.memory_space<vmem>>
        %dma_start3A_70 = tpu.memref_squeeze %dma_start3A_69 : memref<1x128xi32, #tpu.memory_space<vmem>> -> memref<128xi32, #tpu.memory_space<vmem>>
        %dma_start3A_71 = arith.constant 0 : i32
        %dma_start3A_72 = arith.constant 0 : i32
        %dma_start3A_73 = tpu.memref_slice %arg3[%dma_start3A_71, %dma_start3A_72] : memref<50000x32xf32, #tpu.memory_space<hbm>> -> memref<50000x32xf32, #tpu.memory_space<hbm>>
        tpu.enqueue_indirect_dma source(%dma_start3A_73 : memref<50000x32xf32, #tpu.memory_space<hbm>>) target(%dma_start3A_67 : memref<128x32xf32, #tpu.memory_space<vmem>>) offsets(%dma_start3A_70 : memref<128xi32, #tpu.memory_space<vmem>>) semaphore(%arg12 : memref<!tpu.dma_semaphore, #tpu.memory_space<semaphore_mem>>)
        %dma_start3A_74 = arith.constant 3 : i32
        %dma_start3A_75 = arith.constant 3 : i32
        %dma_start3A_76 = arith.constant 0 : i32
        %dma_start3A_77 = arith.constant 0 : i32
        %dma_start3A_78 = tpu.memref_slice %arg11[%dma_start3A_75, %dma_start3A_76, %dma_start3A_77] : memref<4x128x32xf32, #tpu.memory_space<vmem>> -> memref<1x128x32xf32, #tpu.memory_space<vmem>>
        %dma_start3A_79 = tpu.memref_squeeze %dma_start3A_78 : memref<1x128x32xf32, #tpu.memory_space<vmem>> -> memref<128x32xf32, #tpu.memory_space<vmem>>
        %dma_start3A_80 = arith.constant 0 : i32
        %dma_start3A_81 = tpu.memref_slice %arg9[%dma_start3A_74, %dma_start3A_80] : memref<4x128xi32, #tpu.memory_space<vmem>> -> memref<1x128xi32, #tpu.memory_space<vmem>>
        %dma_start3A_82 = tpu.memref_squeeze %dma_start3A_81 : memref<1x128xi32, #tpu.memory_space<vmem>> -> memref<128xi32, #tpu.memory_space<vmem>>
        %dma_start3A_83 = arith.constant 0 : i32
        %dma_start3A_84 = arith.constant 0 : i32
        %dma_start3A_85 = tpu.memref_slice %arg3[%dma_start3A_83, %dma_start3A_84] : memref<50000x32xf32, #tpu.memory_space<hbm>> -> memref<50000x32xf32, #tpu.memory_space<hbm>>
        tpu.enqueue_indirect_dma source(%dma_start3A_85 : memref<50000x32xf32, #tpu.memory_space<hbm>>) target(%dma_start3A_79 : memref<128x32xf32, #tpu.memory_space<vmem>>) offsets(%dma_start3A_82 : memref<128xi32, #tpu.memory_space<vmem>>) semaphore(%arg12 : memref<!tpu.dma_semaphore, #tpu.memory_space<semaphore_mem>>)
        %dma_wait3A = arith.constant 0 : i32
        %dma_wait3A_86 = arith.constant 0 : i32
        %dma_wait3A_87 = arith.constant 0 : i32
        %dma_wait3A_88 = arith.constant 0 : i32
        %dma_wait3A_89 = tpu.memref_slice %arg11[%dma_wait3A_86, %dma_wait3A_87, %dma_wait3A_88] : memref<4x128x32xf32, #tpu.memory_space<vmem>> -> memref<1x128x32xf32, #tpu.memory_space<vmem>>
        %dma_wait3A_90 = tpu.memref_squeeze %dma_wait3A_89 : memref<1x128x32xf32, #tpu.memory_space<vmem>> -> memref<128x32xf32, #tpu.memory_space<vmem>>
        %dma_wait3A_91 = arith.constant 0 : i32
        %dma_wait3A_92 = tpu.memref_slice %arg9[%dma_wait3A, %dma_wait3A_91] : memref<4x128xi32, #tpu.memory_space<vmem>> -> memref<1x128xi32, #tpu.memory_space<vmem>>
        %dma_wait3A_93 = tpu.memref_squeeze %dma_wait3A_92 : memref<1x128xi32, #tpu.memory_space<vmem>> -> memref<128xi32, #tpu.memory_space<vmem>>
        %dma_wait3A_94 = arith.constant 0 : i32
        %dma_wait3A_95 = arith.constant 0 : i32
        %dma_wait3A_96 = tpu.memref_slice %arg3[%dma_wait3A_94, %dma_wait3A_95] : memref<50000x32xf32, #tpu.memory_space<hbm>> -> memref<50000x32xf32, #tpu.memory_space<hbm>>
        tpu.wait_indirect_dma semaphore(%arg12 : memref<!tpu.dma_semaphore, #tpu.memory_space<semaphore_mem>>) src(%dma_wait3A_96 : memref<50000x32xf32, #tpu.memory_space<hbm>>) dst(%dma_wait3A_90 : memref<128x32xf32, #tpu.memory_space<vmem>>)
        %dma_wait3A_97 = arith.constant 1 : i32
        %dma_wait3A_98 = arith.constant 1 : i32
        %dma_wait3A_99 = arith.constant 0 : i32
        %dma_wait3A_100 = arith.constant 0 : i32
        %dma_wait3A_101 = tpu.memref_slice %arg11[%dma_wait3A_98, %dma_wait3A_99, %dma_wait3A_100] : memref<4x128x32xf32, #tpu.memory_space<vmem>> -> memref<1x128x32xf32, #tpu.memory_space<vmem>>
        %dma_wait3A_102 = tpu.memref_squeeze %dma_wait3A_101 : memref<1x128x32xf32, #tpu.memory_space<vmem>> -> memref<128x32xf32, #tpu.memory_space<vmem>>
        %dma_wait3A_103 = arith.constant 0 : i32
        %dma_wait3A_104 = tpu.memref_slice %arg9[%dma_wait3A_97, %dma_wait3A_103] : memref<4x128xi32, #tpu.memory_space<vmem>> -> memref<1x128xi32, #tpu.memory_space<vmem>>
        %dma_wait3A_105 = tpu.memref_squeeze %dma_wait3A_104 : memref<1x128xi32, #tpu.memory_space<vmem>> -> memref<128xi32, #tpu.memory_space<vmem>>
        %dma_wait3A_106 = arith.constant 0 : i32
        %dma_wait3A_107 = arith.constant 0 : i32
        %dma_wait3A_108 = tpu.memref_slice %arg3[%dma_wait3A_106, %dma_wait3A_107] : memref<50000x32xf32, #tpu.memory_space<hbm>> -> memref<50000x32xf32, #tpu.memory_space<hbm>>
        tpu.wait_indirect_dma semaphore(%arg12 : memref<!tpu.dma_semaphore, #tpu.memory_space<semaphore_mem>>) src(%dma_wait3A_108 : memref<50000x32xf32, #tpu.memory_space<hbm>>) dst(%dma_wait3A_102 : memref<128x32xf32, #tpu.memory_space<vmem>>)
        %dma_wait3A_109 = arith.constant 2 : i32
        %dma_wait3A_110 = arith.constant 2 : i32
        %dma_wait3A_111 = arith.constant 0 : i32
        %dma_wait3A_112 = arith.constant 0 : i32
        %dma_wait3A_113 = tpu.memref_slice %arg11[%dma_wait3A_110, %dma_wait3A_111, %dma_wait3A_112] : memref<4x128x32xf32, #tpu.memory_space<vmem>> -> memref<1x128x32xf32, #tpu.memory_space<vmem>>
        %dma_wait3A_114 = tpu.memref_squeeze %dma_wait3A_113 : memref<1x128x32xf32, #tpu.memory_space<vmem>> -> memref<128x32xf32, #tpu.memory_space<vmem>>
        %dma_wait3A_115 = arith.constant 0 : i32
        %dma_wait3A_116 = tpu.memref_slice %arg9[%dma_wait3A_109, %dma_wait3A_115] : memref<4x128xi32, #tpu.memory_space<vmem>> -> memref<1x128xi32, #tpu.memory_space<vmem>>
        %dma_wait3A_117 = tpu.memref_squeeze %dma_wait3A_116 : memref<1x128xi32, #tpu.memory_space<vmem>> -> memref<128xi32, #tpu.memory_space<vmem>>
        %dma_wait3A_118 = arith.constant 0 : i32
        %dma_wait3A_119 = arith.constant 0 : i32
        %dma_wait3A_120 = tpu.memref_slice %arg3[%dma_wait3A_118, %dma_wait3A_119] : memref<50000x32xf32, #tpu.memory_space<hbm>> -> memref<50000x32xf32, #tpu.memory_space<hbm>>
        tpu.wait_indirect_dma semaphore(%arg12 : memref<!tpu.dma_semaphore, #tpu.memory_space<semaphore_mem>>) src(%dma_wait3A_120 : memref<50000x32xf32, #tpu.memory_space<hbm>>) dst(%dma_wait3A_114 : memref<128x32xf32, #tpu.memory_space<vmem>>)
        %dma_wait3A_121 = arith.constant 3 : i32
        %dma_wait3A_122 = arith.constant 3 : i32
        %dma_wait3A_123 = arith.constant 0 : i32
        %dma_wait3A_124 = arith.constant 0 : i32
        %dma_wait3A_125 = tpu.memref_slice %arg11[%dma_wait3A_122, %dma_wait3A_123, %dma_wait3A_124] : memref<4x128x32xf32, #tpu.memory_space<vmem>> -> memref<1x128x32xf32, #tpu.memory_space<vmem>>
        %dma_wait3A_126 = tpu.memref_squeeze %dma_wait3A_125 : memref<1x128x32xf32, #tpu.memory_space<vmem>> -> memref<128x32xf32, #tpu.memory_space<vmem>>
        %dma_wait3A_127 = arith.constant 0 : i32
        %dma_wait3A_128 = tpu.memref_slice %arg9[%dma_wait3A_121, %dma_wait3A_127] : memref<4x128xi32, #tpu.memory_space<vmem>> -> memref<1x128xi32, #tpu.memory_space<vmem>>
        %dma_wait3A_129 = tpu.memref_squeeze %dma_wait3A_128 : memref<1x128xi32, #tpu.memory_space<vmem>> -> memref<128xi32, #tpu.memory_space<vmem>>
        %dma_wait3A_130 = arith.constant 0 : i32
        %dma_wait3A_131 = arith.constant 0 : i32
        %dma_wait3A_132 = tpu.memref_slice %arg3[%dma_wait3A_130, %dma_wait3A_131] : memref<50000x32xf32, #tpu.memory_space<hbm>> -> memref<50000x32xf32, #tpu.memory_space<hbm>>
        tpu.wait_indirect_dma semaphore(%arg12 : memref<!tpu.dma_semaphore, #tpu.memory_space<semaphore_mem>>) src(%dma_wait3A_132 : memref<50000x32xf32, #tpu.memory_space<hbm>>) dst(%dma_wait3A_126 : memref<128x32xf32, #tpu.memory_space<vmem>>)
        %dma_start3A_133 = arith.constant 0 : i32
        %dma_start3A_134 = arith.constant 0 : i32
        %dma_start3A_135 = arith.constant 0 : i32
        %dma_start3A_136 = arith.constant 0 : i32
        %dma_start3A_137 = tpu.memref_slice %arg11[%dma_start3A_133, %dma_start3A_135, %dma_start3A_136] : memref<4x128x32xf32, #tpu.memory_space<vmem>> -> memref<1x128x32xf32, #tpu.memory_space<vmem>>
        %dma_start3A_138 = tpu.memref_squeeze %dma_start3A_137 : memref<1x128x32xf32, #tpu.memory_space<vmem>> -> memref<128x32xf32, #tpu.memory_space<vmem>>
        %dma_start3A_139 = arith.constant 0 : i32
        %dma_start3A_140 = tpu.memref_slice %arg10[%dma_start3A_134, %dma_start3A_139] : memref<4x128xi32, #tpu.memory_space<vmem>> -> memref<1x128xi32, #tpu.memory_space<vmem>>
        %dma_start3A_141 = tpu.memref_squeeze %dma_start3A_140 : memref<1x128xi32, #tpu.memory_space<vmem>> -> memref<128xi32, #tpu.memory_space<vmem>>
        %dma_start3A_142 = arith.constant 0 : i32
        %dma_start3A_143 = arith.constant 0 : i32
        %dma_start3A_144 = tpu.memref_slice %arg8[%dma_start3A_142, %dma_start3A_143] : memref<50008x32xf32, #tpu.memory_space<vmem_shared>> -> memref<50008x32xf32, #tpu.memory_space<vmem_shared>>
        tpu.enqueue_indirect_dma source(%dma_start3A_138 : memref<128x32xf32, #tpu.memory_space<vmem>>) target(%dma_start3A_144 : memref<50008x32xf32, #tpu.memory_space<vmem_shared>>) offsets(%dma_start3A_141 : memref<128xi32, #tpu.memory_space<vmem>>) semaphore(%arg13 : memref<!tpu.dma_semaphore, #tpu.memory_space<semaphore_mem>>) {add = true}
        %dma_start3A_145 = arith.constant 1 : i32
        %dma_start3A_146 = arith.constant 1 : i32
        %dma_start3A_147 = arith.constant 0 : i32
        %dma_start3A_148 = arith.constant 0 : i32
        %dma_start3A_149 = tpu.memref_slice %arg11[%dma_start3A_145, %dma_start3A_147, %dma_start3A_148] : memref<4x128x32xf32, #tpu.memory_space<vmem>> -> memref<1x128x32xf32, #tpu.memory_space<vmem>>
        %dma_start3A_150 = tpu.memref_squeeze %dma_start3A_149 : memref<1x128x32xf32, #tpu.memory_space<vmem>> -> memref<128x32xf32, #tpu.memory_space<vmem>>
        %dma_start3A_151 = arith.constant 0 : i32
        %dma_start3A_152 = tpu.memref_slice %arg10[%dma_start3A_146, %dma_start3A_151] : memref<4x128xi32, #tpu.memory_space<vmem>> -> memref<1x128xi32, #tpu.memory_space<vmem>>
        %dma_start3A_153 = tpu.memref_squeeze %dma_start3A_152 : memref<1x128xi32, #tpu.memory_space<vmem>> -> memref<128xi32, #tpu.memory_space<vmem>>
        %dma_start3A_154 = arith.constant 0 : i32
        %dma_start3A_155 = arith.constant 0 : i32
        %dma_start3A_156 = tpu.memref_slice %arg8[%dma_start3A_154, %dma_start3A_155] : memref<50008x32xf32, #tpu.memory_space<vmem_shared>> -> memref<50008x32xf32, #tpu.memory_space<vmem_shared>>
        tpu.enqueue_indirect_dma source(%dma_start3A_150 : memref<128x32xf32, #tpu.memory_space<vmem>>) target(%dma_start3A_156 : memref<50008x32xf32, #tpu.memory_space<vmem_shared>>) offsets(%dma_start3A_153 : memref<128xi32, #tpu.memory_space<vmem>>) semaphore(%arg13 : memref<!tpu.dma_semaphore, #tpu.memory_space<semaphore_mem>>) {add = true}
        %dma_start3A_157 = arith.constant 2 : i32
        %dma_start3A_158 = arith.constant 2 : i32
        %dma_start3A_159 = arith.constant 0 : i32
        %dma_start3A_160 = arith.constant 0 : i32
        %dma_start3A_161 = tpu.memref_slice %arg11[%dma_start3A_157, %dma_start3A_159, %dma_start3A_160] : memref<4x128x32xf32, #tpu.memory_space<vmem>> -> memref<1x128x32xf32, #tpu.memory_space<vmem>>
        %dma_start3A_162 = tpu.memref_squeeze %dma_start3A_161 : memref<1x128x32xf32, #tpu.memory_space<vmem>> -> memref<128x32xf32, #tpu.memory_space<vmem>>
        %dma_start3A_163 = arith.constant 0 : i32
        %dma_start3A_164 = tpu.memref_slice %arg10[%dma_start3A_158, %dma_start3A_163] : memref<4x128xi32, #tpu.memory_space<vmem>> -> memref<1x128xi32, #tpu.memory_space<vmem>>
        %dma_start3A_165 = tpu.memref_squeeze %dma_start3A_164 : memref<1x128xi32, #tpu.memory_space<vmem>> -> memref<128xi32, #tpu.memory_space<vmem>>
        %dma_start3A_166 = arith.constant 0 : i32
        %dma_start3A_167 = arith.constant 0 : i32
        %dma_start3A_168 = tpu.memref_slice %arg8[%dma_start3A_166, %dma_start3A_167] : memref<50008x32xf32, #tpu.memory_space<vmem_shared>> -> memref<50008x32xf32, #tpu.memory_space<vmem_shared>>
        tpu.enqueue_indirect_dma source(%dma_start3A_162 : memref<128x32xf32, #tpu.memory_space<vmem>>) target(%dma_start3A_168 : memref<50008x32xf32, #tpu.memory_space<vmem_shared>>) offsets(%dma_start3A_165 : memref<128xi32, #tpu.memory_space<vmem>>) semaphore(%arg13 : memref<!tpu.dma_semaphore, #tpu.memory_space<semaphore_mem>>) {add = true}
        %dma_start3A_169 = arith.constant 3 : i32
        %dma_start3A_170 = arith.constant 3 : i32
        %dma_start3A_171 = arith.constant 0 : i32
        %dma_start3A_172 = arith.constant 0 : i32
        %dma_start3A_173 = tpu.memref_slice %arg11[%dma_start3A_169, %dma_start3A_171, %dma_start3A_172] : memref<4x128x32xf32, #tpu.memory_space<vmem>> -> memref<1x128x32xf32, #tpu.memory_space<vmem>>
        %dma_start3A_174 = tpu.memref_squeeze %dma_start3A_173 : memref<1x128x32xf32, #tpu.memory_space<vmem>> -> memref<128x32xf32, #tpu.memory_space<vmem>>
        %dma_start3A_175 = arith.constant 0 : i32
        %dma_start3A_176 = tpu.memref_slice %arg10[%dma_start3A_170, %dma_start3A_175] : memref<4x128xi32, #tpu.memory_space<vmem>> -> memref<1x128xi32, #tpu.memory_space<vmem>>
        %dma_start3A_177 = tpu.memref_squeeze %dma_start3A_176 : memref<1x128xi32, #tpu.memory_space<vmem>> -> memref<128xi32, #tpu.memory_space<vmem>>
        %dma_start3A_178 = arith.constant 0 : i32
        %dma_start3A_179 = arith.constant 0 : i32
        %dma_start3A_180 = tpu.memref_slice %arg8[%dma_start3A_178, %dma_start3A_179] : memref<50008x32xf32, #tpu.memory_space<vmem_shared>> -> memref<50008x32xf32, #tpu.memory_space<vmem_shared>>
        tpu.enqueue_indirect_dma source(%dma_start3A_174 : memref<128x32xf32, #tpu.memory_space<vmem>>) target(%dma_start3A_180 : memref<50008x32xf32, #tpu.memory_space<vmem_shared>>) offsets(%dma_start3A_177 : memref<128xi32, #tpu.memory_space<vmem>>) semaphore(%arg13 : memref<!tpu.dma_semaphore, #tpu.memory_space<semaphore_mem>>) {add = true}
        %dma_wait3A_181 = arith.constant 0 : i32
        %dma_wait3A_182 = arith.constant 0 : i32
        %dma_wait3A_183 = arith.constant 0 : i32
        %dma_wait3A_184 = arith.constant 0 : i32
        %dma_wait3A_185 = tpu.memref_slice %arg11[%dma_wait3A_181, %dma_wait3A_183, %dma_wait3A_184] : memref<4x128x32xf32, #tpu.memory_space<vmem>> -> memref<1x128x32xf32, #tpu.memory_space<vmem>>
        %dma_wait3A_186 = tpu.memref_squeeze %dma_wait3A_185 : memref<1x128x32xf32, #tpu.memory_space<vmem>> -> memref<128x32xf32, #tpu.memory_space<vmem>>
        %dma_wait3A_187 = arith.constant 0 : i32
        %dma_wait3A_188 = tpu.memref_slice %arg10[%dma_wait3A_182, %dma_wait3A_187] : memref<4x128xi32, #tpu.memory_space<vmem>> -> memref<1x128xi32, #tpu.memory_space<vmem>>
        %dma_wait3A_189 = tpu.memref_squeeze %dma_wait3A_188 : memref<1x128xi32, #tpu.memory_space<vmem>> -> memref<128xi32, #tpu.memory_space<vmem>>
        %dma_wait3A_190 = arith.constant 0 : i32
        %dma_wait3A_191 = arith.constant 0 : i32
        %dma_wait3A_192 = tpu.memref_slice %arg8[%dma_wait3A_190, %dma_wait3A_191] : memref<50008x32xf32, #tpu.memory_space<vmem_shared>> -> memref<50008x32xf32, #tpu.memory_space<vmem_shared>>
        tpu.wait_indirect_dma semaphore(%arg13 : memref<!tpu.dma_semaphore, #tpu.memory_space<semaphore_mem>>) src(%dma_wait3A_186 : memref<128x32xf32, #tpu.memory_space<vmem>>) dst(%dma_wait3A_192 : memref<50008x32xf32, #tpu.memory_space<vmem_shared>>)
        %dma_wait3A_193 = arith.constant 1 : i32
        %dma_wait3A_194 = arith.constant 1 : i32
        %dma_wait3A_195 = arith.constant 0 : i32
        %dma_wait3A_196 = arith.constant 0 : i32
        %dma_wait3A_197 = tpu.memref_slice %arg11[%dma_wait3A_193, %dma_wait3A_195, %dma_wait3A_196] : memref<4x128x32xf32, #tpu.memory_space<vmem>> -> memref<1x128x32xf32, #tpu.memory_space<vmem>>
        %dma_wait3A_198 = tpu.memref_squeeze %dma_wait3A_197 : memref<1x128x32xf32, #tpu.memory_space<vmem>> -> memref<128x32xf32, #tpu.memory_space<vmem>>
        %dma_wait3A_199 = arith.constant 0 : i32
        %dma_wait3A_200 = tpu.memref_slice %arg10[%dma_wait3A_194, %dma_wait3A_199] : memref<4x128xi32, #tpu.memory_space<vmem>> -> memref<1x128xi32, #tpu.memory_space<vmem>>
        %dma_wait3A_201 = tpu.memref_squeeze %dma_wait3A_200 : memref<1x128xi32, #tpu.memory_space<vmem>> -> memref<128xi32, #tpu.memory_space<vmem>>
        %dma_wait3A_202 = arith.constant 0 : i32
        %dma_wait3A_203 = arith.constant 0 : i32
        %dma_wait3A_204 = tpu.memref_slice %arg8[%dma_wait3A_202, %dma_wait3A_203] : memref<50008x32xf32, #tpu.memory_space<vmem_shared>> -> memref<50008x32xf32, #tpu.memory_space<vmem_shared>>
        tpu.wait_indirect_dma semaphore(%arg13 : memref<!tpu.dma_semaphore, #tpu.memory_space<semaphore_mem>>) src(%dma_wait3A_198 : memref<128x32xf32, #tpu.memory_space<vmem>>) dst(%dma_wait3A_204 : memref<50008x32xf32, #tpu.memory_space<vmem_shared>>)
        %dma_wait3A_205 = arith.constant 2 : i32
        %dma_wait3A_206 = arith.constant 2 : i32
        %dma_wait3A_207 = arith.constant 0 : i32
        %dma_wait3A_208 = arith.constant 0 : i32
        %dma_wait3A_209 = tpu.memref_slice %arg11[%dma_wait3A_205, %dma_wait3A_207, %dma_wait3A_208] : memref<4x128x32xf32, #tpu.memory_space<vmem>> -> memref<1x128x32xf32, #tpu.memory_space<vmem>>
        %dma_wait3A_210 = tpu.memref_squeeze %dma_wait3A_209 : memref<1x128x32xf32, #tpu.memory_space<vmem>> -> memref<128x32xf32, #tpu.memory_space<vmem>>
        %dma_wait3A_211 = arith.constant 0 : i32
        %dma_wait3A_212 = tpu.memref_slice %arg10[%dma_wait3A_206, %dma_wait3A_211] : memref<4x128xi32, #tpu.memory_space<vmem>> -> memref<1x128xi32, #tpu.memory_space<vmem>>
        %dma_wait3A_213 = tpu.memref_squeeze %dma_wait3A_212 : memref<1x128xi32, #tpu.memory_space<vmem>> -> memref<128xi32, #tpu.memory_space<vmem>>
        %dma_wait3A_214 = arith.constant 0 : i32
        %dma_wait3A_215 = arith.constant 0 : i32
        %dma_wait3A_216 = tpu.memref_slice %arg8[%dma_wait3A_214, %dma_wait3A_215] : memref<50008x32xf32, #tpu.memory_space<vmem_shared>> -> memref<50008x32xf32, #tpu.memory_space<vmem_shared>>
        tpu.wait_indirect_dma semaphore(%arg13 : memref<!tpu.dma_semaphore, #tpu.memory_space<semaphore_mem>>) src(%dma_wait3A_210 : memref<128x32xf32, #tpu.memory_space<vmem>>) dst(%dma_wait3A_216 : memref<50008x32xf32, #tpu.memory_space<vmem_shared>>)
        %dma_wait3A_217 = arith.constant 3 : i32
        %dma_wait3A_218 = arith.constant 3 : i32
        %dma_wait3A_219 = arith.constant 0 : i32
        %dma_wait3A_220 = arith.constant 0 : i32
        %dma_wait3A_221 = tpu.memref_slice %arg11[%dma_wait3A_217, %dma_wait3A_219, %dma_wait3A_220] : memref<4x128x32xf32, #tpu.memory_space<vmem>> -> memref<1x128x32xf32, #tpu.memory_space<vmem>>
        %dma_wait3A_222 = tpu.memref_squeeze %dma_wait3A_221 : memref<1x128x32xf32, #tpu.memory_space<vmem>> -> memref<128x32xf32, #tpu.memory_space<vmem>>
        %dma_wait3A_223 = arith.constant 0 : i32
        %dma_wait3A_224 = tpu.memref_slice %arg10[%dma_wait3A_218, %dma_wait3A_223] : memref<4x128xi32, #tpu.memory_space<vmem>> -> memref<1x128xi32, #tpu.memory_space<vmem>>
        %dma_wait3A_225 = tpu.memref_squeeze %dma_wait3A_224 : memref<1x128xi32, #tpu.memory_space<vmem>> -> memref<128xi32, #tpu.memory_space<vmem>>
        %dma_wait3A_226 = arith.constant 0 : i32
        %dma_wait3A_227 = arith.constant 0 : i32
        %dma_wait3A_228 = tpu.memref_slice %arg8[%dma_wait3A_226, %dma_wait3A_227] : memref<50008x32xf32, #tpu.memory_space<vmem_shared>> -> memref<50008x32xf32, #tpu.memory_space<vmem_shared>>
        tpu.wait_indirect_dma semaphore(%arg13 : memref<!tpu.dma_semaphore, #tpu.memory_space<semaphore_mem>>) src(%dma_wait3A_222 : memref<128x32xf32, #tpu.memory_space<vmem>>) dst(%dma_wait3A_228 : memref<50008x32xf32, #tpu.memory_space<vmem_shared>>)
      }
      %scan3A_35 = arith.constant 98 : i32
    } else {
    }
    %barrier3A_20 = arith.constant 0 : index
    tpu.barrier barrier_id(%barrier3A_20)
    %eq3A_21 = arith.constant 0 : i32
    %eq3A_22 = arith.cmpi eq, %arg0, %eq3A_21 : i32
    %convert_element_type3A_23 = arith.extui %eq3A_22 : i1 to i32
    %cond3A_24 = arith.constant 0 : i32
    %cond3A_25 = arith.cmpi ne, %convert_element_type3A_23, %cond3A_24 : i32
    scf.if %cond3A_25 {
      "tpu.region"() ({
        %run_scoped3A = tpu.sem_alloc : memref<!tpu.dma_semaphore, #tpu.memory_space<semaphore_mem>>
        %dma_start3A = arith.constant 0 : i32
        %dma_start3A_31 = tpu.memref_slice %arg6[%mul3A_0, %dma_start3A] : memref<50000x32xf32, #tpu.memory_space<hbm>> -> memref<3125x32xf32, #tpu.memory_space<hbm>>
        %dma_start3A_32 = arith.constant 0 : i32
        %dma_start3A_33 = tpu.memref_slice %arg8[%mul3A_0, %dma_start3A_32] : memref<50008x32xf32, #tpu.memory_space<vmem_shared>> -> memref<3125x32xf32, #tpu.memory_space<vmem_shared>>
        tpu.enqueue_dma source(%dma_start3A_33 : memref<3125x32xf32, #tpu.memory_space<vmem_shared>>) target(%dma_start3A_31 : memref<3125x32xf32, #tpu.memory_space<hbm>>) target_semaphore(%run_scoped3A : memref<!tpu.dma_semaphore, #tpu.memory_space<semaphore_mem>>)
        %dma_wait3A = arith.constant 0 : i32
        %dma_wait3A_34 = tpu.memref_slice %arg6[%mul3A_0, %dma_wait3A] : memref<50000x32xf32, #tpu.memory_space<hbm>> -> memref<3125x32xf32, #tpu.memory_space<hbm>>
        %dma_wait3A_35 = arith.constant 0 : i32
        %dma_wait3A_36 = tpu.memref_slice %arg8[%mul3A_0, %dma_wait3A_35] : memref<50008x32xf32, #tpu.memory_space<vmem_shared>> -> memref<3125x32xf32, #tpu.memory_space<vmem_shared>>
        tpu.wait_dma2 semaphore(%run_scoped3A : memref<!tpu.dma_semaphore, #tpu.memory_space<semaphore_mem>>) src(%dma_wait3A_36 : memref<3125x32xf32, #tpu.memory_space<vmem_shared>>) dst(%dma_wait3A_34 : memref<3125x32xf32, #tpu.memory_space<hbm>>)
        tpu.yield
      }) : () -> ()
    } else {
    }
    %eq3A_26 = arith.constant 1 : i32
    %eq3A_27 = arith.cmpi eq, %arg0, %eq3A_26 : i32
    %convert_element_type3A_28 = arith.extui %eq3A_27 : i1 to i32
    %cond3A_29 = arith.constant 0 : i32
    %cond3A_30 = arith.cmpi ne, %convert_element_type3A_28, %cond3A_29 : i32
    scf.if %cond3A_30 {
      "tpu.region"() ({
        %run_scoped3A = tpu.sem_alloc : memref<!tpu.dma_semaphore, #tpu.memory_space<semaphore_mem>>
        %dma_start3A = arith.constant 0 : i32
        %dma_start3A_31 = tpu.memref_slice %arg7[%mul3A_0, %dma_start3A] : memref<50000x32xf32, #tpu.memory_space<hbm>> -> memref<3125x32xf32, #tpu.memory_space<hbm>>
        %dma_start3A_32 = arith.constant 0 : i32
        %dma_start3A_33 = tpu.memref_slice %arg8[%mul3A_0, %dma_start3A_32] : memref<50008x32xf32, #tpu.memory_space<vmem_shared>> -> memref<3125x32xf32, #tpu.memory_space<vmem_shared>>
        tpu.enqueue_dma source(%dma_start3A_33 : memref<3125x32xf32, #tpu.memory_space<vmem_shared>>) target(%dma_start3A_31 : memref<3125x32xf32, #tpu.memory_space<hbm>>) target_semaphore(%run_scoped3A : memref<!tpu.dma_semaphore, #tpu.memory_space<semaphore_mem>>)
        %dma_wait3A = arith.constant 0 : i32
        %dma_wait3A_34 = tpu.memref_slice %arg7[%mul3A_0, %dma_wait3A] : memref<50000x32xf32, #tpu.memory_space<hbm>> -> memref<3125x32xf32, #tpu.memory_space<hbm>>
        %dma_wait3A_35 = arith.constant 0 : i32
        %dma_wait3A_36 = tpu.memref_slice %arg8[%mul3A_0, %dma_wait3A_35] : memref<50008x32xf32, #tpu.memory_space<vmem_shared>> -> memref<3125x32xf32, #tpu.memory_space<vmem_shared>>
        tpu.wait_dma2 semaphore(%run_scoped3A : memref<!tpu.dma_semaphore, #tpu.memory_space<semaphore_mem>>) src(%dma_wait3A_36 : memref<3125x32xf32, #tpu.memory_space<vmem_shared>>) dst(%dma_wait3A_34 : memref<3125x32xf32, #tpu.memory_space<hbm>>)
        tpu.yield
      }) : () -> ()
    } else {
    }
    return
  }
}

#map = affine_map<(d0, d1) -> (0, 0)>
module attributes {stable_mosaic.version = 14 : i64} {
  func.func @_agg64_body(%arg0: i32, %arg1: i32, %arg2: memref<50000x32xf32, #tpu.memory_space<hbm>>, %arg3: memref<50000x32xf32, #tpu.memory_space<hbm>>, %arg4: memref<6272x128xi32, #tpu.memory_space<hbm>>, %arg5: memref<6272x128xi32, #tpu.memory_space<hbm>>, %arg6: memref<50000x32xf32, #tpu.memory_space<hbm>>, %arg7: memref<50000x32xf32, #tpu.memory_space<hbm>>, %arg8: memref<50008x32xf32, #tpu.memory_space<vmem_shared>>, %arg9: memref<4x128xi32, #tpu.memory_space<vmem>>, %arg10: memref<4x128xi32, #tpu.memory_space<vmem>>, %arg11: memref<4x128x32xf32, #tpu.memory_space<vmem>>, %arg12: memref<!tpu.dma_semaphore, #tpu.memory_space<semaphore_mem>>, %arg13: memref<!tpu.dma_semaphore, #tpu.memory_space<semaphore_mem>>) attributes {dimension_semantics = [#tpu.dimension_semantics<core_parallel>, #tpu.dimension_semantics<subcore_parallel>], iteration_bounds = array<i64: 2, 16>, scalar_prefetch = 0 : i64, scratch_operands = 6 : i64, tpu.core_type = #tpu.core_type<sc_vector_subcore>, window_params = [{transform_indices = #map}, {transform_indices = #map}, {transform_indices = #map}, {transform_indices = #map}, {transform_indices = #map}, {transform_indices = #map}]} {
    %mul3A = arith.constant 3125 : i32
    %mul3A_0 = arith.muli %arg1, %mul3A : i32
    %eq3A = arith.constant 0 : i32
    %eq3A_1 = arith.cmpi eq, %arg0, %eq3A : i32
    %convert_element_type3A = arith.extui %eq3A_1 : i1 to i32
    %cond3A = arith.constant 0 : i32
    %cond3A_2 = arith.cmpi ne, %convert_element_type3A, %cond3A : i32
    scf.if %cond3A_2 {
      "tpu.region"() ({
        %run_scoped3A = tpu.sem_alloc : memref<!tpu.dma_semaphore, #tpu.memory_space<semaphore_mem>>
        %dma_start3A = arith.constant 0 : i32
        %dma_start3A_31 = tpu.memref_slice %arg8[%mul3A_0, %dma_start3A] : memref<50008x32xf32, #tpu.memory_space<vmem_shared>> -> memref<3125x32xf32, #tpu.memory_space<vmem_shared>>
        %dma_start3A_32 = arith.constant 0 : i32
        %dma_start3A_33 = tpu.memref_slice %arg2[%mul3A_0, %dma_start3A_32] : memref<50000x32xf32, #tpu.memory_space<hbm>> -> memref<3125x32xf32, #tpu.memory_space<hbm>>
        tpu.enqueue_dma source(%dma_start3A_33 : memref<3125x32xf32, #tpu.memory_space<hbm>>) target(%dma_start3A_31 : memref<3125x32xf32, #tpu.memory_space<vmem_shared>>) target_semaphore(%run_scoped3A : memref<!tpu.dma_semaphore, #tpu.memory_space<semaphore_mem>>)
        %dma_wait3A = arith.constant 0 : i32
        %dma_wait3A_34 = tpu.memref_slice %arg8[%mul3A_0, %dma_wait3A] : memref<50008x32xf32, #tpu.memory_space<vmem_shared>> -> memref<3125x32xf32, #tpu.memory_space<vmem_shared>>
        %dma_wait3A_35 = arith.constant 0 : i32
        %dma_wait3A_36 = tpu.memref_slice %arg2[%mul3A_0, %dma_wait3A_35] : memref<50000x32xf32, #tpu.memory_space<hbm>> -> memref<3125x32xf32, #tpu.memory_space<hbm>>
        tpu.wait_dma2 semaphore(%run_scoped3A : memref<!tpu.dma_semaphore, #tpu.memory_space<semaphore_mem>>) src(%dma_wait3A_36 : memref<3125x32xf32, #tpu.memory_space<hbm>>) dst(%dma_wait3A_34 : memref<3125x32xf32, #tpu.memory_space<vmem_shared>>)
        tpu.yield
      }) : () -> ()
    } else {
    }
    %eq3A_3 = arith.constant 1 : i32
    %eq3A_4 = arith.cmpi eq, %arg0, %eq3A_3 : i32
    %convert_element_type3A_5 = arith.extui %eq3A_4 : i1 to i32
    %cond3A_6 = arith.constant 0 : i32
    %cond3A_7 = arith.cmpi ne, %convert_element_type3A_5, %cond3A_6 : i32
    scf.if %cond3A_7 {
      "tpu.region"() ({
        %run_scoped3A = tpu.sem_alloc : memref<!tpu.dma_semaphore, #tpu.memory_space<semaphore_mem>>
        %dma_start3A = arith.constant 0 : i32
        %dma_start3A_31 = tpu.memref_slice %arg8[%mul3A_0, %dma_start3A] : memref<50008x32xf32, #tpu.memory_space<vmem_shared>> -> memref<3125x32xf32, #tpu.memory_space<vmem_shared>>
        %dma_start3A_32 = arith.constant 0 : i32
        %dma_start3A_33 = tpu.memref_slice %arg3[%mul3A_0, %dma_start3A_32] : memref<50000x32xf32, #tpu.memory_space<hbm>> -> memref<3125x32xf32, #tpu.memory_space<hbm>>
        tpu.enqueue_dma source(%dma_start3A_33 : memref<3125x32xf32, #tpu.memory_space<hbm>>) target(%dma_start3A_31 : memref<3125x32xf32, #tpu.memory_space<vmem_shared>>) target_semaphore(%run_scoped3A : memref<!tpu.dma_semaphore, #tpu.memory_space<semaphore_mem>>)
        %dma_wait3A = arith.constant 0 : i32
        %dma_wait3A_34 = tpu.memref_slice %arg8[%mul3A_0, %dma_wait3A] : memref<50008x32xf32, #tpu.memory_space<vmem_shared>> -> memref<3125x32xf32, #tpu.memory_space<vmem_shared>>
        %dma_wait3A_35 = arith.constant 0 : i32
        %dma_wait3A_36 = tpu.memref_slice %arg3[%mul3A_0, %dma_wait3A_35] : memref<50000x32xf32, #tpu.memory_space<hbm>> -> memref<3125x32xf32, #tpu.memory_space<hbm>>
        tpu.wait_dma2 semaphore(%run_scoped3A : memref<!tpu.dma_semaphore, #tpu.memory_space<semaphore_mem>>) src(%dma_wait3A_36 : memref<3125x32xf32, #tpu.memory_space<hbm>>) dst(%dma_wait3A_34 : memref<3125x32xf32, #tpu.memory_space<vmem_shared>>)
        tpu.yield
      }) : () -> ()
    } else {
    }
    %barrier3A = arith.constant 0 : index
    tpu.barrier barrier_id(%barrier3A)
    %mul3A_8 = arith.constant 392 : i32
    %mul3A_9 = arith.muli %arg1, %mul3A_8 : i32
    %eq3A_10 = arith.constant 0 : i32
    %eq3A_11 = arith.cmpi eq, %arg0, %eq3A_10 : i32
    %convert_element_type3A_12 = arith.extui %eq3A_11 : i1 to i32
    %cond3A_13 = arith.constant 0 : i32
    %cond3A_14 = arith.cmpi ne, %convert_element_type3A_12, %cond3A_13 : i32
    scf.if %cond3A_14 {
      %scan3A = arith.constant 0 : i32
      %scan3A_31 = arith.constant 0 : i32
      %scan3A_32 = arith.constant 98 : i32
      %scan3A_33 = arith.addi %scan3A_31, %scan3A_32 : i32
      %scan3A_34 = arith.constant 1 : i32
      scf.for %scan3A_36 = %scan3A_31 to %scan3A_33 step %scan3A_34  : i32 {
        %mul3A_37 = arith.constant 4 : i32
        %mul3A_38 = arith.muli %scan3A_36, %mul3A_37 : i32
        %add3A = arith.addi %mul3A_9, %mul3A_38 : i32
        "tpu.region"() ({
          %run_scoped3A = tpu.sem_alloc : memref<!tpu.dma_semaphore, #tpu.memory_space<semaphore_mem>>
          %dma_start3A_229 = arith.constant 0 : i32
          %dma_start3A_230 = tpu.memref_slice %arg4[%add3A, %dma_start3A_229] : memref<6272x128xi32, #tpu.memory_space<hbm>> -> memref<4x128xi32, #tpu.memory_space<hbm>>
          %dma_start3A_231 = arith.constant 0 : i32
          %dma_start3A_232 = tpu.memref_slice %arg4[%add3A, %dma_start3A_231] : memref<6272x128xi32, #tpu.memory_space<hbm>> -> memref<4x128xi32, #tpu.memory_space<hbm>>
          tpu.enqueue_dma source(%dma_start3A_232 : memref<4x128xi32, #tpu.memory_space<hbm>>) target(%arg9 : memref<4x128xi32, #tpu.memory_space<vmem>>) target_semaphore(%run_scoped3A : memref<!tpu.dma_semaphore, #tpu.memory_space<semaphore_mem>>)
          %dma_wait3A_233 = arith.constant 0 : i32
          %dma_wait3A_234 = tpu.memref_slice %arg4[%add3A, %dma_wait3A_233] : memref<6272x128xi32, #tpu.memory_space<hbm>> -> memref<4x128xi32, #tpu.memory_space<hbm>>
          %dma_wait3A_235 = arith.constant 0 : i32
          %dma_wait3A_236 = tpu.memref_slice %arg4[%add3A, %dma_wait3A_235] : memref<6272x128xi32, #tpu.memory_space<hbm>> -> memref<4x128xi32, #tpu.memory_space<hbm>>
          tpu.wait_dma2 semaphore(%run_scoped3A : memref<!tpu.dma_semaphore, #tpu.memory_space<semaphore_mem>>) src(%dma_wait3A_236 : memref<4x128xi32, #tpu.memory_space<hbm>>) dst(%arg9 : memref<4x128xi32, #tpu.memory_space<vmem>>)
          tpu.yield
        }) : () -> ()
        "tpu.region"() ({
          %run_scoped3A = tpu.sem_alloc : memref<!tpu.dma_semaphore, #tpu.memory_space<semaphore_mem>>
          %dma_start3A_229 = arith.constant 0 : i32
          %dma_start3A_230 = tpu.memref_slice %arg5[%add3A, %dma_start3A_229] : memref<6272x128xi32, #tpu.memory_space<hbm>> -> memref<4x128xi32, #tpu.memory_space<hbm>>
          %dma_start3A_231 = arith.constant 0 : i32
          %dma_start3A_232 = tpu.memref_slice %arg5[%add3A, %dma_start3A_231] : memref<6272x128xi32, #tpu.memory_space<hbm>> -> memref<4x128xi32, #tpu.memory_space<hbm>>
          tpu.enqueue_dma source(%dma_start3A_232 : memref<4x128xi32, #tpu.memory_space<hbm>>) target(%arg10 : memref<4x128xi32, #tpu.memory_space<vmem>>) target_semaphore(%run_scoped3A : memref<!tpu.dma_semaphore, #tpu.memory_space<semaphore_mem>>)
          %dma_wait3A_233 = arith.constant 0 : i32
          %dma_wait3A_234 = tpu.memref_slice %arg5[%add3A, %dma_wait3A_233] : memref<6272x128xi32, #tpu.memory_space<hbm>> -> memref<4x128xi32, #tpu.memory_space<hbm>>
          %dma_wait3A_235 = arith.constant 0 : i32
          %dma_wait3A_236 = tpu.memref_slice %arg5[%add3A, %dma_wait3A_235] : memref<6272x128xi32, #tpu.memory_space<hbm>> -> memref<4x128xi32, #tpu.memory_space<hbm>>
          tpu.wait_dma2 semaphore(%run_scoped3A : memref<!tpu.dma_semaphore, #tpu.memory_space<semaphore_mem>>) src(%dma_wait3A_236 : memref<4x128xi32, #tpu.memory_space<hbm>>) dst(%arg10 : memref<4x128xi32, #tpu.memory_space<vmem>>)
          tpu.yield
        }) : () -> ()
        %dma_start3A = arith.constant 0 : i32
        %dma_start3A_39 = arith.constant 0 : i32
        %dma_start3A_40 = arith.constant 0 : i32
        %dma_start3A_41 = arith.constant 0 : i32
        %dma_start3A_42 = tpu.memref_slice %arg11[%dma_start3A_39, %dma_start3A_40, %dma_start3A_41] : memref<4x128x32xf32, #tpu.memory_space<vmem>> -> memref<1x128x32xf32, #tpu.memory_space<vmem>>
        %dma_start3A_43 = tpu.memref_squeeze %dma_start3A_42 : memref<1x128x32xf32, #tpu.memory_space<vmem>> -> memref<128x32xf32, #tpu.memory_space<vmem>>
        %dma_start3A_44 = arith.constant 0 : i32
        %dma_start3A_45 = tpu.memref_slice %arg9[%dma_start3A, %dma_start3A_44] : memref<4x128xi32, #tpu.memory_space<vmem>> -> memref<1x128xi32, #tpu.memory_space<vmem>>
        %dma_start3A_46 = tpu.memref_squeeze %dma_start3A_45 : memref<1x128xi32, #tpu.memory_space<vmem>> -> memref<128xi32, #tpu.memory_space<vmem>>
        %dma_start3A_47 = arith.constant 0 : i32
        %dma_start3A_48 = arith.constant 0 : i32
        %dma_start3A_49 = tpu.memref_slice %arg2[%dma_start3A_47, %dma_start3A_48] : memref<50000x32xf32, #tpu.memory_space<hbm>> -> memref<50000x32xf32, #tpu.memory_space<hbm>>
        tpu.enqueue_indirect_dma source(%dma_start3A_49 : memref<50000x32xf32, #tpu.memory_space<hbm>>) target(%dma_start3A_43 : memref<128x32xf32, #tpu.memory_space<vmem>>) offsets(%dma_start3A_46 : memref<128xi32, #tpu.memory_space<vmem>>) semaphore(%arg12 : memref<!tpu.dma_semaphore, #tpu.memory_space<semaphore_mem>>)
        %dma_start3A_50 = arith.constant 1 : i32
        %dma_start3A_51 = arith.constant 1 : i32
        %dma_start3A_52 = arith.constant 0 : i32
        %dma_start3A_53 = arith.constant 0 : i32
        %dma_start3A_54 = tpu.memref_slice %arg11[%dma_start3A_51, %dma_start3A_52, %dma_start3A_53] : memref<4x128x32xf32, #tpu.memory_space<vmem>> -> memref<1x128x32xf32, #tpu.memory_space<vmem>>
        %dma_start3A_55 = tpu.memref_squeeze %dma_start3A_54 : memref<1x128x32xf32, #tpu.memory_space<vmem>> -> memref<128x32xf32, #tpu.memory_space<vmem>>
        %dma_start3A_56 = arith.constant 0 : i32
        %dma_start3A_57 = tpu.memref_slice %arg9[%dma_start3A_50, %dma_start3A_56] : memref<4x128xi32, #tpu.memory_space<vmem>> -> memref<1x128xi32, #tpu.memory_space<vmem>>
        %dma_start3A_58 = tpu.memref_squeeze %dma_start3A_57 : memref<1x128xi32, #tpu.memory_space<vmem>> -> memref<128xi32, #tpu.memory_space<vmem>>
        %dma_start3A_59 = arith.constant 0 : i32
        %dma_start3A_60 = arith.constant 0 : i32
        %dma_start3A_61 = tpu.memref_slice %arg2[%dma_start3A_59, %dma_start3A_60] : memref<50000x32xf32, #tpu.memory_space<hbm>> -> memref<50000x32xf32, #tpu.memory_space<hbm>>
        tpu.enqueue_indirect_dma source(%dma_start3A_61 : memref<50000x32xf32, #tpu.memory_space<hbm>>) target(%dma_start3A_55 : memref<128x32xf32, #tpu.memory_space<vmem>>) offsets(%dma_start3A_58 : memref<128xi32, #tpu.memory_space<vmem>>) semaphore(%arg12 : memref<!tpu.dma_semaphore, #tpu.memory_space<semaphore_mem>>)
        %dma_start3A_62 = arith.constant 2 : i32
        %dma_start3A_63 = arith.constant 2 : i32
        %dma_start3A_64 = arith.constant 0 : i32
        %dma_start3A_65 = arith.constant 0 : i32
        %dma_start3A_66 = tpu.memref_slice %arg11[%dma_start3A_63, %dma_start3A_64, %dma_start3A_65] : memref<4x128x32xf32, #tpu.memory_space<vmem>> -> memref<1x128x32xf32, #tpu.memory_space<vmem>>
        %dma_start3A_67 = tpu.memref_squeeze %dma_start3A_66 : memref<1x128x32xf32, #tpu.memory_space<vmem>> -> memref<128x32xf32, #tpu.memory_space<vmem>>
        %dma_start3A_68 = arith.constant 0 : i32
        %dma_start3A_69 = tpu.memref_slice %arg9[%dma_start3A_62, %dma_start3A_68] : memref<4x128xi32, #tpu.memory_space<vmem>> -> memref<1x128xi32, #tpu.memory_space<vmem>>
        %dma_start3A_70 = tpu.memref_squeeze %dma_start3A_69 : memref<1x128xi32, #tpu.memory_space<vmem>> -> memref<128xi32, #tpu.memory_space<vmem>>
        %dma_start3A_71 = arith.constant 0 : i32
        %dma_start3A_72 = arith.constant 0 : i32
        %dma_start3A_73 = tpu.memref_slice %arg2[%dma_start3A_71, %dma_start3A_72] : memref<50000x32xf32, #tpu.memory_space<hbm>> -> memref<50000x32xf32, #tpu.memory_space<hbm>>
        tpu.enqueue_indirect_dma source(%dma_start3A_73 : memref<50000x32xf32, #tpu.memory_space<hbm>>) target(%dma_start3A_67 : memref<128x32xf32, #tpu.memory_space<vmem>>) offsets(%dma_start3A_70 : memref<128xi32, #tpu.memory_space<vmem>>) semaphore(%arg12 : memref<!tpu.dma_semaphore, #tpu.memory_space<semaphore_mem>>)
        %dma_start3A_74 = arith.constant 3 : i32
        %dma_start3A_75 = arith.constant 3 : i32
        %dma_start3A_76 = arith.constant 0 : i32
        %dma_start3A_77 = arith.constant 0 : i32
        %dma_start3A_78 = tpu.memref_slice %arg11[%dma_start3A_75, %dma_start3A_76, %dma_start3A_77] : memref<4x128x32xf32, #tpu.memory_space<vmem>> -> memref<1x128x32xf32, #tpu.memory_space<vmem>>
        %dma_start3A_79 = tpu.memref_squeeze %dma_start3A_78 : memref<1x128x32xf32, #tpu.memory_space<vmem>> -> memref<128x32xf32, #tpu.memory_space<vmem>>
        %dma_start3A_80 = arith.constant 0 : i32
        %dma_start3A_81 = tpu.memref_slice %arg9[%dma_start3A_74, %dma_start3A_80] : memref<4x128xi32, #tpu.memory_space<vmem>> -> memref<1x128xi32, #tpu.memory_space<vmem>>
        %dma_start3A_82 = tpu.memref_squeeze %dma_start3A_81 : memref<1x128xi32, #tpu.memory_space<vmem>> -> memref<128xi32, #tpu.memory_space<vmem>>
        %dma_start3A_83 = arith.constant 0 : i32
        %dma_start3A_84 = arith.constant 0 : i32
        %dma_start3A_85 = tpu.memref_slice %arg2[%dma_start3A_83, %dma_start3A_84] : memref<50000x32xf32, #tpu.memory_space<hbm>> -> memref<50000x32xf32, #tpu.memory_space<hbm>>
        tpu.enqueue_indirect_dma source(%dma_start3A_85 : memref<50000x32xf32, #tpu.memory_space<hbm>>) target(%dma_start3A_79 : memref<128x32xf32, #tpu.memory_space<vmem>>) offsets(%dma_start3A_82 : memref<128xi32, #tpu.memory_space<vmem>>) semaphore(%arg12 : memref<!tpu.dma_semaphore, #tpu.memory_space<semaphore_mem>>)
        %dma_wait3A = arith.constant 0 : i32
        %dma_wait3A_86 = arith.constant 0 : i32
        %dma_wait3A_87 = arith.constant 0 : i32
        %dma_wait3A_88 = arith.constant 0 : i32
        %dma_wait3A_89 = tpu.memref_slice %arg11[%dma_wait3A_86, %dma_wait3A_87, %dma_wait3A_88] : memref<4x128x32xf32, #tpu.memory_space<vmem>> -> memref<1x128x32xf32, #tpu.memory_space<vmem>>
        %dma_wait3A_90 = tpu.memref_squeeze %dma_wait3A_89 : memref<1x128x32xf32, #tpu.memory_space<vmem>> -> memref<128x32xf32, #tpu.memory_space<vmem>>
        %dma_wait3A_91 = arith.constant 0 : i32
        %dma_wait3A_92 = tpu.memref_slice %arg9[%dma_wait3A, %dma_wait3A_91] : memref<4x128xi32, #tpu.memory_space<vmem>> -> memref<1x128xi32, #tpu.memory_space<vmem>>
        %dma_wait3A_93 = tpu.memref_squeeze %dma_wait3A_92 : memref<1x128xi32, #tpu.memory_space<vmem>> -> memref<128xi32, #tpu.memory_space<vmem>>
        %dma_wait3A_94 = arith.constant 0 : i32
        %dma_wait3A_95 = arith.constant 0 : i32
        %dma_wait3A_96 = tpu.memref_slice %arg2[%dma_wait3A_94, %dma_wait3A_95] : memref<50000x32xf32, #tpu.memory_space<hbm>> -> memref<50000x32xf32, #tpu.memory_space<hbm>>
        tpu.wait_indirect_dma semaphore(%arg12 : memref<!tpu.dma_semaphore, #tpu.memory_space<semaphore_mem>>) src(%dma_wait3A_96 : memref<50000x32xf32, #tpu.memory_space<hbm>>) dst(%dma_wait3A_90 : memref<128x32xf32, #tpu.memory_space<vmem>>)
        %dma_wait3A_97 = arith.constant 1 : i32
        %dma_wait3A_98 = arith.constant 1 : i32
        %dma_wait3A_99 = arith.constant 0 : i32
        %dma_wait3A_100 = arith.constant 0 : i32
        %dma_wait3A_101 = tpu.memref_slice %arg11[%dma_wait3A_98, %dma_wait3A_99, %dma_wait3A_100] : memref<4x128x32xf32, #tpu.memory_space<vmem>> -> memref<1x128x32xf32, #tpu.memory_space<vmem>>
        %dma_wait3A_102 = tpu.memref_squeeze %dma_wait3A_101 : memref<1x128x32xf32, #tpu.memory_space<vmem>> -> memref<128x32xf32, #tpu.memory_space<vmem>>
        %dma_wait3A_103 = arith.constant 0 : i32
        %dma_wait3A_104 = tpu.memref_slice %arg9[%dma_wait3A_97, %dma_wait3A_103] : memref<4x128xi32, #tpu.memory_space<vmem>> -> memref<1x128xi32, #tpu.memory_space<vmem>>
        %dma_wait3A_105 = tpu.memref_squeeze %dma_wait3A_104 : memref<1x128xi32, #tpu.memory_space<vmem>> -> memref<128xi32, #tpu.memory_space<vmem>>
        %dma_wait3A_106 = arith.constant 0 : i32
        %dma_wait3A_107 = arith.constant 0 : i32
        %dma_wait3A_108 = tpu.memref_slice %arg2[%dma_wait3A_106, %dma_wait3A_107] : memref<50000x32xf32, #tpu.memory_space<hbm>> -> memref<50000x32xf32, #tpu.memory_space<hbm>>
        tpu.wait_indirect_dma semaphore(%arg12 : memref<!tpu.dma_semaphore, #tpu.memory_space<semaphore_mem>>) src(%dma_wait3A_108 : memref<50000x32xf32, #tpu.memory_space<hbm>>) dst(%dma_wait3A_102 : memref<128x32xf32, #tpu.memory_space<vmem>>)
        %dma_wait3A_109 = arith.constant 2 : i32
        %dma_wait3A_110 = arith.constant 2 : i32
        %dma_wait3A_111 = arith.constant 0 : i32
        %dma_wait3A_112 = arith.constant 0 : i32
        %dma_wait3A_113 = tpu.memref_slice %arg11[%dma_wait3A_110, %dma_wait3A_111, %dma_wait3A_112] : memref<4x128x32xf32, #tpu.memory_space<vmem>> -> memref<1x128x32xf32, #tpu.memory_space<vmem>>
        %dma_wait3A_114 = tpu.memref_squeeze %dma_wait3A_113 : memref<1x128x32xf32, #tpu.memory_space<vmem>> -> memref<128x32xf32, #tpu.memory_space<vmem>>
        %dma_wait3A_115 = arith.constant 0 : i32
        %dma_wait3A_116 = tpu.memref_slice %arg9[%dma_wait3A_109, %dma_wait3A_115] : memref<4x128xi32, #tpu.memory_space<vmem>> -> memref<1x128xi32, #tpu.memory_space<vmem>>
        %dma_wait3A_117 = tpu.memref_squeeze %dma_wait3A_116 : memref<1x128xi32, #tpu.memory_space<vmem>> -> memref<128xi32, #tpu.memory_space<vmem>>
        %dma_wait3A_118 = arith.constant 0 : i32
        %dma_wait3A_119 = arith.constant 0 : i32
        %dma_wait3A_120 = tpu.memref_slice %arg2[%dma_wait3A_118, %dma_wait3A_119] : memref<50000x32xf32, #tpu.memory_space<hbm>> -> memref<50000x32xf32, #tpu.memory_space<hbm>>
        tpu.wait_indirect_dma semaphore(%arg12 : memref<!tpu.dma_semaphore, #tpu.memory_space<semaphore_mem>>) src(%dma_wait3A_120 : memref<50000x32xf32, #tpu.memory_space<hbm>>) dst(%dma_wait3A_114 : memref<128x32xf32, #tpu.memory_space<vmem>>)
        %dma_wait3A_121 = arith.constant 3 : i32
        %dma_wait3A_122 = arith.constant 3 : i32
        %dma_wait3A_123 = arith.constant 0 : i32
        %dma_wait3A_124 = arith.constant 0 : i32
        %dma_wait3A_125 = tpu.memref_slice %arg11[%dma_wait3A_122, %dma_wait3A_123, %dma_wait3A_124] : memref<4x128x32xf32, #tpu.memory_space<vmem>> -> memref<1x128x32xf32, #tpu.memory_space<vmem>>
        %dma_wait3A_126 = tpu.memref_squeeze %dma_wait3A_125 : memref<1x128x32xf32, #tpu.memory_space<vmem>> -> memref<128x32xf32, #tpu.memory_space<vmem>>
        %dma_wait3A_127 = arith.constant 0 : i32
        %dma_wait3A_128 = tpu.memref_slice %arg9[%dma_wait3A_121, %dma_wait3A_127] : memref<4x128xi32, #tpu.memory_space<vmem>> -> memref<1x128xi32, #tpu.memory_space<vmem>>
        %dma_wait3A_129 = tpu.memref_squeeze %dma_wait3A_128 : memref<1x128xi32, #tpu.memory_space<vmem>> -> memref<128xi32, #tpu.memory_space<vmem>>
        %dma_wait3A_130 = arith.constant 0 : i32
        %dma_wait3A_131 = arith.constant 0 : i32
        %dma_wait3A_132 = tpu.memref_slice %arg2[%dma_wait3A_130, %dma_wait3A_131] : memref<50000x32xf32, #tpu.memory_space<hbm>> -> memref<50000x32xf32, #tpu.memory_space<hbm>>
        tpu.wait_indirect_dma semaphore(%arg12 : memref<!tpu.dma_semaphore, #tpu.memory_space<semaphore_mem>>) src(%dma_wait3A_132 : memref<50000x32xf32, #tpu.memory_space<hbm>>) dst(%dma_wait3A_126 : memref<128x32xf32, #tpu.memory_space<vmem>>)
        %dma_start3A_133 = arith.constant 0 : i32
        %dma_start3A_134 = arith.constant 0 : i32
        %dma_start3A_135 = arith.constant 0 : i32
        %dma_start3A_136 = arith.constant 0 : i32
        %dma_start3A_137 = tpu.memref_slice %arg11[%dma_start3A_133, %dma_start3A_135, %dma_start3A_136] : memref<4x128x32xf32, #tpu.memory_space<vmem>> -> memref<1x128x32xf32, #tpu.memory_space<vmem>>
        %dma_start3A_138 = tpu.memref_squeeze %dma_start3A_137 : memref<1x128x32xf32, #tpu.memory_space<vmem>> -> memref<128x32xf32, #tpu.memory_space<vmem>>
        %dma_start3A_139 = arith.constant 0 : i32
        %dma_start3A_140 = tpu.memref_slice %arg10[%dma_start3A_134, %dma_start3A_139] : memref<4x128xi32, #tpu.memory_space<vmem>> -> memref<1x128xi32, #tpu.memory_space<vmem>>
        %dma_start3A_141 = tpu.memref_squeeze %dma_start3A_140 : memref<1x128xi32, #tpu.memory_space<vmem>> -> memref<128xi32, #tpu.memory_space<vmem>>
        %dma_start3A_142 = arith.constant 0 : i32
        %dma_start3A_143 = arith.constant 0 : i32
        %dma_start3A_144 = tpu.memref_slice %arg8[%dma_start3A_142, %dma_start3A_143] : memref<50008x32xf32, #tpu.memory_space<vmem_shared>> -> memref<50008x32xf32, #tpu.memory_space<vmem_shared>>
        tpu.enqueue_indirect_dma source(%dma_start3A_138 : memref<128x32xf32, #tpu.memory_space<vmem>>) target(%dma_start3A_144 : memref<50008x32xf32, #tpu.memory_space<vmem_shared>>) offsets(%dma_start3A_141 : memref<128xi32, #tpu.memory_space<vmem>>) semaphore(%arg13 : memref<!tpu.dma_semaphore, #tpu.memory_space<semaphore_mem>>) {add = true}
        %dma_start3A_145 = arith.constant 1 : i32
        %dma_start3A_146 = arith.constant 1 : i32
        %dma_start3A_147 = arith.constant 0 : i32
        %dma_start3A_148 = arith.constant 0 : i32
        %dma_start3A_149 = tpu.memref_slice %arg11[%dma_start3A_145, %dma_start3A_147, %dma_start3A_148] : memref<4x128x32xf32, #tpu.memory_space<vmem>> -> memref<1x128x32xf32, #tpu.memory_space<vmem>>
        %dma_start3A_150 = tpu.memref_squeeze %dma_start3A_149 : memref<1x128x32xf32, #tpu.memory_space<vmem>> -> memref<128x32xf32, #tpu.memory_space<vmem>>
        %dma_start3A_151 = arith.constant 0 : i32
        %dma_start3A_152 = tpu.memref_slice %arg10[%dma_start3A_146, %dma_start3A_151] : memref<4x128xi32, #tpu.memory_space<vmem>> -> memref<1x128xi32, #tpu.memory_space<vmem>>
        %dma_start3A_153 = tpu.memref_squeeze %dma_start3A_152 : memref<1x128xi32, #tpu.memory_space<vmem>> -> memref<128xi32, #tpu.memory_space<vmem>>
        %dma_start3A_154 = arith.constant 0 : i32
        %dma_start3A_155 = arith.constant 0 : i32
        %dma_start3A_156 = tpu.memref_slice %arg8[%dma_start3A_154, %dma_start3A_155] : memref<50008x32xf32, #tpu.memory_space<vmem_shared>> -> memref<50008x32xf32, #tpu.memory_space<vmem_shared>>
        tpu.enqueue_indirect_dma source(%dma_start3A_150 : memref<128x32xf32, #tpu.memory_space<vmem>>) target(%dma_start3A_156 : memref<50008x32xf32, #tpu.memory_space<vmem_shared>>) offsets(%dma_start3A_153 : memref<128xi32, #tpu.memory_space<vmem>>) semaphore(%arg13 : memref<!tpu.dma_semaphore, #tpu.memory_space<semaphore_mem>>) {add = true}
        %dma_start3A_157 = arith.constant 2 : i32
        %dma_start3A_158 = arith.constant 2 : i32
        %dma_start3A_159 = arith.constant 0 : i32
        %dma_start3A_160 = arith.constant 0 : i32
        %dma_start3A_161 = tpu.memref_slice %arg11[%dma_start3A_157, %dma_start3A_159, %dma_start3A_160] : memref<4x128x32xf32, #tpu.memory_space<vmem>> -> memref<1x128x32xf32, #tpu.memory_space<vmem>>
        %dma_start3A_162 = tpu.memref_squeeze %dma_start3A_161 : memref<1x128x32xf32, #tpu.memory_space<vmem>> -> memref<128x32xf32, #tpu.memory_space<vmem>>
        %dma_start3A_163 = arith.constant 0 : i32
        %dma_start3A_164 = tpu.memref_slice %arg10[%dma_start3A_158, %dma_start3A_163] : memref<4x128xi32, #tpu.memory_space<vmem>> -> memref<1x128xi32, #tpu.memory_space<vmem>>
        %dma_start3A_165 = tpu.memref_squeeze %dma_start3A_164 : memref<1x128xi32, #tpu.memory_space<vmem>> -> memref<128xi32, #tpu.memory_space<vmem>>
        %dma_start3A_166 = arith.constant 0 : i32
        %dma_start3A_167 = arith.constant 0 : i32
        %dma_start3A_168 = tpu.memref_slice %arg8[%dma_start3A_166, %dma_start3A_167] : memref<50008x32xf32, #tpu.memory_space<vmem_shared>> -> memref<50008x32xf32, #tpu.memory_space<vmem_shared>>
        tpu.enqueue_indirect_dma source(%dma_start3A_162 : memref<128x32xf32, #tpu.memory_space<vmem>>) target(%dma_start3A_168 : memref<50008x32xf32, #tpu.memory_space<vmem_shared>>) offsets(%dma_start3A_165 : memref<128xi32, #tpu.memory_space<vmem>>) semaphore(%arg13 : memref<!tpu.dma_semaphore, #tpu.memory_space<semaphore_mem>>) {add = true}
        %dma_start3A_169 = arith.constant 3 : i32
        %dma_start3A_170 = arith.constant 3 : i32
        %dma_start3A_171 = arith.constant 0 : i32
        %dma_start3A_172 = arith.constant 0 : i32
        %dma_start3A_173 = tpu.memref_slice %arg11[%dma_start3A_169, %dma_start3A_171, %dma_start3A_172] : memref<4x128x32xf32, #tpu.memory_space<vmem>> -> memref<1x128x32xf32, #tpu.memory_space<vmem>>
        %dma_start3A_174 = tpu.memref_squeeze %dma_start3A_173 : memref<1x128x32xf32, #tpu.memory_space<vmem>> -> memref<128x32xf32, #tpu.memory_space<vmem>>
        %dma_start3A_175 = arith.constant 0 : i32
        %dma_start3A_176 = tpu.memref_slice %arg10[%dma_start3A_170, %dma_start3A_175] : memref<4x128xi32, #tpu.memory_space<vmem>> -> memref<1x128xi32, #tpu.memory_space<vmem>>
        %dma_start3A_177 = tpu.memref_squeeze %dma_start3A_176 : memref<1x128xi32, #tpu.memory_space<vmem>> -> memref<128xi32, #tpu.memory_space<vmem>>
        %dma_start3A_178 = arith.constant 0 : i32
        %dma_start3A_179 = arith.constant 0 : i32
        %dma_start3A_180 = tpu.memref_slice %arg8[%dma_start3A_178, %dma_start3A_179] : memref<50008x32xf32, #tpu.memory_space<vmem_shared>> -> memref<50008x32xf32, #tpu.memory_space<vmem_shared>>
        tpu.enqueue_indirect_dma source(%dma_start3A_174 : memref<128x32xf32, #tpu.memory_space<vmem>>) target(%dma_start3A_180 : memref<50008x32xf32, #tpu.memory_space<vmem_shared>>) offsets(%dma_start3A_177 : memref<128xi32, #tpu.memory_space<vmem>>) semaphore(%arg13 : memref<!tpu.dma_semaphore, #tpu.memory_space<semaphore_mem>>) {add = true}
        %dma_wait3A_181 = arith.constant 0 : i32
        %dma_wait3A_182 = arith.constant 0 : i32
        %dma_wait3A_183 = arith.constant 0 : i32
        %dma_wait3A_184 = arith.constant 0 : i32
        %dma_wait3A_185 = tpu.memref_slice %arg11[%dma_wait3A_181, %dma_wait3A_183, %dma_wait3A_184] : memref<4x128x32xf32, #tpu.memory_space<vmem>> -> memref<1x128x32xf32, #tpu.memory_space<vmem>>
        %dma_wait3A_186 = tpu.memref_squeeze %dma_wait3A_185 : memref<1x128x32xf32, #tpu.memory_space<vmem>> -> memref<128x32xf32, #tpu.memory_space<vmem>>
        %dma_wait3A_187 = arith.constant 0 : i32
        %dma_wait3A_188 = tpu.memref_slice %arg10[%dma_wait3A_182, %dma_wait3A_187] : memref<4x128xi32, #tpu.memory_space<vmem>> -> memref<1x128xi32, #tpu.memory_space<vmem>>
        %dma_wait3A_189 = tpu.memref_squeeze %dma_wait3A_188 : memref<1x128xi32, #tpu.memory_space<vmem>> -> memref<128xi32, #tpu.memory_space<vmem>>
        %dma_wait3A_190 = arith.constant 0 : i32
        %dma_wait3A_191 = arith.constant 0 : i32
        %dma_wait3A_192 = tpu.memref_slice %arg8[%dma_wait3A_190, %dma_wait3A_191] : memref<50008x32xf32, #tpu.memory_space<vmem_shared>> -> memref<50008x32xf32, #tpu.memory_space<vmem_shared>>
        tpu.wait_indirect_dma semaphore(%arg13 : memref<!tpu.dma_semaphore, #tpu.memory_space<semaphore_mem>>) src(%dma_wait3A_186 : memref<128x32xf32, #tpu.memory_space<vmem>>) dst(%dma_wait3A_192 : memref<50008x32xf32, #tpu.memory_space<vmem_shared>>)
        %dma_wait3A_193 = arith.constant 1 : i32
        %dma_wait3A_194 = arith.constant 1 : i32
        %dma_wait3A_195 = arith.constant 0 : i32
        %dma_wait3A_196 = arith.constant 0 : i32
        %dma_wait3A_197 = tpu.memref_slice %arg11[%dma_wait3A_193, %dma_wait3A_195, %dma_wait3A_196] : memref<4x128x32xf32, #tpu.memory_space<vmem>> -> memref<1x128x32xf32, #tpu.memory_space<vmem>>
        %dma_wait3A_198 = tpu.memref_squeeze %dma_wait3A_197 : memref<1x128x32xf32, #tpu.memory_space<vmem>> -> memref<128x32xf32, #tpu.memory_space<vmem>>
        %dma_wait3A_199 = arith.constant 0 : i32
        %dma_wait3A_200 = tpu.memref_slice %arg10[%dma_wait3A_194, %dma_wait3A_199] : memref<4x128xi32, #tpu.memory_space<vmem>> -> memref<1x128xi32, #tpu.memory_space<vmem>>
        %dma_wait3A_201 = tpu.memref_squeeze %dma_wait3A_200 : memref<1x128xi32, #tpu.memory_space<vmem>> -> memref<128xi32, #tpu.memory_space<vmem>>
        %dma_wait3A_202 = arith.constant 0 : i32
        %dma_wait3A_203 = arith.constant 0 : i32
        %dma_wait3A_204 = tpu.memref_slice %arg8[%dma_wait3A_202, %dma_wait3A_203] : memref<50008x32xf32, #tpu.memory_space<vmem_shared>> -> memref<50008x32xf32, #tpu.memory_space<vmem_shared>>
        tpu.wait_indirect_dma semaphore(%arg13 : memref<!tpu.dma_semaphore, #tpu.memory_space<semaphore_mem>>) src(%dma_wait3A_198 : memref<128x32xf32, #tpu.memory_space<vmem>>) dst(%dma_wait3A_204 : memref<50008x32xf32, #tpu.memory_space<vmem_shared>>)
        %dma_wait3A_205 = arith.constant 2 : i32
        %dma_wait3A_206 = arith.constant 2 : i32
        %dma_wait3A_207 = arith.constant 0 : i32
        %dma_wait3A_208 = arith.constant 0 : i32
        %dma_wait3A_209 = tpu.memref_slice %arg11[%dma_wait3A_205, %dma_wait3A_207, %dma_wait3A_208] : memref<4x128x32xf32, #tpu.memory_space<vmem>> -> memref<1x128x32xf32, #tpu.memory_space<vmem>>
        %dma_wait3A_210 = tpu.memref_squeeze %dma_wait3A_209 : memref<1x128x32xf32, #tpu.memory_space<vmem>> -> memref<128x32xf32, #tpu.memory_space<vmem>>
        %dma_wait3A_211 = arith.constant 0 : i32
        %dma_wait3A_212 = tpu.memref_slice %arg10[%dma_wait3A_206, %dma_wait3A_211] : memref<4x128xi32, #tpu.memory_space<vmem>> -> memref<1x128xi32, #tpu.memory_space<vmem>>
        %dma_wait3A_213 = tpu.memref_squeeze %dma_wait3A_212 : memref<1x128xi32, #tpu.memory_space<vmem>> -> memref<128xi32, #tpu.memory_space<vmem>>
        %dma_wait3A_214 = arith.constant 0 : i32
        %dma_wait3A_215 = arith.constant 0 : i32
        %dma_wait3A_216 = tpu.memref_slice %arg8[%dma_wait3A_214, %dma_wait3A_215] : memref<50008x32xf32, #tpu.memory_space<vmem_shared>> -> memref<50008x32xf32, #tpu.memory_space<vmem_shared>>
        tpu.wait_indirect_dma semaphore(%arg13 : memref<!tpu.dma_semaphore, #tpu.memory_space<semaphore_mem>>) src(%dma_wait3A_210 : memref<128x32xf32, #tpu.memory_space<vmem>>) dst(%dma_wait3A_216 : memref<50008x32xf32, #tpu.memory_space<vmem_shared>>)
        %dma_wait3A_217 = arith.constant 3 : i32
        %dma_wait3A_218 = arith.constant 3 : i32
        %dma_wait3A_219 = arith.constant 0 : i32
        %dma_wait3A_220 = arith.constant 0 : i32
        %dma_wait3A_221 = tpu.memref_slice %arg11[%dma_wait3A_217, %dma_wait3A_219, %dma_wait3A_220] : memref<4x128x32xf32, #tpu.memory_space<vmem>> -> memref<1x128x32xf32, #tpu.memory_space<vmem>>
        %dma_wait3A_222 = tpu.memref_squeeze %dma_wait3A_221 : memref<1x128x32xf32, #tpu.memory_space<vmem>> -> memref<128x32xf32, #tpu.memory_space<vmem>>
        %dma_wait3A_223 = arith.constant 0 : i32
        %dma_wait3A_224 = tpu.memref_slice %arg10[%dma_wait3A_218, %dma_wait3A_223] : memref<4x128xi32, #tpu.memory_space<vmem>> -> memref<1x128xi32, #tpu.memory_space<vmem>>
        %dma_wait3A_225 = tpu.memref_squeeze %dma_wait3A_224 : memref<1x128xi32, #tpu.memory_space<vmem>> -> memref<128xi32, #tpu.memory_space<vmem>>
        %dma_wait3A_226 = arith.constant 0 : i32
        %dma_wait3A_227 = arith.constant 0 : i32
        %dma_wait3A_228 = tpu.memref_slice %arg8[%dma_wait3A_226, %dma_wait3A_227] : memref<50008x32xf32, #tpu.memory_space<vmem_shared>> -> memref<50008x32xf32, #tpu.memory_space<vmem_shared>>
        tpu.wait_indirect_dma semaphore(%arg13 : memref<!tpu.dma_semaphore, #tpu.memory_space<semaphore_mem>>) src(%dma_wait3A_222 : memref<128x32xf32, #tpu.memory_space<vmem>>) dst(%dma_wait3A_228 : memref<50008x32xf32, #tpu.memory_space<vmem_shared>>)
      }
      %scan3A_35 = arith.constant 98 : i32
    } else {
    }
    %eq3A_15 = arith.constant 1 : i32
    %eq3A_16 = arith.cmpi eq, %arg0, %eq3A_15 : i32
    %convert_element_type3A_17 = arith.extui %eq3A_16 : i1 to i32
    %cond3A_18 = arith.constant 0 : i32
    %cond3A_19 = arith.cmpi ne, %convert_element_type3A_17, %cond3A_18 : i32
    scf.if %cond3A_19 {
      %scan3A = arith.constant 0 : i32
      %scan3A_31 = arith.constant 0 : i32
      %scan3A_32 = arith.constant 98 : i32
      %scan3A_33 = arith.addi %scan3A_31, %scan3A_32 : i32
      %scan3A_34 = arith.constant 1 : i32
      scf.for %scan3A_36 = %scan3A_31 to %scan3A_33 step %scan3A_34  : i32 {
        %mul3A_37 = arith.constant 4 : i32
        %mul3A_38 = arith.muli %scan3A_36, %mul3A_37 : i32
        %add3A = arith.addi %mul3A_9, %mul3A_38 : i32
        "tpu.region"() ({
          %run_scoped3A = tpu.sem_alloc : memref<!tpu.dma_semaphore, #tpu.memory_space<semaphore_mem>>
          %dma_start3A_229 = arith.constant 0 : i32
          %dma_start3A_230 = tpu.memref_slice %arg4[%add3A, %dma_start3A_229] : memref<6272x128xi32, #tpu.memory_space<hbm>> -> memref<4x128xi32, #tpu.memory_space<hbm>>
          %dma_start3A_231 = arith.constant 0 : i32
          %dma_start3A_232 = tpu.memref_slice %arg4[%add3A, %dma_start3A_231] : memref<6272x128xi32, #tpu.memory_space<hbm>> -> memref<4x128xi32, #tpu.memory_space<hbm>>
          tpu.enqueue_dma source(%dma_start3A_232 : memref<4x128xi32, #tpu.memory_space<hbm>>) target(%arg9 : memref<4x128xi32, #tpu.memory_space<vmem>>) target_semaphore(%run_scoped3A : memref<!tpu.dma_semaphore, #tpu.memory_space<semaphore_mem>>)
          %dma_wait3A_233 = arith.constant 0 : i32
          %dma_wait3A_234 = tpu.memref_slice %arg4[%add3A, %dma_wait3A_233] : memref<6272x128xi32, #tpu.memory_space<hbm>> -> memref<4x128xi32, #tpu.memory_space<hbm>>
          %dma_wait3A_235 = arith.constant 0 : i32
          %dma_wait3A_236 = tpu.memref_slice %arg4[%add3A, %dma_wait3A_235] : memref<6272x128xi32, #tpu.memory_space<hbm>> -> memref<4x128xi32, #tpu.memory_space<hbm>>
          tpu.wait_dma2 semaphore(%run_scoped3A : memref<!tpu.dma_semaphore, #tpu.memory_space<semaphore_mem>>) src(%dma_wait3A_236 : memref<4x128xi32, #tpu.memory_space<hbm>>) dst(%arg9 : memref<4x128xi32, #tpu.memory_space<vmem>>)
          tpu.yield
        }) : () -> ()
        "tpu.region"() ({
          %run_scoped3A = tpu.sem_alloc : memref<!tpu.dma_semaphore, #tpu.memory_space<semaphore_mem>>
          %dma_start3A_229 = arith.constant 0 : i32
          %dma_start3A_230 = tpu.memref_slice %arg5[%add3A, %dma_start3A_229] : memref<6272x128xi32, #tpu.memory_space<hbm>> -> memref<4x128xi32, #tpu.memory_space<hbm>>
          %dma_start3A_231 = arith.constant 0 : i32
          %dma_start3A_232 = tpu.memref_slice %arg5[%add3A, %dma_start3A_231] : memref<6272x128xi32, #tpu.memory_space<hbm>> -> memref<4x128xi32, #tpu.memory_space<hbm>>
          tpu.enqueue_dma source(%dma_start3A_232 : memref<4x128xi32, #tpu.memory_space<hbm>>) target(%arg10 : memref<4x128xi32, #tpu.memory_space<vmem>>) target_semaphore(%run_scoped3A : memref<!tpu.dma_semaphore, #tpu.memory_space<semaphore_mem>>)
          %dma_wait3A_233 = arith.constant 0 : i32
          %dma_wait3A_234 = tpu.memref_slice %arg5[%add3A, %dma_wait3A_233] : memref<6272x128xi32, #tpu.memory_space<hbm>> -> memref<4x128xi32, #tpu.memory_space<hbm>>
          %dma_wait3A_235 = arith.constant 0 : i32
          %dma_wait3A_236 = tpu.memref_slice %arg5[%add3A, %dma_wait3A_235] : memref<6272x128xi32, #tpu.memory_space<hbm>> -> memref<4x128xi32, #tpu.memory_space<hbm>>
          tpu.wait_dma2 semaphore(%run_scoped3A : memref<!tpu.dma_semaphore, #tpu.memory_space<semaphore_mem>>) src(%dma_wait3A_236 : memref<4x128xi32, #tpu.memory_space<hbm>>) dst(%arg10 : memref<4x128xi32, #tpu.memory_space<vmem>>)
          tpu.yield
        }) : () -> ()
        %dma_start3A = arith.constant 0 : i32
        %dma_start3A_39 = arith.constant 0 : i32
        %dma_start3A_40 = arith.constant 0 : i32
        %dma_start3A_41 = arith.constant 0 : i32
        %dma_start3A_42 = tpu.memref_slice %arg11[%dma_start3A_39, %dma_start3A_40, %dma_start3A_41] : memref<4x128x32xf32, #tpu.memory_space<vmem>> -> memref<1x128x32xf32, #tpu.memory_space<vmem>>
        %dma_start3A_43 = tpu.memref_squeeze %dma_start3A_42 : memref<1x128x32xf32, #tpu.memory_space<vmem>> -> memref<128x32xf32, #tpu.memory_space<vmem>>
        %dma_start3A_44 = arith.constant 0 : i32
        %dma_start3A_45 = tpu.memref_slice %arg9[%dma_start3A, %dma_start3A_44] : memref<4x128xi32, #tpu.memory_space<vmem>> -> memref<1x128xi32, #tpu.memory_space<vmem>>
        %dma_start3A_46 = tpu.memref_squeeze %dma_start3A_45 : memref<1x128xi32, #tpu.memory_space<vmem>> -> memref<128xi32, #tpu.memory_space<vmem>>
        %dma_start3A_47 = arith.constant 0 : i32
        %dma_start3A_48 = arith.constant 0 : i32
        %dma_start3A_49 = tpu.memref_slice %arg3[%dma_start3A_47, %dma_start3A_48] : memref<50000x32xf32, #tpu.memory_space<hbm>> -> memref<50000x32xf32, #tpu.memory_space<hbm>>
        tpu.enqueue_indirect_dma source(%dma_start3A_49 : memref<50000x32xf32, #tpu.memory_space<hbm>>) target(%dma_start3A_43 : memref<128x32xf32, #tpu.memory_space<vmem>>) offsets(%dma_start3A_46 : memref<128xi32, #tpu.memory_space<vmem>>) semaphore(%arg12 : memref<!tpu.dma_semaphore, #tpu.memory_space<semaphore_mem>>)
        %dma_start3A_50 = arith.constant 1 : i32
        %dma_start3A_51 = arith.constant 1 : i32
        %dma_start3A_52 = arith.constant 0 : i32
        %dma_start3A_53 = arith.constant 0 : i32
        %dma_start3A_54 = tpu.memref_slice %arg11[%dma_start3A_51, %dma_start3A_52, %dma_start3A_53] : memref<4x128x32xf32, #tpu.memory_space<vmem>> -> memref<1x128x32xf32, #tpu.memory_space<vmem>>
        %dma_start3A_55 = tpu.memref_squeeze %dma_start3A_54 : memref<1x128x32xf32, #tpu.memory_space<vmem>> -> memref<128x32xf32, #tpu.memory_space<vmem>>
        %dma_start3A_56 = arith.constant 0 : i32
        %dma_start3A_57 = tpu.memref_slice %arg9[%dma_start3A_50, %dma_start3A_56] : memref<4x128xi32, #tpu.memory_space<vmem>> -> memref<1x128xi32, #tpu.memory_space<vmem>>
        %dma_start3A_58 = tpu.memref_squeeze %dma_start3A_57 : memref<1x128xi32, #tpu.memory_space<vmem>> -> memref<128xi32, #tpu.memory_space<vmem>>
        %dma_start3A_59 = arith.constant 0 : i32
        %dma_start3A_60 = arith.constant 0 : i32
        %dma_start3A_61 = tpu.memref_slice %arg3[%dma_start3A_59, %dma_start3A_60] : memref<50000x32xf32, #tpu.memory_space<hbm>> -> memref<50000x32xf32, #tpu.memory_space<hbm>>
        tpu.enqueue_indirect_dma source(%dma_start3A_61 : memref<50000x32xf32, #tpu.memory_space<hbm>>) target(%dma_start3A_55 : memref<128x32xf32, #tpu.memory_space<vmem>>) offsets(%dma_start3A_58 : memref<128xi32, #tpu.memory_space<vmem>>) semaphore(%arg12 : memref<!tpu.dma_semaphore, #tpu.memory_space<semaphore_mem>>)
        %dma_start3A_62 = arith.constant 2 : i32
        %dma_start3A_63 = arith.constant 2 : i32
        %dma_start3A_64 = arith.constant 0 : i32
        %dma_start3A_65 = arith.constant 0 : i32
        %dma_start3A_66 = tpu.memref_slice %arg11[%dma_start3A_63, %dma_start3A_64, %dma_start3A_65] : memref<4x128x32xf32, #tpu.memory_space<vmem>> -> memref<1x128x32xf32, #tpu.memory_space<vmem>>
        %dma_start3A_67 = tpu.memref_squeeze %dma_start3A_66 : memref<1x128x32xf32, #tpu.memory_space<vmem>> -> memref<128x32xf32, #tpu.memory_space<vmem>>
        %dma_start3A_68 = arith.constant 0 : i32
        %dma_start3A_69 = tpu.memref_slice %arg9[%dma_start3A_62, %dma_start3A_68] : memref<4x128xi32, #tpu.memory_space<vmem>> -> memref<1x128xi32, #tpu.memory_space<vmem>>
        %dma_start3A_70 = tpu.memref_squeeze %dma_start3A_69 : memref<1x128xi32, #tpu.memory_space<vmem>> -> memref<128xi32, #tpu.memory_space<vmem>>
        %dma_start3A_71 = arith.constant 0 : i32
        %dma_start3A_72 = arith.constant 0 : i32
        %dma_start3A_73 = tpu.memref_slice %arg3[%dma_start3A_71, %dma_start3A_72] : memref<50000x32xf32, #tpu.memory_space<hbm>> -> memref<50000x32xf32, #tpu.memory_space<hbm>>
        tpu.enqueue_indirect_dma source(%dma_start3A_73 : memref<50000x32xf32, #tpu.memory_space<hbm>>) target(%dma_start3A_67 : memref<128x32xf32, #tpu.memory_space<vmem>>) offsets(%dma_start3A_70 : memref<128xi32, #tpu.memory_space<vmem>>) semaphore(%arg12 : memref<!tpu.dma_semaphore, #tpu.memory_space<semaphore_mem>>)
        %dma_start3A_74 = arith.constant 3 : i32
        %dma_start3A_75 = arith.constant 3 : i32
        %dma_start3A_76 = arith.constant 0 : i32
        %dma_start3A_77 = arith.constant 0 : i32
        %dma_start3A_78 = tpu.memref_slice %arg11[%dma_start3A_75, %dma_start3A_76, %dma_start3A_77] : memref<4x128x32xf32, #tpu.memory_space<vmem>> -> memref<1x128x32xf32, #tpu.memory_space<vmem>>
        %dma_start3A_79 = tpu.memref_squeeze %dma_start3A_78 : memref<1x128x32xf32, #tpu.memory_space<vmem>> -> memref<128x32xf32, #tpu.memory_space<vmem>>
        %dma_start3A_80 = arith.constant 0 : i32
        %dma_start3A_81 = tpu.memref_slice %arg9[%dma_start3A_74, %dma_start3A_80] : memref<4x128xi32, #tpu.memory_space<vmem>> -> memref<1x128xi32, #tpu.memory_space<vmem>>
        %dma_start3A_82 = tpu.memref_squeeze %dma_start3A_81 : memref<1x128xi32, #tpu.memory_space<vmem>> -> memref<128xi32, #tpu.memory_space<vmem>>
        %dma_start3A_83 = arith.constant 0 : i32
        %dma_start3A_84 = arith.constant 0 : i32
        %dma_start3A_85 = tpu.memref_slice %arg3[%dma_start3A_83, %dma_start3A_84] : memref<50000x32xf32, #tpu.memory_space<hbm>> -> memref<50000x32xf32, #tpu.memory_space<hbm>>
        tpu.enqueue_indirect_dma source(%dma_start3A_85 : memref<50000x32xf32, #tpu.memory_space<hbm>>) target(%dma_start3A_79 : memref<128x32xf32, #tpu.memory_space<vmem>>) offsets(%dma_start3A_82 : memref<128xi32, #tpu.memory_space<vmem>>) semaphore(%arg12 : memref<!tpu.dma_semaphore, #tpu.memory_space<semaphore_mem>>)
        %dma_wait3A = arith.constant 0 : i32
        %dma_wait3A_86 = arith.constant 0 : i32
        %dma_wait3A_87 = arith.constant 0 : i32
        %dma_wait3A_88 = arith.constant 0 : i32
        %dma_wait3A_89 = tpu.memref_slice %arg11[%dma_wait3A_86, %dma_wait3A_87, %dma_wait3A_88] : memref<4x128x32xf32, #tpu.memory_space<vmem>> -> memref<1x128x32xf32, #tpu.memory_space<vmem>>
        %dma_wait3A_90 = tpu.memref_squeeze %dma_wait3A_89 : memref<1x128x32xf32, #tpu.memory_space<vmem>> -> memref<128x32xf32, #tpu.memory_space<vmem>>
        %dma_wait3A_91 = arith.constant 0 : i32
        %dma_wait3A_92 = tpu.memref_slice %arg9[%dma_wait3A, %dma_wait3A_91] : memref<4x128xi32, #tpu.memory_space<vmem>> -> memref<1x128xi32, #tpu.memory_space<vmem>>
        %dma_wait3A_93 = tpu.memref_squeeze %dma_wait3A_92 : memref<1x128xi32, #tpu.memory_space<vmem>> -> memref<128xi32, #tpu.memory_space<vmem>>
        %dma_wait3A_94 = arith.constant 0 : i32
        %dma_wait3A_95 = arith.constant 0 : i32
        %dma_wait3A_96 = tpu.memref_slice %arg3[%dma_wait3A_94, %dma_wait3A_95] : memref<50000x32xf32, #tpu.memory_space<hbm>> -> memref<50000x32xf32, #tpu.memory_space<hbm>>
        tpu.wait_indirect_dma semaphore(%arg12 : memref<!tpu.dma_semaphore, #tpu.memory_space<semaphore_mem>>) src(%dma_wait3A_96 : memref<50000x32xf32, #tpu.memory_space<hbm>>) dst(%dma_wait3A_90 : memref<128x32xf32, #tpu.memory_space<vmem>>)
        %dma_wait3A_97 = arith.constant 1 : i32
        %dma_wait3A_98 = arith.constant 1 : i32
        %dma_wait3A_99 = arith.constant 0 : i32
        %dma_wait3A_100 = arith.constant 0 : i32
        %dma_wait3A_101 = tpu.memref_slice %arg11[%dma_wait3A_98, %dma_wait3A_99, %dma_wait3A_100] : memref<4x128x32xf32, #tpu.memory_space<vmem>> -> memref<1x128x32xf32, #tpu.memory_space<vmem>>
        %dma_wait3A_102 = tpu.memref_squeeze %dma_wait3A_101 : memref<1x128x32xf32, #tpu.memory_space<vmem>> -> memref<128x32xf32, #tpu.memory_space<vmem>>
        %dma_wait3A_103 = arith.constant 0 : i32
        %dma_wait3A_104 = tpu.memref_slice %arg9[%dma_wait3A_97, %dma_wait3A_103] : memref<4x128xi32, #tpu.memory_space<vmem>> -> memref<1x128xi32, #tpu.memory_space<vmem>>
        %dma_wait3A_105 = tpu.memref_squeeze %dma_wait3A_104 : memref<1x128xi32, #tpu.memory_space<vmem>> -> memref<128xi32, #tpu.memory_space<vmem>>
        %dma_wait3A_106 = arith.constant 0 : i32
        %dma_wait3A_107 = arith.constant 0 : i32
        %dma_wait3A_108 = tpu.memref_slice %arg3[%dma_wait3A_106, %dma_wait3A_107] : memref<50000x32xf32, #tpu.memory_space<hbm>> -> memref<50000x32xf32, #tpu.memory_space<hbm>>
        tpu.wait_indirect_dma semaphore(%arg12 : memref<!tpu.dma_semaphore, #tpu.memory_space<semaphore_mem>>) src(%dma_wait3A_108 : memref<50000x32xf32, #tpu.memory_space<hbm>>) dst(%dma_wait3A_102 : memref<128x32xf32, #tpu.memory_space<vmem>>)
        %dma_wait3A_109 = arith.constant 2 : i32
        %dma_wait3A_110 = arith.constant 2 : i32
        %dma_wait3A_111 = arith.constant 0 : i32
        %dma_wait3A_112 = arith.constant 0 : i32
        %dma_wait3A_113 = tpu.memref_slice %arg11[%dma_wait3A_110, %dma_wait3A_111, %dma_wait3A_112] : memref<4x128x32xf32, #tpu.memory_space<vmem>> -> memref<1x128x32xf32, #tpu.memory_space<vmem>>
        %dma_wait3A_114 = tpu.memref_squeeze %dma_wait3A_113 : memref<1x128x32xf32, #tpu.memory_space<vmem>> -> memref<128x32xf32, #tpu.memory_space<vmem>>
        %dma_wait3A_115 = arith.constant 0 : i32
        %dma_wait3A_116 = tpu.memref_slice %arg9[%dma_wait3A_109, %dma_wait3A_115] : memref<4x128xi32, #tpu.memory_space<vmem>> -> memref<1x128xi32, #tpu.memory_space<vmem>>
        %dma_wait3A_117 = tpu.memref_squeeze %dma_wait3A_116 : memref<1x128xi32, #tpu.memory_space<vmem>> -> memref<128xi32, #tpu.memory_space<vmem>>
        %dma_wait3A_118 = arith.constant 0 : i32
        %dma_wait3A_119 = arith.constant 0 : i32
        %dma_wait3A_120 = tpu.memref_slice %arg3[%dma_wait3A_118, %dma_wait3A_119] : memref<50000x32xf32, #tpu.memory_space<hbm>> -> memref<50000x32xf32, #tpu.memory_space<hbm>>
        tpu.wait_indirect_dma semaphore(%arg12 : memref<!tpu.dma_semaphore, #tpu.memory_space<semaphore_mem>>) src(%dma_wait3A_120 : memref<50000x32xf32, #tpu.memory_space<hbm>>) dst(%dma_wait3A_114 : memref<128x32xf32, #tpu.memory_space<vmem>>)
        %dma_wait3A_121 = arith.constant 3 : i32
        %dma_wait3A_122 = arith.constant 3 : i32
        %dma_wait3A_123 = arith.constant 0 : i32
        %dma_wait3A_124 = arith.constant 0 : i32
        %dma_wait3A_125 = tpu.memref_slice %arg11[%dma_wait3A_122, %dma_wait3A_123, %dma_wait3A_124] : memref<4x128x32xf32, #tpu.memory_space<vmem>> -> memref<1x128x32xf32, #tpu.memory_space<vmem>>
        %dma_wait3A_126 = tpu.memref_squeeze %dma_wait3A_125 : memref<1x128x32xf32, #tpu.memory_space<vmem>> -> memref<128x32xf32, #tpu.memory_space<vmem>>
        %dma_wait3A_127 = arith.constant 0 : i32
        %dma_wait3A_128 = tpu.memref_slice %arg9[%dma_wait3A_121, %dma_wait3A_127] : memref<4x128xi32, #tpu.memory_space<vmem>> -> memref<1x128xi32, #tpu.memory_space<vmem>>
        %dma_wait3A_129 = tpu.memref_squeeze %dma_wait3A_128 : memref<1x128xi32, #tpu.memory_space<vmem>> -> memref<128xi32, #tpu.memory_space<vmem>>
        %dma_wait3A_130 = arith.constant 0 : i32
        %dma_wait3A_131 = arith.constant 0 : i32
        %dma_wait3A_132 = tpu.memref_slice %arg3[%dma_wait3A_130, %dma_wait3A_131] : memref<50000x32xf32, #tpu.memory_space<hbm>> -> memref<50000x32xf32, #tpu.memory_space<hbm>>
        tpu.wait_indirect_dma semaphore(%arg12 : memref<!tpu.dma_semaphore, #tpu.memory_space<semaphore_mem>>) src(%dma_wait3A_132 : memref<50000x32xf32, #tpu.memory_space<hbm>>) dst(%dma_wait3A_126 : memref<128x32xf32, #tpu.memory_space<vmem>>)
        %dma_start3A_133 = arith.constant 0 : i32
        %dma_start3A_134 = arith.constant 0 : i32
        %dma_start3A_135 = arith.constant 0 : i32
        %dma_start3A_136 = arith.constant 0 : i32
        %dma_start3A_137 = tpu.memref_slice %arg11[%dma_start3A_133, %dma_start3A_135, %dma_start3A_136] : memref<4x128x32xf32, #tpu.memory_space<vmem>> -> memref<1x128x32xf32, #tpu.memory_space<vmem>>
        %dma_start3A_138 = tpu.memref_squeeze %dma_start3A_137 : memref<1x128x32xf32, #tpu.memory_space<vmem>> -> memref<128x32xf32, #tpu.memory_space<vmem>>
        %dma_start3A_139 = arith.constant 0 : i32
        %dma_start3A_140 = tpu.memref_slice %arg10[%dma_start3A_134, %dma_start3A_139] : memref<4x128xi32, #tpu.memory_space<vmem>> -> memref<1x128xi32, #tpu.memory_space<vmem>>
        %dma_start3A_141 = tpu.memref_squeeze %dma_start3A_140 : memref<1x128xi32, #tpu.memory_space<vmem>> -> memref<128xi32, #tpu.memory_space<vmem>>
        %dma_start3A_142 = arith.constant 0 : i32
        %dma_start3A_143 = arith.constant 0 : i32
        %dma_start3A_144 = tpu.memref_slice %arg8[%dma_start3A_142, %dma_start3A_143] : memref<50008x32xf32, #tpu.memory_space<vmem_shared>> -> memref<50008x32xf32, #tpu.memory_space<vmem_shared>>
        tpu.enqueue_indirect_dma source(%dma_start3A_138 : memref<128x32xf32, #tpu.memory_space<vmem>>) target(%dma_start3A_144 : memref<50008x32xf32, #tpu.memory_space<vmem_shared>>) offsets(%dma_start3A_141 : memref<128xi32, #tpu.memory_space<vmem>>) semaphore(%arg13 : memref<!tpu.dma_semaphore, #tpu.memory_space<semaphore_mem>>) {add = true}
        %dma_start3A_145 = arith.constant 1 : i32
        %dma_start3A_146 = arith.constant 1 : i32
        %dma_start3A_147 = arith.constant 0 : i32
        %dma_start3A_148 = arith.constant 0 : i32
        %dma_start3A_149 = tpu.memref_slice %arg11[%dma_start3A_145, %dma_start3A_147, %dma_start3A_148] : memref<4x128x32xf32, #tpu.memory_space<vmem>> -> memref<1x128x32xf32, #tpu.memory_space<vmem>>
        %dma_start3A_150 = tpu.memref_squeeze %dma_start3A_149 : memref<1x128x32xf32, #tpu.memory_space<vmem>> -> memref<128x32xf32, #tpu.memory_space<vmem>>
        %dma_start3A_151 = arith.constant 0 : i32
        %dma_start3A_152 = tpu.memref_slice %arg10[%dma_start3A_146, %dma_start3A_151] : memref<4x128xi32, #tpu.memory_space<vmem>> -> memref<1x128xi32, #tpu.memory_space<vmem>>
        %dma_start3A_153 = tpu.memref_squeeze %dma_start3A_152 : memref<1x128xi32, #tpu.memory_space<vmem>> -> memref<128xi32, #tpu.memory_space<vmem>>
        %dma_start3A_154 = arith.constant 0 : i32
        %dma_start3A_155 = arith.constant 0 : i32
        %dma_start3A_156 = tpu.memref_slice %arg8[%dma_start3A_154, %dma_start3A_155] : memref<50008x32xf32, #tpu.memory_space<vmem_shared>> -> memref<50008x32xf32, #tpu.memory_space<vmem_shared>>
        tpu.enqueue_indirect_dma source(%dma_start3A_150 : memref<128x32xf32, #tpu.memory_space<vmem>>) target(%dma_start3A_156 : memref<50008x32xf32, #tpu.memory_space<vmem_shared>>) offsets(%dma_start3A_153 : memref<128xi32, #tpu.memory_space<vmem>>) semaphore(%arg13 : memref<!tpu.dma_semaphore, #tpu.memory_space<semaphore_mem>>) {add = true}
        %dma_start3A_157 = arith.constant 2 : i32
        %dma_start3A_158 = arith.constant 2 : i32
        %dma_start3A_159 = arith.constant 0 : i32
        %dma_start3A_160 = arith.constant 0 : i32
        %dma_start3A_161 = tpu.memref_slice %arg11[%dma_start3A_157, %dma_start3A_159, %dma_start3A_160] : memref<4x128x32xf32, #tpu.memory_space<vmem>> -> memref<1x128x32xf32, #tpu.memory_space<vmem>>
        %dma_start3A_162 = tpu.memref_squeeze %dma_start3A_161 : memref<1x128x32xf32, #tpu.memory_space<vmem>> -> memref<128x32xf32, #tpu.memory_space<vmem>>
        %dma_start3A_163 = arith.constant 0 : i32
        %dma_start3A_164 = tpu.memref_slice %arg10[%dma_start3A_158, %dma_start3A_163] : memref<4x128xi32, #tpu.memory_space<vmem>> -> memref<1x128xi32, #tpu.memory_space<vmem>>
        %dma_start3A_165 = tpu.memref_squeeze %dma_start3A_164 : memref<1x128xi32, #tpu.memory_space<vmem>> -> memref<128xi32, #tpu.memory_space<vmem>>
        %dma_start3A_166 = arith.constant 0 : i32
        %dma_start3A_167 = arith.constant 0 : i32
        %dma_start3A_168 = tpu.memref_slice %arg8[%dma_start3A_166, %dma_start3A_167] : memref<50008x32xf32, #tpu.memory_space<vmem_shared>> -> memref<50008x32xf32, #tpu.memory_space<vmem_shared>>
        tpu.enqueue_indirect_dma source(%dma_start3A_162 : memref<128x32xf32, #tpu.memory_space<vmem>>) target(%dma_start3A_168 : memref<50008x32xf32, #tpu.memory_space<vmem_shared>>) offsets(%dma_start3A_165 : memref<128xi32, #tpu.memory_space<vmem>>) semaphore(%arg13 : memref<!tpu.dma_semaphore, #tpu.memory_space<semaphore_mem>>) {add = true}
        %dma_start3A_169 = arith.constant 3 : i32
        %dma_start3A_170 = arith.constant 3 : i32
        %dma_start3A_171 = arith.constant 0 : i32
        %dma_start3A_172 = arith.constant 0 : i32
        %dma_start3A_173 = tpu.memref_slice %arg11[%dma_start3A_169, %dma_start3A_171, %dma_start3A_172] : memref<4x128x32xf32, #tpu.memory_space<vmem>> -> memref<1x128x32xf32, #tpu.memory_space<vmem>>
        %dma_start3A_174 = tpu.memref_squeeze %dma_start3A_173 : memref<1x128x32xf32, #tpu.memory_space<vmem>> -> memref<128x32xf32, #tpu.memory_space<vmem>>
        %dma_start3A_175 = arith.constant 0 : i32
        %dma_start3A_176 = tpu.memref_slice %arg10[%dma_start3A_170, %dma_start3A_175] : memref<4x128xi32, #tpu.memory_space<vmem>> -> memref<1x128xi32, #tpu.memory_space<vmem>>
        %dma_start3A_177 = tpu.memref_squeeze %dma_start3A_176 : memref<1x128xi32, #tpu.memory_space<vmem>> -> memref<128xi32, #tpu.memory_space<vmem>>
        %dma_start3A_178 = arith.constant 0 : i32
        %dma_start3A_179 = arith.constant 0 : i32
        %dma_start3A_180 = tpu.memref_slice %arg8[%dma_start3A_178, %dma_start3A_179] : memref<50008x32xf32, #tpu.memory_space<vmem_shared>> -> memref<50008x32xf32, #tpu.memory_space<vmem_shared>>
        tpu.enqueue_indirect_dma source(%dma_start3A_174 : memref<128x32xf32, #tpu.memory_space<vmem>>) target(%dma_start3A_180 : memref<50008x32xf32, #tpu.memory_space<vmem_shared>>) offsets(%dma_start3A_177 : memref<128xi32, #tpu.memory_space<vmem>>) semaphore(%arg13 : memref<!tpu.dma_semaphore, #tpu.memory_space<semaphore_mem>>) {add = true}
        %dma_wait3A_181 = arith.constant 0 : i32
        %dma_wait3A_182 = arith.constant 0 : i32
        %dma_wait3A_183 = arith.constant 0 : i32
        %dma_wait3A_184 = arith.constant 0 : i32
        %dma_wait3A_185 = tpu.memref_slice %arg11[%dma_wait3A_181, %dma_wait3A_183, %dma_wait3A_184] : memref<4x128x32xf32, #tpu.memory_space<vmem>> -> memref<1x128x32xf32, #tpu.memory_space<vmem>>
        %dma_wait3A_186 = tpu.memref_squeeze %dma_wait3A_185 : memref<1x128x32xf32, #tpu.memory_space<vmem>> -> memref<128x32xf32, #tpu.memory_space<vmem>>
        %dma_wait3A_187 = arith.constant 0 : i32
        %dma_wait3A_188 = tpu.memref_slice %arg10[%dma_wait3A_182, %dma_wait3A_187] : memref<4x128xi32, #tpu.memory_space<vmem>> -> memref<1x128xi32, #tpu.memory_space<vmem>>
        %dma_wait3A_189 = tpu.memref_squeeze %dma_wait3A_188 : memref<1x128xi32, #tpu.memory_space<vmem>> -> memref<128xi32, #tpu.memory_space<vmem>>
        %dma_wait3A_190 = arith.constant 0 : i32
        %dma_wait3A_191 = arith.constant 0 : i32
        %dma_wait3A_192 = tpu.memref_slice %arg8[%dma_wait3A_190, %dma_wait3A_191] : memref<50008x32xf32, #tpu.memory_space<vmem_shared>> -> memref<50008x32xf32, #tpu.memory_space<vmem_shared>>
        tpu.wait_indirect_dma semaphore(%arg13 : memref<!tpu.dma_semaphore, #tpu.memory_space<semaphore_mem>>) src(%dma_wait3A_186 : memref<128x32xf32, #tpu.memory_space<vmem>>) dst(%dma_wait3A_192 : memref<50008x32xf32, #tpu.memory_space<vmem_shared>>)
        %dma_wait3A_193 = arith.constant 1 : i32
        %dma_wait3A_194 = arith.constant 1 : i32
        %dma_wait3A_195 = arith.constant 0 : i32
        %dma_wait3A_196 = arith.constant 0 : i32
        %dma_wait3A_197 = tpu.memref_slice %arg11[%dma_wait3A_193, %dma_wait3A_195, %dma_wait3A_196] : memref<4x128x32xf32, #tpu.memory_space<vmem>> -> memref<1x128x32xf32, #tpu.memory_space<vmem>>
        %dma_wait3A_198 = tpu.memref_squeeze %dma_wait3A_197 : memref<1x128x32xf32, #tpu.memory_space<vmem>> -> memref<128x32xf32, #tpu.memory_space<vmem>>
        %dma_wait3A_199 = arith.constant 0 : i32
        %dma_wait3A_200 = tpu.memref_slice %arg10[%dma_wait3A_194, %dma_wait3A_199] : memref<4x128xi32, #tpu.memory_space<vmem>> -> memref<1x128xi32, #tpu.memory_space<vmem>>
        %dma_wait3A_201 = tpu.memref_squeeze %dma_wait3A_200 : memref<1x128xi32, #tpu.memory_space<vmem>> -> memref<128xi32, #tpu.memory_space<vmem>>
        %dma_wait3A_202 = arith.constant 0 : i32
        %dma_wait3A_203 = arith.constant 0 : i32
        %dma_wait3A_204 = tpu.memref_slice %arg8[%dma_wait3A_202, %dma_wait3A_203] : memref<50008x32xf32, #tpu.memory_space<vmem_shared>> -> memref<50008x32xf32, #tpu.memory_space<vmem_shared>>
        tpu.wait_indirect_dma semaphore(%arg13 : memref<!tpu.dma_semaphore, #tpu.memory_space<semaphore_mem>>) src(%dma_wait3A_198 : memref<128x32xf32, #tpu.memory_space<vmem>>) dst(%dma_wait3A_204 : memref<50008x32xf32, #tpu.memory_space<vmem_shared>>)
        %dma_wait3A_205 = arith.constant 2 : i32
        %dma_wait3A_206 = arith.constant 2 : i32
        %dma_wait3A_207 = arith.constant 0 : i32
        %dma_wait3A_208 = arith.constant 0 : i32
        %dma_wait3A_209 = tpu.memref_slice %arg11[%dma_wait3A_205, %dma_wait3A_207, %dma_wait3A_208] : memref<4x128x32xf32, #tpu.memory_space<vmem>> -> memref<1x128x32xf32, #tpu.memory_space<vmem>>
        %dma_wait3A_210 = tpu.memref_squeeze %dma_wait3A_209 : memref<1x128x32xf32, #tpu.memory_space<vmem>> -> memref<128x32xf32, #tpu.memory_space<vmem>>
        %dma_wait3A_211 = arith.constant 0 : i32
        %dma_wait3A_212 = tpu.memref_slice %arg10[%dma_wait3A_206, %dma_wait3A_211] : memref<4x128xi32, #tpu.memory_space<vmem>> -> memref<1x128xi32, #tpu.memory_space<vmem>>
        %dma_wait3A_213 = tpu.memref_squeeze %dma_wait3A_212 : memref<1x128xi32, #tpu.memory_space<vmem>> -> memref<128xi32, #tpu.memory_space<vmem>>
        %dma_wait3A_214 = arith.constant 0 : i32
        %dma_wait3A_215 = arith.constant 0 : i32
        %dma_wait3A_216 = tpu.memref_slice %arg8[%dma_wait3A_214, %dma_wait3A_215] : memref<50008x32xf32, #tpu.memory_space<vmem_shared>> -> memref<50008x32xf32, #tpu.memory_space<vmem_shared>>
        tpu.wait_indirect_dma semaphore(%arg13 : memref<!tpu.dma_semaphore, #tpu.memory_space<semaphore_mem>>) src(%dma_wait3A_210 : memref<128x32xf32, #tpu.memory_space<vmem>>) dst(%dma_wait3A_216 : memref<50008x32xf32, #tpu.memory_space<vmem_shared>>)
        %dma_wait3A_217 = arith.constant 3 : i32
        %dma_wait3A_218 = arith.constant 3 : i32
        %dma_wait3A_219 = arith.constant 0 : i32
        %dma_wait3A_220 = arith.constant 0 : i32
        %dma_wait3A_221 = tpu.memref_slice %arg11[%dma_wait3A_217, %dma_wait3A_219, %dma_wait3A_220] : memref<4x128x32xf32, #tpu.memory_space<vmem>> -> memref<1x128x32xf32, #tpu.memory_space<vmem>>
        %dma_wait3A_222 = tpu.memref_squeeze %dma_wait3A_221 : memref<1x128x32xf32, #tpu.memory_space<vmem>> -> memref<128x32xf32, #tpu.memory_space<vmem>>
        %dma_wait3A_223 = arith.constant 0 : i32
        %dma_wait3A_224 = tpu.memref_slice %arg10[%dma_wait3A_218, %dma_wait3A_223] : memref<4x128xi32, #tpu.memory_space<vmem>> -> memref<1x128xi32, #tpu.memory_space<vmem>>
        %dma_wait3A_225 = tpu.memref_squeeze %dma_wait3A_224 : memref<1x128xi32, #tpu.memory_space<vmem>> -> memref<128xi32, #tpu.memory_space<vmem>>
        %dma_wait3A_226 = arith.constant 0 : i32
        %dma_wait3A_227 = arith.constant 0 : i32
        %dma_wait3A_228 = tpu.memref_slice %arg8[%dma_wait3A_226, %dma_wait3A_227] : memref<50008x32xf32, #tpu.memory_space<vmem_shared>> -> memref<50008x32xf32, #tpu.memory_space<vmem_shared>>
        tpu.wait_indirect_dma semaphore(%arg13 : memref<!tpu.dma_semaphore, #tpu.memory_space<semaphore_mem>>) src(%dma_wait3A_222 : memref<128x32xf32, #tpu.memory_space<vmem>>) dst(%dma_wait3A_228 : memref<50008x32xf32, #tpu.memory_space<vmem_shared>>)
      }
      %scan3A_35 = arith.constant 98 : i32
    } else {
    }
    %barrier3A_20 = arith.constant 0 : index
    tpu.barrier barrier_id(%barrier3A_20)
    %eq3A_21 = arith.constant 0 : i32
    %eq3A_22 = arith.cmpi eq, %arg0, %eq3A_21 : i32
    %convert_element_type3A_23 = arith.extui %eq3A_22 : i1 to i32
    %cond3A_24 = arith.constant 0 : i32
    %cond3A_25 = arith.cmpi ne, %convert_element_type3A_23, %cond3A_24 : i32
    scf.if %cond3A_25 {
      "tpu.region"() ({
        %run_scoped3A = tpu.sem_alloc : memref<!tpu.dma_semaphore, #tpu.memory_space<semaphore_mem>>
        %dma_start3A = arith.constant 0 : i32
        %dma_start3A_31 = tpu.memref_slice %arg6[%mul3A_0, %dma_start3A] : memref<50000x32xf32, #tpu.memory_space<hbm>> -> memref<3125x32xf32, #tpu.memory_space<hbm>>
        %dma_start3A_32 = arith.constant 0 : i32
        %dma_start3A_33 = tpu.memref_slice %arg8[%mul3A_0, %dma_start3A_32] : memref<50008x32xf32, #tpu.memory_space<vmem_shared>> -> memref<3125x32xf32, #tpu.memory_space<vmem_shared>>
        tpu.enqueue_dma source(%dma_start3A_33 : memref<3125x32xf32, #tpu.memory_space<vmem_shared>>) target(%dma_start3A_31 : memref<3125x32xf32, #tpu.memory_space<hbm>>) target_semaphore(%run_scoped3A : memref<!tpu.dma_semaphore, #tpu.memory_space<semaphore_mem>>)
        %dma_wait3A = arith.constant 0 : i32
        %dma_wait3A_34 = tpu.memref_slice %arg6[%mul3A_0, %dma_wait3A] : memref<50000x32xf32, #tpu.memory_space<hbm>> -> memref<3125x32xf32, #tpu.memory_space<hbm>>
        %dma_wait3A_35 = arith.constant 0 : i32
        %dma_wait3A_36 = tpu.memref_slice %arg8[%mul3A_0, %dma_wait3A_35] : memref<50008x32xf32, #tpu.memory_space<vmem_shared>> -> memref<3125x32xf32, #tpu.memory_space<vmem_shared>>
        tpu.wait_dma2 semaphore(%run_scoped3A : memref<!tpu.dma_semaphore, #tpu.memory_space<semaphore_mem>>) src(%dma_wait3A_36 : memref<3125x32xf32, #tpu.memory_space<vmem_shared>>) dst(%dma_wait3A_34 : memref<3125x32xf32, #tpu.memory_space<hbm>>)
        tpu.yield
      }) : () -> ()
    } else {
    }
    %eq3A_26 = arith.constant 1 : i32
    %eq3A_27 = arith.cmpi eq, %arg0, %eq3A_26 : i32
    %convert_element_type3A_28 = arith.extui %eq3A_27 : i1 to i32
    %cond3A_29 = arith.constant 0 : i32
    %cond3A_30 = arith.cmpi ne, %convert_element_type3A_28, %cond3A_29 : i32
    scf.if %cond3A_30 {
      "tpu.region"() ({
        %run_scoped3A = tpu.sem_alloc : memref<!tpu.dma_semaphore, #tpu.memory_space<semaphore_mem>>
        %dma_start3A = arith.constant 0 : i32
        %dma_start3A_31 = tpu.memref_slice %arg7[%mul3A_0, %dma_start3A] : memref<50000x32xf32, #tpu.memory_space<hbm>> -> memref<3125x32xf32, #tpu.memory_space<hbm>>
        %dma_start3A_32 = arith.constant 0 : i32
        %dma_start3A_33 = tpu.memref_slice %arg8[%mul3A_0, %dma_start3A_32] : memref<50008x32xf32, #tpu.memory_space<vmem_shared>> -> memref<3125x32xf32, #tpu.memory_space<vmem_shared>>
        tpu.enqueue_dma source(%dma_start3A_33 : memref<3125x32xf32, #tpu.memory_space<vmem_shared>>) target(%dma_start3A_31 : memref<3125x32xf32, #tpu.memory_space<hbm>>) target_semaphore(%run_scoped3A : memref<!tpu.dma_semaphore, #tpu.memory_space<semaphore_mem>>)
        %dma_wait3A = arith.constant 0 : i32
        %dma_wait3A_34 = tpu.memref_slice %arg7[%mul3A_0, %dma_wait3A] : memref<50000x32xf32, #tpu.memory_space<hbm>> -> memref<3125x32xf32, #tpu.memory_space<hbm>>
        %dma_wait3A_35 = arith.constant 0 : i32
        %dma_wait3A_36 = tpu.memref_slice %arg8[%mul3A_0, %dma_wait3A_35] : memref<50008x32xf32, #tpu.memory_space<vmem_shared>> -> memref<3125x32xf32, #tpu.memory_space<vmem_shared>>
        tpu.wait_dma2 semaphore(%run_scoped3A : memref<!tpu.dma_semaphore, #tpu.memory_space<semaphore_mem>>) src(%dma_wait3A_36 : memref<3125x32xf32, #tpu.memory_space<vmem_shared>>) dst(%dma_wait3A_34 : memref<3125x32xf32, #tpu.memory_space<hbm>>)
        tpu.yield
      }) : () -> ()
    } else {
    }
    return
  }
}

#map = affine_map<(d0, d1) -> (0, 0)>
#map1 = affine_map<(d0, d1) -> (0, 0, 0)>
module attributes {stable_mosaic.version = 14 : i64} {
  func.func @_pool_body(%arg0: i32, %arg1: i32, %arg2: memref<50000x64xf32, #tpu.memory_space<hbm>>, %arg3: memref<3125x16xi32, #tpu.memory_space<hbm>>, %arg4: memref<512x64xf32, #tpu.memory_space<hbm>>, %arg5: memref<2x512x64xf32, #tpu.memory_space<hbm>>, %arg6: memref<512x64xf32, #tpu.memory_space<vmem_shared>>, %arg7: memref<16xi32, #tpu.memory_space<vmem>>, %arg8: memref<16x64xf32, #tpu.memory_space<vmem>>) attributes {dimension_semantics = [#tpu.dimension_semantics<core_parallel>, #tpu.dimension_semantics<subcore_parallel>], iteration_bounds = array<i64: 2, 16>, scalar_prefetch = 0 : i64, scratch_operands = 3 : i64, tpu.core_type = #tpu.core_type<sc_vector_subcore>, window_params = [{transform_indices = #map}, {transform_indices = #map}, {transform_indices = #map}, {transform_indices = #map1}]} {
    %mul3A = arith.constant 32 : i32
    %mul3A_0 = arith.muli %arg1, %mul3A : i32
    "tpu.region"() ({
      %run_scoped3A = tpu.sem_alloc : memref<!tpu.dma_semaphore, #tpu.memory_space<semaphore_mem>>
      %dma_start3A = arith.constant 0 : i32
      %dma_start3A_20 = tpu.memref_slice %arg6[%mul3A_0, %dma_start3A] : memref<512x64xf32, #tpu.memory_space<vmem_shared>> -> memref<32x64xf32, #tpu.memory_space<vmem_shared>>
      %dma_start3A_21 = arith.constant 0 : i32
      %dma_start3A_22 = tpu.memref_slice %arg4[%mul3A_0, %dma_start3A_21] : memref<512x64xf32, #tpu.memory_space<hbm>> -> memref<32x64xf32, #tpu.memory_space<hbm>>
      tpu.enqueue_dma source(%dma_start3A_22 : memref<32x64xf32, #tpu.memory_space<hbm>>) target(%dma_start3A_20 : memref<32x64xf32, #tpu.memory_space<vmem_shared>>) target_semaphore(%run_scoped3A : memref<!tpu.dma_semaphore, #tpu.memory_space<semaphore_mem>>)
      %dma_wait3A = arith.constant 0 : i32
      %dma_wait3A_23 = tpu.memref_slice %arg6[%mul3A_0, %dma_wait3A] : memref<512x64xf32, #tpu.memory_space<vmem_shared>> -> memref<32x64xf32, #tpu.memory_space<vmem_shared>>
      %dma_wait3A_24 = arith.constant 0 : i32
      %dma_wait3A_25 = tpu.memref_slice %arg4[%mul3A_0, %dma_wait3A_24] : memref<512x64xf32, #tpu.memory_space<hbm>> -> memref<32x64xf32, #tpu.memory_space<hbm>>
      tpu.wait_dma2 semaphore(%run_scoped3A : memref<!tpu.dma_semaphore, #tpu.memory_space<semaphore_mem>>) src(%dma_wait3A_25 : memref<32x64xf32, #tpu.memory_space<hbm>>) dst(%dma_wait3A_23 : memref<32x64xf32, #tpu.memory_space<vmem_shared>>)
      tpu.yield
    }) : () -> ()
    %barrier3A = arith.constant 0 : index
    tpu.barrier barrier_id(%barrier3A)
    %mul3A_1 = arith.constant 16 : i32
    %mul3A_2 = arith.muli %arg0, %mul3A_1 : i32
    %add3A = arith.addi %mul3A_2, %arg1 : i32
    %mul3A_3 = arith.constant 97 : i32
    %mul3A_4 = arith.muli %add3A, %mul3A_3 : i32
    %min3A = arith.constant 21 : i32
    %min3A_5 = arith.minsi %add3A, %min3A : i32
    %add3A_6 = arith.addi %mul3A_4, %min3A_5 : i32
    %lt3A = arith.constant 21 : i32
    %lt3A_7 = arith.cmpi slt, %add3A, %lt3A : i32
    %convert_element_type3A = arith.extui %lt3A_7 : i1 to i32
    %add3A_8 = arith.constant 97 : i32
    %add3A_9 = arith.addi %add3A_8, %convert_element_type3A : i32
    %add3A_10 = arith.addi %add3A_6, %add3A_9 : i32
    %while3A = arith.constant 0 : i32
    %while3A_11 = arith.subi %add3A_10, %add3A_6 : i32
    %while3A_12 = arith.addi %add3A_6, %while3A_11 : i32
    %while3A_13 = arith.constant 1 : i32
    %while3A_14 = arith.divsi %while3A_11, %while3A_13 : i32
    %while3A_15 = arith.muli %while3A_14, %while3A_13 : i32
    %while3A_16 = arith.addi %add3A_6, %while3A_15 : i32
    %while3A_17 = arith.constant 1 : i32
    scf.for %while3A_20 = %add3A_6 to %while3A_16 step %while3A_17  : i32 {
      "tpu.region"() ({
        %run_scoped3A = tpu.sem_alloc : memref<!tpu.dma_semaphore, #tpu.memory_space<semaphore_mem>>
        %dma_start3A = arith.constant 0 : i32
        %dma_start3A_23 = tpu.memref_slice %arg3[%while3A_20, %dma_start3A] : memref<3125x16xi32, #tpu.memory_space<hbm>> -> memref<1x16xi32, #tpu.memory_space<hbm>>
        %dma_start3A_24 = tpu.memref_squeeze %dma_start3A_23 : memref<1x16xi32, #tpu.memory_space<hbm>> -> memref<16xi32, #tpu.memory_space<hbm>>
        %dma_start3A_25 = arith.constant 0 : i32
        %dma_start3A_26 = tpu.memref_slice %arg3[%while3A_20, %dma_start3A_25] : memref<3125x16xi32, #tpu.memory_space<hbm>> -> memref<1x16xi32, #tpu.memory_space<hbm>>
        %dma_start3A_27 = tpu.memref_squeeze %dma_start3A_26 : memref<1x16xi32, #tpu.memory_space<hbm>> -> memref<16xi32, #tpu.memory_space<hbm>>
        tpu.enqueue_dma source(%dma_start3A_27 : memref<16xi32, #tpu.memory_space<hbm>>) target(%arg7 : memref<16xi32, #tpu.memory_space<vmem>>) target_semaphore(%run_scoped3A : memref<!tpu.dma_semaphore, #tpu.memory_space<semaphore_mem>>)
        %dma_wait3A = arith.constant 0 : i32
        %dma_wait3A_28 = tpu.memref_slice %arg3[%while3A_20, %dma_wait3A] : memref<3125x16xi32, #tpu.memory_space<hbm>> -> memref<1x16xi32, #tpu.memory_space<hbm>>
        %dma_wait3A_29 = tpu.memref_squeeze %dma_wait3A_28 : memref<1x16xi32, #tpu.memory_space<hbm>> -> memref<16xi32, #tpu.memory_space<hbm>>
        %dma_wait3A_30 = arith.constant 0 : i32
        %dma_wait3A_31 = tpu.memref_slice %arg3[%while3A_20, %dma_wait3A_30] : memref<3125x16xi32, #tpu.memory_space<hbm>> -> memref<1x16xi32, #tpu.memory_space<hbm>>
        %dma_wait3A_32 = tpu.memref_squeeze %dma_wait3A_31 : memref<1x16xi32, #tpu.memory_space<hbm>> -> memref<16xi32, #tpu.memory_space<hbm>>
        tpu.wait_dma2 semaphore(%run_scoped3A : memref<!tpu.dma_semaphore, #tpu.memory_space<semaphore_mem>>) src(%dma_wait3A_32 : memref<16xi32, #tpu.memory_space<hbm>>) dst(%arg7 : memref<16xi32, #tpu.memory_space<vmem>>)
        tpu.yield
      }) : () -> ()
      %mul3A_21 = arith.constant 16 : i32
      %mul3A_22 = arith.muli %while3A_20, %mul3A_21 : i32
      "tpu.region"() ({
        %run_scoped3A = tpu.sem_alloc : memref<!tpu.dma_semaphore, #tpu.memory_space<semaphore_mem>>
        %dma_start3A = arith.constant 0 : i32
        %dma_start3A_23 = tpu.memref_slice %arg2[%mul3A_22, %dma_start3A] : memref<50000x64xf32, #tpu.memory_space<hbm>> -> memref<16x64xf32, #tpu.memory_space<hbm>>
        %dma_start3A_24 = arith.constant 0 : i32
        %dma_start3A_25 = tpu.memref_slice %arg2[%mul3A_22, %dma_start3A_24] : memref<50000x64xf32, #tpu.memory_space<hbm>> -> memref<16x64xf32, #tpu.memory_space<hbm>>
        tpu.enqueue_dma source(%dma_start3A_25 : memref<16x64xf32, #tpu.memory_space<hbm>>) target(%arg8 : memref<16x64xf32, #tpu.memory_space<vmem>>) target_semaphore(%run_scoped3A : memref<!tpu.dma_semaphore, #tpu.memory_space<semaphore_mem>>)
        %dma_wait3A = arith.constant 0 : i32
        %dma_wait3A_26 = tpu.memref_slice %arg2[%mul3A_22, %dma_wait3A] : memref<50000x64xf32, #tpu.memory_space<hbm>> -> memref<16x64xf32, #tpu.memory_space<hbm>>
        %dma_wait3A_27 = arith.constant 0 : i32
        %dma_wait3A_28 = tpu.memref_slice %arg2[%mul3A_22, %dma_wait3A_27] : memref<50000x64xf32, #tpu.memory_space<hbm>> -> memref<16x64xf32, #tpu.memory_space<hbm>>
        tpu.wait_dma2 semaphore(%run_scoped3A : memref<!tpu.dma_semaphore, #tpu.memory_space<semaphore_mem>>) src(%dma_wait3A_28 : memref<16x64xf32, #tpu.memory_space<hbm>>) dst(%arg8 : memref<16x64xf32, #tpu.memory_space<vmem>>)
        tpu.yield
      }) : () -> ()
      "tpu.region"() ({
        %run_scoped3A = tpu.sem_alloc : memref<!tpu.dma_semaphore, #tpu.memory_space<semaphore_mem>>
        %dma_start3A = arith.constant 0 : i32
        %dma_start3A_23 = arith.constant 0 : i32
        %dma_start3A_24 = tpu.memref_slice %arg6[%dma_start3A, %dma_start3A_23] : memref<512x64xf32, #tpu.memory_space<vmem_shared>> -> memref<512x64xf32, #tpu.memory_space<vmem_shared>>
        tpu.enqueue_indirect_dma source(%arg8 : memref<16x64xf32, #tpu.memory_space<vmem>>) target(%dma_start3A_24 : memref<512x64xf32, #tpu.memory_space<vmem_shared>>) offsets(%arg7 : memref<16xi32, #tpu.memory_space<vmem>>) semaphore(%run_scoped3A : memref<!tpu.dma_semaphore, #tpu.memory_space<semaphore_mem>>) {add = true}
        %dma_wait3A = arith.constant 0 : i32
        %dma_wait3A_25 = arith.constant 0 : i32
        %dma_wait3A_26 = tpu.memref_slice %arg6[%dma_wait3A, %dma_wait3A_25] : memref<512x64xf32, #tpu.memory_space<vmem_shared>> -> memref<512x64xf32, #tpu.memory_space<vmem_shared>>
        tpu.wait_indirect_dma semaphore(%run_scoped3A : memref<!tpu.dma_semaphore, #tpu.memory_space<semaphore_mem>>) src(%arg8 : memref<16x64xf32, #tpu.memory_space<vmem>>) dst(%dma_wait3A_26 : memref<512x64xf32, #tpu.memory_space<vmem_shared>>)
        tpu.yield
      }) : () -> ()
    }
    %while3A_18 = arith.constant 1 : i32
    scf.for %while3A_20 = %while3A_16 to %while3A_12 step %while3A_18  : i32 {
      "tpu.region"() ({
        %run_scoped3A = tpu.sem_alloc : memref<!tpu.dma_semaphore, #tpu.memory_space<semaphore_mem>>
        %dma_start3A = arith.constant 0 : i32
        %dma_start3A_23 = tpu.memref_slice %arg3[%while3A_20, %dma_start3A] : memref<3125x16xi32, #tpu.memory_space<hbm>> -> memref<1x16xi32, #tpu.memory_space<hbm>>
        %dma_start3A_24 = tpu.memref_squeeze %dma_start3A_23 : memref<1x16xi32, #tpu.memory_space<hbm>> -> memref<16xi32, #tpu.memory_space<hbm>>
        %dma_start3A_25 = arith.constant 0 : i32
        %dma_start3A_26 = tpu.memref_slice %arg3[%while3A_20, %dma_start3A_25] : memref<3125x16xi32, #tpu.memory_space<hbm>> -> memref<1x16xi32, #tpu.memory_space<hbm>>
        %dma_start3A_27 = tpu.memref_squeeze %dma_start3A_26 : memref<1x16xi32, #tpu.memory_space<hbm>> -> memref<16xi32, #tpu.memory_space<hbm>>
        tpu.enqueue_dma source(%dma_start3A_27 : memref<16xi32, #tpu.memory_space<hbm>>) target(%arg7 : memref<16xi32, #tpu.memory_space<vmem>>) target_semaphore(%run_scoped3A : memref<!tpu.dma_semaphore, #tpu.memory_space<semaphore_mem>>)
        %dma_wait3A = arith.constant 0 : i32
        %dma_wait3A_28 = tpu.memref_slice %arg3[%while3A_20, %dma_wait3A] : memref<3125x16xi32, #tpu.memory_space<hbm>> -> memref<1x16xi32, #tpu.memory_space<hbm>>
        %dma_wait3A_29 = tpu.memref_squeeze %dma_wait3A_28 : memref<1x16xi32, #tpu.memory_space<hbm>> -> memref<16xi32, #tpu.memory_space<hbm>>
        %dma_wait3A_30 = arith.constant 0 : i32
        %dma_wait3A_31 = tpu.memref_slice %arg3[%while3A_20, %dma_wait3A_30] : memref<3125x16xi32, #tpu.memory_space<hbm>> -> memref<1x16xi32, #tpu.memory_space<hbm>>
        %dma_wait3A_32 = tpu.memref_squeeze %dma_wait3A_31 : memref<1x16xi32, #tpu.memory_space<hbm>> -> memref<16xi32, #tpu.memory_space<hbm>>
        tpu.wait_dma2 semaphore(%run_scoped3A : memref<!tpu.dma_semaphore, #tpu.memory_space<semaphore_mem>>) src(%dma_wait3A_32 : memref<16xi32, #tpu.memory_space<hbm>>) dst(%arg7 : memref<16xi32, #tpu.memory_space<vmem>>)
        tpu.yield
      }) : () -> ()
      %mul3A_21 = arith.constant 16 : i32
      %mul3A_22 = arith.muli %while3A_20, %mul3A_21 : i32
      "tpu.region"() ({
        %run_scoped3A = tpu.sem_alloc : memref<!tpu.dma_semaphore, #tpu.memory_space<semaphore_mem>>
        %dma_start3A = arith.constant 0 : i32
        %dma_start3A_23 = tpu.memref_slice %arg2[%mul3A_22, %dma_start3A] : memref<50000x64xf32, #tpu.memory_space<hbm>> -> memref<16x64xf32, #tpu.memory_space<hbm>>
        %dma_start3A_24 = arith.constant 0 : i32
        %dma_start3A_25 = tpu.memref_slice %arg2[%mul3A_22, %dma_start3A_24] : memref<50000x64xf32, #tpu.memory_space<hbm>> -> memref<16x64xf32, #tpu.memory_space<hbm>>
        tpu.enqueue_dma source(%dma_start3A_25 : memref<16x64xf32, #tpu.memory_space<hbm>>) target(%arg8 : memref<16x64xf32, #tpu.memory_space<vmem>>) target_semaphore(%run_scoped3A : memref<!tpu.dma_semaphore, #tpu.memory_space<semaphore_mem>>)
        %dma_wait3A = arith.constant 0 : i32
        %dma_wait3A_26 = tpu.memref_slice %arg2[%mul3A_22, %dma_wait3A] : memref<50000x64xf32, #tpu.memory_space<hbm>> -> memref<16x64xf32, #tpu.memory_space<hbm>>
        %dma_wait3A_27 = arith.constant 0 : i32
        %dma_wait3A_28 = tpu.memref_slice %arg2[%mul3A_22, %dma_wait3A_27] : memref<50000x64xf32, #tpu.memory_space<hbm>> -> memref<16x64xf32, #tpu.memory_space<hbm>>
        tpu.wait_dma2 semaphore(%run_scoped3A : memref<!tpu.dma_semaphore, #tpu.memory_space<semaphore_mem>>) src(%dma_wait3A_28 : memref<16x64xf32, #tpu.memory_space<hbm>>) dst(%arg8 : memref<16x64xf32, #tpu.memory_space<vmem>>)
        tpu.yield
      }) : () -> ()
      "tpu.region"() ({
        %run_scoped3A = tpu.sem_alloc : memref<!tpu.dma_semaphore, #tpu.memory_space<semaphore_mem>>
        %dma_start3A = arith.constant 0 : i32
        %dma_start3A_23 = arith.constant 0 : i32
        %dma_start3A_24 = tpu.memref_slice %arg6[%dma_start3A, %dma_start3A_23] : memref<512x64xf32, #tpu.memory_space<vmem_shared>> -> memref<512x64xf32, #tpu.memory_space<vmem_shared>>
        tpu.enqueue_indirect_dma source(%arg8 : memref<16x64xf32, #tpu.memory_space<vmem>>) target(%dma_start3A_24 : memref<512x64xf32, #tpu.memory_space<vmem_shared>>) offsets(%arg7 : memref<16xi32, #tpu.memory_space<vmem>>) semaphore(%run_scoped3A : memref<!tpu.dma_semaphore, #tpu.memory_space<semaphore_mem>>) {add = true}
        %dma_wait3A = arith.constant 0 : i32
        %dma_wait3A_25 = arith.constant 0 : i32
        %dma_wait3A_26 = tpu.memref_slice %arg6[%dma_wait3A, %dma_wait3A_25] : memref<512x64xf32, #tpu.memory_space<vmem_shared>> -> memref<512x64xf32, #tpu.memory_space<vmem_shared>>
        tpu.wait_indirect_dma semaphore(%run_scoped3A : memref<!tpu.dma_semaphore, #tpu.memory_space<semaphore_mem>>) src(%arg8 : memref<16x64xf32, #tpu.memory_space<vmem>>) dst(%dma_wait3A_26 : memref<512x64xf32, #tpu.memory_space<vmem_shared>>)
        tpu.yield
      }) : () -> ()
    }
    %barrier3A_19 = arith.constant 0 : index
    tpu.barrier barrier_id(%barrier3A_19)
    "tpu.region"() ({
      %run_scoped3A = tpu.sem_alloc : memref<!tpu.dma_semaphore, #tpu.memory_space<semaphore_mem>>
      %dma_start3A = arith.constant 0 : i32
      %dma_start3A_20 = tpu.memref_slice %arg5[%arg0, %mul3A_0, %dma_start3A] : memref<2x512x64xf32, #tpu.memory_space<hbm>> -> memref<1x32x64xf32, #tpu.memory_space<hbm>>
      %dma_start3A_21 = tpu.memref_squeeze %dma_start3A_20 : memref<1x32x64xf32, #tpu.memory_space<hbm>> -> memref<32x64xf32, #tpu.memory_space<hbm>>
      %dma_start3A_22 = arith.constant 0 : i32
      %dma_start3A_23 = tpu.memref_slice %arg6[%mul3A_0, %dma_start3A_22] : memref<512x64xf32, #tpu.memory_space<vmem_shared>> -> memref<32x64xf32, #tpu.memory_space<vmem_shared>>
      tpu.enqueue_dma source(%dma_start3A_23 : memref<32x64xf32, #tpu.memory_space<vmem_shared>>) target(%dma_start3A_21 : memref<32x64xf32, #tpu.memory_space<hbm>>) target_semaphore(%run_scoped3A : memref<!tpu.dma_semaphore, #tpu.memory_space<semaphore_mem>>)
      %dma_wait3A = arith.constant 0 : i32
      %dma_wait3A_24 = tpu.memref_slice %arg5[%arg0, %mul3A_0, %dma_wait3A] : memref<2x512x64xf32, #tpu.memory_space<hbm>> -> memref<1x32x64xf32, #tpu.memory_space<hbm>>
      %dma_wait3A_25 = tpu.memref_squeeze %dma_wait3A_24 : memref<1x32x64xf32, #tpu.memory_space<hbm>> -> memref<32x64xf32, #tpu.memory_space<hbm>>
      %dma_wait3A_26 = arith.constant 0 : i32
      %dma_wait3A_27 = tpu.memref_slice %arg6[%mul3A_0, %dma_wait3A_26] : memref<512x64xf32, #tpu.memory_space<vmem_shared>> -> memref<32x64xf32, #tpu.memory_space<vmem_shared>>
      tpu.wait_dma2 semaphore(%run_scoped3A : memref<!tpu.dma_semaphore, #tpu.memory_space<semaphore_mem>>) src(%dma_wait3A_27 : memref<32x64xf32, #tpu.memory_space<vmem_shared>>) dst(%dma_wait3A_25 : memref<32x64xf32, #tpu.memory_space<hbm>>)
      tpu.yield
    }) : () -> ()
    return
  }
}

module attributes {stable_mosaic.version = 14 : i64} {
  func.func @_t1a_body(%arg0: i32, %arg1: memref<2000x16xf32, #tpu.memory_space<vmem>>, %arg2: memref<2x2000x16xf32, #tpu.memory_space<vmem>>, %arg3: memref<2000x16xf32, #tpu.memory_space<vmem>>) attributes {dimension_semantics = [#tpu.dimension_semantics<arbitrary>], iteration_bounds = array<i64: 25>, scalar_prefetch = 0 : i64, scratch_operands = 0 : i64, tpu.core_type = #tpu.core_type<tc>, window_params = [{transform_indices = @transform_0, window_bounds = array<i64: 2000, 16>}, {transform_indices = @transform_1, window_bounds = array<i64: 2, 2000, 16>}, {transform_indices = @transform_2, window_bounds = array<i64: 2000, 16>}]} {
    %get3A = arith.constant 0 : index
    %get3A_0 = arith.constant 0 : index
    %get3A_1 = arith.constant 0 : index
    %get3A_2 = vector.load %arg2[%get3A, %get3A_0, %get3A_1] : memref<2x2000x16xf32, #tpu.memory_space<vmem>>, vector<2x2000x16xf32>
    %slice3A = vector.extract_strided_slice %get3A_2 {offsets = [0, 0, 0], sizes = [1, 2000, 16], strides = [1, 1, 1]} : vector<2x2000x16xf32> to vector<1x2000x16xf32>
    %squeeze3A = vector.shape_cast %slice3A : vector<1x2000x16xf32> to vector<2000x16xf32>
    %slice3A_3 = vector.extract_strided_slice %get3A_2 {offsets = [1, 0, 0], sizes = [1, 2000, 16], strides = [1, 1, 1]} : vector<2x2000x16xf32> to vector<1x2000x16xf32>
    %squeeze3A_4 = vector.shape_cast %slice3A_3 : vector<1x2000x16xf32> to vector<2000x16xf32>
    %add3A = arith.addf %squeeze3A, %squeeze3A_4 : vector<2000x16xf32>
    %add3A_5 = arith.constant 1.000000e+00 : f32
    %add3A_6 = vector.broadcast %add3A_5 : f32 to vector<2000x16xf32>
    %add3A_7 = arith.addf %add3A, %add3A_6 : vector<2000x16xf32>
    %rsqrt3A = math.rsqrt %add3A_7 : vector<2000x16xf32>
    %get3A_8 = arith.constant 0 : index
    %get3A_9 = arith.constant 0 : index
    %get3A_10 = vector.load %arg1[%get3A_8, %get3A_9] : memref<2000x16xf32, #tpu.memory_space<vmem>>, vector<2000x16xf32>
    %mul3A = arith.mulf %get3A_10, %rsqrt3A : vector<2000x16xf32>
    %swap3A = arith.constant 0 : index
    %swap3A_11 = arith.constant 0 : index
    %swap3A_12 = vector.load %arg3[%swap3A, %swap3A_11] : memref<2000x16xf32, #tpu.memory_space<vmem>>, vector<2000x16xf32>
    tpu.vector_store %arg3[%swap3A, %swap3A_11], %mul3A {strides = array<i32>} : memref<2000x16xf32, #tpu.memory_space<vmem>>, vector<2000x16xf32>,
    return
  }
  func.func @transform_0(%arg0: i32) -> (i32, i32) {
    %c0_i32 = arith.constant 0 : i32
    %c0_i32_0 = arith.constant 0 : i32
    return %arg0, %c0_i32 : i32, i32
  }
  func.func @transform_1(%arg0: i32) -> (i32, i32, i32) {
    %c0_i32 = arith.constant 0 : i32
    %c0_i32_0 = arith.constant 0 : i32
    %c0_i32_1 = arith.constant 0 : i32
    return %c0_i32, %arg0, %c0_i32_0 : i32, i32, i32
  }
  func.func @transform_2(%arg0: i32) -> (i32, i32) {
    %c0_i32 = arith.constant 0 : i32
    %c0_i32_0 = arith.constant 0 : i32
    return %arg0, %c0_i32 : i32, i32
  }
}

module attributes {stable_mosaic.version = 14 : i64} {
  func.func @_t2_body(%arg0: i32, %arg1: memref<2x2000x16xf32, #tpu.memory_space<vmem>>, %arg2: memref<2x2000x16xf32, #tpu.memory_space<vmem>>, %arg3: memref<16x64xf32, #tpu.memory_space<vmem>>, %arg4: memref<1x64xf32, #tpu.memory_space<vmem>>, %arg5: memref<1x64xf32, #tpu.memory_space<vmem>>, %arg6: memref<1x64xf32, #tpu.memory_space<vmem>>, %arg7: memref<64x64xf32, #tpu.memory_space<vmem>>, %arg8: memref<2000x32xf32, #tpu.memory_space<vmem>>, %arg9: memref<2000x32xf32, #tpu.memory_space<vmem>>) attributes {dimension_semantics = [#tpu.dimension_semantics<arbitrary>], iteration_bounds = array<i64: 25>, scalar_prefetch = 0 : i64, scratch_operands = 0 : i64, tpu.core_type = #tpu.core_type<tc>, window_params = [{transform_indices = @transform_0, window_bounds = array<i64: 2, 2000, 16>}, {transform_indices = @transform_1, window_bounds = array<i64: 2, 2000, 16>}, {pipeline_mode = #tpu.pipeline_mode<synchronous>, transform_indices = @transform_2, window_bounds = array<i64: 16, 64>}, {pipeline_mode = #tpu.pipeline_mode<synchronous>, transform_indices = @transform_3, window_bounds = array<i64: 1, 64>}, {pipeline_mode = #tpu.pipeline_mode<synchronous>, transform_indices = @transform_4, window_bounds = array<i64: 1, 64>}, {pipeline_mode = #tpu.pipeline_mode<synchronous>, transform_indices = @transform_5, window_bounds = array<i64: 1, 64>}, {pipeline_mode = #tpu.pipeline_mode<synchronous>, transform_indices = @transform_6, window_bounds = array<i64: 64, 64>}, {transform_indices = @transform_7, window_bounds = array<i64: 2000, 32>}, {transform_indices = @transform_8, window_bounds = array<i64: 2000, 32>}]} {
    %get3A = arith.constant 0 : index
    %get3A_0 = arith.constant 0 : index
    %get3A_1 = arith.constant 0 : index
    %get3A_2 = vector.load %arg2[%get3A, %get3A_0, %get3A_1] : memref<2x2000x16xf32, #tpu.memory_space<vmem>>, vector<2x2000x16xf32>
    %slice3A = vector.extract_strided_slice %get3A_2 {offsets = [0, 0, 0], sizes = [1, 2000, 16], strides = [1, 1, 1]} : vector<2x2000x16xf32> to vector<1x2000x16xf32>
    %squeeze3A = vector.shape_cast %slice3A : vector<1x2000x16xf32> to vector<2000x16xf32>
    %slice3A_3 = vector.extract_strided_slice %get3A_2 {offsets = [1, 0, 0], sizes = [1, 2000, 16], strides = [1, 1, 1]} : vector<2x2000x16xf32> to vector<1x2000x16xf32>
    %squeeze3A_4 = vector.shape_cast %slice3A_3 : vector<1x2000x16xf32> to vector<2000x16xf32>
    %add3A = arith.addf %squeeze3A, %squeeze3A_4 : vector<2000x16xf32>
    %add3A_5 = arith.constant 1.000000e+00 : f32
    %add3A_6 = vector.broadcast %add3A_5 : f32 to vector<2000x16xf32>
    %add3A_7 = arith.addf %add3A, %add3A_6 : vector<2000x16xf32>
    %rsqrt3A = math.rsqrt %add3A_7 : vector<2000x16xf32>
    %slice3A_8 = vector.extract_strided_slice %rsqrt3A {offsets = [0, 0], sizes = [2000, 1], strides = [1, 1]} : vector<2000x16xf32> to vector<2000x1xf32>
    %get3A_9 = arith.constant 0 : index
    %get3A_10 = arith.constant 0 : index
    %get3A_11 = arith.constant 0 : index
    %get3A_12 = vector.load %arg1[%get3A_9, %get3A_10, %get3A_11] : memref<2x2000x16xf32, #tpu.memory_space<vmem>>, vector<2x2000x16xf32>
    %slice3A_13 = vector.extract_strided_slice %get3A_12 {offsets = [0, 0, 0], sizes = [1, 2000, 16], strides = [1, 1, 1]} : vector<2x2000x16xf32> to vector<1x2000x16xf32>
    %squeeze3A_14 = vector.shape_cast %slice3A_13 : vector<1x2000x16xf32> to vector<2000x16xf32>
    %slice3A_15 = vector.extract_strided_slice %get3A_12 {offsets = [1, 0, 0], sizes = [1, 2000, 16], strides = [1, 1, 1]} : vector<2x2000x16xf32> to vector<1x2000x16xf32>
    %squeeze3A_16 = vector.shape_cast %slice3A_15 : vector<1x2000x16xf32> to vector<2000x16xf32>
    %add3A_17 = arith.addf %squeeze3A_14, %squeeze3A_16 : vector<2000x16xf32>
    %mul3A = arith.mulf %add3A_17, %rsqrt3A : vector<2000x16xf32>
    %get3A_18 = arith.constant 0 : index
    %get3A_19 = arith.constant 0 : index
    %get3A_20 = vector.load %arg3[%get3A_18, %get3A_19] : memref<16x64xf32, #tpu.memory_space<vmem>>, vector<16x64xf32>
    %dot_general3A = arith.constant dense<0.000000e+00> : vector<2000x64xf32>
    %dot_general3A_21 = tpu.matmul %mul3A, %get3A_20, %dot_general3A {dimension_numbers = #tpu.dot_dimension_numbers<[1], [0], [0], [1], [0, 0, 1, 1], [], []>, precision = #tpu.contract_precision<fp32>, transpose_lhs_hint = false} : vector<2000x16xf32>, vector<16x64xf32>, vector<2000x64xf32> -> vector<2000x64xf32>
    %get3A_22 = arith.constant 0 : index
    %get3A_23 = arith.constant 0 : index
    %get3A_24 = vector.load %arg4[%get3A_22, %get3A_23] : memref<1x64xf32, #tpu.memory_space<vmem>>, vector<1x64xf32>
    %add3A_25 = vector.broadcast %get3A_24 : vector<1x64xf32> to vector<2000x64xf32>
    %add3A_26 = arith.addf %dot_general3A_21, %add3A_25 : vector<2000x64xf32>
    %max3A = arith.constant 0.000000e+00 : f32
    %max3A_27 = vector.broadcast %max3A : f32 to vector<2000x64xf32>
    %max3A_28 = arith.maximumf %add3A_26, %max3A_27 : vector<2000x64xf32>
    %get3A_29 = arith.constant 0 : index
    %get3A_30 = arith.constant 0 : index
    %get3A_31 = vector.load %arg5[%get3A_29, %get3A_30] : memref<1x64xf32, #tpu.memory_space<vmem>>, vector<1x64xf32>
    %mul3A_32 = vector.broadcast %get3A_31 : vector<1x64xf32> to vector<2000x64xf32>
    %mul3A_33 = arith.mulf %max3A_28, %mul3A_32 : vector<2000x64xf32>
    %get3A_34 = arith.constant 0 : index
    %get3A_35 = arith.constant 0 : index
    %get3A_36 = vector.load %arg6[%get3A_34, %get3A_35] : memref<1x64xf32, #tpu.memory_space<vmem>>, vector<1x64xf32>
    %add3A_37 = vector.broadcast %get3A_36 : vector<1x64xf32> to vector<2000x64xf32>
    %add3A_38 = arith.addf %mul3A_33, %add3A_37 : vector<2000x64xf32>
    %get3A_39 = arith.constant 0 : index
    %get3A_40 = arith.constant 0 : index
    %get3A_41 = vector.load %arg7[%get3A_39, %get3A_40] : memref<64x64xf32, #tpu.memory_space<vmem>>, vector<64x64xf32>
    %dot_general3A_42 = arith.constant dense<0.000000e+00> : vector<2000x64xf32>
    %dot_general3A_43 = tpu.matmul %add3A_38, %get3A_41, %dot_general3A_42 {dimension_numbers = #tpu.dot_dimension_numbers<[1], [0], [0], [1], [0, 0, 1, 1], [], []>, precision = #tpu.contract_precision<fp32>, transpose_lhs_hint = false} : vector<2000x64xf32>, vector<64x64xf32>, vector<2000x64xf32> -> vector<2000x64xf32>
    %mul3A_44 = vector.broadcast %slice3A_8 : vector<2000x1xf32> to vector<2000x64xf32>
    %mul3A_45 = arith.mulf %dot_general3A_43, %mul3A_44 : vector<2000x64xf32>
    %slice3A_46 = vector.extract_strided_slice %mul3A_45 {offsets = [0, 0], sizes = [2000, 32], strides = [1, 1]} : vector<2000x64xf32> to vector<2000x32xf32>
    %swap3A = arith.constant 0 : index
    %swap3A_47 = arith.constant 0 : index
    %swap3A_48 = vector.load %arg8[%swap3A, %swap3A_47] : memref<2000x32xf32, #tpu.memory_space<vmem>>, vector<2000x32xf32>
    tpu.vector_store %arg8[%swap3A, %swap3A_47], %slice3A_46 {strides = array<i32>} : memref<2000x32xf32, #tpu.memory_space<vmem>>, vector<2000x32xf32>,
    %slice3A_49 = vector.extract_strided_slice %mul3A_45 {offsets = [0, 32], sizes = [2000, 32], strides = [1, 1]} : vector<2000x64xf32> to vector<2000x32xf32>
    %swap3A_50 = arith.constant 0 : index
    %swap3A_51 = arith.constant 0 : index
    %swap3A_52 = vector.load %arg9[%swap3A_50, %swap3A_51] : memref<2000x32xf32, #tpu.memory_space<vmem>>, vector<2000x32xf32>
    tpu.vector_store %arg9[%swap3A_50, %swap3A_51], %slice3A_49 {strides = array<i32>} : memref<2000x32xf32, #tpu.memory_space<vmem>>, vector<2000x32xf32>,
    return
  }
  func.func @transform_0(%arg0: i32) -> (i32, i32, i32) {
    %c0_i32 = arith.constant 0 : i32
    %c0_i32_0 = arith.constant 0 : i32
    %c0_i32_1 = arith.constant 0 : i32
    return %c0_i32, %arg0, %c0_i32_0 : i32, i32, i32
  }
  func.func @transform_1(%arg0: i32) -> (i32, i32, i32) {
    %c0_i32 = arith.constant 0 : i32
    %c0_i32_0 = arith.constant 0 : i32
    %c0_i32_1 = arith.constant 0 : i32
    return %c0_i32, %arg0, %c0_i32_0 : i32, i32, i32
  }
  func.func @transform_2(%arg0: i32) -> (i32, i32) {
    %c0_i32 = arith.constant 0 : i32
    %c0_i32_0 = arith.constant 0 : i32
    %c0_i32_1 = arith.constant 0 : i32
    return %c0_i32, %c0_i32_0 : i32, i32
  }
  func.func @transform_3(%arg0: i32) -> (i32, i32) {
    %c0_i32 = arith.constant 0 : i32
    %c0_i32_0 = arith.constant 0 : i32
    %c0_i32_1 = arith.constant 0 : i32
    return %c0_i32, %c0_i32_0 : i32, i32
  }
  func.func @transform_4(%arg0: i32) -> (i32, i32) {
    %c0_i32 = arith.constant 0 : i32
    %c0_i32_0 = arith.constant 0 : i32
    %c0_i32_1 = arith.constant 0 : i32
    return %c0_i32, %c0_i32_0 : i32, i32
  }
  func.func @transform_5(%arg0: i32) -> (i32, i32) {
    %c0_i32 = arith.constant 0 : i32
    %c0_i32_0 = arith.constant 0 : i32
    %c0_i32_1 = arith.constant 0 : i32
    return %c0_i32, %c0_i32_0 : i32, i32
  }
  func.func @transform_6(%arg0: i32) -> (i32, i32) {
    %c0_i32 = arith.constant 0 : i32
    %c0_i32_0 = arith.constant 0 : i32
    %c0_i32_1 = arith.constant 0 : i32
    return %c0_i32, %c0_i32_0 : i32, i32
  }
  func.func @transform_7(%arg0: i32) -> (i32, i32) {
    %c0_i32 = arith.constant 0 : i32
    %c0_i32_0 = arith.constant 0 : i32
    return %arg0, %c0_i32 : i32, i32
  }
  func.func @transform_8(%arg0: i32) -> (i32, i32) {
    %c0_i32 = arith.constant 0 : i32
    %c0_i32_0 = arith.constant 0 : i32
    return %arg0, %c0_i32 : i32, i32
  }
}

module attributes {stable_mosaic.version = 14 : i64} {
  func.func @_tmid_body(%arg0: i32, %arg1: memref<2000x32xf32, #tpu.memory_space<vmem>>, %arg2: memref<2000x32xf32, #tpu.memory_space<vmem>>, %arg3: memref<2x2000x16xf32, #tpu.memory_space<vmem>>, %arg4: memref<1x64xf32, #tpu.memory_space<vmem>>, %arg5: memref<64x64xf32, #tpu.memory_space<vmem>>, %arg6: memref<2000x32xf32, #tpu.memory_space<vmem>>, %arg7: memref<2000x32xf32, #tpu.memory_space<vmem>>) attributes {dimension_semantics = [#tpu.dimension_semantics<arbitrary>], iteration_bounds = array<i64: 25>, scalar_prefetch = 0 : i64, scratch_operands = 0 : i64, tpu.core_type = #tpu.core_type<tc>, window_params = [{transform_indices = @transform_0, window_bounds = array<i64: 2000, 32>}, {transform_indices = @transform_1, window_bounds = array<i64: 2000, 32>}, {transform_indices = @transform_2, window_bounds = array<i64: 2, 2000, 16>}, {pipeline_mode = #tpu.pipeline_mode<synchronous>, transform_indices = @transform_3, window_bounds = array<i64: 1, 64>}, {pipeline_mode = #tpu.pipeline_mode<synchronous>, transform_indices = @transform_4, window_bounds = array<i64: 64, 64>}, {transform_indices = @transform_5, window_bounds = array<i64: 2000, 32>}, {transform_indices = @transform_6, window_bounds = array<i64: 2000, 32>}]} {
    %get3A = arith.constant 0 : index
    %get3A_0 = arith.constant 0 : index
    %get3A_1 = arith.constant 0 : index
    %get3A_2 = vector.load %arg3[%get3A, %get3A_0, %get3A_1] : memref<2x2000x16xf32, #tpu.memory_space<vmem>>, vector<2x2000x16xf32>
    %slice3A = vector.extract_strided_slice %get3A_2 {offsets = [0, 0, 0], sizes = [1, 2000, 16], strides = [1, 1, 1]} : vector<2x2000x16xf32> to vector<1x2000x16xf32>
    %squeeze3A = vector.shape_cast %slice3A : vector<1x2000x16xf32> to vector<2000x16xf32>
    %slice3A_3 = vector.extract_strided_slice %get3A_2 {offsets = [1, 0, 0], sizes = [1, 2000, 16], strides = [1, 1, 1]} : vector<2x2000x16xf32> to vector<1x2000x16xf32>
    %squeeze3A_4 = vector.shape_cast %slice3A_3 : vector<1x2000x16xf32> to vector<2000x16xf32>
    %add3A = arith.addf %squeeze3A, %squeeze3A_4 : vector<2000x16xf32>
    %add3A_5 = arith.constant 1.000000e+00 : f32
    %add3A_6 = vector.broadcast %add3A_5 : f32 to vector<2000x16xf32>
    %add3A_7 = arith.addf %add3A, %add3A_6 : vector<2000x16xf32>
    %rsqrt3A = math.rsqrt %add3A_7 : vector<2000x16xf32>
    %slice3A_8 = vector.extract_strided_slice %rsqrt3A {offsets = [0, 0], sizes = [2000, 1], strides = [1, 1]} : vector<2000x16xf32> to vector<2000x1xf32>
    %get3A_9 = arith.constant 0 : index
    %get3A_10 = arith.constant 0 : index
    %get3A_11 = vector.load %arg1[%get3A_9, %get3A_10] : memref<2000x32xf32, #tpu.memory_space<vmem>>, vector<2000x32xf32>
    %get3A_12 = arith.constant 0 : index
    %get3A_13 = arith.constant 0 : index
    %get3A_14 = vector.load %arg2[%get3A_12, %get3A_13] : memref<2000x32xf32, #tpu.memory_space<vmem>>, vector<2000x32xf32>
    %concatenate3A = tpu.concatenate %get3A_11, %get3A_14 in 1 : vector<2000x32xf32>, vector<2000x32xf32> -> vector<2000x64xf32>
    %mul3A = vector.broadcast %slice3A_8 : vector<2000x1xf32> to vector<2000x64xf32>
    %mul3A_15 = arith.mulf %concatenate3A, %mul3A : vector<2000x64xf32>
    %get3A_16 = arith.constant 0 : index
    %get3A_17 = arith.constant 0 : index
    %get3A_18 = vector.load %arg4[%get3A_16, %get3A_17] : memref<1x64xf32, #tpu.memory_space<vmem>>, vector<1x64xf32>
    %add3A_19 = vector.broadcast %get3A_18 : vector<1x64xf32> to vector<2000x64xf32>
    %add3A_20 = arith.addf %mul3A_15, %add3A_19 : vector<2000x64xf32>
    %max3A = arith.constant 0.000000e+00 : f32
    %max3A_21 = vector.broadcast %max3A : f32 to vector<2000x64xf32>
    %max3A_22 = arith.maximumf %add3A_20, %max3A_21 : vector<2000x64xf32>
    %get3A_23 = arith.constant 0 : index
    %get3A_24 = arith.constant 0 : index
    %get3A_25 = vector.load %arg5[%get3A_23, %get3A_24] : memref<64x64xf32, #tpu.memory_space<vmem>>, vector<64x64xf32>
    %dot_general3A = arith.constant dense<0.000000e+00> : vector<2000x64xf32>
    %dot_general3A_26 = tpu.matmul %max3A_22, %get3A_25, %dot_general3A {dimension_numbers = #tpu.dot_dimension_numbers<[1], [0], [0], [1], [0, 0, 1, 1], [], []>, precision = #tpu.contract_precision<fp32>, transpose_lhs_hint = false} : vector<2000x64xf32>, vector<64x64xf32>, vector<2000x64xf32> -> vector<2000x64xf32>
    %mul3A_27 = vector.broadcast %slice3A_8 : vector<2000x1xf32> to vector<2000x64xf32>
    %mul3A_28 = arith.mulf %dot_general3A_26, %mul3A_27 : vector<2000x64xf32>
    %slice3A_29 = vector.extract_strided_slice %mul3A_28 {offsets = [0, 0], sizes = [2000, 32], strides = [1, 1]} : vector<2000x64xf32> to vector<2000x32xf32>
    %swap3A = arith.constant 0 : index
    %swap3A_30 = arith.constant 0 : index
    %swap3A_31 = vector.load %arg6[%swap3A, %swap3A_30] : memref<2000x32xf32, #tpu.memory_space<vmem>>, vector<2000x32xf32>
    tpu.vector_store %arg6[%swap3A, %swap3A_30], %slice3A_29 {strides = array<i32>} : memref<2000x32xf32, #tpu.memory_space<vmem>>, vector<2000x32xf32>,
    %slice3A_32 = vector.extract_strided_slice %mul3A_28 {offsets = [0, 32], sizes = [2000, 32], strides = [1, 1]} : vector<2000x64xf32> to vector<2000x32xf32>
    %swap3A_33 = arith.constant 0 : index
    %swap3A_34 = arith.constant 0 : index
    %swap3A_35 = vector.load %arg7[%swap3A_33, %swap3A_34] : memref<2000x32xf32, #tpu.memory_space<vmem>>, vector<2000x32xf32>
    tpu.vector_store %arg7[%swap3A_33, %swap3A_34], %slice3A_32 {strides = array<i32>} : memref<2000x32xf32, #tpu.memory_space<vmem>>, vector<2000x32xf32>,
    return
  }
  func.func @transform_0(%arg0: i32) -> (i32, i32) {
    %c0_i32 = arith.constant 0 : i32
    %c0_i32_0 = arith.constant 0 : i32
    return %arg0, %c0_i32 : i32, i32
  }
  func.func @transform_1(%arg0: i32) -> (i32, i32) {
    %c0_i32 = arith.constant 0 : i32
    %c0_i32_0 = arith.constant 0 : i32
    return %arg0, %c0_i32 : i32, i32
  }
  func.func @transform_2(%arg0: i32) -> (i32, i32, i32) {
    %c0_i32 = arith.constant 0 : i32
    %c0_i32_0 = arith.constant 0 : i32
    %c0_i32_1 = arith.constant 0 : i32
    return %c0_i32, %arg0, %c0_i32_0 : i32, i32, i32
  }
  func.func @transform_3(%arg0: i32) -> (i32, i32) {
    %c0_i32 = arith.constant 0 : i32
    %c0_i32_0 = arith.constant 0 : i32
    %c0_i32_1 = arith.constant 0 : i32
    return %c0_i32, %c0_i32_0 : i32, i32
  }
  func.func @transform_4(%arg0: i32) -> (i32, i32) {
    %c0_i32 = arith.constant 0 : i32
    %c0_i32_0 = arith.constant 0 : i32
    %c0_i32_1 = arith.constant 0 : i32
    return %c0_i32, %c0_i32_0 : i32, i32
  }
  func.func @transform_5(%arg0: i32) -> (i32, i32) {
    %c0_i32 = arith.constant 0 : i32
    %c0_i32_0 = arith.constant 0 : i32
    return %arg0, %c0_i32 : i32, i32
  }
  func.func @transform_6(%arg0: i32) -> (i32, i32) {
    %c0_i32 = arith.constant 0 : i32
    %c0_i32_0 = arith.constant 0 : i32
    return %arg0, %c0_i32 : i32, i32
  }
}

module attributes {stable_mosaic.version = 14 : i64} {
  func.func @_t5_body(%arg0: i32, %arg1: memref<2000x32xf32, #tpu.memory_space<vmem>>, %arg2: memref<2000x32xf32, #tpu.memory_space<vmem>>, %arg3: memref<2x2000x16xf32, #tpu.memory_space<vmem>>, %arg4: memref<1x64xf32, #tpu.memory_space<vmem>>, %arg5: memref<2000x64xf32, #tpu.memory_space<vmem>>) attributes {dimension_semantics = [#tpu.dimension_semantics<arbitrary>], iteration_bounds = array<i64: 25>, scalar_prefetch = 0 : i64, scratch_operands = 0 : i64, tpu.core_type = #tpu.core_type<tc>, window_params = [{transform_indices = @transform_0, window_bounds = array<i64: 2000, 32>}, {transform_indices = @transform_1, window_bounds = array<i64: 2000, 32>}, {transform_indices = @transform_2, window_bounds = array<i64: 2, 2000, 16>}, {pipeline_mode = #tpu.pipeline_mode<synchronous>, transform_indices = @transform_3, window_bounds = array<i64: 1, 64>}, {transform_indices = @transform_4, window_bounds = array<i64: 2000, 64>}]} {
    %get3A = arith.constant 0 : index
    %get3A_0 = arith.constant 0 : index
    %get3A_1 = arith.constant 0 : index
    %get3A_2 = vector.load %arg3[%get3A, %get3A_0, %get3A_1] : memref<2x2000x16xf32, #tpu.memory_space<vmem>>, vector<2x2000x16xf32>
    %slice3A = vector.extract_strided_slice %get3A_2 {offsets = [0, 0, 0], sizes = [1, 2000, 16], strides = [1, 1, 1]} : vector<2x2000x16xf32> to vector<1x2000x16xf32>
    %squeeze3A = vector.shape_cast %slice3A : vector<1x2000x16xf32> to vector<2000x16xf32>
    %slice3A_3 = vector.extract_strided_slice %get3A_2 {offsets = [1, 0, 0], sizes = [1, 2000, 16], strides = [1, 1, 1]} : vector<2x2000x16xf32> to vector<1x2000x16xf32>
    %squeeze3A_4 = vector.shape_cast %slice3A_3 : vector<1x2000x16xf32> to vector<2000x16xf32>
    %add3A = arith.addf %squeeze3A, %squeeze3A_4 : vector<2000x16xf32>
    %add3A_5 = arith.constant 1.000000e+00 : f32
    %add3A_6 = vector.broadcast %add3A_5 : f32 to vector<2000x16xf32>
    %add3A_7 = arith.addf %add3A, %add3A_6 : vector<2000x16xf32>
    %rsqrt3A = math.rsqrt %add3A_7 : vector<2000x16xf32>
    %slice3A_8 = vector.extract_strided_slice %rsqrt3A {offsets = [0, 0], sizes = [2000, 1], strides = [1, 1]} : vector<2000x16xf32> to vector<2000x1xf32>
    %get3A_9 = arith.constant 0 : index
    %get3A_10 = arith.constant 0 : index
    %get3A_11 = vector.load %arg1[%get3A_9, %get3A_10] : memref<2000x32xf32, #tpu.memory_space<vmem>>, vector<2000x32xf32>
    %get3A_12 = arith.constant 0 : index
    %get3A_13 = arith.constant 0 : index
    %get3A_14 = vector.load %arg2[%get3A_12, %get3A_13] : memref<2000x32xf32, #tpu.memory_space<vmem>>, vector<2000x32xf32>
    %concatenate3A = tpu.concatenate %get3A_11, %get3A_14 in 1 : vector<2000x32xf32>, vector<2000x32xf32> -> vector<2000x64xf32>
    %mul3A = vector.broadcast %slice3A_8 : vector<2000x1xf32> to vector<2000x64xf32>
    %mul3A_15 = arith.mulf %concatenate3A, %mul3A : vector<2000x64xf32>
    %get3A_16 = arith.constant 0 : index
    %get3A_17 = arith.constant 0 : index
    %get3A_18 = vector.load %arg4[%get3A_16, %get3A_17] : memref<1x64xf32, #tpu.memory_space<vmem>>, vector<1x64xf32>
    %add3A_19 = vector.broadcast %get3A_18 : vector<1x64xf32> to vector<2000x64xf32>
    %add3A_20 = arith.addf %mul3A_15, %add3A_19 : vector<2000x64xf32>
    %max3A = arith.constant 0.000000e+00 : f32
    %max3A_21 = vector.broadcast %max3A : f32 to vector<2000x64xf32>
    %max3A_22 = arith.maximumf %add3A_20, %max3A_21 : vector<2000x64xf32>
    %iota3A = tpu.iota {dimensions = array<i32: 1>} : vector<2000x64xi32>
    %eq3A = arith.constant 63 : i32
    %eq3A_23 = vector.broadcast %eq3A : i32 to vector<2000x64xi32>
    %eq3A_24 = arith.cmpi eq, %iota3A, %eq3A_23 : vector<2000x64xi32>
    %jit3A = arith.constant 1.000000e+00 : f32
    %broadcast_in_dim3A = vector.broadcast %jit3A : f32 to vector<2000x64xf32>
    %select_n3A = arith.select %eq3A_24, %broadcast_in_dim3A, %max3A_22 : vector<2000x64xi1>, vector<2000x64xf32>
    %swap3A = arith.constant 0 : index
    %swap3A_25 = arith.constant 0 : index
    %swap3A_26 = vector.load %arg5[%swap3A, %swap3A_25] : memref<2000x64xf32, #tpu.memory_space<vmem>>, vector<2000x64xf32>
    tpu.vector_store %arg5[%swap3A, %swap3A_25], %select_n3A {strides = array<i32>} : memref<2000x64xf32, #tpu.memory_space<vmem>>, vector<2000x64xf32>,
    return
  }
  func.func @transform_0(%arg0: i32) -> (i32, i32) {
    %c0_i32 = arith.constant 0 : i32
    %c0_i32_0 = arith.constant 0 : i32
    return %arg0, %c0_i32 : i32, i32
  }
  func.func @transform_1(%arg0: i32) -> (i32, i32) {
    %c0_i32 = arith.constant 0 : i32
    %c0_i32_0 = arith.constant 0 : i32
    return %arg0, %c0_i32 : i32, i32
  }
  func.func @transform_2(%arg0: i32) -> (i32, i32, i32) {
    %c0_i32 = arith.constant 0 : i32
    %c0_i32_0 = arith.constant 0 : i32
    %c0_i32_1 = arith.constant 0 : i32
    return %c0_i32, %arg0, %c0_i32_0 : i32, i32, i32
  }
  func.func @transform_3(%arg0: i32) -> (i32, i32) {
    %c0_i32 = arith.constant 0 : i32
    %c0_i32_0 = arith.constant 0 : i32
    %c0_i32_1 = arith.constant 0 : i32
    return %c0_i32, %c0_i32_0 : i32, i32
  }
  func.func @transform_4(%arg0: i32) -> (i32, i32) {
    %c0_i32 = arith.constant 0 : i32
    %c0_i32_0 = arith.constant 0 : i32
    return %arg0, %c0_i32 : i32, i32
  }
}

module attributes {stable_mosaic.version = 14 : i64} {
  func.func @_t6_body(%arg0: i32, %arg1: memref<2x512x64xf32, #tpu.memory_space<vmem>>, %arg2: memref<64x64xf32, #tpu.memory_space<vmem>>, %arg3: memref<1x64xf32, #tpu.memory_space<vmem>>, %arg4: memref<1x64xf32, #tpu.memory_space<vmem>>, %arg5: memref<1x64xf32, #tpu.memory_space<vmem>>, %arg6: memref<64x8xf32, #tpu.memory_space<vmem>>, %arg7: memref<1x8xf32, #tpu.memory_space<vmem>>, %arg8: memref<512x8xf32, #tpu.memory_space<vmem>>) attributes {dimension_semantics = [#tpu.dimension_semantics<arbitrary>], iteration_bounds = array<i64: 1>, scalar_prefetch = 0 : i64, scratch_operands = 0 : i64, tpu.core_type = #tpu.core_type<tc>, window_params = [{pipeline_mode = #tpu.pipeline_mode<synchronous>, transform_indices = @transform_0, window_bounds = array<i64: 2, 512, 64>}, {pipeline_mode = #tpu.pipeline_mode<synchronous>, transform_indices = @transform_1, window_bounds = array<i64: 64, 64>}, {pipeline_mode = #tpu.pipeline_mode<synchronous>, transform_indices = @transform_2, window_bounds = array<i64: 1, 64>}, {pipeline_mode = #tpu.pipeline_mode<synchronous>, transform_indices = @transform_3, window_bounds = array<i64: 1, 64>}, {pipeline_mode = #tpu.pipeline_mode<synchronous>, transform_indices = @transform_4, window_bounds = array<i64: 1, 64>}, {pipeline_mode = #tpu.pipeline_mode<synchronous>, transform_indices = @transform_5, window_bounds = array<i64: 64, 8>}, {pipeline_mode = #tpu.pipeline_mode<synchronous>, transform_indices = @transform_6, window_bounds = array<i64: 1, 8>}, {pipeline_mode = #tpu.pipeline_mode<synchronous>, transform_indices = @transform_7, window_bounds = array<i64: 512, 8>}]} {
    %get3A = arith.constant 0 : index
    %get3A_0 = arith.constant 0 : index
    %get3A_1 = arith.constant 0 : index
    %get3A_2 = vector.load %arg1[%get3A, %get3A_0, %get3A_1] : memref<2x512x64xf32, #tpu.memory_space<vmem>>, vector<2x512x64xf32>
    %slice3A = vector.extract_strided_slice %get3A_2 {offsets = [0, 0, 0], sizes = [1, 512, 64], strides = [1, 1, 1]} : vector<2x512x64xf32> to vector<1x512x64xf32>
    %squeeze3A = vector.shape_cast %slice3A : vector<1x512x64xf32> to vector<512x64xf32>
    %slice3A_3 = vector.extract_strided_slice %get3A_2 {offsets = [1, 0, 0], sizes = [1, 512, 64], strides = [1, 1, 1]} : vector<2x512x64xf32> to vector<1x512x64xf32>
    %squeeze3A_4 = vector.shape_cast %slice3A_3 : vector<1x512x64xf32> to vector<512x64xf32>
    %add3A = arith.addf %squeeze3A, %squeeze3A_4 : vector<512x64xf32>
    %slice3A_5 = vector.extract_strided_slice %add3A {offsets = [0, 63], sizes = [512, 1], strides = [1, 1]} : vector<512x64xf32> to vector<512x1xf32>
    %max3A = arith.constant 1.000000e+00 : f32
    %max3A_6 = vector.broadcast %max3A : f32 to vector<512x1xf32>
    %max3A_7 = arith.maximumf %slice3A_5, %max3A_6 : vector<512x1xf32>
    %div3A = vector.broadcast %max3A_7 : vector<512x1xf32> to vector<512x64xf32>
    %div3A_8 = arith.divf %add3A, %div3A : vector<512x64xf32>
    %get3A_9 = arith.constant 0 : index
    %get3A_10 = arith.constant 0 : index
    %get3A_11 = vector.load %arg2[%get3A_9, %get3A_10] : memref<64x64xf32, #tpu.memory_space<vmem>>, vector<64x64xf32>
    %dot_general3A = arith.constant dense<0.000000e+00> : vector<512x64xf32>
    %dot_general3A_12 = tpu.matmul %div3A_8, %get3A_11, %dot_general3A {dimension_numbers = #tpu.dot_dimension_numbers<[1], [0], [0], [1], [0, 0, 1, 1], [], []>, precision = #tpu.contract_precision<fp32>, transpose_lhs_hint = false} : vector<512x64xf32>, vector<64x64xf32>, vector<512x64xf32> -> vector<512x64xf32>
    %get3A_13 = arith.constant 0 : index
    %get3A_14 = arith.constant 0 : index
    %get3A_15 = vector.load %arg3[%get3A_13, %get3A_14] : memref<1x64xf32, #tpu.memory_space<vmem>>, vector<1x64xf32>
    %add3A_16 = vector.broadcast %get3A_15 : vector<1x64xf32> to vector<512x64xf32>
    %add3A_17 = arith.addf %dot_general3A_12, %add3A_16 : vector<512x64xf32>
    %max3A_18 = arith.constant 0.000000e+00 : f32
    %max3A_19 = vector.broadcast %max3A_18 : f32 to vector<512x64xf32>
    %max3A_20 = arith.maximumf %add3A_17, %max3A_19 : vector<512x64xf32>
    %get3A_21 = arith.constant 0 : index
    %get3A_22 = arith.constant 0 : index
    %get3A_23 = vector.load %arg4[%get3A_21, %get3A_22] : memref<1x64xf32, #tpu.memory_space<vmem>>, vector<1x64xf32>
    %mul3A = vector.broadcast %get3A_23 : vector<1x64xf32> to vector<512x64xf32>
    %mul3A_24 = arith.mulf %max3A_20, %mul3A : vector<512x64xf32>
    %get3A_25 = arith.constant 0 : index
    %get3A_26 = arith.constant 0 : index
    %get3A_27 = vector.load %arg5[%get3A_25, %get3A_26] : memref<1x64xf32, #tpu.memory_space<vmem>>, vector<1x64xf32>
    %add3A_28 = vector.broadcast %get3A_27 : vector<1x64xf32> to vector<512x64xf32>
    %add3A_29 = arith.addf %mul3A_24, %add3A_28 : vector<512x64xf32>
    %get3A_30 = arith.constant 0 : index
    %get3A_31 = arith.constant 0 : index
    %get3A_32 = vector.load %arg6[%get3A_30, %get3A_31] : memref<64x8xf32, #tpu.memory_space<vmem>>, vector<64x8xf32>
    %dot_general3A_33 = arith.constant dense<0.000000e+00> : vector<512x8xf32>
    %dot_general3A_34 = tpu.matmul %add3A_29, %get3A_32, %dot_general3A_33 {dimension_numbers = #tpu.dot_dimension_numbers<[1], [0], [0], [1], [0, 0, 1, 1], [], []>, precision = #tpu.contract_precision<fp32>, transpose_lhs_hint = false} : vector<512x64xf32>, vector<64x8xf32>, vector<512x8xf32> -> vector<512x8xf32>
    %get3A_35 = arith.constant 0 : index
    %get3A_36 = arith.constant 0 : index
    %get3A_37 = vector.load %arg7[%get3A_35, %get3A_36] : memref<1x8xf32, #tpu.memory_space<vmem>>, vector<1x8xf32>
    %add3A_38 = vector.broadcast %get3A_37 : vector<1x8xf32> to vector<512x8xf32>
    %add3A_39 = arith.addf %dot_general3A_34, %add3A_38 : vector<512x8xf32>
    %iota3A = tpu.iota {dimensions = array<i32: 1>} : vector<512x8xi32>
    %lt3A = arith.constant 4 : i32
    %lt3A_40 = vector.broadcast %lt3A : i32 to vector<512x8xi32>
    %lt3A_41 = arith.cmpi slt, %iota3A, %lt3A_40 : vector<512x8xi32>
    %jit3A = arith.constant -1.000000e+30 : f32
    %broadcast_in_dim3A = vector.broadcast %jit3A : f32 to vector<512x8xf32>
    %select_n3A = arith.select %lt3A_41, %add3A_39, %broadcast_in_dim3A : vector<512x8xi1>, vector<512x8xf32>
    %reduce_max3A = arith.constant dense<0xFF800000> : vector<512xf32>
    %reduce_max3A_42 = vector.multi_reduction <maximumf>, %select_n3A, %reduce_max3A [1] : vector<512x8xf32> to vector<512xf32>
    %broadcast_in_dim3A_43 = vector.shape_cast %reduce_max3A_42 : vector<512xf32> to vector<512x1xf32>
    %sub3A = vector.broadcast %broadcast_in_dim3A_43 : vector<512x1xf32> to vector<512x8xf32>
    %sub3A_44 = arith.subf %select_n3A, %sub3A : vector<512x8xf32>
    %exp3A = math.exp %sub3A_44 : vector<512x8xf32>
    %reduce_sum3A = arith.constant dense<0.000000e+00> : vector<512xf32>
    %reduce_sum3A_45 = vector.multi_reduction <add>, %exp3A, %reduce_sum3A [1] : vector<512x8xf32> to vector<512xf32>
    %broadcast_in_dim3A_46 = vector.shape_cast %reduce_sum3A_45 : vector<512xf32> to vector<512x1xf32>
    %log3A = math.log %broadcast_in_dim3A_46 : vector<512x1xf32>
    %sub3A_47 = vector.broadcast %broadcast_in_dim3A_43 : vector<512x1xf32> to vector<512x8xf32>
    %sub3A_48 = arith.subf %select_n3A, %sub3A_47 : vector<512x8xf32>
    %sub3A_49 = vector.broadcast %log3A : vector<512x1xf32> to vector<512x8xf32>
    %sub3A_50 = arith.subf %sub3A_48, %sub3A_49 : vector<512x8xf32>
    %swap3A = arith.constant 0 : index
    %swap3A_51 = arith.constant 0 : index
    %swap3A_52 = vector.load %arg8[%swap3A, %swap3A_51] : memref<512x8xf32, #tpu.memory_space<vmem>>, vector<512x8xf32>
    tpu.vector_store %arg8[%swap3A, %swap3A_51], %sub3A_50 {strides = array<i32>} : memref<512x8xf32, #tpu.memory_space<vmem>>, vector<512x8xf32>,
    return
  }
  func.func @transform_0(%arg0: i32) -> (i32, i32, i32) {
    %c0_i32 = arith.constant 0 : i32
    %c0_i32_0 = arith.constant 0 : i32
    %c0_i32_1 = arith.constant 0 : i32
    %c0_i32_2 = arith.constant 0 : i32
    return %c0_i32, %c0_i32_0, %c0_i32_1 : i32, i32, i32
  }
  func.func @transform_1(%arg0: i32) -> (i32, i32) {
    %c0_i32 = arith.constant 0 : i32
    %c0_i32_0 = arith.constant 0 : i32
    %c0_i32_1 = arith.constant 0 : i32
    return %c0_i32, %c0_i32_0 : i32, i32
  }
  func.func @transform_2(%arg0: i32) -> (i32, i32) {
    %c0_i32 = arith.constant 0 : i32
    %c0_i32_0 = arith.constant 0 : i32
    %c0_i32_1 = arith.constant 0 : i32
    return %c0_i32, %c0_i32_0 : i32, i32
  }
  func.func @transform_3(%arg0: i32) -> (i32, i32) {
    %c0_i32 = arith.constant 0 : i32
    %c0_i32_0 = arith.constant 0 : i32
    %c0_i32_1 = arith.constant 0 : i32
    return %c0_i32, %c0_i32_0 : i32, i32
  }
  func.func @transform_4(%arg0: i32) -> (i32, i32) {
    %c0_i32 = arith.constant 0 : i32
    %c0_i32_0 = arith.constant 0 : i32
    %c0_i32_1 = arith.constant 0 : i32
    return %c0_i32, %c0_i32_0 : i32, i32
  }
  func.func @transform_5(%arg0: i32) -> (i32, i32) {
    %c0_i32 = arith.constant 0 : i32
    %c0_i32_0 = arith.constant 0 : i32
    %c0_i32_1 = arith.constant 0 : i32
    return %c0_i32, %c0_i32_0 : i32, i32
  }
  func.func @transform_6(%arg0: i32) -> (i32, i32) {
    %c0_i32 = arith.constant 0 : i32
    %c0_i32_0 = arith.constant 0 : i32
    %c0_i32_1 = arith.constant 0 : i32
    return %c0_i32, %c0_i32_0 : i32, i32
  }
  func.func @transform_7(%arg0: i32) -> (i32, i32) {
    %c0_i32 = arith.constant 0 : i32
    %c0_i32_0 = arith.constant 0 : i32
    %c0_i32_1 = arith.constant 0 : i32
    return %c0_i32, %c0_i32_0 : i32, i32
  }
}

</mosaic_0001>

<sc_bundles>
// kernel: kernel.14.cloned.1.call-start
scs
__scs_entry_jumppad:
0x0: {  	(pc) =	sbr.rel $0x88, $3  }
0x1: {  	(tag) =	ssettag $0x0;
	lr =	simm.s32 $0x1  }
0x2: {  	[smem:$0x3F8E] =	sst lr;
	_ =	strace $0xD0000000  }
0x3: {  	_ = 	snop  }
0x4: {  	_ = 	snop  }
0x5: {  	_ = 	snop  }
0x6: {  	_ = 	snop  }
0x7: {  	_ = 	snop  }
__scs_overlays_trampoline_lowered:
0x8: {  	[smem:$0x3F9D] =	sst s0  }
0x9: {  	[smem:$0x3F9E] =	sst s1  }
0xa: {  	[smem:$0x3F9F] =	sst s2  }
0xb: {  	[smem:$0x3FA0] =	sst s3  }
0xc: {  	[smem:$0x3FA1] =	sst s4  }
0xd: {  	[smem:$0x3FA2] =	sst s5  }
0xe: {  	[smem:$0x3FA3] =	sst s6  }
0xf: {  	[smem:$0x3FA4] =	sst s7  }
0x10: {  	[smem:$0x3FA5] =	sst s8  }
0x11: {  	[smem:$0x3FA6] =	sst s9;
	s0 =	simm.s32 @!p0 $0x0  }
0x12: {  	s1 =	sld [smem:$0x3F8C];
	s0 =	simm.s32 @p0 $0x1  }
0x13: {  	[smem:$0x3FA7] =	sst s0;
	s0 =	simm.s32 @!p1 $0x0  }
0x14: {  	s2 =	sld [smem:$0x3F8B];
	s0 =	simm.s32 @p1 $0x1  }
0x15: {  	[smem:$0x3FA8] =	sst s0;
	s0 =	simm.s32 @!p2 $0x0  }
0x16: {  	s3 =	sld [smem:$0x3FDB];
	s0 =	simm.s32 @p2 $0x1  }
0x17: {  	s4 =	simm.s32 $0x1BF5;
	[smem:$0x3FAA] =	sst s0  }
0x18: {  	s0 =	sld [smem:$0x3F8D];
	_ =	swait.ge [sflag:s4], $0x0  }
0x19: {  	s7 =	sld [smem:$0x3F8E]  }
0x1a: {  	s8 =	sadd.s32 $0xFFFFE003, lr  }
0x1b: {  	s9 =	sadd.s32 $0xFFFFFEF7, lr;
	s5 =	simm.s32 $0xFFFFFFFF;
	p2 =	slt.u32 s8, $0xFFFFF086  }
0x1c: {  	p1 =	slt.u32 s9, $0xF7A;
	s5 =	simm.s32 @!p2 $0x0  }
0x1d: {  	s5 =	simm.s32 @p1 $0x1;
	p0 =	seq.s32 s7, s2  }
0x1e: {  	s7 =	smul.u32 @!p0 $0xF7A, s2;
	p2 =	seq.s32 @!p0 s5, $0x0  }
0x1f: {  	s9 =	smul.u32 $0xF7A, s1;
	s8 =	simm.s32 @!p0 $0x1BF5;
	p2 =	por !p2, p0  }
0x20: {  	[sflag:s8] =	ssyncset.s32 @!p0 $0xFFFFF086;
	s6 =	sadd.s32 @!p0 s3, s7;
	s7 =	simm.s32 @!p0 $0x108  }
0x21: {  	s3 =	sadd.s32 s3, s9;
	s6 =	sadd.s32 @!p0 $0x88, s6;
	s7 =	simm.s32 @p2 $0x1082  }
0x22: {  	[simem:s7], [sflag:s8] =	dma.local @!p0 [hbm:s6], $0xF7A  }
0x23: {  	s9 =	sor.u32 $0xD0000000, s2;
	s6 =	simm.s32 $0x108;
	_ =	swait.ge @!p0 [sflag:s8], $0x0  }
0x24: {  	s3 =	sadd.s32 $0x88, s3;
	s6 =	simm.s32 @!p1 $0x1082;
	[sflag:s4] =	ssyncset.s32 $0xFFFFF086  }
0x25: {  	[simem:s6], [sflag:s4] =	dma.local [hbm:s3], $0xF7A  }
0x26: {  	[smem:$0x3F8E] =	sst s1;
	(tag) =	ssettag s2;
	_ =	strace s9  }
0x27: {  	s1 =	sld [smem:$0x3F9E]  }
0x28: {  	s2 =	sld [smem:$0x3F9F]  }
0x29: {  	s4 =	sld [smem:$0x3FA1]  }
0x2a: {  	p0 =	seq.s32 s5, $0x0;
	s5 =	sld [smem:$0x3FA2]  }
0x2b: {  	s6 =	sld [smem:$0x3FA3]  }
0x2c: {  	s7 =	sld [smem:$0x3FA4]  }
0x2d: {  	s3 =	simm.s32 $0x108;
	s8 =	sld [smem:$0x3FA5]  }
0x2e: {  	s3 =	simm.s32 @!p0 $0x1082;
	s9 =	sld [smem:$0x3FA6]  }
0x2f: {  	lr =	sadd.s32 s0, s3;
	s0 =	sld [smem:$0x3F9D]  }
0x30: {  	s3 =	sld [smem:$0x3FA0]  }
0x31: {  	[smem:$0x3FA9] =	sst s10  }
0x32: {  	s10 =	sld [smem:$0x3FA7];
	_ =	sdelay $0x3  }
0x33: {  	p0 =	seq.s32 s10, $0x1;
	s10 =	sld [smem:$0x3FA9];
	_ =	sdelay $0x3  }
0x34: {  	[smem:$0x3FA9] =	sst s10  }
0x35: {  	s10 =	sld [smem:$0x3FA8];
	_ =	sdelay $0x3  }
0x36: {  	p1 =	seq.s32 s10, $0x1;
	s10 =	sld [smem:$0x3FA9];
	_ =	sdelay $0x3  }
0x37: {  	[smem:$0x3FA9] =	sst s10  }
0x38: {  	s10 =	sld [smem:$0x3FAA]  }
0x39: {  	_ = 	snop;
	(pc) =	sbr.ind lr, $3  }
0x3a: {  	_ = 	snop  }
0x3b: {  	_ = 	snop  }
0x3c: {  	p2 =	seq.s32 s10, $0x1;
	s10 =	sld [smem:$0x3FA9]  }
0x3d: {  	_ =	shalt  }
0x3e: {  	_ =	shalt  }
0x3f: {  	_ =	shalt  }
0x40: {  	_ =	shalt  }
0x41: {  	_ =	shalt  }
0x42: {  	_ =	shalt  }
0x43: {  	_ =	shalt  }
0x44: {  	_ =	shalt  }
0x45: {  	_ =	shalt  }
0x46: {  	_ =	shalt  }
0x47: {  	_ =	shalt  }
0x48: {  	_ =	shalt  }
0x49: {  	_ =	shalt  }
0x4a: {  	_ =	shalt  }
0x4b: {  	_ =	shalt  }
0x4c: {  	_ =	shalt  }
0x4d: {  	_ =	shalt  }
0x4e: {  	_ =	shalt  }
0x4f: {  	_ =	shalt  }
0x50: {  	_ =	shalt  }
0x51: {  	_ =	shalt  }
0x52: {  	_ =	shalt  }
0x53: {  	_ =	shalt  }
0x54: {  	_ =	shalt  }
0x55: {  	_ =	shalt  }
0x56: {  	_ =	shalt  }
0x57: {  	_ =	shalt  }
0x58: {  	_ =	shalt  }
0x59: {  	_ =	shalt  }
0x5a: {  	_ =	shalt  }
0x5b: {  	_ =	shalt  }
0x5c: {  	_ =	shalt  }
0x5d: {  	_ =	shalt  }
0x5e: {  	_ =	shalt  }
0x5f: {  	_ =	shalt  }
0x60: {  	_ =	shalt  }
0x61: {  	_ =	shalt  }
0x62: {  	_ =	shalt  }
0x63: {  	_ =	shalt  }
0x64: {  	_ =	shalt  }
0x65: {  	_ =	shalt  }
0x66: {  	_ =	shalt  }
0x67: {  	_ =	shalt  }
0x68: {  	_ =	shalt  }
0x69: {  	_ =	shalt  }
0x6a: {  	_ =	shalt  }
0x6b: {  	_ =	shalt  }
0x6c: {  	_ =	shalt  }
0x6d: {  	_ =	shalt  }
0x6e: {  	_ =	shalt  }
0x6f: {  	_ =	shalt  }
0x70: {  	_ =	shalt  }
0x71: {  	_ =	shalt  }
0x72: {  	_ =	shalt  }
0x73: {  	_ =	shalt  }
0x74: {  	_ =	shalt  }
0x75: {  	_ =	shalt  }
0x76: {  	_ =	shalt  }
0x77: {  	_ =	shalt  }
0x78: {  	_ =	shalt  }
0x79: {  	_ =	shalt  }
0x7a: {  	_ =	shalt  }
0x7b: {  	_ =	shalt  }
0x7c: {  	_ =	shalt  }
0x7d: {  	_ =	shalt  }
0x7e: {  	_ =	shalt  }
0x7f: {  	_ =	shalt  }
0x80: {  	_ =	shalt  }
0x81: {  	_ =	shalt  }
0x82: {  	_ =	shalt  }
0x83: {  	_ =	shalt  }
0x84: {  	_ =	shalt  }
0x85: {  	_ =	shalt  }
0x86: {  	_ =	shalt  }
0x87: {  	_ =	shalt  }
.Lfunc_end0:
.L_simem_size_0:
called_computation_lowered:
.L_overlay_start_0:
0x88: {  	s2 =	sld [smem:$0x3FD9]  }
0x89: {  	s3 =	sld [smem:$0x3FFE];
	_ =	sdelay $0x1  }
0x8a: {  	s1 =	srdreg.scid  }
0x8b: {  	s0 =	sand.u32 $0x1, s1  }
0x8c: {  	s17 =	sshll.u32 s0, $0xA;
	s2 =	sadd.s32 s3, s2  }
0x8d: {  	s2 =	sadd.s32 s2, s17  }
0x8e: {  	[smem:$0x3FB5] =	sst s2  }
0x8f: {  	_ = 	snop  }
0x90: {  	s2 =	sld [smem:$0x3FD0];
	(tm) =	ssettm $0x1  }
0x91: {  	s18 =	sld [smem:$0x3FFB];
	_ =	sdelay $0x3  }
0x92: {  	_ =	strace s18  }
0x93: {  	s3 =	sld [smem:$0x3FFC];
	_ =	sdelay $0x3  }
0x94: {  	_ =	strace s3  }
0x95: {  	s3 =	sld [smem:$0x3FFD];
	_ =	sdelay $0x3  }
0x96: {  	_ =	strace s3  }
0x97: {  	_ =	strace $0x8FFFFFFF  }
0x98: {  	s19 =	sld [smem:$0x3FDB];
	_ =	sdelay $0x1  }
0x99: {  	s4 =	simm.s32 $_scs_section_size  }
0x9a: {  	s5 =	simm.s32 $_size__tile_overlayer_lowered;
	s6 =	simm.s32 $_tile_overlayer_lowered  }
0x9b: {  	s22 =	simm.s32 $0x1BFF;
	s21 =	sshll.u32 s6, $0x1;
	s3 =	sadd.s32 s4, s19  }
0x9c: {  	s7 =	simm.s32 $0x0;
	s20 =	sshll.u32 s5, $0x1;
	s5 =	sadd.s32 s21, s3  }
0x9d: {  	[timem:s7], [sflag:s22] =	dma.local [hbm:s5], s20  }
0x9e: {  	_ =	swait.ge [sflag:s22], s20  }
0x9f: {  	s4 =	ssub.s32 $0x0, s20;
	[sflag:s22] =	ssyncset.done $0x0  }
0xa0: {  	[sflag:s22] =	ssyncadd.s32 s4;
	_ =	sdelay $0x1  }
0xa1: {  	s23 =	simm.s32 $0x1B8B  }
0xa2: {  	_ =	swait.ge [sflag:s23], $0x1  }
0xa3: {  	[sflag:s23] =	ssyncset.done $0x0  }
0xa4: {  	s25 =	simm.s32 $0x1B8E;
	s24 =	sld [smem:$0x3FFE];
	[sflag:s23] =	ssyncadd.s32 $0xFFFFFFFF  }
0xa5: {  	s26 =	simm.s32 $execute0_lowered;
	[smem:$0x3FD2] =	sst s25  }
0xa6: {  	s5 =	sshll.u32 s26, $0x1;
	_ =	strace $0x80000046;
	[dreg:$0x1] =	wrdreg $0xFFFFFFFF  }
0xa7: {  	s28 =	simm.s32 $_size_execute0_lowered;
	s3 =	sadd.s32 s3, s5;
	[dreg:$0x0] =	wrdreg $0x0  }
0xa8: {  	s5 =	sshll.u32 s28, $0x1;
	[dreg:$0x2] =	wrdreg s3  }
0xa9: {  	[dreg:$0x3] =	wrdreg s5  }
0xaa: {  	[dreg:$0x4] =	wrdreg $0xC0  }
0xab: {  	_ =	task [dreg:s7], $0x5FFFF  }
0xac: {  	[dreg:$0x1] =	wrdreg $0xFFFFFFFF  }
0xad: {  	[dreg:$0x0] =	wrdreg $0x60  }
0xae: {  	[dreg:$0x2] =	wrdreg s24  }
0xaf: {  	[dreg:$0x3] =	wrdreg s2  }
0xb0: {  	[dreg:$0x4] =	wrdreg $0x0  }
0xb1: {  	[dreg:$0x5] =	wrdreg $0x9  }
0xb2: {  	_ =	task.clear_ibuf [dreg:s7], $0x6FFFF;
	_ =	strace $0x90000046  }
0xb3: {  	s29 =	simm.s32 $0x9;
	_ =	strace $0x80000048  }
0xb4: {  	_ =	swait.ge [sflag:s29], $0x1  }
0xb5: {  	[sflag:s29] =	ssyncadd.s32 $0xFFFFFFFF  }
0xb6: {  	_ =	strace $0x90000048  }
0xb7: {  	_ =	sfence  }
0xb8: {  	s30 =	sld [smem:$0x0];
	_ =	sdelay $0x2  }
0xb9: {  	s31 =	sshll.u32 s1, $0xD;
	s1 =	sshrl.u32 s1, $0x2  }
0xba: {  	s3 =	sand.u32 $0x4000, s31;
	s1 =	sadd.s32 s1, s30  }
0xbb: {  	s0 =	sor.u32 s3, s0;
	s1 =	sshll.u32 s1, $0x11  }
0xbc: {  	s0 =	sor.u32 s1, s0  }
0xbd: {  	s0 =	sadd.s32 $0x8F2B, s0  }
0xbe: {  	[sflag:s0] =	ssyncadd.remote.s32 $0x1  }
0xbf: {  	_ =	sfence.sel $0xFFFF  }
0xc0: {  	[dreg:$0x0] =	wrdreg $0xFFFFFFFF;
	(pc) =	sbr.abs _section_cstart, $3  }
0xc1: {  	[dreg:$0x1] =	wrdreg $0xFFFFFFFF  }
0xc2: {  	_ =	task.clear_ibuf [dreg:s7], $0x2FFFF;
	_ =	strace $0x9FFFFFFF  }
0xc3: {  	(tm) =	ssettm $0x7FFFFFFF  }
tec
execute0_lowered:
.L_overlay_start_1:
0x0: {  	(tag) =	ssettag $0x1  }
0x1: {  	s5 =	rddreg [dreg:$0x0]  }
0x2: {  	s1 =	rddreg [dreg:$0x1];
	s0 =	srdreg.scid  }
0x3: {  	s3 =	rddreg [dreg:$0x2];
	s2 =	stileid.u32  }
0x4: {  	s4 =	simm.s32 $0x0;
	s14 =	simm.s32 $0x80;
	s15 =	simm.s32 $0xC3D8  }
0x5: {  	s16 =	simm.s32 $0xC458;
	s17 =	simm.s32 $0xC4D8;
	s8 =	smul.u32 $0xC350, s2  }
0x6: {  	s18 =	simm.s32 $0x1;
	s6 =	sand.u32 $0x1, s0;
	s12 =	smul.u32 $0xC40, s2  }
0x7: {  	s19 =	simm.s32 $0x0;
	s0 =	rddreg [dreg:$0x3];
	s7 =	smul.u32 $0xC400, s6  }
0x8: {  	[smem:$0x7FF] =	sst s4;
	s30 =	sshll.u32 s2, $0x6;
	s9 =	smul.u32 $0xC3500, s6  }
0x9: {  	_ =	strace $0x80000047;
	s6 =	ssub.s32 $0x2, s6;
	s29 =	sshrl.u32 s8, $0x3  }
0xa: {  	s11 =	sshrl.u32 s6, $0x1;
	s13 =	sadd.s32 s8, s3;
	s10 =	sadd.s32 s7, s5  }
0xb: {  	s9 =	sadd.s32 s8, s9;
	s7 =	sadd.s32 s29, s5;
	s11 =	ssub.s32 s6, s11  }
0xc: {  	s6 =	sor.u32 $0x1C02, s30;
	s9 =	sshrl.u32 s9, $0x3;
	s31 =	sadd.s32 s12, s10  }
0xd: {  	s8 =	smax.u32 s11, $0x1;
	s10 =	sshrl.u32 s13, $0x3;
	s11 =	simm.s32 $0x2  }
0xe: {  	s12 =	simm.s32 $0xC558;
	s13 =	simm.s32 $0xC358;
	s9 =	sadd.s32 s9, s5  }
0xf: {  	s5 =	sadd.s32 $0x1DC00, s7;
	s7 =	sadd.s32 $0x36400, s9;
	s9 =	sadd.s32 $0x5400, s31  }
.LBB2_1:
0x10: {  	[spmem:s10], [sflag:s6] =	dma.local [hbm:s5], $0x186A  }
0x11: {  	_ =	swait.ge [sflag:s11], $0x186A  }
0x12: {  	[sflag:s11] =	ssyncset.done $0x0  }
0x13: {  	[sflag:s11] =	ssyncadd.s32 $0xFFFFE796  }
0x14: {  	[tilespmem:s12], [sflag:$0x2] =	stream.linear.gather [hbm4b:s1+s4], $0x800, $0x38;
	[tilespmem:$0xCD58] =	vst v63  }
0x15: {  	_ =	swait.ge [sflag:s11], $0x800  }
0x16: {  	[sflag:s11] =	ssyncset.done $0x0  }
0x17: {  	[sflag:s11] =	ssyncadd.s32 $0xFFFFF800  }
0x18: {  	s20 =	sadd.s32 $0x0, s9;
	[bflag:$0x0] =	sbarrier.arrive $0xFFFF  }
0x19: {  	[tilespmem:s13], [sflag:$0x2] =	stream.linear.gather [hbm4b:s20+s4], $0x200, $0x38;
	[tilespmem:$0xCD58] =	vst v63  }
0x1a: {  	_ =	swait.ge [sflag:s11], $0x200  }
0x1b: {  	[sflag:s11] =	ssyncset.done $0x0  }
0x1c: {  	[sflag:s11] =	ssyncadd.s32 $0xFFFFFE00  }
0x1d: {  	[spmem:s3] =	stream.indirect.scatter.add.f32 [tilespmem:s12], [sflag:$0x1], $0x10, s13, s14, $0xb8;
	[tilespmem:$0xCD58] =	vst v63  }
0x1e: {  	_ = 	snop  }
0x1f: {  	[spmem:s3] =	stream.indirect.scatter.add.f32 [tilespmem:s12], [sflag:$0x1], $0x10, s15, s14, $0xb8;
	[tilespmem:$0xCD58] =	vst v63  }
0x20: {  	_ = 	snop  }
0x21: {  	[spmem:s3] =	stream.indirect.scatter.add.f32 [tilespmem:s12], [sflag:$0x1], $0x10, s16, s14, $0xb8;
	[tilespmem:$0xCD58] =	vst v63  }
0x22: {  	_ = 	snop  }
0x23: {  	[spmem:s3] =	stream.indirect.scatter.add.f32 [tilespmem:s12], [sflag:$0x1], $0x10, s17, s14, $0xb8;
	[tilespmem:$0xCD58] =	vst v63  }
0x24: {  	_ =	swait.ge [sflag:s18], $0x800  }
0x25: {  	[sflag:s18] =	ssyncset.done $0x0  }
0x26: {  	[sflag:s18] =	ssyncadd.s32 $0xFFFFF800  }
0x27: {  	_ =	swait.ge [sflag:s18], $0x800  }
0x28: {  	[sflag:s18] =	ssyncset.done $0x0  }
0x29: {  	[sflag:s18] =	ssyncadd.s32 $0xFFFFF800  }
0x2a: {  	_ =	swait.ge [sflag:s18], $0x800  }
0x2b: {  	[sflag:s18] =	ssyncset.done $0x0  }
0x2c: {  	[sflag:s18] =	ssyncadd.s32 $0xFFFFF800  }
0x2d: {  	_ =	swait.ge [sflag:s18], $0x800  }
0x2e: {  	s21 =	simm.s32 $0x80;
	s20 =	simm.s32 $0x40;
	[sflag:s18] =	ssyncset.done $0x0  }
.LBB2_2:
0x2f: {  	s22 =	sadd.s32 s20, s9  }
0x30: {  	[sflag:s18] =	ssyncadd.s32 $0xFFFFF800;
	s20 =	smov.u32 s21;
	s23 =	sadd.s32 $0x40, s21  }
0x31: {  	[tilespmem:s13], [sflag:$0x2] =	stream.linear.gather [hbm4b:s22+s4], $0x200, $0x38;
	[tilespmem:$0xCD58] =	vst v63  }
0x32: {  	p0 =	sne.s32 s21, $0xC00;
	_ =	swait.ge [sflag:s11], $0x200  }
0x33: {  	[sflag:s11] =	ssyncset.done $0x0  }
0x34: {  	[sflag:s11] =	ssyncadd.s32 $0xFFFFFE00  }
0x35: {  	[spmem:s3] =	stream.indirect.scatter.add.f32 [tilespmem:s12], [sflag:$0x1], $0x10, s13, s14, $0xb8;
	[tilespmem:$0xCD58] =	vst v63  }
0x36: {  	_ = 	snop  }
0x37: {  	[spmem:s3] =	stream.indirect.scatter.add.f32 [tilespmem:s12], [sflag:$0x1], $0x10, s15, s14, $0xb8;
	[tilespmem:$0xCD58] =	vst v63  }
0x38: {  	_ = 	snop  }
0x39: {  	[spmem:s3] =	stream.indirect.scatter.add.f32 [tilespmem:s12], [sflag:$0x1], $0x10, s16, s14, $0xb8;
	[tilespmem:$0xCD58] =	vst v63  }
0x3a: {  	_ = 	snop  }
0x3b: {  	[spmem:s3] =	stream.indirect.scatter.add.f32 [tilespmem:s12], [sflag:$0x1], $0x10, s17, s14, $0xb8;
	[tilespmem:$0xCD58] =	vst v63  }
0x3c: {  	_ =	swait.ge [sflag:s18], $0x800  }
0x3d: {  	[sflag:s18] =	ssyncset.done $0x0  }
0x3e: {  	[sflag:s18] =	ssyncadd.s32 $0xFFFFF800  }
0x3f: {  	_ =	swait.ge [sflag:s18], $0x800  }
0x40: {  	[sflag:s18] =	ssyncset.done $0x0  }
0x41: {  	[sflag:s18] =	ssyncadd.s32 $0xFFFFF800  }
.Ltmp0:
0x42: {  	_ =	swait.ge [sflag:s18], $0x800;
	(pc) =	sbr.rel @p0 .LBB2_2-.Ltmp0, $4  }
0x43: {  	[sflag:s18] =	ssyncset.done $0x0  }
0x44: {  	[sflag:s18] =	ssyncadd.s32 $0xFFFFF800  }
0x45: {  	_ =	swait.ge [sflag:s18], $0x800  }
0x46: {  	s21 =	smov.u32 s23;
	[sflag:s18] =	ssyncset.done $0x0  }
0x47: {  	s20 =	sadd.s32 s20, s9;
	[sflag:s18] =	ssyncadd.s32 $0xFFFFF800  }
0x48: {  	[tilespmem:s13], [sflag:$0x2] =	stream.linear.gather [hbm4b:s20+s4], $0x200, $0x38;
	[tilespmem:$0xCD58] =	vst v63  }
0x49: {  	_ =	swait.ge [sflag:s11], $0x200  }
0x4a: {  	[sflag:s11] =	ssyncset.done $0x0  }
0x4b: {  	[sflag:s11] =	ssyncadd.s32 $0xFFFFFE00  }
0x4c: {  	[spmem:s3] =	stream.indirect.scatter.add.f32 [tilespmem:s12], [sflag:$0x1], $0x10, s13, s14, $0xb8;
	[tilespmem:$0xCD58] =	vst v63  }
0x4d: {  	_ = 	snop  }
0x4e: {  	[spmem:s3] =	stream.indirect.scatter.add.f32 [tilespmem:s12], [sflag:$0x1], $0x10, s15, s14, $0xb8;
	[tilespmem:$0xCD58] =	vst v63  }
0x4f: {  	_ = 	snop  }
0x50: {  	[spmem:s3] =	stream.indirect.scatter.add.f32 [tilespmem:s12], [sflag:$0x1], $0x10, s16, s14, $0xb8;
	[tilespmem:$0xCD58] =	vst v63  }
0x51: {  	_ = 	snop  }
0x52: {  	[spmem:s3] =	stream.indirect.scatter.add.f32 [tilespmem:s12], [sflag:$0x1], $0x10, s17, s14, $0xb8;
	[tilespmem:$0xCD58] =	vst v63  }
0x53: {  	_ =	swait.ge [sflag:s18], $0x800  }
0x54: {  	[sflag:s18] =	ssyncset.done $0x0  }
0x55: {  	[sflag:s18] =	ssyncadd.s32 $0xFFFFF800  }
0x56: {  	_ =	swait.ge [sflag:s18], $0x800  }
0x57: {  	[sflag:s18] =	ssyncset.done $0x0  }
0x58: {  	[sflag:s18] =	ssyncadd.s32 $0xFFFFF800  }
0x59: {  	_ =	swait.ge [sflag:s18], $0x800  }
0x5a: {  	[sflag:s18] =	ssyncset.done $0x0  }
0x5b: {  	[sflag:s18] =	ssyncadd.s32 $0xFFFFF800  }
0x5c: {  	_ =	swait.ge [sflag:s18], $0x800  }
0x5d: {  	s19 =	sadd.s32 $0x1, s19;
	[sflag:s18] =	ssyncset.done $0x0  }
0x5e: {  	p0 =	sne.s32 s19, s8;
	[sflag:s18] =	ssyncadd.s32 $0xFFFFF800  }
.Ltmp1:
0x5f: {  	[bflag:$0x0] =	sbarrier.arrive $0xFFFF;
	(pc) =	sbr.rel @p0 .LBB2_1-.Ltmp1, $4  }
0x60: {  	[hbm:s7], [sflag:s6] =	dma.local [spmem:s10], $0x186A  }
0x61: {  	_ =	swait.ge [sflag:s11], $0x186A  }
0x62: {  	[sflag:s11] =	ssyncset.done $0x0  }
0x63: {  	[sflag:s11] =	ssyncadd.s32 $0xFFFFE796  }
0x64: {  	_ =	sfence.sel $0x180000  }
0x65: {  	[bflag:$0x0] =	sbarrier.arrive $0xFFFF  }
0x66: {  	p0 =	sne.s32 s2, $0x0;
	_ =	strace $0x90000047  }
0x67: {  	s0 =	sadd.s32 @!p0 $0x100000, s0;
	[bflag:$0x2] =	sbarrier.arrive $0xFFFF  }
0x68: {  	[sflag:s0] =	ssyncadd.tile.s32 @!p0 $0x1;
	_ =	shalt  }
.Lfunc_end2:
_tile_overlayer_lowered:
.L_overlay_start_2:
0x69: {  	(tag) =	ssettag $0x2  }
0x6a: {  	s0 =	rddreg [dreg:$0x0];
	s2 =	stileid.u32  }
0x6b: {  	s1 =	rddreg [dreg:$0x1];
	p0 =	sne.s32 s2, $0x0  }
0x6c: {  	s3 =	rddreg [dreg:$0x2];
	[bflag:$0x3] =	sbarrier.arrive $0xFFFF;
	s2 =	simm.s32 @!p0 $0x1C02  }
0x6d: {  	[timem:s3], [sflag:s2] =	dma.local @!p0 [hbm:s0], s1  }
0x6e: {  	s0 =	simm.s32 @!p0 $0x2  }
0x6f: {  	_ =	swait.ge @!p0 [sflag:s0], s1  }
0x70: {  	s1 =	ssub.s32 @!p0 $0x0, s1;
	[sflag:s0] =	ssyncset.done @!p0 $0x0  }
0x71: {  	[sflag:s0] =	ssyncadd.s32 @!p0 s1  }
0x72: {  	[bflag:$0x3] =	sbarrier.arrive $0xFFFF  }
0x73: {  	_ =	shalt  }

// kernel: kernel.17.cloned.1.call-start
scs
__scs_entry_jumppad:
0x0: {  	(pc) =	sbr.rel $0x88, $3  }
0x1: {  	(tag) =	ssettag $0x0;
	lr =	simm.s32 $0x1  }
0x2: {  	[smem:$0x3F8E] =	sst lr;
	_ =	strace $0xD0000000  }
0x3: {  	_ = 	snop  }
0x4: {  	_ = 	snop  }
0x5: {  	_ = 	snop  }
0x6: {  	_ = 	snop  }
0x7: {  	_ = 	snop  }
__scs_overlays_trampoline_lowered:
0x8: {  	[smem:$0x3F9D] =	sst s0  }
0x9: {  	[smem:$0x3F9E] =	sst s1  }
0xa: {  	[smem:$0x3F9F] =	sst s2  }
0xb: {  	[smem:$0x3FA0] =	sst s3  }
0xc: {  	[smem:$0x3FA1] =	sst s4  }
0xd: {  	[smem:$0x3FA2] =	sst s5  }
0xe: {  	[smem:$0x3FA3] =	sst s6  }
0xf: {  	[smem:$0x3FA4] =	sst s7  }
0x10: {  	[smem:$0x3FA5] =	sst s8  }
0x11: {  	[smem:$0x3FA6] =	sst s9;
	s0 =	simm.s32 @!p0 $0x0  }
0x12: {  	s1 =	sld [smem:$0x3F8C];
	s0 =	simm.s32 @p0 $0x1  }
0x13: {  	[smem:$0x3FA7] =	sst s0;
	s0 =	simm.s32 @!p1 $0x0  }
0x14: {  	s2 =	sld [smem:$0x3F8B];
	s0 =	simm.s32 @p1 $0x1  }
0x15: {  	[smem:$0x3FA8] =	sst s0;
	s0 =	simm.s32 @!p2 $0x0  }
0x16: {  	s3 =	sld [smem:$0x3FDB];
	s0 =	simm.s32 @p2 $0x1  }
0x17: {  	s4 =	simm.s32 $0x1BF5;
	[smem:$0x3FAA] =	sst s0  }
0x18: {  	s0 =	sld [smem:$0x3F8D];
	_ =	swait.ge [sflag:s4], $0x0  }
0x19: {  	s7 =	sld [smem:$0x3F8E]  }
0x1a: {  	s8 =	sadd.s32 $0xFFFFE003, lr  }
0x1b: {  	s9 =	sadd.s32 $0xFFFFFEF7, lr;
	s5 =	simm.s32 $0xFFFFFFFF;
	p2 =	slt.u32 s8, $0xFFFFF086  }
0x1c: {  	p1 =	slt.u32 s9, $0xF7A;
	s5 =	simm.s32 @!p2 $0x0  }
0x1d: {  	s5 =	simm.s32 @p1 $0x1;
	p0 =	seq.s32 s7, s2  }
0x1e: {  	s7 =	smul.u32 @!p0 $0xF7A, s2;
	p2 =	seq.s32 @!p0 s5, $0x0  }
0x1f: {  	s9 =	smul.u32 $0xF7A, s1;
	s8 =	simm.s32 @!p0 $0x1BF5;
	p2 =	por !p2, p0  }
0x20: {  	[sflag:s8] =	ssyncset.s32 @!p0 $0xFFFFF086;
	s6 =	sadd.s32 @!p0 s3, s7;
	s7 =	simm.s32 @!p0 $0x108  }
0x21: {  	s3 =	sadd.s32 s3, s9;
	s6 =	sadd.s32 @!p0 $0x88, s6;
	s7 =	simm.s32 @p2 $0x1082  }
0x22: {  	[simem:s7], [sflag:s8] =	dma.local @!p0 [hbm:s6], $0xF7A  }
0x23: {  	s9 =	sor.u32 $0xD0000000, s2;
	s6 =	simm.s32 $0x108;
	_ =	swait.ge @!p0 [sflag:s8], $0x0  }
0x24: {  	s3 =	sadd.s32 $0x88, s3;
	s6 =	simm.s32 @!p1 $0x1082;
	[sflag:s4] =	ssyncset.s32 $0xFFFFF086  }
0x25: {  	[simem:s6], [sflag:s4] =	dma.local [hbm:s3], $0xF7A  }
0x26: {  	[smem:$0x3F8E] =	sst s1;
	(tag) =	ssettag s2;
	_ =	strace s9  }
0x27: {  	s1 =	sld [smem:$0x3F9E]  }
0x28: {  	s2 =	sld [smem:$0x3F9F]  }
0x29: {  	s4 =	sld [smem:$0x3FA1]  }
0x2a: {  	p0 =	seq.s32 s5, $0x0;
	s5 =	sld [smem:$0x3FA2]  }
0x2b: {  	s6 =	sld [smem:$0x3FA3]  }
0x2c: {  	s7 =	sld [smem:$0x3FA4]  }
0x2d: {  	s3 =	simm.s32 $0x108;
	s8 =	sld [smem:$0x3FA5]  }
0x2e: {  	s3 =	simm.s32 @!p0 $0x1082;
	s9 =	sld [smem:$0x3FA6]  }
0x2f: {  	lr =	sadd.s32 s0, s3;
	s0 =	sld [smem:$0x3F9D]  }
0x30: {  	s3 =	sld [smem:$0x3FA0]  }
0x31: {  	[smem:$0x3FA9] =	sst s10  }
0x32: {  	s10 =	sld [smem:$0x3FA7];
	_ =	sdelay $0x3  }
0x33: {  	p0 =	seq.s32 s10, $0x1;
	s10 =	sld [smem:$0x3FA9];
	_ =	sdelay $0x3  }
0x34: {  	[smem:$0x3FA9] =	sst s10  }
0x35: {  	s10 =	sld [smem:$0x3FA8];
	_ =	sdelay $0x3  }
0x36: {  	p1 =	seq.s32 s10, $0x1;
	s10 =	sld [smem:$0x3FA9];
	_ =	sdelay $0x3  }
0x37: {  	[smem:$0x3FA9] =	sst s10  }
0x38: {  	s10 =	sld [smem:$0x3FAA]  }
0x39: {  	_ = 	snop;
	(pc) =	sbr.ind lr, $3  }
0x3a: {  	_ = 	snop  }
0x3b: {  	_ = 	snop  }
0x3c: {  	p2 =	seq.s32 s10, $0x1;
	s10 =	sld [smem:$0x3FA9]  }
0x3d: {  	_ =	shalt  }
0x3e: {  	_ =	shalt  }
0x3f: {  	_ =	shalt  }
0x40: {  	_ =	shalt  }
0x41: {  	_ =	shalt  }
0x42: {  	_ =	shalt  }
0x43: {  	_ =	shalt  }
0x44: {  	_ =	shalt  }
0x45: {  	_ =	shalt  }
0x46: {  	_ =	shalt  }
0x47: {  	_ =	shalt  }
0x48: {  	_ =	shalt  }
0x49: {  	_ =	shalt  }
0x4a: {  	_ =	shalt  }
0x4b: {  	_ =	shalt  }
0x4c: {  	_ =	shalt  }
0x4d: {  	_ =	shalt  }
0x4e: {  	_ =	shalt  }
0x4f: {  	_ =	shalt  }
0x50: {  	_ =	shalt  }
0x51: {  	_ =	shalt  }
0x52: {  	_ =	shalt  }
0x53: {  	_ =	shalt  }
0x54: {  	_ =	shalt  }
0x55: {  	_ =	shalt  }
0x56: {  	_ =	shalt  }
0x57: {  	_ =	shalt  }
0x58: {  	_ =	shalt  }
0x59: {  	_ =	shalt  }
0x5a: {  	_ =	shalt  }
0x5b: {  	_ =	shalt  }
0x5c: {  	_ =	shalt  }
0x5d: {  	_ =	shalt  }
0x5e: {  	_ =	shalt  }
0x5f: {  	_ =	shalt  }
0x60: {  	_ =	shalt  }
0x61: {  	_ =	shalt  }
0x62: {  	_ =	shalt  }
0x63: {  	_ =	shalt  }
0x64: {  	_ =	shalt  }
0x65: {  	_ =	shalt  }
0x66: {  	_ =	shalt  }
0x67: {  	_ =	shalt  }
0x68: {  	_ =	shalt  }
0x69: {  	_ =	shalt  }
0x6a: {  	_ =	shalt  }
0x6b: {  	_ =	shalt  }
0x6c: {  	_ =	shalt  }
0x6d: {  	_ =	shalt  }
0x6e: {  	_ =	shalt  }
0x6f: {  	_ =	shalt  }
0x70: {  	_ =	shalt  }
0x71: {  	_ =	shalt  }
0x72: {  	_ =	shalt  }
0x73: {  	_ =	shalt  }
0x74: {  	_ =	shalt  }
0x75: {  	_ =	shalt  }
0x76: {  	_ =	shalt  }
0x77: {  	_ =	shalt  }
0x78: {  	_ =	shalt  }
0x79: {  	_ =	shalt  }
0x7a: {  	_ =	shalt  }
0x7b: {  	_ =	shalt  }
0x7c: {  	_ =	shalt  }
0x7d: {  	_ =	shalt  }
0x7e: {  	_ =	shalt  }
0x7f: {  	_ =	shalt  }
0x80: {  	_ =	shalt  }
0x81: {  	_ =	shalt  }
0x82: {  	_ =	shalt  }
0x83: {  	_ =	shalt  }
0x84: {  	_ =	shalt  }
0x85: {  	_ =	shalt  }
0x86: {  	_ =	shalt  }
0x87: {  	_ =	shalt  }
.Lfunc_end0:
.L_simem_size_0:
called_computation.1_lowered:
.L_overlay_start_0:
0x88: {  	s2 =	sld [smem:$0x3FD9]  }
0x89: {  	s3 =	sld [smem:$0x3FFE];
	_ =	sdelay $0x1  }
0x8a: {  	s1 =	srdreg.scid  }
0x8b: {  	s0 =	sand.u32 $0x1, s1  }
0x8c: {  	s16 =	sshll.u32 s0, $0xA;
	s2 =	sadd.s32 s3, s2  }
0x8d: {  	s2 =	sadd.s32 s2, s16  }
0x8e: {  	[smem:$0x3FB5] =	sst s2  }
0x8f: {  	_ = 	snop  }
0x90: {  	(tm) =	ssettm $0x1  }
0x91: {  	s17 =	sld [smem:$0x3FFB];
	_ =	sdelay $0x3  }
0x92: {  	_ =	strace s17  }
0x93: {  	s2 =	sld [smem:$0x3FFC];
	_ =	sdelay $0x3  }
0x94: {  	_ =	strace s2  }
0x95: {  	s2 =	sld [smem:$0x3FFD];
	_ =	sdelay $0x3  }
0x96: {  	_ =	strace s2  }
0x97: {  	_ =	strace $0x8FFFFFFF  }
0x98: {  	s18 =	sld [smem:$0x3FDB];
	_ =	sdelay $0x1  }
0x99: {  	s19 =	simm.s32 $_scs_section_size  }
0x9a: {  	s4 =	simm.s32 $_size__tile_overlayer_lowered;
	s5 =	simm.s32 $_tile_overlayer_lowered  }
0x9b: {  	s22 =	simm.s32 $0x1BFF;
	s21 =	sshll.u32 s5, $0x1;
	s2 =	sadd.s32 s19, s18  }
0x9c: {  	s6 =	simm.s32 $0x0;
	s20 =	sshll.u32 s4, $0x1;
	s4 =	sadd.s32 s21, s2  }
0x9d: {  	[timem:s6], [sflag:s22] =	dma.local [hbm:s4], s20  }
0x9e: {  	_ =	swait.ge [sflag:s22], s20  }
0x9f: {  	s3 =	ssub.s32 $0x0, s20;
	[sflag:s22] =	ssyncset.done $0x0  }
0xa0: {  	[sflag:s22] =	ssyncadd.s32 s3;
	_ =	sdelay $0x1  }
0xa1: {  	s23 =	simm.s32 $0x1B8B  }
0xa2: {  	_ =	swait.ge [sflag:s23], $0x1  }
0xa3: {  	[sflag:s23] =	ssyncset.done $0x0  }
0xa4: {  	s25 =	simm.s32 $0x1B8E;
	s24 =	sld [smem:$0x3FFE];
	[sflag:s23] =	ssyncadd.s32 $0xFFFFFFFF  }
0xa5: {  	s26 =	simm.s32 $execute0_lowered;
	[smem:$0x3FD2] =	sst s25  }
0xa6: {  	s4 =	sshll.u32 s26, $0x1;
	_ =	strace $0x80000049;
	[dreg:$0x1] =	wrdreg $0xFFFFFFFF  }
0xa7: {  	s28 =	simm.s32 $_size_execute0_lowered;
	s2 =	sadd.s32 s2, s4;
	[dreg:$0x0] =	wrdreg $0x0  }
0xa8: {  	s4 =	sshll.u32 s28, $0x1;
	[dreg:$0x2] =	wrdreg s2  }
0xa9: {  	[dreg:$0x3] =	wrdreg s4  }
0xaa: {  	[dreg:$0x4] =	wrdreg $0xC0  }
0xab: {  	_ =	task [dreg:s6], $0x5FFFF  }
0xac: {  	[dreg:$0x1] =	wrdreg $0xFFFFFFFF  }
0xad: {  	[dreg:$0x0] =	wrdreg $0x60  }
0xae: {  	[dreg:$0x2] =	wrdreg s24  }
0xaf: {  	[dreg:$0x3] =	wrdreg $0x0  }
0xb0: {  	[dreg:$0x4] =	wrdreg $0x9  }
0xb1: {  	_ =	task.clear_ibuf [dreg:s6], $0x5FFFF;
	_ =	strace $0x90000049  }
0xb2: {  	s29 =	simm.s32 $0x9;
	_ =	strace $0x8000004B  }
0xb3: {  	_ =	swait.ge [sflag:s29], $0x1  }
0xb4: {  	[sflag:s29] =	ssyncadd.s32 $0xFFFFFFFF  }
0xb5: {  	_ =	strace $0x9000004B  }
0xb6: {  	_ =	sfence  }
0xb7: {  	s30 =	sld [smem:$0x0];
	_ =	sdelay $0x2  }
0xb8: {  	s31 =	sshll.u32 s1, $0xD;
	s1 =	sshrl.u32 s1, $0x2  }
0xb9: {  	s3 =	sand.u32 $0x4000, s31;
	s1 =	sadd.s32 s1, s30  }
0xba: {  	s0 =	sor.u32 s3, s0;
	s1 =	sshll.u32 s1, $0x11  }
0xbb: {  	s0 =	sor.u32 s1, s0  }
0xbc: {  	s0 =	sadd.s32 $0x8F2B, s0  }
0xbd: {  	[sflag:s0] =	ssyncadd.remote.s32 $0x1  }
0xbe: {  	_ =	sfence.sel $0xFFFF  }
0xbf: {  	[dreg:$0x0] =	wrdreg $0xFFFFFFFF;
	(pc) =	sbr.abs _section_cstart, $3  }
0xc0: {  	[dreg:$0x1] =	wrdreg $0xFFFFFFFF  }
0xc1: {  	_ =	task.clear_ibuf [dreg:s6], $0x2FFFF;
	_ =	strace $0x9FFFFFFF  }
0xc2: {  	(tm) =	ssettm $0x7FFFFFFF  }
0xc3: {  	_ =	shalt  }
tec
execute0_lowered:
.L_overlay_start_1:
0x0: {  	(tag) =	ssettag $0x1  }
0x1: {  	s0 =	rddreg [dreg:$0x0]  }
0x2: {  	s2 =	rddreg [dreg:$0x1]  }
0x3: {  	s4 =	srdreg.scid;
	s1 =	stileid.u32;
	s3 =	simm.s32 $0x0  }
0x4: {  	s14 =	simm.s32 $0xC558;
	s15 =	simm.s32 $0x80;
	s16 =	simm.s32 $0xC758  }
0x5: {  	s17 =	simm.s32 $0xC3D8;
	s18 =	simm.s32 $0xCF58;
	s19 =	simm.s32 $0xC458  }
0x6: {  	s20 =	simm.s32 $0xD758;
	s21 =	simm.s32 $0xC4D8;
	s22 =	simm.s32 $0xDF58  }
0x7: {  	s23 =	simm.s32 $0x1;
	s28 =	simm.s32 $0x2;
	s29 =	simm.s32 $0x0  }
0x8: {  	s5 =	sand.u32 $0x1, s4;
	s6 =	smul.u32 $0xC350, s1;
	[smem:$0x7FF] =	sst s3  }
0x9: {  	s4 =	sadd.s32 $0x36400, s0;
	s9 =	sadd.s32 $0x1DC00, s0;
	s13 =	smul.u32 $0xC40, s1  }
0xa: {  	s30 =	sshll.u32 s1, $0x6;
	s7 =	smul.u32 $0xC3500, s5;
	_ =	strace $0x8000004A  }
0xb: {  	s8 =	smul.u32 $0xC400, s5;
	s10 =	ssub.s32 $0x2, s5;
	p0 =	seq.s32 s5, $0x1  }
0xc: {  	s12 =	smov.u32 s4;
	s11 =	sshrl.u32 s10, $0x1;
	s25 =	sadd.s32 s6, s2  }
0xd: {  	s26 =	sshrl.u32 s6, $0x3;
	s12 =	smov.u32 @p0 s9;
	s7 =	sadd.s32 s6, s7  }
0xe: {  	s8 =	sadd.s32 s8, s0;
	s24 =	ssub.s32 s10, s11;
	s11 =	sshrl.u32 s25, $0x3  }
0xf: {  	s25 =	simm.s32 $0xC658;
	s7 =	sshrl.u32 s7, $0x3;
	s6 =	smax.u32 s24, $0x1  }
0x10: {  	s31 =	sadd.s32 s13, s8;
	s8 =	sor.u32 $0x1C03, s30;
	s13 =	simm.s32 $0xC358  }
0x11: {  	s24 =	simm.s32 $0xC5D8;
	s0 =	sadd.s32 s7, s0;
	s7 =	sadd.s32 s12, s26  }
0x12: {  	s9 =	sadd.s32 $0x12A800, s31;
	s10 =	sadd.s32 $0x5400, s31;
	s0 =	sadd.s32 $0x4EC00, s0  }
0x13: {  	s12 =	simm.s32 $0x3;
	s26 =	simm.s32 $0xC6D8;
	[dreg:$0x3] =	wrdreg s0  }
.LBB2_1:
0x14: {  	[spmem:s11], [sflag:s8] =	dma.local [hbm:s7], $0x186A  }
0x15: {  	_ =	swait.ge [sflag:s12], $0x186A  }
0x16: {  	[sflag:s12] =	ssyncset.done $0x0  }
0x17: {  	[sflag:s12] =	ssyncadd.s32 $0xFFFFE796  }
0x18: {  	s0 =	sadd.s32 $0x0, s9;
	[bflag:$0x0] =	sbarrier.arrive $0xFFFF  }
0x19: {  	[tilespmem:s13], [sflag:$0x3] =	stream.linear.gather [hbm4b:s0+s3], $0x200, $0x38;
	[tilespmem:$0xE758] =	vst v63  }
0x1a: {  	_ =	swait.ge [sflag:s12], $0x200  }
0x1b: {  	[sflag:s12] =	ssyncset.done $0x0  }
0x1c: {  	s5 =	sadd.s32 $0x0, s10;
	[sflag:s12] =	ssyncadd.s32 $0xFFFFFE00  }
0x1d: {  	[tilespmem:s14], [sflag:$0x3] =	stream.linear.gather [hbm4b:s5+s3], $0x200, $0x38;
	[tilespmem:$0xE758] =	vst v63  }
0x1e: {  	_ =	swait.ge [sflag:s12], $0x200  }
0x1f: {  	[sflag:s12] =	ssyncset.done $0x0  }
0x20: {  	[sflag:s12] =	ssyncadd.s32 $0xFFFFFE00  }
0x21: {  	[tilespmem:s16], [sflag:$0x1] =	stream.indirect.gather [hbm4b:s4+s15], $0x10, s13, s15, $0xb8;
	[tilespmem:$0xE758] =	vst v63  }
0x22: {  	_ = 	snop  }
0x23: {  	[tilespmem:s18], [sflag:$0x1] =	stream.indirect.gather [hbm4b:s4+s15], $0x10, s17, s15, $0xb8;
	[tilespmem:$0xE758] =	vst v63  }
0x24: {  	_ = 	snop  }
0x25: {  	[tilespmem:s20], [sflag:$0x1] =	stream.indirect.gather [hbm4b:s4+s15], $0x10, s19, s15, $0xb8;
	[tilespmem:$0xE758] =	vst v63  }
0x26: {  	_ = 	snop  }
0x27: {  	[tilespmem:s22], [sflag:$0x1] =	stream.indirect.gather [hbm4b:s4+s15], $0x10, s21, s15, $0xb8;
	[tilespmem:$0xE758] =	vst v63  }
0x28: {  	_ =	swait.ge [sflag:s23], $0x800  }
0x29: {  	[sflag:s23] =	ssyncset.done $0x0  }
0x2a: {  	[sflag:s23] =	ssyncadd.s32 $0xFFFFF800  }
0x2b: {  	_ =	swait.ge [sflag:s23], $0x800  }
0x2c: {  	[sflag:s23] =	ssyncset.done $0x0  }
0x2d: {  	[sflag:s23] =	ssyncadd.s32 $0xFFFFF800  }
0x2e: {  	_ =	swait.ge [sflag:s23], $0x800  }
0x2f: {  	[sflag:s23] =	ssyncset.done $0x0  }
0x30: {  	[sflag:s23] =	ssyncadd.s32 $0xFFFFF800  }
0x31: {  	_ =	swait.ge [sflag:s23], $0x800  }
0x32: {  	[sflag:s23] =	ssyncset.done $0x0  }
0x33: {  	[sflag:s23] =	ssyncadd.s32 $0xFFFFF800  }
0x34: {  	[spmem:s2] =	stream.indirect.scatter.add.f32 [tilespmem:s16], [sflag:$0x2], $0x10, s14, s15, $0xb8;
	[tilespmem:$0xE758] =	vst v63  }
0x35: {  	_ = 	snop  }
0x36: {  	[spmem:s2] =	stream.indirect.scatter.add.f32 [tilespmem:s18], [sflag:$0x2], $0x10, s24, s15, $0xb8;
	[tilespmem:$0xE758] =	vst v63  }
0x37: {  	_ = 	snop  }
0x38: {  	[spmem:s2] =	stream.indirect.scatter.add.f32 [tilespmem:s20], [sflag:$0x2], $0x10, s25, s15, $0xb8;
	[tilespmem:$0xE758] =	vst v63  }
0x39: {  	_ = 	snop  }
0x3a: {  	[spmem:s2] =	stream.indirect.scatter.add.f32 [tilespmem:s22], [sflag:$0x2], $0x10, s26, s15, $0xb8;
	[tilespmem:$0xE758] =	vst v63  }
0x3b: {  	_ =	swait.ge [sflag:s28], $0x800  }
0x3c: {  	[sflag:s28] =	ssyncset.done $0x0  }
0x3d: {  	[sflag:s28] =	ssyncadd.s32 $0xFFFFF800  }
0x3e: {  	_ =	swait.ge [sflag:s28], $0x800  }
0x3f: {  	[sflag:s28] =	ssyncset.done $0x0  }
0x40: {  	[sflag:s28] =	ssyncadd.s32 $0xFFFFF800  }
0x41: {  	_ =	swait.ge [sflag:s28], $0x800  }
0x42: {  	[sflag:s28] =	ssyncset.done $0x0  }
0x43: {  	[sflag:s28] =	ssyncadd.s32 $0xFFFFF800  }
0x44: {  	_ =	swait.ge [sflag:s28], $0x800  }
0x45: {  	s30 =	simm.s32 $0x40;
	s31 =	simm.s32 $0x80;
	[sflag:s28] =	ssyncset.done $0x0  }
.LBB2_2:
0x46: {  	s1 =	sadd.s32 s30, s9  }
0x47: {  	[sflag:s28] =	ssyncadd.s32 $0xFFFFF800;
	s5 =	smov.u32 s31;
	s0 =	sadd.s32 $0x40, s31  }
0x48: {  	[tilespmem:s13], [sflag:$0x3] =	stream.linear.gather [hbm4b:s1+s3], $0x200, $0x38;
	[tilespmem:$0xE758] =	vst v63  }
0x49: {  	p0 =	sne.s32 s31, $0xC00;
	_ =	swait.ge [sflag:s12], $0x200  }
0x4a: {  	[sflag:s12] =	ssyncset.done $0x0  }
0x4b: {  	s1 =	sadd.s32 s30, s10;
	s30 =	smov.u32 s5;
	[sflag:s12] =	ssyncadd.s32 $0xFFFFFE00  }
0x4c: {  	[tilespmem:s14], [sflag:$0x3] =	stream.linear.gather [hbm4b:s1+s3], $0x200, $0x38;
	[tilespmem:$0xE758] =	vst v63  }
0x4d: {  	_ =	swait.ge [sflag:s12], $0x200  }
0x4e: {  	[sflag:s12] =	ssyncset.done $0x0  }
0x4f: {  	[sflag:s12] =	ssyncadd.s32 $0xFFFFFE00  }
0x50: {  	[tilespmem:s16], [sflag:$0x1] =	stream.indirect.gather [hbm4b:s4+s15], $0x10, s13, s15, $0xb8;
	[tilespmem:$0xE758] =	vst v63  }
0x51: {  	_ = 	snop  }
0x52: {  	[tilespmem:s18], [sflag:$0x1] =	stream.indirect.gather [hbm4b:s4+s15], $0x10, s17, s15, $0xb8;
	[tilespmem:$0xE758] =	vst v63  }
0x53: {  	_ = 	snop  }
0x54: {  	[tilespmem:s20], [sflag:$0x1] =	stream.indirect.gather [hbm4b:s4+s15], $0x10, s19, s15, $0xb8;
	[tilespmem:$0xE758] =	vst v63  }
0x55: {  	_ = 	snop  }
0x56: {  	[tilespmem:s22], [sflag:$0x1] =	stream.indirect.gather [hbm4b:s4+s15], $0x10, s21, s15, $0xb8;
	[tilespmem:$0xE758] =	vst v63  }
0x57: {  	_ =	swait.ge [sflag:s23], $0x800  }
0x58: {  	[sflag:s23] =	ssyncset.done $0x0  }
0x59: {  	[sflag:s23] =	ssyncadd.s32 $0xFFFFF800  }
0x5a: {  	_ =	swait.ge [sflag:s23], $0x800  }
0x5b: {  	[sflag:s23] =	ssyncset.done $0x0  }
0x5c: {  	[sflag:s23] =	ssyncadd.s32 $0xFFFFF800  }
0x5d: {  	_ =	swait.ge [sflag:s23], $0x800  }
0x5e: {  	[sflag:s23] =	ssyncset.done $0x0  }
0x5f: {  	[sflag:s23] =	ssyncadd.s32 $0xFFFFF800  }
0x60: {  	_ =	swait.ge [sflag:s23], $0x800  }
0x61: {  	[sflag:s23] =	ssyncset.done $0x0  }
0x62: {  	[sflag:s23] =	ssyncadd.s32 $0xFFFFF800  }
0x63: {  	[spmem:s2] =	stream.indirect.scatter.add.f32 [tilespmem:s16], [sflag:$0x2], $0x10, s14, s15, $0xb8;
	[tilespmem:$0xE758] =	vst v63  }
0x64: {  	_ = 	snop  }
0x65: {  	[spmem:s2] =	stream.indirect.scatter.add.f32 [tilespmem:s18], [sflag:$0x2], $0x10, s24, s15, $0xb8;
	[tilespmem:$0xE758] =	vst v63  }
0x66: {  	_ = 	snop  }
0x67: {  	[spmem:s2] =	stream.indirect.scatter.add.f32 [tilespmem:s20], [sflag:$0x2], $0x10, s25, s15, $0xb8;
	[tilespmem:$0xE758] =	vst v63  }
0x68: {  	_ = 	snop  }
0x69: {  	[spmem:s2] =	stream.indirect.scatter.add.f32 [tilespmem:s22], [sflag:$0x2], $0x10, s26, s15, $0xb8;
	[tilespmem:$0xE758] =	vst v63  }
0x6a: {  	_ =	swait.ge [sflag:s28], $0x800  }
0x6b: {  	[sflag:s28] =	ssyncset.done $0x0  }
0x6c: {  	[sflag:s28] =	ssyncadd.s32 $0xFFFFF800  }
0x6d: {  	_ =	swait.ge [sflag:s28], $0x800  }
0x6e: {  	[sflag:s28] =	ssyncset.done $0x0  }
0x6f: {  	[sflag:s28] =	ssyncadd.s32 $0xFFFFF800  }
.Ltmp0:
0x70: {  	_ =	swait.ge [sflag:s28], $0x800;
	(pc) =	sbr.rel @p0 .LBB2_2-.Ltmp0, $4  }
0x71: {  	[sflag:s28] =	ssyncset.done $0x0  }
0x72: {  	[sflag:s28] =	ssyncadd.s32 $0xFFFFF800  }
0x73: {  	_ =	swait.ge [sflag:s28], $0x800  }
0x74: {  	s31 =	smov.u32 s0;
	[sflag:s28] =	ssyncset.done $0x0  }
0x75: {  	s0 =	sadd.s32 s30, s9;
	[sflag:s28] =	ssyncadd.s32 $0xFFFFF800  }
0x76: {  	[tilespmem:s13], [sflag:$0x3] =	stream.linear.gather [hbm4b:s0+s3], $0x200, $0x38;
	[tilespmem:$0xE758] =	vst v63  }
0x77: {  	_ =	swait.ge [sflag:s12], $0x200  }
0x78: {  	[sflag:s12] =	ssyncset.done $0x0  }
0x79: {  	s30 =	sadd.s32 s30, s10;
	[sflag:s12] =	ssyncadd.s32 $0xFFFFFE00  }
0x7a: {  	[tilespmem:s14], [sflag:$0x3] =	stream.linear.gather [hbm4b:s30+s3], $0x200, $0x38;
	[tilespmem:$0xE758] =	vst v63  }
0x7b: {  	_ =	swait.ge [sflag:s12], $0x200  }
0x7c: {  	[sflag:s12] =	ssyncset.done $0x0  }
0x7d: {  	[sflag:s12] =	ssyncadd.s32 $0xFFFFFE00  }
0x7e: {  	[tilespmem:s16], [sflag:$0x1] =	stream.indirect.gather [hbm4b:s4+s15], $0x10, s13, s15, $0xb8;
	[tilespmem:$0xE758] =	vst v63  }
0x7f: {  	_ = 	snop  }
0x80: {  	[tilespmem:s18], [sflag:$0x1] =	stream.indirect.gather [hbm4b:s4+s15], $0x10, s17, s15, $0xb8;
	[tilespmem:$0xE758] =	vst v63  }
0x81: {  	_ = 	snop  }
0x82: {  	[tilespmem:s20], [sflag:$0x1] =	stream.indirect.gather [hbm4b:s4+s15], $0x10, s19, s15, $0xb8;
	[tilespmem:$0xE758] =	vst v63  }
0x83: {  	_ = 	snop  }
0x84: {  	[tilespmem:s22], [sflag:$0x1] =	stream.indirect.gather [hbm4b:s4+s15], $0x10, s21, s15, $0xb8;
	[tilespmem:$0xE758] =	vst v63  }
0x85: {  	_ =	swait.ge [sflag:s23], $0x800  }
0x86: {  	[sflag:s23] =	ssyncset.done $0x0  }
0x87: {  	[sflag:s23] =	ssyncadd.s32 $0xFFFFF800  }
0x88: {  	_ =	swait.ge [sflag:s23], $0x800  }
0x89: {  	[sflag:s23] =	ssyncset.done $0x0  }
0x8a: {  	[sflag:s23] =	ssyncadd.s32 $0xFFFFF800  }
0x8b: {  	_ =	swait.ge [sflag:s23], $0x800  }
0x8c: {  	[sflag:s23] =	ssyncset.done $0x0  }
0x8d: {  	[sflag:s23] =	ssyncadd.s32 $0xFFFFF800  }
0x8e: {  	_ =	swait.ge [sflag:s23], $0x800  }
0x8f: {  	[sflag:s23] =	ssyncset.done $0x0  }
0x90: {  	[sflag:s23] =	ssyncadd.s32 $0xFFFFF800  }
0x91: {  	[spmem:s2] =	stream.indirect.scatter.add.f32 [tilespmem:s16], [sflag:$0x2], $0x10, s14, s15, $0xb8;
	[tilespmem:$0xE758] =	vst v63  }
0x92: {  	_ = 	snop  }
0x93: {  	[spmem:s2] =	stream.indirect.scatter.add.f32 [tilespmem:s18], [sflag:$0x2], $0x10, s24, s15, $0xb8;
	[tilespmem:$0xE758] =	vst v63  }
0x94: {  	_ = 	snop  }
0x95: {  	[spmem:s2] =	stream.indirect.scatter.add.f32 [tilespmem:s20], [sflag:$0x2], $0x10, s25, s15, $0xb8;
	[tilespmem:$0xE758] =	vst v63  }
0x96: {  	_ = 	snop  }
0x97: {  	[spmem:s2] =	stream.indirect.scatter.add.f32 [tilespmem:s22], [sflag:$0x2], $0x10, s26, s15, $0xb8;
	[tilespmem:$0xE758] =	vst v63  }
0x98: {  	_ =	swait.ge [sflag:s28], $0x800  }
0x99: {  	[sflag:s28] =	ssyncset.done $0x0  }
0x9a: {  	[sflag:s28] =	ssyncadd.s32 $0xFFFFF800  }
0x9b: {  	_ =	swait.ge [sflag:s28], $0x800  }
0x9c: {  	[sflag:s28] =	ssyncset.done $0x0  }
0x9d: {  	[sflag:s28] =	ssyncadd.s32 $0xFFFFF800  }
0x9e: {  	_ =	swait.ge [sflag:s28], $0x800  }
0x9f: {  	[sflag:s28] =	ssyncset.done $0x0  }
0xa0: {  	[sflag:s28] =	ssyncadd.s32 $0xFFFFF800  }
0xa1: {  	_ =	swait.ge [sflag:s28], $0x800  }
0xa2: {  	[sflag:s28] =	ssyncset.done $0x0  }
0xa3: {  	s29 =	sadd.s32 $0x1, s29;
	[sflag:s28] =	ssyncadd.s32 $0xFFFFF800  }
0xa4: {  	p0 =	sne.s32 s29, s6;
	[bflag:$0x0] =	sbarrier.arrive $0xFFFF  }
.Ltmp1:
0xa5: {  	s31 =	rddreg [dreg:$0x3];
	(pc) =	sbr.rel @p0 .LBB2_1-.Ltmp1, $4  }
0xa6: {  	[hbm:s31], [sflag:s8] =	dma.local [spmem:s11], $0x186A  }
0xa7: {  	_ =	swait.ge [sflag:s12], $0x186A  }
0xa8: {  	[sflag:s12] =	ssyncset.done $0x0  }
0xa9: {  	[sflag:s12] =	ssyncadd.s32 $0xFFFFE796  }
0xaa: {  	_ =	sfence.sel $0x180000  }
0xab: {  	[bflag:$0x0] =	sbarrier.arrive $0xFFFF  }
0xac: {  	_ =	strace $0x9000004A  }
0xad: {  	s0 =	stileid.u32;
	[bflag:$0x2] =	sbarrier.arrive $0xFFFF  }
0xae: {  	p0 =	sne.s32 s0, $0x0;
	s0 =	rddreg [dreg:$0x2]  }
0xaf: {  	s0 =	sadd.s32 @!p0 $0x100000, s0  }
0xb0: {  	[sflag:s0] =	ssyncadd.tile.s32 @!p0 $0x1;
	_ =	shalt  }
.Lfunc_end2:
_tile_overlayer_lowered:
.L_overlay_start_2:
0xb1: {  	(tag) =	ssettag $0x2  }
0xb2: {  	s0 =	rddreg [dreg:$0x0];
	s2 =	stileid.u32  }
0xb3: {  	s1 =	rddreg [dreg:$0x1];
	p0 =	sne.s32 s2, $0x0  }
0xb4: {  	s3 =	rddreg [dreg:$0x2];
	[bflag:$0x3] =	sbarrier.arrive $0xFFFF;
	s2 =	simm.s32 @!p0 $0x1C03  }
0xb5: {  	[timem:s3], [sflag:s2] =	dma.local @!p0 [hbm:s0], s1  }
0xb6: {  	s0 =	simm.s32 @!p0 $0x3  }
0xb7: {  	_ =	swait.ge @!p0 [sflag:s0], s1  }
0xb8: {  	s1 =	ssub.s32 @!p0 $0x0, s1;
	[sflag:s0] =	ssyncset.done @!p0 $0x0  }
0xb9: {  	[sflag:s0] =	ssyncadd.s32 @!p0 s1  }
0xba: {  	[bflag:$0x3] =	sbarrier.arrive $0xFFFF  }
0xbb: {  	_ =	shalt  }

// kernel: kernel.20.cloned.1.call-start
scs
__scs_entry_jumppad:
0x0: {  	(pc) =	sbr.rel $0x88, $3  }
0x1: {  	(tag) =	ssettag $0x0;
	lr =	simm.s32 $0x1  }
0x2: {  	[smem:$0x3F8E] =	sst lr;
	_ =	strace $0xD0000000  }
0x3: {  	_ = 	snop  }
0x4: {  	_ = 	snop  }
0x5: {  	_ = 	snop  }
0x6: {  	_ = 	snop  }
0x7: {  	_ = 	snop  }
__scs_overlays_trampoline_lowered:
0x8: {  	[smem:$0x3F9D] =	sst s0  }
0x9: {  	[smem:$0x3F9E] =	sst s1  }
0xa: {  	[smem:$0x3F9F] =	sst s2  }
0xb: {  	[smem:$0x3FA0] =	sst s3  }
0xc: {  	[smem:$0x3FA1] =	sst s4  }
0xd: {  	[smem:$0x3FA2] =	sst s5  }
0xe: {  	[smem:$0x3FA3] =	sst s6  }
0xf: {  	[smem:$0x3FA4] =	sst s7  }
0x10: {  	[smem:$0x3FA5] =	sst s8  }
0x11: {  	[smem:$0x3FA6] =	sst s9;
	s0 =	simm.s32 @!p0 $0x0  }
0x12: {  	s1 =	sld [smem:$0x3F8C];
	s0 =	simm.s32 @p0 $0x1  }
0x13: {  	[smem:$0x3FA7] =	sst s0;
	s0 =	simm.s32 @!p1 $0x0  }
0x14: {  	s2 =	sld [smem:$0x3F8B];
	s0 =	simm.s32 @p1 $0x1  }
0x15: {  	[smem:$0x3FA8] =	sst s0;
	s0 =	simm.s32 @!p2 $0x0  }
0x16: {  	s3 =	sld [smem:$0x3FDB];
	s0 =	simm.s32 @p2 $0x1  }
0x17: {  	s4 =	simm.s32 $0x1BF5;
	[smem:$0x3FAA] =	sst s0  }
0x18: {  	s0 =	sld [smem:$0x3F8D];
	_ =	swait.ge [sflag:s4], $0x0  }
0x19: {  	s7 =	sld [smem:$0x3F8E]  }
0x1a: {  	s8 =	sadd.s32 $0xFFFFE003, lr  }
0x1b: {  	s9 =	sadd.s32 $0xFFFFFEF7, lr;
	s5 =	simm.s32 $0xFFFFFFFF;
	p2 =	slt.u32 s8, $0xFFFFF086  }
0x1c: {  	p1 =	slt.u32 s9, $0xF7A;
	s5 =	simm.s32 @!p2 $0x0  }
0x1d: {  	s5 =	simm.s32 @p1 $0x1;
	p0 =	seq.s32 s7, s2  }
0x1e: {  	s7 =	smul.u32 @!p0 $0xF7A, s2;
	p2 =	seq.s32 @!p0 s5, $0x0  }
0x1f: {  	s9 =	smul.u32 $0xF7A, s1;
	s8 =	simm.s32 @!p0 $0x1BF5;
	p2 =	por !p2, p0  }
0x20: {  	[sflag:s8] =	ssyncset.s32 @!p0 $0xFFFFF086;
	s6 =	sadd.s32 @!p0 s3, s7;
	s7 =	simm.s32 @!p0 $0x108  }
0x21: {  	s3 =	sadd.s32 s3, s9;
	s6 =	sadd.s32 @!p0 $0x88, s6;
	s7 =	simm.s32 @p2 $0x1082  }
0x22: {  	[simem:s7], [sflag:s8] =	dma.local @!p0 [hbm:s6], $0xF7A  }
0x23: {  	s9 =	sor.u32 $0xD0000000, s2;
	s6 =	simm.s32 $0x108;
	_ =	swait.ge @!p0 [sflag:s8], $0x0  }
0x24: {  	s3 =	sadd.s32 $0x88, s3;
	s6 =	simm.s32 @!p1 $0x1082;
	[sflag:s4] =	ssyncset.s32 $0xFFFFF086  }
0x25: {  	[simem:s6], [sflag:s4] =	dma.local [hbm:s3], $0xF7A  }
0x26: {  	[smem:$0x3F8E] =	sst s1;
	(tag) =	ssettag s2;
	_ =	strace s9  }
0x27: {  	s1 =	sld [smem:$0x3F9E]  }
0x28: {  	s2 =	sld [smem:$0x3F9F]  }
0x29: {  	s4 =	sld [smem:$0x3FA1]  }
0x2a: {  	p0 =	seq.s32 s5, $0x0;
	s5 =	sld [smem:$0x3FA2]  }
0x2b: {  	s6 =	sld [smem:$0x3FA3]  }
0x2c: {  	s7 =	sld [smem:$0x3FA4]  }
0x2d: {  	s3 =	simm.s32 $0x108;
	s8 =	sld [smem:$0x3FA5]  }
0x2e: {  	s3 =	simm.s32 @!p0 $0x1082;
	s9 =	sld [smem:$0x3FA6]  }
0x2f: {  	lr =	sadd.s32 s0, s3;
	s0 =	sld [smem:$0x3F9D]  }
0x30: {  	s3 =	sld [smem:$0x3FA0]  }
0x31: {  	[smem:$0x3FA9] =	sst s10  }
0x32: {  	s10 =	sld [smem:$0x3FA7];
	_ =	sdelay $0x3  }
0x33: {  	p0 =	seq.s32 s10, $0x1;
	s10 =	sld [smem:$0x3FA9];
	_ =	sdelay $0x3  }
0x34: {  	[smem:$0x3FA9] =	sst s10  }
0x35: {  	s10 =	sld [smem:$0x3FA8];
	_ =	sdelay $0x3  }
0x36: {  	p1 =	seq.s32 s10, $0x1;
	s10 =	sld [smem:$0x3FA9];
	_ =	sdelay $0x3  }
0x37: {  	[smem:$0x3FA9] =	sst s10  }
0x38: {  	s10 =	sld [smem:$0x3FAA]  }
0x39: {  	_ = 	snop;
	(pc) =	sbr.ind lr, $3  }
0x3a: {  	_ = 	snop  }
0x3b: {  	_ = 	snop  }
0x3c: {  	p2 =	seq.s32 s10, $0x1;
	s10 =	sld [smem:$0x3FA9]  }
0x3d: {  	_ =	shalt  }
0x3e: {  	_ =	shalt  }
0x3f: {  	_ =	shalt  }
0x40: {  	_ =	shalt  }
0x41: {  	_ =	shalt  }
0x42: {  	_ =	shalt  }
0x43: {  	_ =	shalt  }
0x44: {  	_ =	shalt  }
0x45: {  	_ =	shalt  }
0x46: {  	_ =	shalt  }
0x47: {  	_ =	shalt  }
0x48: {  	_ =	shalt  }
0x49: {  	_ =	shalt  }
0x4a: {  	_ =	shalt  }
0x4b: {  	_ =	shalt  }
0x4c: {  	_ =	shalt  }
0x4d: {  	_ =	shalt  }
0x4e: {  	_ =	shalt  }
0x4f: {  	_ =	shalt  }
0x50: {  	_ =	shalt  }
0x51: {  	_ =	shalt  }
0x52: {  	_ =	shalt  }
0x53: {  	_ =	shalt  }
0x54: {  	_ =	shalt  }
0x55: {  	_ =	shalt  }
0x56: {  	_ =	shalt  }
0x57: {  	_ =	shalt  }
0x58: {  	_ =	shalt  }
0x59: {  	_ =	shalt  }
0x5a: {  	_ =	shalt  }
0x5b: {  	_ =	shalt  }
0x5c: {  	_ =	shalt  }
0x5d: {  	_ =	shalt  }
0x5e: {  	_ =	shalt  }
0x5f: {  	_ =	shalt  }
0x60: {  	_ =	shalt  }
0x61: {  	_ =	shalt  }
0x62: {  	_ =	shalt  }
0x63: {  	_ =	shalt  }
0x64: {  	_ =	shalt  }
0x65: {  	_ =	shalt  }
0x66: {  	_ =	shalt  }
0x67: {  	_ =	shalt  }
0x68: {  	_ =	shalt  }
0x69: {  	_ =	shalt  }
0x6a: {  	_ =	shalt  }
0x6b: {  	_ =	shalt  }
0x6c: {  	_ =	shalt  }
0x6d: {  	_ =	shalt  }
0x6e: {  	_ =	shalt  }
0x6f: {  	_ =	shalt  }
0x70: {  	_ =	shalt  }
0x71: {  	_ =	shalt  }
0x72: {  	_ =	shalt  }
0x73: {  	_ =	shalt  }
0x74: {  	_ =	shalt  }
0x75: {  	_ =	shalt  }
0x76: {  	_ =	shalt  }
0x77: {  	_ =	shalt  }
0x78: {  	_ =	shalt  }
0x79: {  	_ =	shalt  }
0x7a: {  	_ =	shalt  }
0x7b: {  	_ =	shalt  }
0x7c: {  	_ =	shalt  }
0x7d: {  	_ =	shalt  }
0x7e: {  	_ =	shalt  }
0x7f: {  	_ =	shalt  }
0x80: {  	_ =	shalt  }
0x81: {  	_ =	shalt  }
0x82: {  	_ =	shalt  }
0x83: {  	_ =	shalt  }
0x84: {  	_ =	shalt  }
0x85: {  	_ =	shalt  }
0x86: {  	_ =	shalt  }
0x87: {  	_ =	shalt  }
.Lfunc_end0:
.L_simem_size_0:
called_computation.2_lowered:
.L_overlay_start_0:
0x88: {  	s2 =	sld [smem:$0x3FD9]  }
0x89: {  	s3 =	sld [smem:$0x3FFE];
	_ =	sdelay $0x1  }
0x8a: {  	s1 =	srdreg.scid  }
0x8b: {  	s0 =	sand.u32 $0x1, s1  }
0x8c: {  	s16 =	sshll.u32 s0, $0xA;
	s2 =	sadd.s32 s3, s2  }
0x8d: {  	s2 =	sadd.s32 s2, s16  }
0x8e: {  	[smem:$0x3FB5] =	sst s2  }
0x8f: {  	_ = 	snop  }
0x90: {  	(tm) =	ssettm $0x1  }
0x91: {  	s17 =	sld [smem:$0x3FFB];
	_ =	sdelay $0x3  }
0x92: {  	_ =	strace s17  }
0x93: {  	s2 =	sld [smem:$0x3FFC];
	_ =	sdelay $0x3  }
0x94: {  	_ =	strace s2  }
0x95: {  	s2 =	sld [smem:$0x3FFD];
	_ =	sdelay $0x3  }
0x96: {  	_ =	strace s2  }
0x97: {  	_ =	strace $0x8FFFFFFF  }
0x98: {  	s18 =	sld [smem:$0x3FDB];
	_ =	sdelay $0x1  }
0x99: {  	s19 =	simm.s32 $_scs_section_size  }
0x9a: {  	s4 =	simm.s32 $_size__tile_overlayer_lowered;
	s5 =	simm.s32 $_tile_overlayer_lowered  }
0x9b: {  	s22 =	simm.s32 $0x1BFF;
	s21 =	sshll.u32 s5, $0x1;
	s2 =	sadd.s32 s19, s18  }
0x9c: {  	s6 =	simm.s32 $0x0;
	s20 =	sshll.u32 s4, $0x1;
	s4 =	sadd.s32 s21, s2  }
0x9d: {  	[timem:s6], [sflag:s22] =	dma.local [hbm:s4], s20  }
0x9e: {  	_ =	swait.ge [sflag:s22], s20  }
0x9f: {  	s3 =	ssub.s32 $0x0, s20;
	[sflag:s22] =	ssyncset.done $0x0  }
0xa0: {  	[sflag:s22] =	ssyncadd.s32 s3;
	_ =	sdelay $0x1  }
0xa1: {  	s23 =	simm.s32 $0x1B8B  }
0xa2: {  	_ =	swait.ge [sflag:s23], $0x1  }
0xa3: {  	[sflag:s23] =	ssyncset.done $0x0  }
0xa4: {  	s25 =	simm.s32 $0x1B8E;
	s24 =	sld [smem:$0x3FFE];
	[sflag:s23] =	ssyncadd.s32 $0xFFFFFFFF  }
0xa5: {  	s26 =	simm.s32 $execute0_lowered;
	[smem:$0x3FD2] =	sst s25  }
0xa6: {  	s4 =	sshll.u32 s26, $0x1;
	_ =	strace $0x8000004C;
	[dreg:$0x1] =	wrdreg $0xFFFFFFFF  }
0xa7: {  	s28 =	simm.s32 $_size_execute0_lowered;
	s2 =	sadd.s32 s2, s4;
	[dreg:$0x0] =	wrdreg $0x0  }
0xa8: {  	s4 =	sshll.u32 s28, $0x1;
	[dreg:$0x2] =	wrdreg s2  }
0xa9: {  	[dreg:$0x3] =	wrdreg s4  }
0xaa: {  	[dreg:$0x4] =	wrdreg $0xC0  }
0xab: {  	_ =	task [dreg:s6], $0x5FFFF  }
0xac: {  	[dreg:$0x1] =	wrdreg $0xFFFFFFFF  }
0xad: {  	[dreg:$0x0] =	wrdreg $0x60  }
0xae: {  	[dreg:$0x2] =	wrdreg s24  }
0xaf: {  	[dreg:$0x3] =	wrdreg $0x0  }
0xb0: {  	[dreg:$0x4] =	wrdreg $0x9  }
0xb1: {  	_ =	task.clear_ibuf [dreg:s6], $0x5FFFF;
	_ =	strace $0x9000004C  }
0xb2: {  	s29 =	simm.s32 $0x9;
	_ =	strace $0x8000004E  }
0xb3: {  	_ =	swait.ge [sflag:s29], $0x1  }
0xb4: {  	[sflag:s29] =	ssyncadd.s32 $0xFFFFFFFF  }
0xb5: {  	_ =	strace $0x9000004E  }
0xb6: {  	_ =	sfence  }
0xb7: {  	s30 =	sld [smem:$0x0];
	_ =	sdelay $0x2  }
0xb8: {  	s31 =	sshll.u32 s1, $0xD;
	s1 =	sshrl.u32 s1, $0x2  }
0xb9: {  	s3 =	sand.u32 $0x4000, s31;
	s1 =	sadd.s32 s1, s30  }
0xba: {  	s0 =	sor.u32 s3, s0;
	s1 =	sshll.u32 s1, $0x11  }
0xbb: {  	s0 =	sor.u32 s1, s0  }
0xbc: {  	s0 =	sadd.s32 $0x8F2B, s0  }
0xbd: {  	[sflag:s0] =	ssyncadd.remote.s32 $0x1  }
0xbe: {  	_ =	sfence.sel $0xFFFF  }
0xbf: {  	[dreg:$0x0] =	wrdreg $0xFFFFFFFF;
	(pc) =	sbr.abs _section_cstart, $3  }
0xc0: {  	[dreg:$0x1] =	wrdreg $0xFFFFFFFF  }
0xc1: {  	_ =	task.clear_ibuf [dreg:s6], $0x2FFFF;
	_ =	strace $0x9FFFFFFF  }
0xc2: {  	(tm) =	ssettm $0x7FFFFFFF  }
0xc3: {  	_ =	shalt  }
tec
execute0_lowered:
.L_overlay_start_1:
0x0: {  	(tag) =	ssettag $0x1  }
0x1: {  	s0 =	rddreg [dreg:$0x0]  }
0x2: {  	s1 =	rddreg [dreg:$0x1];
	s3 =	simm.s32 $0x0;
	s10 =	stileid.u32  }
0x3: {  	s2 =	srdreg.scid;
	s16 =	simm.s32 $0x3;
	s17 =	simm.s32 $0x186B0  }
0x4: {  	s18 =	simm.s32 $0x188B0;
	s19 =	simm.s32 $0x80;
	s20 =	simm.s32 $0x18AB0  }
0x5: {  	s28 =	simm.s32 $0x1;
	s29 =	simm.s32 $0x18930;
	s30 =	simm.s32 $0x189B0  }
0x6: {  	s31 =	simm.s32 $0x18A30;
	[smem:$0x7FF] =	sst s3;
	s4 =	sadd.s32 $0x1DC00, s0  }
0x7: {  	s6 =	smul.u32 $0x1880, s10;
	s2 =	sand.u32 $0x1, s2;
	s5 =	sadd.s32 $0xE1200, s0  }
0x8: {  	s9 =	smul.u32 $0x186A0, s10;
	s8 =	sadd.s32 $0x7F800, s0;
	s26 =	sshll.u32 s10, $0x6  }
0x9: {  	_ =	strace $0x8000004D;
	s7 =	ssub.s32 $0x2, s2;
	[dreg:$0x3] =	wrdreg s8  }
0xa: {  	p0 =	sne.s32 s2, $0x0;
	s14 =	sor.u32 $0x1C03, s26;
	s26 =	simm.s32 $0x1BAB0  }
0xb: {  	s2 =	simm.s32 $0x0;
	s6 =	sadd.s32 s6, s0;
	s21 =	sshrl.u32 s7, $0x1  }
0xc: {  	s0 =	sadd.s32 $0x4EA00, s0;
	s8 =	sshrl.u32 s9, $0x3;
	s23 =	sadd.s32 s9, s1  }
0xd: {  	[dreg:$0x4] =	wrdreg s0;
	s22 =	ssub.s32 s7, s21;
	s24 =	sadd.s32 s5, s8  }
.Ltmp0:
0xe: {  	s25 =	sadd.s32 s4, s8;
	s12 =	sadd.s32 $0x5400, s6;
	(pc) =	sbr.rel .LBB2_1-.Ltmp0, $4  }
0xf: {  	s13 =	sadd.s32 $0x12A800, s6;
	s15 =	sshrl.u32 s23, $0x3;
	[dreg:$0x5] =	wrdreg s24  }
0x10: {  	s21 =	simm.s32 $0x18730;
	s23 =	simm.s32 $0x187B0;
	[dreg:$0x6] =	wrdreg s25  }
0x11: {  	s0 =	smax.u32 s22, $0x1;
	s22 =	simm.s32 $0x19AB0;
	s24 =	simm.s32 $0x1AAB0  }
0x12: {  	s25 =	simm.s32 $0x18830;
	[dreg:$0x7] =	wrdreg s0;
	s0 =	simm.s32 $0x2  }
.LBB2_7:
0x13: {  	s7 =	sadd.s32 s6, s13;
	[sflag:s0] =	ssyncadd.s32 $0xFFFFF000  }
0x14: {  	[tilespmem:s17], [sflag:$0x3] =	stream.linear.gather [hbm4b:s7+s3], $0x200, $0x38;
	[tilespmem:$0x1CAB0] =	vst v63  }
0x15: {  	_ =	swait.ge [sflag:s16], $0x200  }
0x16: {  	[sflag:s16] =	ssyncset.done $0x0  }
0x17: {  	s11 =	sadd.s32 s6, s12;
	[sflag:s16] =	ssyncadd.s32 $0xFFFFFE00  }
0x18: {  	[tilespmem:s18], [sflag:$0x3] =	stream.linear.gather [hbm4b:s11+s3], $0x200, $0x38;
	[tilespmem:$0x1CAB0] =	vst v63  }
0x19: {  	_ =	swait.ge [sflag:s16], $0x200  }
0x1a: {  	[sflag:s16] =	ssyncset.done $0x0  }
0x1b: {  	[sflag:s16] =	ssyncadd.s32 $0xFFFFFE00  }
0x1c: {  	[tilespmem:s20], [sflag:$0x1] =	stream.indirect.gather [hbm4b:s5+s19], $0x20, s17, s19, $0xb8;
	[tilespmem:$0x1CAB0] =	vst v63  }
0x1d: {  	_ = 	snop  }
0x1e: {  	[tilespmem:s22], [sflag:$0x1] =	stream.indirect.gather [hbm4b:s5+s19], $0x20, s21, s19, $0xb8;
	[tilespmem:$0x1CAB0] =	vst v63  }
0x1f: {  	_ = 	snop  }
0x20: {  	[tilespmem:s24], [sflag:$0x1] =	stream.indirect.gather [hbm4b:s5+s19], $0x20, s23, s19, $0xb8;
	[tilespmem:$0x1CAB0] =	vst v63  }
0x21: {  	_ = 	snop  }
0x22: {  	[tilespmem:s26], [sflag:$0x1] =	stream.indirect.gather [hbm4b:s5+s19], $0x20, s25, s19, $0xb8;
	[tilespmem:$0x1CAB0] =	vst v63  }
0x23: {  	_ =	swait.ge [sflag:s28], $0x1000  }
0x24: {  	[sflag:s28] =	ssyncset.done $0x0  }
0x25: {  	[sflag:s28] =	ssyncadd.s32 $0xFFFFF000  }
0x26: {  	_ =	swait.ge [sflag:s28], $0x1000  }
0x27: {  	[sflag:s28] =	ssyncset.done $0x0  }
0x28: {  	[sflag:s28] =	ssyncadd.s32 $0xFFFFF000  }
0x29: {  	_ =	swait.ge [sflag:s28], $0x1000  }
0x2a: {  	[sflag:s28] =	ssyncset.done $0x0  }
0x2b: {  	[sflag:s28] =	ssyncadd.s32 $0xFFFFF000  }
0x2c: {  	_ =	swait.ge [sflag:s28], $0x1000  }
0x2d: {  	[sflag:s28] =	ssyncset.done $0x0  }
0x2e: {  	[sflag:s28] =	ssyncadd.s32 $0xFFFFF000  }
0x2f: {  	[spmem:s1] =	stream.indirect.scatter.add.f32 [tilespmem:s20], [sflag:$0x2], $0x20, s18, s19, $0xb8;
	[tilespmem:$0x1CAB0] =	vst v63  }
0x30: {  	_ = 	snop  }
0x31: {  	[spmem:s1] =	stream.indirect.scatter.add.f32 [tilespmem:s22], [sflag:$0x2], $0x20, s29, s19, $0xb8;
	[tilespmem:$0x1CAB0] =	vst v63  }
0x32: {  	_ = 	snop  }
0x33: {  	[spmem:s1] =	stream.indirect.scatter.add.f32 [tilespmem:s24], [sflag:$0x2], $0x20, s30, s19, $0xb8;
	[tilespmem:$0x1CAB0] =	vst v63  }
0x34: {  	_ = 	snop  }
0x35: {  	[spmem:s1] =	stream.indirect.scatter.add.f32 [tilespmem:s26], [sflag:$0x2], $0x20, s31, s19, $0xb8;
	[tilespmem:$0x1CAB0] =	vst v63  }
0x36: {  	_ =	swait.ge [sflag:s0], $0x1000  }
0x37: {  	[sflag:s0] =	ssyncset.done $0x0  }
0x38: {  	[sflag:s0] =	ssyncadd.s32 $0xFFFFF000  }
0x39: {  	_ =	swait.ge [sflag:s0], $0x1000  }
0x3a: {  	[sflag:s0] =	ssyncset.done $0x0  }
0x3b: {  	[sflag:s0] =	ssyncadd.s32 $0xFFFFF000  }
0x3c: {  	_ =	swait.ge [sflag:s0], $0x1000  }
0x3d: {  	[sflag:s0] =	ssyncset.done $0x0  }
0x3e: {  	[sflag:s0] =	ssyncadd.s32 $0xFFFFF000  }
0x3f: {  	_ =	swait.ge [sflag:s0], $0x1000  }
0x40: {  	[sflag:s0] =	ssyncset.done $0x0  }
0x41: {  	[sflag:s0] =	ssyncadd.s32 $0xFFFFF000  }
0x42: {  	[bflag:$0x0] =	sbarrier.arrive $0xFFFF  }
0x43: {  	s6 =	rddreg [dreg:$0x4]  }
.LBB2_8:
0x44: {  	s6 =	sadd.s32 s6, s8  }
0x45: {  	[hbm:s6], [sflag:s14] =	dma.local [spmem:s15], $0x30D4  }
0x46: {  	_ =	swait.ge [sflag:s16], $0x30D4  }
0x47: {  	s2 =	sadd.s32 $0x1, s2;
	s11 =	rddreg [dreg:$0x7]  }
0x48: {  	p1 =	sne.s32 s2, s11  }
.Ltmp1:
0x49: {  	_ = 	snop;
	(pc) =	sbr.rel @!p1 .LBB2_9-.Ltmp1, $3  }
0x4a: {  	_ =	sdelay $0x1  }
0x4b: {  	[sflag:s16] =	ssyncset.done $0x0  }
0x4c: {  	[sflag:s16] =	ssyncadd.s32 $0xFFFFCF2C  }
.LBB2_1:
.Ltmp2:
0x4d: {  	(pc) =	sbr.rel @p0 .LBB2_5-.Ltmp2, $1  }
0x4e: {  	_ =	sdelay $0x3  }
0x4f: {  	s6 =	rddreg [dreg:$0x6]  }
0x50: {  	[spmem:s15], [sflag:s14] =	dma.local [hbm:s6], $0x30D4  }
0x51: {  	_ =	swait.ge [sflag:s16], $0x30D4  }
0x52: {  	[sflag:s16] =	ssyncset.done $0x0  }
0x53: {  	[sflag:s16] =	ssyncadd.s32 $0xFFFFCF2C  }
0x54: {  	s10 =	sadd.s32 $0x0, s13;
	[bflag:$0x0] =	sbarrier.arrive $0xFFFF  }
0x55: {  	[tilespmem:s17], [sflag:$0x3] =	stream.linear.gather [hbm4b:s10+s3], $0x200, $0x38;
	[tilespmem:$0x1CAB0] =	vst v63  }
0x56: {  	_ =	swait.ge [sflag:s16], $0x200  }
0x57: {  	[sflag:s16] =	ssyncset.done $0x0  }
0x58: {  	s11 =	sadd.s32 $0x0, s12;
	[sflag:s16] =	ssyncadd.s32 $0xFFFFFE00  }
0x59: {  	[tilespmem:s18], [sflag:$0x3] =	stream.linear.gather [hbm4b:s11+s3], $0x200, $0x38;
	[tilespmem:$0x1CAB0] =	vst v63  }
0x5a: {  	_ =	swait.ge [sflag:s16], $0x200  }
0x5b: {  	[sflag:s16] =	ssyncset.done $0x0  }
0x5c: {  	[sflag:s16] =	ssyncadd.s32 $0xFFFFFE00  }
0x5d: {  	[tilespmem:s20], [sflag:$0x1] =	stream.indirect.gather [hbm4b:s4+s19], $0x20, s17, s19, $0xb8;
	[tilespmem:$0x1CAB0] =	vst v63  }
0x5e: {  	_ = 	snop  }
0x5f: {  	[tilespmem:s22], [sflag:$0x1] =	stream.indirect.gather [hbm4b:s4+s19], $0x20, s21, s19, $0xb8;
	[tilespmem:$0x1CAB0] =	vst v63  }
0x60: {  	_ = 	snop  }
0x61: {  	[tilespmem:s24], [sflag:$0x1] =	stream.indirect.gather [hbm4b:s4+s19], $0x20, s23, s19, $0xb8;
	[tilespmem:$0x1CAB0] =	vst v63  }
0x62: {  	_ = 	snop  }
0x63: {  	[tilespmem:s26], [sflag:$0x1] =	stream.indirect.gather [hbm4b:s4+s19], $0x20, s25, s19, $0xb8;
	[tilespmem:$0x1CAB0] =	vst v63  }
0x64: {  	_ =	swait.ge [sflag:s28], $0x1000  }
0x65: {  	[sflag:s28] =	ssyncset.done $0x0  }
0x66: {  	[sflag:s28] =	ssyncadd.s32 $0xFFFFF000  }
0x67: {  	_ =	swait.ge [sflag:s28], $0x1000  }
0x68: {  	[sflag:s28] =	ssyncset.done $0x0  }
0x69: {  	[sflag:s28] =	ssyncadd.s32 $0xFFFFF000  }
0x6a: {  	_ =	swait.ge [sflag:s28], $0x1000  }
0x6b: {  	[sflag:s28] =	ssyncset.done $0x0  }
0x6c: {  	[sflag:s28] =	ssyncadd.s32 $0xFFFFF000  }
0x6d: {  	_ =	swait.ge [sflag:s28], $0x1000  }
0x6e: {  	[sflag:s28] =	ssyncset.done $0x0  }
0x6f: {  	[sflag:s28] =	ssyncadd.s32 $0xFFFFF000  }
0x70: {  	[spmem:s1] =	stream.indirect.scatter.add.f32 [tilespmem:s20], [sflag:$0x2], $0x20, s18, s19, $0xb8;
	[tilespmem:$0x1CAB0] =	vst v63  }
0x71: {  	_ = 	snop  }
0x72: {  	[spmem:s1] =	stream.indirect.scatter.add.f32 [tilespmem:s22], [sflag:$0x2], $0x20, s29, s19, $0xb8;
	[tilespmem:$0x1CAB0] =	vst v63  }
0x73: {  	_ = 	snop  }
0x74: {  	[spmem:s1] =	stream.indirect.scatter.add.f32 [tilespmem:s24], [sflag:$0x2], $0x20, s30, s19, $0xb8;
	[tilespmem:$0x1CAB0] =	vst v63  }
0x75: {  	_ = 	snop  }
0x76: {  	[spmem:s1] =	stream.indirect.scatter.add.f32 [tilespmem:s26], [sflag:$0x2], $0x20, s31, s19, $0xb8;
	[tilespmem:$0x1CAB0] =	vst v63  }
0x77: {  	_ =	swait.ge [sflag:s0], $0x1000  }
0x78: {  	[sflag:s0] =	ssyncset.done $0x0  }
0x79: {  	[sflag:s0] =	ssyncadd.s32 $0xFFFFF000  }
0x7a: {  	_ =	swait.ge [sflag:s0], $0x1000  }
0x7b: {  	[sflag:s0] =	ssyncset.done $0x0  }
0x7c: {  	[sflag:s0] =	ssyncadd.s32 $0xFFFFF000  }
0x7d: {  	_ =	swait.ge [sflag:s0], $0x1000  }
0x7e: {  	[sflag:s0] =	ssyncset.done $0x0  }
0x7f: {  	[sflag:s0] =	ssyncadd.s32 $0xFFFFF000  }
0x80: {  	_ =	swait.ge [sflag:s0], $0x1000  }
0x81: {  	s9 =	simm.s32 $0x80;
	s6 =	simm.s32 $0x40;
	[sflag:s0] =	ssyncset.done $0x0  }
.LBB2_3:
0x82: {  	s10 =	sadd.s32 s6, s13  }
0x83: {  	[sflag:s0] =	ssyncadd.s32 $0xFFFFF000;
	s11 =	smov.u32 s9;
	s7 =	sadd.s32 $0x40, s9  }
0x84: {  	[tilespmem:s17], [sflag:$0x3] =	stream.linear.gather [hbm4b:s10+s3], $0x200, $0x38;
	[tilespmem:$0x1CAB0] =	vst v63  }
0x85: {  	p1 =	seq.s32 s9, $0x1840;
	_ =	swait.ge [sflag:s16], $0x200  }
0x86: {  	[sflag:s16] =	ssyncset.done $0x0  }
0x87: {  	s9 =	sadd.s32 s6, s12;
	s6 =	smov.u32 s11;
	[sflag:s16] =	ssyncadd.s32 $0xFFFFFE00  }
0x88: {  	[tilespmem:s18], [sflag:$0x3] =	stream.linear.gather [hbm4b:s9+s3], $0x200, $0x38;
	[tilespmem:$0x1CAB0] =	vst v63  }
0x89: {  	_ =	swait.ge [sflag:s16], $0x200  }
0x8a: {  	[sflag:s16] =	ssyncset.done $0x0  }
0x8b: {  	[sflag:s16] =	ssyncadd.s32 $0xFFFFFE00  }
0x8c: {  	[tilespmem:s20], [sflag:$0x1] =	stream.indirect.gather [hbm4b:s4+s19], $0x20, s17, s19, $0xb8;
	[tilespmem:$0x1CAB0] =	vst v63  }
0x8d: {  	_ = 	snop  }
0x8e: {  	[tilespmem:s22], [sflag:$0x1] =	stream.indirect.gather [hbm4b:s4+s19], $0x20, s21, s19, $0xb8;
	[tilespmem:$0x1CAB0] =	vst v63  }
0x8f: {  	_ = 	snop  }
0x90: {  	[tilespmem:s24], [sflag:$0x1] =	stream.indirect.gather [hbm4b:s4+s19], $0x20, s23, s19, $0xb8;
	[tilespmem:$0x1CAB0] =	vst v63  }
0x91: {  	_ = 	snop  }
0x92: {  	[tilespmem:s26], [sflag:$0x1] =	stream.indirect.gather [hbm4b:s4+s19], $0x20, s25, s19, $0xb8;
	[tilespmem:$0x1CAB0] =	vst v63  }
0x93: {  	_ =	swait.ge [sflag:s28], $0x1000  }
0x94: {  	[sflag:s28] =	ssyncset.done $0x0  }
0x95: {  	[sflag:s28] =	ssyncadd.s32 $0xFFFFF000  }
0x96: {  	_ =	swait.ge [sflag:s28], $0x1000  }
0x97: {  	[sflag:s28] =	ssyncset.done $0x0  }
0x98: {  	[sflag:s28] =	ssyncadd.s32 $0xFFFFF000  }
0x99: {  	_ =	swait.ge [sflag:s28], $0x1000  }
0x9a: {  	[sflag:s28] =	ssyncset.done $0x0  }
0x9b: {  	[sflag:s28] =	ssyncadd.s32 $0xFFFFF000  }
0x9c: {  	_ =	swait.ge [sflag:s28], $0x1000  }
0x9d: {  	[sflag:s28] =	ssyncset.done $0x0  }
0x9e: {  	[sflag:s28] =	ssyncadd.s32 $0xFFFFF000  }
0x9f: {  	[spmem:s1] =	stream.indirect.scatter.add.f32 [tilespmem:s20], [sflag:$0x2], $0x20, s18, s19, $0xb8;
	[tilespmem:$0x1CAB0] =	vst v63  }
0xa0: {  	_ = 	snop  }
0xa1: {  	[spmem:s1] =	stream.indirect.scatter.add.f32 [tilespmem:s22], [sflag:$0x2], $0x20, s29, s19, $0xb8;
	[tilespmem:$0x1CAB0] =	vst v63  }
0xa2: {  	_ = 	snop  }
0xa3: {  	[spmem:s1] =	stream.indirect.scatter.add.f32 [tilespmem:s24], [sflag:$0x2], $0x20, s30, s19, $0xb8;
	[tilespmem:$0x1CAB0] =	vst v63  }
0xa4: {  	_ = 	snop  }
0xa5: {  	[spmem:s1] =	stream.indirect.scatter.add.f32 [tilespmem:s26], [sflag:$0x2], $0x20, s31, s19, $0xb8;
	[tilespmem:$0x1CAB0] =	vst v63  }
0xa6: {  	_ =	swait.ge [sflag:s0], $0x1000  }
0xa7: {  	[sflag:s0] =	ssyncset.done $0x0  }
0xa8: {  	[sflag:s0] =	ssyncadd.s32 $0xFFFFF000  }
0xa9: {  	_ =	swait.ge [sflag:s0], $0x1000  }
0xaa: {  	[sflag:s0] =	ssyncset.done $0x0  }
0xab: {  	[sflag:s0] =	ssyncadd.s32 $0xFFFFF000  }
.Ltmp3:
0xac: {  	_ =	swait.ge [sflag:s0], $0x1000;
	(pc) =	sbr.rel @!p1 .LBB2_3-.Ltmp3, $4  }
0xad: {  	[sflag:s0] =	ssyncset.done $0x0  }
0xae: {  	[sflag:s0] =	ssyncadd.s32 $0xFFFFF000  }
0xaf: {  	_ =	swait.ge [sflag:s0], $0x1000  }
0xb0: {  	s9 =	smov.u32 s7;
	[sflag:s0] =	ssyncset.done $0x0  }
0xb1: {  	s7 =	sadd.s32 s6, s13;
	[sflag:s0] =	ssyncadd.s32 $0xFFFFF000  }
0xb2: {  	[tilespmem:s17], [sflag:$0x3] =	stream.linear.gather [hbm4b:s7+s3], $0x200, $0x38;
	[tilespmem:$0x1CAB0] =	vst v63  }
0xb3: {  	_ =	swait.ge [sflag:s16], $0x200  }
0xb4: {  	[sflag:s16] =	ssyncset.done $0x0  }
0xb5: {  	s11 =	sadd.s32 s6, s12;
	[sflag:s16] =	ssyncadd.s32 $0xFFFFFE00  }
0xb6: {  	[tilespmem:s18], [sflag:$0x3] =	stream.linear.gather [hbm4b:s11+s3], $0x200, $0x38;
	[tilespmem:$0x1CAB0] =	vst v63  }
0xb7: {  	_ =	swait.ge [sflag:s16], $0x200  }
0xb8: {  	[sflag:s16] =	ssyncset.done $0x0  }
0xb9: {  	[sflag:s16] =	ssyncadd.s32 $0xFFFFFE00  }
0xba: {  	[tilespmem:s20], [sflag:$0x1] =	stream.indirect.gather [hbm4b:s4+s19], $0x20, s17, s19, $0xb8;
	[tilespmem:$0x1CAB0] =	vst v63  }
0xbb: {  	_ = 	snop  }
0xbc: {  	[tilespmem:s22], [sflag:$0x1] =	stream.indirect.gather [hbm4b:s4+s19], $0x20, s21, s19, $0xb8;
	[tilespmem:$0x1CAB0] =	vst v63  }
0xbd: {  	_ = 	snop  }
0xbe: {  	[tilespmem:s24], [sflag:$0x1] =	stream.indirect.gather [hbm4b:s4+s19], $0x20, s23, s19, $0xb8;
	[tilespmem:$0x1CAB0] =	vst v63  }
0xbf: {  	_ = 	snop  }
0xc0: {  	[tilespmem:s26], [sflag:$0x1] =	stream.indirect.gather [hbm4b:s4+s19], $0x20, s25, s19, $0xb8;
	[tilespmem:$0x1CAB0] =	vst v63  }
0xc1: {  	_ =	swait.ge [sflag:s28], $0x1000  }
0xc2: {  	[sflag:s28] =	ssyncset.done $0x0  }
0xc3: {  	[sflag:s28] =	ssyncadd.s32 $0xFFFFF000  }
0xc4: {  	_ =	swait.ge [sflag:s28], $0x1000  }
0xc5: {  	[sflag:s28] =	ssyncset.done $0x0  }
0xc6: {  	[sflag:s28] =	ssyncadd.s32 $0xFFFFF000  }
0xc7: {  	_ =	swait.ge [sflag:s28], $0x1000  }
0xc8: {  	[sflag:s28] =	ssyncset.done $0x0  }
0xc9: {  	[sflag:s28] =	ssyncadd.s32 $0xFFFFF000  }
0xca: {  	_ =	swait.ge [sflag:s28], $0x1000  }
0xcb: {  	[sflag:s28] =	ssyncset.done $0x0  }
0xcc: {  	[sflag:s28] =	ssyncadd.s32 $0xFFFFF000  }
0xcd: {  	[spmem:s1] =	stream.indirect.scatter.add.f32 [tilespmem:s20], [sflag:$0x2], $0x20, s18, s19, $0xb8;
	[tilespmem:$0x1CAB0] =	vst v63  }
0xce: {  	_ = 	snop  }
0xcf: {  	[spmem:s1] =	stream.indirect.scatter.add.f32 [tilespmem:s22], [sflag:$0x2], $0x20, s29, s19, $0xb8;
	[tilespmem:$0x1CAB0] =	vst v63  }
0xd0: {  	_ = 	snop  }
0xd1: {  	[spmem:s1] =	stream.indirect.scatter.add.f32 [tilespmem:s24], [sflag:$0x2], $0x20, s30, s19, $0xb8;
	[tilespmem:$0x1CAB0] =	vst v63  }
0xd2: {  	_ = 	snop  }
0xd3: {  	[spmem:s1] =	stream.indirect.scatter.add.f32 [tilespmem:s26], [sflag:$0x2], $0x20, s31, s19, $0xb8;
	[tilespmem:$0x1CAB0] =	vst v63  }
0xd4: {  	_ =	swait.ge [sflag:s0], $0x1000  }
0xd5: {  	[sflag:s0] =	ssyncset.done $0x0  }
0xd6: {  	[sflag:s0] =	ssyncadd.s32 $0xFFFFF000  }
0xd7: {  	_ =	swait.ge [sflag:s0], $0x1000  }
0xd8: {  	[sflag:s0] =	ssyncset.done $0x0  }
0xd9: {  	[sflag:s0] =	ssyncadd.s32 $0xFFFFF000  }
0xda: {  	_ =	swait.ge [sflag:s0], $0x1000  }
0xdb: {  	[sflag:s0] =	ssyncset.done $0x0  }
0xdc: {  	[sflag:s0] =	ssyncadd.s32 $0xFFFFF000  }
.Ltmp4:
0xdd: {  	_ =	swait.ge [sflag:s0], $0x1000;
	(pc) =	sbr.rel .LBB2_8-.Ltmp4, $4  }
0xde: {  	[sflag:s0] =	ssyncset.done $0x0  }
0xdf: {  	[sflag:s0] =	ssyncadd.s32 $0xFFFFF000  }
0xe0: {  	[bflag:$0x0] =	sbarrier.arrive $0xFFFF  }
0xe1: {  	s6 =	rddreg [dreg:$0x3]  }
.LBB2_5:
0xe2: {  	s6 =	rddreg [dreg:$0x5]  }
0xe3: {  	[spmem:s15], [sflag:s14] =	dma.local [hbm:s6], $0x30D4  }
0xe4: {  	_ =	swait.ge [sflag:s16], $0x30D4  }
0xe5: {  	[sflag:s16] =	ssyncset.done $0x0  }
0xe6: {  	[sflag:s16] =	ssyncadd.s32 $0xFFFFCF2C  }
0xe7: {  	s10 =	sadd.s32 $0x0, s13;
	[bflag:$0x0] =	sbarrier.arrive $0xFFFF  }
0xe8: {  	[tilespmem:s17], [sflag:$0x3] =	stream.linear.gather [hbm4b:s10+s3], $0x200, $0x38;
	[tilespmem:$0x1CAB0] =	vst v63  }
0xe9: {  	_ =	swait.ge [sflag:s16], $0x200  }
0xea: {  	[sflag:s16] =	ssyncset.done $0x0  }
0xeb: {  	s11 =	sadd.s32 $0x0, s12;
	[sflag:s16] =	ssyncadd.s32 $0xFFFFFE00  }
0xec: {  	[tilespmem:s18], [sflag:$0x3] =	stream.linear.gather [hbm4b:s11+s3], $0x200, $0x38;
	[tilespmem:$0x1CAB0] =	vst v63  }
0xed: {  	_ =	swait.ge [sflag:s16], $0x200  }
0xee: {  	[sflag:s16] =	ssyncset.done $0x0  }
0xef: {  	[sflag:s16] =	ssyncadd.s32 $0xFFFFFE00  }
0xf0: {  	[tilespmem:s20], [sflag:$0x1] =	stream.indirect.gather [hbm4b:s5+s19], $0x20, s17, s19, $0xb8;
	[tilespmem:$0x1CAB0] =	vst v63  }
0xf1: {  	_ = 	snop  }
0xf2: {  	[tilespmem:s22], [sflag:$0x1] =	stream.indirect.gather [hbm4b:s5+s19], $0x20, s21, s19, $0xb8;
	[tilespmem:$0x1CAB0] =	vst v63  }
0xf3: {  	_ = 	snop  }
0xf4: {  	[tilespmem:s24], [sflag:$0x1] =	stream.indirect.gather [hbm4b:s5+s19], $0x20, s23, s19, $0xb8;
	[tilespmem:$0x1CAB0] =	vst v63  }
0xf5: {  	_ = 	snop  }
0xf6: {  	[tilespmem:s26], [sflag:$0x1] =	stream.indirect.gather [hbm4b:s5+s19], $0x20, s25, s19, $0xb8;
	[tilespmem:$0x1CAB0] =	vst v63  }
0xf7: {  	_ =	swait.ge [sflag:s28], $0x1000  }
0xf8: {  	[sflag:s28] =	ssyncset.done $0x0  }
0xf9: {  	[sflag:s28] =	ssyncadd.s32 $0xFFFFF000  }
0xfa: {  	_ =	swait.ge [sflag:s28], $0x1000  }
0xfb: {  	[sflag:s28] =	ssyncset.done $0x0  }
0xfc: {  	[sflag:s28] =	ssyncadd.s32 $0xFFFFF000  }
0xfd: {  	_ =	swait.ge [sflag:s28], $0x1000  }
0xfe: {  	[sflag:s28] =	ssyncset.done $0x0  }
0xff: {  	[sflag:s28] =	ssyncadd.s32 $0xFFFFF000  }
0x100: {  	_ =	swait.ge [sflag:s28], $0x1000  }
0x101: {  	[sflag:s28] =	ssyncset.done $0x0  }
0x102: {  	[sflag:s28] =	ssyncadd.s32 $0xFFFFF000  }
0x103: {  	[spmem:s1] =	stream.indirect.scatter.add.f32 [tilespmem:s20], [sflag:$0x2], $0x20, s18, s19, $0xb8;
	[tilespmem:$0x1CAB0] =	vst v63  }
0x104: {  	_ = 	snop  }
0x105: {  	[spmem:s1] =	stream.indirect.scatter.add.f32 [tilespmem:s22], [sflag:$0x2], $0x20, s29, s19, $0xb8;
	[tilespmem:$0x1CAB0] =	vst v63  }
0x106: {  	_ = 	snop  }
0x107: {  	[spmem:s1] =	stream.indirect.scatter.add.f32 [tilespmem:s24], [sflag:$0x2], $0x20, s30, s19, $0xb8;
	[tilespmem:$0x1CAB0] =	vst v63  }
0x108: {  	_ = 	snop  }
0x109: {  	[spmem:s1] =	stream.indirect.scatter.add.f32 [tilespmem:s26], [sflag:$0x2], $0x20, s31, s19, $0xb8;
	[tilespmem:$0x1CAB0] =	vst v63  }
0x10a: {  	_ =	swait.ge [sflag:s0], $0x1000  }
0x10b: {  	[sflag:s0] =	ssyncset.done $0x0  }
0x10c: {  	[sflag:s0] =	ssyncadd.s32 $0xFFFFF000  }
0x10d: {  	_ =	swait.ge [sflag:s0], $0x1000  }
0x10e: {  	[sflag:s0] =	ssyncset.done $0x0  }
0x10f: {  	[sflag:s0] =	ssyncadd.s32 $0xFFFFF000  }
0x110: {  	_ =	swait.ge [sflag:s0], $0x1000  }
0x111: {  	[sflag:s0] =	ssyncset.done $0x0  }
0x112: {  	[sflag:s0] =	ssyncadd.s32 $0xFFFFF000  }
0x113: {  	_ =	swait.ge [sflag:s0], $0x1000  }
0x114: {  	s7 =	simm.s32 $0x80;
	s6 =	simm.s32 $0x40;
	[sflag:s0] =	ssyncset.done $0x0  }
.LBB2_6:
0x115: {  	s10 =	sadd.s32 s6, s13  }
0x116: {  	[sflag:s0] =	ssyncadd.s32 $0xFFFFF000;
	s11 =	smov.u32 s7;
	s9 =	sadd.s32 $0x40, s7  }
0x117: {  	[tilespmem:s17], [sflag:$0x3] =	stream.linear.gather [hbm4b:s10+s3], $0x200, $0x38;
	[tilespmem:$0x1CAB0] =	vst v63  }
0x118: {  	p1 =	sne.s32 s7, $0x1840;
	_ =	swait.ge [sflag:s16], $0x200  }
0x119: {  	[sflag:s16] =	ssyncset.done $0x0  }
0x11a: {  	s7 =	sadd.s32 s6, s12;
	s6 =	smov.u32 s11;
	[sflag:s16] =	ssyncadd.s32 $0xFFFFFE00  }
0x11b: {  	[tilespmem:s18], [sflag:$0x3] =	stream.linear.gather [hbm4b:s7+s3], $0x200, $0x38;
	[tilespmem:$0x1CAB0] =	vst v63  }
0x11c: {  	_ =	swait.ge [sflag:s16], $0x200  }
0x11d: {  	[sflag:s16] =	ssyncset.done $0x0  }
0x11e: {  	[sflag:s16] =	ssyncadd.s32 $0xFFFFFE00  }
0x11f: {  	[tilespmem:s20], [sflag:$0x1] =	stream.indirect.gather [hbm4b:s5+s19], $0x20, s17, s19, $0xb8;
	[tilespmem:$0x1CAB0] =	vst v63  }
0x120: {  	_ = 	snop  }
0x121: {  	[tilespmem:s22], [sflag:$0x1] =	stream.indirect.gather [hbm4b:s5+s19], $0x20, s21, s19, $0xb8;
	[tilespmem:$0x1CAB0] =	vst v63  }
0x122: {  	_ = 	snop  }
0x123: {  	[tilespmem:s24], [sflag:$0x1] =	stream.indirect.gather [hbm4b:s5+s19], $0x20, s23, s19, $0xb8;
	[tilespmem:$0x1CAB0] =	vst v63  }
0x124: {  	_ = 	snop  }
0x125: {  	[tilespmem:s26], [sflag:$0x1] =	stream.indirect.gather [hbm4b:s5+s19], $0x20, s25, s19, $0xb8;
	[tilespmem:$0x1CAB0] =	vst v63  }
0x126: {  	_ =	swait.ge [sflag:s28], $0x1000  }
0x127: {  	[sflag:s28] =	ssyncset.done $0x0  }
0x128: {  	[sflag:s28] =	ssyncadd.s32 $0xFFFFF000  }
0x129: {  	_ =	swait.ge [sflag:s28], $0x1000  }
0x12a: {  	[sflag:s28] =	ssyncset.done $0x0  }
0x12b: {  	[sflag:s28] =	ssyncadd.s32 $0xFFFFF000  }
0x12c: {  	_ =	swait.ge [sflag:s28], $0x1000  }
0x12d: {  	[sflag:s28] =	ssyncset.done $0x0  }
0x12e: {  	[sflag:s28] =	ssyncadd.s32 $0xFFFFF000  }
0x12f: {  	_ =	swait.ge [sflag:s28], $0x1000  }
0x130: {  	[sflag:s28] =	ssyncset.done $0x0  }
0x131: {  	[sflag:s28] =	ssyncadd.s32 $0xFFFFF000  }
0x132: {  	[spmem:s1] =	stream.indirect.scatter.add.f32 [tilespmem:s20], [sflag:$0x2], $0x20, s18, s19, $0xb8;
	[tilespmem:$0x1CAB0] =	vst v63  }
0x133: {  	_ = 	snop  }
0x134: {  	[spmem:s1] =	stream.indirect.scatter.add.f32 [tilespmem:s22], [sflag:$0x2], $0x20, s29, s19, $0xb8;
	[tilespmem:$0x1CAB0] =	vst v63  }
0x135: {  	_ = 	snop  }
0x136: {  	[spmem:s1] =	stream.indirect.scatter.add.f32 [tilespmem:s24], [sflag:$0x2], $0x20, s30, s19, $0xb8;
	[tilespmem:$0x1CAB0] =	vst v63  }
0x137: {  	_ = 	snop  }
0x138: {  	[spmem:s1] =	stream.indirect.scatter.add.f32 [tilespmem:s26], [sflag:$0x2], $0x20, s31, s19, $0xb8;
	[tilespmem:$0x1CAB0] =	vst v63  }
0x139: {  	_ =	swait.ge [sflag:s0], $0x1000  }
0x13a: {  	[sflag:s0] =	ssyncset.done $0x0  }
0x13b: {  	[sflag:s0] =	ssyncadd.s32 $0xFFFFF000  }
0x13c: {  	_ =	swait.ge [sflag:s0], $0x1000  }
0x13d: {  	[sflag:s0] =	ssyncset.done $0x0  }
0x13e: {  	[sflag:s0] =	ssyncadd.s32 $0xFFFFF000  }
.Ltmp5:
0x13f: {  	_ =	swait.ge [sflag:s0], $0x1000;
	(pc) =	sbr.rel @p1 .LBB2_6-.Ltmp5, $4  }
0x140: {  	[sflag:s0] =	ssyncset.done $0x0  }
0x141: {  	[sflag:s0] =	ssyncadd.s32 $0xFFFFF000  }
0x142: {  	_ =	swait.ge [sflag:s0], $0x1000  }
0x143: {  	s7 =	smov.u32 s9;
	[sflag:s0] =	ssyncset.done $0x0  }
.Ltmp6:
0x144: {  	_ = 	snop;
	(pc) =	sbr.rel .LBB2_7-.Ltmp6, $1  }
0x145: {  	_ =	sdelay $0x3  }
.LBB2_9:
0x146: {  	_ =	sfence.sel $0x180000  }
0x147: {  	[bflag:$0x0] =	sbarrier.arrive $0xFFFF  }
0x148: {  	_ =	strace $0x9000004D  }
0x149: {  	s0 =	stileid.u32;
	[bflag:$0x2] =	sbarrier.arrive $0xFFFF  }
0x14a: {  	p0 =	sne.s32 s0, $0x0;
	s0 =	rddreg [dreg:$0x2]  }
0x14b: {  	s0 =	sadd.s32 @!p0 $0x100000, s0  }
0x14c: {  	[sflag:s0] =	ssyncadd.tile.s32 @!p0 $0x1;
	_ =	shalt  }
.Lfunc_end2:
_tile_overlayer_lowered:
.L_overlay_start_2:
0x14d: {  	(tag) =	ssettag $0x2  }
0x14e: {  	s0 =	rddreg [dreg:$0x0];
	s2 =	stileid.u32  }
0x14f: {  	s1 =	rddreg [dreg:$0x1];
	p0 =	sne.s32 s2, $0x0  }
0x150: {  	s3 =	rddreg [dreg:$0x2];
	[bflag:$0x3] =	sbarrier.arrive $0xFFFF;
	s2 =	simm.s32 @!p0 $0x1C03  }
0x151: {  	[timem:s3], [sflag:s2] =	dma.local @!p0 [hbm:s0], s1  }
0x152: {  	s0 =	simm.s32 @!p0 $0x3  }
0x153: {  	_ =	swait.ge @!p0 [sflag:s0], s1  }
0x154: {  	s1 =	ssub.s32 @!p0 $0x0, s1;
	[sflag:s0] =	ssyncset.done @!p0 $0x0  }
0x155: {  	[sflag:s0] =	ssyncadd.s32 @!p0 s1  }
0x156: {  	[bflag:$0x3] =	sbarrier.arrive $0xFFFF  }
0x157: {  	_ =	shalt  }

// kernel: kernel.23.cloned.1.call-start
scs
__scs_entry_jumppad:
0x0: {  	(pc) =	sbr.rel $0x88, $3  }
0x1: {  	(tag) =	ssettag $0x0;
	lr =	simm.s32 $0x1  }
0x2: {  	[smem:$0x3F8E] =	sst lr;
	_ =	strace $0xD0000000  }
0x3: {  	_ = 	snop  }
0x4: {  	_ = 	snop  }
0x5: {  	_ = 	snop  }
0x6: {  	_ = 	snop  }
0x7: {  	_ = 	snop  }
__scs_overlays_trampoline_lowered:
0x8: {  	[smem:$0x3F9D] =	sst s0  }
0x9: {  	[smem:$0x3F9E] =	sst s1  }
0xa: {  	[smem:$0x3F9F] =	sst s2  }
0xb: {  	[smem:$0x3FA0] =	sst s3  }
0xc: {  	[smem:$0x3FA1] =	sst s4  }
0xd: {  	[smem:$0x3FA2] =	sst s5  }
0xe: {  	[smem:$0x3FA3] =	sst s6  }
0xf: {  	[smem:$0x3FA4] =	sst s7  }
0x10: {  	[smem:$0x3FA5] =	sst s8  }
0x11: {  	[smem:$0x3FA6] =	sst s9;
	s0 =	simm.s32 @!p0 $0x0  }
0x12: {  	s1 =	sld [smem:$0x3F8C];
	s0 =	simm.s32 @p0 $0x1  }
0x13: {  	[smem:$0x3FA7] =	sst s0;
	s0 =	simm.s32 @!p1 $0x0  }
0x14: {  	s2 =	sld [smem:$0x3F8B];
	s0 =	simm.s32 @p1 $0x1  }
0x15: {  	[smem:$0x3FA8] =	sst s0;
	s0 =	simm.s32 @!p2 $0x0  }
0x16: {  	s3 =	sld [smem:$0x3FDB];
	s0 =	simm.s32 @p2 $0x1  }
0x17: {  	s4 =	simm.s32 $0x1BF5;
	[smem:$0x3FAA] =	sst s0  }
0x18: {  	s0 =	sld [smem:$0x3F8D];
	_ =	swait.ge [sflag:s4], $0x0  }
0x19: {  	s7 =	sld [smem:$0x3F8E]  }
0x1a: {  	s8 =	sadd.s32 $0xFFFFE003, lr  }
0x1b: {  	s9 =	sadd.s32 $0xFFFFFEF7, lr;
	s5 =	simm.s32 $0xFFFFFFFF;
	p2 =	slt.u32 s8, $0xFFFFF086  }
0x1c: {  	p1 =	slt.u32 s9, $0xF7A;
	s5 =	simm.s32 @!p2 $0x0  }
0x1d: {  	s5 =	simm.s32 @p1 $0x1;
	p0 =	seq.s32 s7, s2  }
0x1e: {  	s7 =	smul.u32 @!p0 $0xF7A, s2;
	p2 =	seq.s32 @!p0 s5, $0x0  }
0x1f: {  	s9 =	smul.u32 $0xF7A, s1;
	s8 =	simm.s32 @!p0 $0x1BF5;
	p2 =	por !p2, p0  }
0x20: {  	[sflag:s8] =	ssyncset.s32 @!p0 $0xFFFFF086;
	s6 =	sadd.s32 @!p0 s3, s7;
	s7 =	simm.s32 @!p0 $0x108  }
0x21: {  	s3 =	sadd.s32 s3, s9;
	s6 =	sadd.s32 @!p0 $0x88, s6;
	s7 =	simm.s32 @p2 $0x1082  }
0x22: {  	[simem:s7], [sflag:s8] =	dma.local @!p0 [hbm:s6], $0xF7A  }
0x23: {  	s9 =	sor.u32 $0xD0000000, s2;
	s6 =	simm.s32 $0x108;
	_ =	swait.ge @!p0 [sflag:s8], $0x0  }
0x24: {  	s3 =	sadd.s32 $0x88, s3;
	s6 =	simm.s32 @!p1 $0x1082;
	[sflag:s4] =	ssyncset.s32 $0xFFFFF086  }
0x25: {  	[simem:s6], [sflag:s4] =	dma.local [hbm:s3], $0xF7A  }
0x26: {  	[smem:$0x3F8E] =	sst s1;
	(tag) =	ssettag s2;
	_ =	strace s9  }
0x27: {  	s1 =	sld [smem:$0x3F9E]  }
0x28: {  	s2 =	sld [smem:$0x3F9F]  }
0x29: {  	s4 =	sld [smem:$0x3FA1]  }
0x2a: {  	p0 =	seq.s32 s5, $0x0;
	s5 =	sld [smem:$0x3FA2]  }
0x2b: {  	s6 =	sld [smem:$0x3FA3]  }
0x2c: {  	s7 =	sld [smem:$0x3FA4]  }
0x2d: {  	s3 =	simm.s32 $0x108;
	s8 =	sld [smem:$0x3FA5]  }
0x2e: {  	s3 =	simm.s32 @!p0 $0x1082;
	s9 =	sld [smem:$0x3FA6]  }
0x2f: {  	lr =	sadd.s32 s0, s3;
	s0 =	sld [smem:$0x3F9D]  }
0x30: {  	s3 =	sld [smem:$0x3FA0]  }
0x31: {  	[smem:$0x3FA9] =	sst s10  }
0x32: {  	s10 =	sld [smem:$0x3FA7];
	_ =	sdelay $0x3  }
0x33: {  	p0 =	seq.s32 s10, $0x1;
	s10 =	sld [smem:$0x3FA9];
	_ =	sdelay $0x3  }
0x34: {  	[smem:$0x3FA9] =	sst s10  }
0x35: {  	s10 =	sld [smem:$0x3FA8];
	_ =	sdelay $0x3  }
0x36: {  	p1 =	seq.s32 s10, $0x1;
	s10 =	sld [smem:$0x3FA9];
	_ =	sdelay $0x3  }
0x37: {  	[smem:$0x3FA9] =	sst s10  }
0x38: {  	s10 =	sld [smem:$0x3FAA]  }
0x39: {  	_ = 	snop;
	(pc) =	sbr.ind lr, $3  }
0x3a: {  	_ = 	snop  }
0x3b: {  	_ = 	snop  }
0x3c: {  	p2 =	seq.s32 s10, $0x1;
	s10 =	sld [smem:$0x3FA9]  }
0x3d: {  	_ =	shalt  }
0x3e: {  	_ =	shalt  }
0x3f: {  	_ =	shalt  }
0x40: {  	_ =	shalt  }
0x41: {  	_ =	shalt  }
0x42: {  	_ =	shalt  }
0x43: {  	_ =	shalt  }
0x44: {  	_ =	shalt  }
0x45: {  	_ =	shalt  }
0x46: {  	_ =	shalt  }
0x47: {  	_ =	shalt  }
0x48: {  	_ =	shalt  }
0x49: {  	_ =	shalt  }
0x4a: {  	_ =	shalt  }
0x4b: {  	_ =	shalt  }
0x4c: {  	_ =	shalt  }
0x4d: {  	_ =	shalt  }
0x4e: {  	_ =	shalt  }
0x4f: {  	_ =	shalt  }
0x50: {  	_ =	shalt  }
0x51: {  	_ =	shalt  }
0x52: {  	_ =	shalt  }
0x53: {  	_ =	shalt  }
0x54: {  	_ =	shalt  }
0x55: {  	_ =	shalt  }
0x56: {  	_ =	shalt  }
0x57: {  	_ =	shalt  }
0x58: {  	_ =	shalt  }
0x59: {  	_ =	shalt  }
0x5a: {  	_ =	shalt  }
0x5b: {  	_ =	shalt  }
0x5c: {  	_ =	shalt  }
0x5d: {  	_ =	shalt  }
0x5e: {  	_ =	shalt  }
0x5f: {  	_ =	shalt  }
0x60: {  	_ =	shalt  }
0x61: {  	_ =	shalt  }
0x62: {  	_ =	shalt  }
0x63: {  	_ =	shalt  }
0x64: {  	_ =	shalt  }
0x65: {  	_ =	shalt  }
0x66: {  	_ =	shalt  }
0x67: {  	_ =	shalt  }
0x68: {  	_ =	shalt  }
0x69: {  	_ =	shalt  }
0x6a: {  	_ =	shalt  }
0x6b: {  	_ =	shalt  }
0x6c: {  	_ =	shalt  }
0x6d: {  	_ =	shalt  }
0x6e: {  	_ =	shalt  }
0x6f: {  	_ =	shalt  }
0x70: {  	_ =	shalt  }
0x71: {  	_ =	shalt  }
0x72: {  	_ =	shalt  }
0x73: {  	_ =	shalt  }
0x74: {  	_ =	shalt  }
0x75: {  	_ =	shalt  }
0x76: {  	_ =	shalt  }
0x77: {  	_ =	shalt  }
0x78: {  	_ =	shalt  }
0x79: {  	_ =	shalt  }
0x7a: {  	_ =	shalt  }
0x7b: {  	_ =	shalt  }
0x7c: {  	_ =	shalt  }
0x7d: {  	_ =	shalt  }
0x7e: {  	_ =	shalt  }
0x7f: {  	_ =	shalt  }
0x80: {  	_ =	shalt  }
0x81: {  	_ =	shalt  }
0x82: {  	_ =	shalt  }
0x83: {  	_ =	shalt  }
0x84: {  	_ =	shalt  }
0x85: {  	_ =	shalt  }
0x86: {  	_ =	shalt  }
0x87: {  	_ =	shalt  }
.Lfunc_end0:
.L_simem_size_0:
called_computation.3_lowered:
.L_overlay_start_0:
0x88: {  	s2 =	sld [smem:$0x3FD9]  }
0x89: {  	s3 =	sld [smem:$0x3FFE];
	_ =	sdelay $0x1  }
0x8a: {  	s1 =	srdreg.scid  }
0x8b: {  	s0 =	sand.u32 $0x1, s1  }
0x8c: {  	s16 =	sshll.u32 s0, $0xA;
	s2 =	sadd.s32 s3, s2  }
0x8d: {  	s2 =	sadd.s32 s2, s16  }
0x8e: {  	[smem:$0x3FB5] =	sst s2  }
0x8f: {  	_ = 	snop  }
0x90: {  	(tm) =	ssettm $0x1  }
0x91: {  	s17 =	sld [smem:$0x3FFB];
	_ =	sdelay $0x3  }
0x92: {  	_ =	strace s17  }
0x93: {  	s2 =	sld [smem:$0x3FFC];
	_ =	sdelay $0x3  }
0x94: {  	_ =	strace s2  }
0x95: {  	s2 =	sld [smem:$0x3FFD];
	_ =	sdelay $0x3  }
0x96: {  	_ =	strace s2  }
0x97: {  	_ =	strace $0x8FFFFFFF  }
0x98: {  	s18 =	sld [smem:$0x3FDB];
	_ =	sdelay $0x1  }
0x99: {  	s19 =	simm.s32 $_scs_section_size  }
0x9a: {  	s4 =	simm.s32 $_size__tile_overlayer_lowered;
	s5 =	simm.s32 $_tile_overlayer_lowered  }
0x9b: {  	s22 =	simm.s32 $0x1BFF;
	s21 =	sshll.u32 s5, $0x1;
	s2 =	sadd.s32 s19, s18  }
0x9c: {  	s6 =	simm.s32 $0x0;
	s20 =	sshll.u32 s4, $0x1;
	s4 =	sadd.s32 s21, s2  }
0x9d: {  	[timem:s6], [sflag:s22] =	dma.local [hbm:s4], s20  }
0x9e: {  	_ =	swait.ge [sflag:s22], s20  }
0x9f: {  	s3 =	ssub.s32 $0x0, s20;
	[sflag:s22] =	ssyncset.done $0x0  }
0xa0: {  	[sflag:s22] =	ssyncadd.s32 s3;
	_ =	sdelay $0x1  }
0xa1: {  	s23 =	simm.s32 $0x1B8B  }
0xa2: {  	_ =	swait.ge [sflag:s23], $0x1  }
0xa3: {  	[sflag:s23] =	ssyncset.done $0x0  }
0xa4: {  	s25 =	simm.s32 $0x1B8E;
	s24 =	sld [smem:$0x3FFE];
	[sflag:s23] =	ssyncadd.s32 $0xFFFFFFFF  }
0xa5: {  	s26 =	simm.s32 $execute0_lowered;
	[smem:$0x3FD2] =	sst s25  }
0xa6: {  	s4 =	sshll.u32 s26, $0x1;
	_ =	strace $0x8000004F;
	[dreg:$0x1] =	wrdreg $0xFFFFFFFF  }
0xa7: {  	s28 =	simm.s32 $_size_execute0_lowered;
	s2 =	sadd.s32 s2, s4;
	[dreg:$0x0] =	wrdreg $0x0  }
0xa8: {  	s4 =	sshll.u32 s28, $0x1;
	[dreg:$0x2] =	wrdreg s2  }
0xa9: {  	[dreg:$0x3] =	wrdreg s4  }
0xaa: {  	[dreg:$0x4] =	wrdreg $0xC0  }
0xab: {  	_ =	task [dreg:s6], $0x5FFFF  }
0xac: {  	[dreg:$0x1] =	wrdreg $0xFFFFFFFF  }
0xad: {  	[dreg:$0x0] =	wrdreg $0x60  }
0xae: {  	[dreg:$0x2] =	wrdreg s24  }
0xaf: {  	[dreg:$0x3] =	wrdreg $0x0  }
0xb0: {  	[dreg:$0x4] =	wrdreg $0x9  }
0xb1: {  	_ =	task.clear_ibuf [dreg:s6], $0x5FFFF;
	_ =	strace $0x9000004F  }
0xb2: {  	s29 =	simm.s32 $0x9;
	_ =	strace $0x80000051  }
0xb3: {  	_ =	swait.ge [sflag:s29], $0x1  }
0xb4: {  	[sflag:s29] =	ssyncadd.s32 $0xFFFFFFFF  }
0xb5: {  	_ =	strace $0x90000051  }
0xb6: {  	_ =	sfence  }
0xb7: {  	s30 =	sld [smem:$0x0];
	_ =	sdelay $0x2  }
0xb8: {  	s31 =	sshll.u32 s1, $0xD;
	s1 =	sshrl.u32 s1, $0x2  }
0xb9: {  	s3 =	sand.u32 $0x4000, s31;
	s1 =	sadd.s32 s1, s30  }
0xba: {  	s0 =	sor.u32 s3, s0;
	s1 =	sshll.u32 s1, $0x11  }
0xbb: {  	s0 =	sor.u32 s1, s0  }
0xbc: {  	s0 =	sadd.s32 $0x8F2B, s0  }
0xbd: {  	[sflag:s0] =	ssyncadd.remote.s32 $0x1  }
0xbe: {  	_ =	sfence.sel $0xFFFF  }
0xbf: {  	[dreg:$0x0] =	wrdreg $0xFFFFFFFF;
	(pc) =	sbr.abs _section_cstart, $3  }
0xc0: {  	[dreg:$0x1] =	wrdreg $0xFFFFFFFF  }
0xc1: {  	_ =	task.clear_ibuf [dreg:s6], $0x2FFFF;
	_ =	strace $0x9FFFFFFF  }
0xc2: {  	(tm) =	ssettm $0x7FFFFFFF  }
0xc3: {  	_ =	shalt  }
tec
execute0_lowered:
.L_overlay_start_1:
0x0: {  	(tag) =	ssettag $0x1  }
0x1: {  	s0 =	rddreg [dreg:$0x0]  }
0x2: {  	s1 =	rddreg [dreg:$0x1];
	s3 =	simm.s32 $0x0;
	s10 =	stileid.u32  }
0x3: {  	s2 =	srdreg.scid;
	s16 =	simm.s32 $0x3;
	s17 =	simm.s32 $0x186B0  }
0x4: {  	s18 =	simm.s32 $0x188B0;
	s19 =	simm.s32 $0x80;
	s20 =	simm.s32 $0x18AB0  }
0x5: {  	s28 =	simm.s32 $0x1;
	s29 =	simm.s32 $0x18930;
	s30 =	simm.s32 $0x189B0  }
0x6: {  	s31 =	simm.s32 $0x18A30;
	[smem:$0x7FF] =	sst s3;
	s4 =	sadd.s32 $0x1DC00, s0  }
0x7: {  	s6 =	smul.u32 $0x1880, s10;
	s2 =	sand.u32 $0x1, s2;
	s5 =	sadd.s32 $0x2C9A00, s0  }
0x8: {  	s9 =	smul.u32 $0x186A0, s10;
	s8 =	sadd.s32 $0x7F800, s0;
	s26 =	sshll.u32 s10, $0x6  }
0x9: {  	_ =	strace $0x80000050;
	s7 =	ssub.s32 $0x2, s2;
	[dreg:$0x3] =	wrdreg s8  }
0xa: {  	p0 =	sne.s32 s2, $0x0;
	s14 =	sor.u32 $0x1C03, s26;
	s26 =	simm.s32 $0x1BAB0  }
0xb: {  	s2 =	simm.s32 $0x0;
	s6 =	sadd.s32 s6, s0;
	s21 =	sshrl.u32 s7, $0x1  }
0xc: {  	s0 =	sadd.s32 $0x4EA00, s0;
	s8 =	sshrl.u32 s9, $0x3;
	s23 =	sadd.s32 s9, s1  }
0xd: {  	[dreg:$0x4] =	wrdreg s0;
	s22 =	ssub.s32 s7, s21;
	s24 =	sadd.s32 s5, s8  }
.Ltmp0:
0xe: {  	s25 =	sadd.s32 s4, s8;
	s12 =	sadd.s32 $0x5400, s6;
	(pc) =	sbr.rel .LBB2_1-.Ltmp0, $4  }
0xf: {  	s13 =	sadd.s32 $0x12A800, s6;
	s15 =	sshrl.u32 s23, $0x3;
	[dreg:$0x5] =	wrdreg s24  }
0x10: {  	s21 =	simm.s32 $0x18730;
	s23 =	simm.s32 $0x187B0;
	[dreg:$0x6] =	wrdreg s25  }
0x11: {  	s0 =	smax.u32 s22, $0x1;
	s22 =	simm.s32 $0x19AB0;
	s24 =	simm.s32 $0x1AAB0  }
0x12: {  	s25 =	simm.s32 $0x18830;
	[dreg:$0x7] =	wrdreg s0;
	s0 =	simm.s32 $0x2  }
.LBB2_7:
0x13: {  	s7 =	sadd.s32 s6, s13;
	[sflag:s0] =	ssyncadd.s32 $0xFFFFF000  }
0x14: {  	[tilespmem:s17], [sflag:$0x3] =	stream.linear.gather [hbm4b:s7+s3], $0x200, $0x38;
	[tilespmem:$0x1CAB0] =	vst v63  }
0x15: {  	_ =	swait.ge [sflag:s16], $0x200  }
0x16: {  	[sflag:s16] =	ssyncset.done $0x0  }
0x17: {  	s11 =	sadd.s32 s6, s12;
	[sflag:s16] =	ssyncadd.s32 $0xFFFFFE00  }
0x18: {  	[tilespmem:s18], [sflag:$0x3] =	stream.linear.gather [hbm4b:s11+s3], $0x200, $0x38;
	[tilespmem:$0x1CAB0] =	vst v63  }
0x19: {  	_ =	swait.ge [sflag:s16], $0x200  }
0x1a: {  	[sflag:s16] =	ssyncset.done $0x0  }
0x1b: {  	[sflag:s16] =	ssyncadd.s32 $0xFFFFFE00  }
0x1c: {  	[tilespmem:s20], [sflag:$0x1] =	stream.indirect.gather [hbm4b:s5+s19], $0x20, s17, s19, $0xb8;
	[tilespmem:$0x1CAB0] =	vst v63  }
0x1d: {  	_ = 	snop  }
0x1e: {  	[tilespmem:s22], [sflag:$0x1] =	stream.indirect.gather [hbm4b:s5+s19], $0x20, s21, s19, $0xb8;
	[tilespmem:$0x1CAB0] =	vst v63  }
0x1f: {  	_ = 	snop  }
0x20: {  	[tilespmem:s24], [sflag:$0x1] =	stream.indirect.gather [hbm4b:s5+s19], $0x20, s23, s19, $0xb8;
	[tilespmem:$0x1CAB0] =	vst v63  }
0x21: {  	_ = 	snop  }
0x22: {  	[tilespmem:s26], [sflag:$0x1] =	stream.indirect.gather [hbm4b:s5+s19], $0x20, s25, s19, $0xb8;
	[tilespmem:$0x1CAB0] =	vst v63  }
0x23: {  	_ =	swait.ge [sflag:s28], $0x1000  }
0x24: {  	[sflag:s28] =	ssyncset.done $0x0  }
0x25: {  	[sflag:s28] =	ssyncadd.s32 $0xFFFFF000  }
0x26: {  	_ =	swait.ge [sflag:s28], $0x1000  }
0x27: {  	[sflag:s28] =	ssyncset.done $0x0  }
0x28: {  	[sflag:s28] =	ssyncadd.s32 $0xFFFFF000  }
0x29: {  	_ =	swait.ge [sflag:s28], $0x1000  }
0x2a: {  	[sflag:s28] =	ssyncset.done $0x0  }
0x2b: {  	[sflag:s28] =	ssyncadd.s32 $0xFFFFF000  }
0x2c: {  	_ =	swait.ge [sflag:s28], $0x1000  }
0x2d: {  	[sflag:s28] =	ssyncset.done $0x0  }
0x2e: {  	[sflag:s28] =	ssyncadd.s32 $0xFFFFF000  }
0x2f: {  	[spmem:s1] =	stream.indirect.scatter.add.f32 [tilespmem:s20], [sflag:$0x2], $0x20, s18, s19, $0xb8;
	[tilespmem:$0x1CAB0] =	vst v63  }
0x30: {  	_ = 	snop  }
0x31: {  	[spmem:s1] =	stream.indirect.scatter.add.f32 [tilespmem:s22], [sflag:$0x2], $0x20, s29, s19, $0xb8;
	[tilespmem:$0x1CAB0] =	vst v63  }
0x32: {  	_ = 	snop  }
0x33: {  	[spmem:s1] =	stream.indirect.scatter.add.f32 [tilespmem:s24], [sflag:$0x2], $0x20, s30, s19, $0xb8;
	[tilespmem:$0x1CAB0] =	vst v63  }
0x34: {  	_ = 	snop  }
0x35: {  	[spmem:s1] =	stream.indirect.scatter.add.f32 [tilespmem:s26], [sflag:$0x2], $0x20, s31, s19, $0xb8;
	[tilespmem:$0x1CAB0] =	vst v63  }
0x36: {  	_ =	swait.ge [sflag:s0], $0x1000  }
0x37: {  	[sflag:s0] =	ssyncset.done $0x0  }
0x38: {  	[sflag:s0] =	ssyncadd.s32 $0xFFFFF000  }
0x39: {  	_ =	swait.ge [sflag:s0], $0x1000  }
0x3a: {  	[sflag:s0] =	ssyncset.done $0x0  }
0x3b: {  	[sflag:s0] =	ssyncadd.s32 $0xFFFFF000  }
0x3c: {  	_ =	swait.ge [sflag:s0], $0x1000  }
0x3d: {  	[sflag:s0] =	ssyncset.done $0x0  }
0x3e: {  	[sflag:s0] =	ssyncadd.s32 $0xFFFFF000  }
0x3f: {  	_ =	swait.ge [sflag:s0], $0x1000  }
0x40: {  	[sflag:s0] =	ssyncset.done $0x0  }
0x41: {  	[sflag:s0] =	ssyncadd.s32 $0xFFFFF000  }
0x42: {  	[bflag:$0x0] =	sbarrier.arrive $0xFFFF  }
0x43: {  	s6 =	rddreg [dreg:$0x4]  }
.LBB2_8:
0x44: {  	s6 =	sadd.s32 s6, s8  }
0x45: {  	[hbm:s6], [sflag:s14] =	dma.local [spmem:s15], $0x30D4  }
0x46: {  	_ =	swait.ge [sflag:s16], $0x30D4  }
0x47: {  	s2 =	sadd.s32 $0x1, s2;
	s11 =	rddreg [dreg:$0x7]  }
0x48: {  	p1 =	sne.s32 s2, s11  }
.Ltmp1:
0x49: {  	_ = 	snop;
	(pc) =	sbr.rel @!p1 .LBB2_9-.Ltmp1, $3  }
0x4a: {  	_ =	sdelay $0x1  }
0x4b: {  	[sflag:s16] =	ssyncset.done $0x0  }
0x4c: {  	[sflag:s16] =	ssyncadd.s32 $0xFFFFCF2C  }
.LBB2_1:
.Ltmp2:
0x4d: {  	(pc) =	sbr.rel @p0 .LBB2_5-.Ltmp2, $1  }
0x4e: {  	_ =	sdelay $0x3  }
0x4f: {  	s6 =	rddreg [dreg:$0x6]  }
0x50: {  	[spmem:s15], [sflag:s14] =	dma.local [hbm:s6], $0x30D4  }
0x51: {  	_ =	swait.ge [sflag:s16], $0x30D4  }
0x52: {  	[sflag:s16] =	ssyncset.done $0x0  }
0x53: {  	[sflag:s16] =	ssyncadd.s32 $0xFFFFCF2C  }
0x54: {  	s10 =	sadd.s32 $0x0, s13;
	[bflag:$0x0] =	sbarrier.arrive $0xFFFF  }
0x55: {  	[tilespmem:s17], [sflag:$0x3] =	stream.linear.gather [hbm4b:s10+s3], $0x200, $0x38;
	[tilespmem:$0x1CAB0] =	vst v63  }
0x56: {  	_ =	swait.ge [sflag:s16], $0x200  }
0x57: {  	[sflag:s16] =	ssyncset.done $0x0  }
0x58: {  	s11 =	sadd.s32 $0x0, s12;
	[sflag:s16] =	ssyncadd.s32 $0xFFFFFE00  }
0x59: {  	[tilespmem:s18], [sflag:$0x3] =	stream.linear.gather [hbm4b:s11+s3], $0x200, $0x38;
	[tilespmem:$0x1CAB0] =	vst v63  }
0x5a: {  	_ =	swait.ge [sflag:s16], $0x200  }
0x5b: {  	[sflag:s16] =	ssyncset.done $0x0  }
0x5c: {  	[sflag:s16] =	ssyncadd.s32 $0xFFFFFE00  }
0x5d: {  	[tilespmem:s20], [sflag:$0x1] =	stream.indirect.gather [hbm4b:s4+s19], $0x20, s17, s19, $0xb8;
	[tilespmem:$0x1CAB0] =	vst v63  }
0x5e: {  	_ = 	snop  }
0x5f: {  	[tilespmem:s22], [sflag:$0x1] =	stream.indirect.gather [hbm4b:s4+s19], $0x20, s21, s19, $0xb8;
	[tilespmem:$0x1CAB0] =	vst v63  }
0x60: {  	_ = 	snop  }
0x61: {  	[tilespmem:s24], [sflag:$0x1] =	stream.indirect.gather [hbm4b:s4+s19], $0x20, s23, s19, $0xb8;
	[tilespmem:$0x1CAB0] =	vst v63  }
0x62: {  	_ = 	snop  }
0x63: {  	[tilespmem:s26], [sflag:$0x1] =	stream.indirect.gather [hbm4b:s4+s19], $0x20, s25, s19, $0xb8;
	[tilespmem:$0x1CAB0] =	vst v63  }
0x64: {  	_ =	swait.ge [sflag:s28], $0x1000  }
0x65: {  	[sflag:s28] =	ssyncset.done $0x0  }
0x66: {  	[sflag:s28] =	ssyncadd.s32 $0xFFFFF000  }
0x67: {  	_ =	swait.ge [sflag:s28], $0x1000  }
0x68: {  	[sflag:s28] =	ssyncset.done $0x0  }
0x69: {  	[sflag:s28] =	ssyncadd.s32 $0xFFFFF000  }
0x6a: {  	_ =	swait.ge [sflag:s28], $0x1000  }
0x6b: {  	[sflag:s28] =	ssyncset.done $0x0  }
0x6c: {  	[sflag:s28] =	ssyncadd.s32 $0xFFFFF000  }
0x6d: {  	_ =	swait.ge [sflag:s28], $0x1000  }
0x6e: {  	[sflag:s28] =	ssyncset.done $0x0  }
0x6f: {  	[sflag:s28] =	ssyncadd.s32 $0xFFFFF000  }
0x70: {  	[spmem:s1] =	stream.indirect.scatter.add.f32 [tilespmem:s20], [sflag:$0x2], $0x20, s18, s19, $0xb8;
	[tilespmem:$0x1CAB0] =	vst v63  }
0x71: {  	_ = 	snop  }
0x72: {  	[spmem:s1] =	stream.indirect.scatter.add.f32 [tilespmem:s22], [sflag:$0x2], $0x20, s29, s19, $0xb8;
	[tilespmem:$0x1CAB0] =	vst v63  }
0x73: {  	_ = 	snop  }
0x74: {  	[spmem:s1] =	stream.indirect.scatter.add.f32 [tilespmem:s24], [sflag:$0x2], $0x20, s30, s19, $0xb8;
	[tilespmem:$0x1CAB0] =	vst v63  }
0x75: {  	_ = 	snop  }
0x76: {  	[spmem:s1] =	stream.indirect.scatter.add.f32 [tilespmem:s26], [sflag:$0x2], $0x20, s31, s19, $0xb8;
	[tilespmem:$0x1CAB0] =	vst v63  }
0x77: {  	_ =	swait.ge [sflag:s0], $0x1000  }
0x78: {  	[sflag:s0] =	ssyncset.done $0x0  }
0x79: {  	[sflag:s0] =	ssyncadd.s32 $0xFFFFF000  }
0x7a: {  	_ =	swait.ge [sflag:s0], $0x1000  }
0x7b: {  	[sflag:s0] =	ssyncset.done $0x0  }
0x7c: {  	[sflag:s0] =	ssyncadd.s32 $0xFFFFF000  }
0x7d: {  	_ =	swait.ge [sflag:s0], $0x1000  }
0x7e: {  	[sflag:s0] =	ssyncset.done $0x0  }
0x7f: {  	[sflag:s0] =	ssyncadd.s32 $0xFFFFF000  }
0x80: {  	_ =	swait.ge [sflag:s0], $0x1000  }
0x81: {  	s9 =	simm.s32 $0x80;
	s6 =	simm.s32 $0x40;
	[sflag:s0] =	ssyncset.done $0x0  }
.LBB2_3:
0x82: {  	s10 =	sadd.s32 s6, s13  }
0x83: {  	[sflag:s0] =	ssyncadd.s32 $0xFFFFF000;
	s11 =	smov.u32 s9;
	s7 =	sadd.s32 $0x40, s9  }
0x84: {  	[tilespmem:s17], [sflag:$0x3] =	stream.linear.gather [hbm4b:s10+s3], $0x200, $0x38;
	[tilespmem:$0x1CAB0] =	vst v63  }
0x85: {  	p1 =	seq.s32 s9, $0x1840;
	_ =	swait.ge [sflag:s16], $0x200  }
0x86: {  	[sflag:s16] =	ssyncset.done $0x0  }
0x87: {  	s9 =	sadd.s32 s6, s12;
	s6 =	smov.u32 s11;
	[sflag:s16] =	ssyncadd.s32 $0xFFFFFE00  }
0x88: {  	[tilespmem:s18], [sflag:$0x3] =	stream.linear.gather [hbm4b:s9+s3], $0x200, $0x38;
	[tilespmem:$0x1CAB0] =	vst v63  }
0x89: {  	_ =	swait.ge [sflag:s16], $0x200  }
0x8a: {  	[sflag:s16] =	ssyncset.done $0x0  }
0x8b: {  	[sflag:s16] =	ssyncadd.s32 $0xFFFFFE00  }
0x8c: {  	[tilespmem:s20], [sflag:$0x1] =	stream.indirect.gather [hbm4b:s4+s19], $0x20, s17, s19, $0xb8;
	[tilespmem:$0x1CAB0] =	vst v63  }
0x8d: {  	_ = 	snop  }
0x8e: {  	[tilespmem:s22], [sflag:$0x1] =	stream.indirect.gather [hbm4b:s4+s19], $0x20, s21, s19, $0xb8;
	[tilespmem:$0x1CAB0] =	vst v63  }
0x8f: {  	_ = 	snop  }
0x90: {  	[tilespmem:s24], [sflag:$0x1] =	stream.indirect.gather [hbm4b:s4+s19], $0x20, s23, s19, $0xb8;
	[tilespmem:$0x1CAB0] =	vst v63  }
0x91: {  	_ = 	snop  }
0x92: {  	[tilespmem:s26], [sflag:$0x1] =	stream.indirect.gather [hbm4b:s4+s19], $0x20, s25, s19, $0xb8;
	[tilespmem:$0x1CAB0] =	vst v63  }
0x93: {  	_ =	swait.ge [sflag:s28], $0x1000  }
0x94: {  	[sflag:s28] =	ssyncset.done $0x0  }
0x95: {  	[sflag:s28] =	ssyncadd.s32 $0xFFFFF000  }
0x96: {  	_ =	swait.ge [sflag:s28], $0x1000  }
0x97: {  	[sflag:s28] =	ssyncset.done $0x0  }
0x98: {  	[sflag:s28] =	ssyncadd.s32 $0xFFFFF000  }
0x99: {  	_ =	swait.ge [sflag:s28], $0x1000  }
0x9a: {  	[sflag:s28] =	ssyncset.done $0x0  }
0x9b: {  	[sflag:s28] =	ssyncadd.s32 $0xFFFFF000  }
0x9c: {  	_ =	swait.ge [sflag:s28], $0x1000  }
0x9d: {  	[sflag:s28] =	ssyncset.done $0x0  }
0x9e: {  	[sflag:s28] =	ssyncadd.s32 $0xFFFFF000  }
0x9f: {  	[spmem:s1] =	stream.indirect.scatter.add.f32 [tilespmem:s20], [sflag:$0x2], $0x20, s18, s19, $0xb8;
	[tilespmem:$0x1CAB0] =	vst v63  }
0xa0: {  	_ = 	snop  }
0xa1: {  	[spmem:s1] =	stream.indirect.scatter.add.f32 [tilespmem:s22], [sflag:$0x2], $0x20, s29, s19, $0xb8;
	[tilespmem:$0x1CAB0] =	vst v63  }
0xa2: {  	_ = 	snop  }
0xa3: {  	[spmem:s1] =	stream.indirect.scatter.add.f32 [tilespmem:s24], [sflag:$0x2], $0x20, s30, s19, $0xb8;
	[tilespmem:$0x1CAB0] =	vst v63  }
0xa4: {  	_ = 	snop  }
0xa5: {  	[spmem:s1] =	stream.indirect.scatter.add.f32 [tilespmem:s26], [sflag:$0x2], $0x20, s31, s19, $0xb8;
	[tilespmem:$0x1CAB0] =	vst v63  }
0xa6: {  	_ =	swait.ge [sflag:s0], $0x1000  }
0xa7: {  	[sflag:s0] =	ssyncset.done $0x0  }
0xa8: {  	[sflag:s0] =	ssyncadd.s32 $0xFFFFF000  }
0xa9: {  	_ =	swait.ge [sflag:s0], $0x1000  }
0xaa: {  	[sflag:s0] =	ssyncset.done $0x0  }
0xab: {  	[sflag:s0] =	ssyncadd.s32 $0xFFFFF000  }
.Ltmp3:
0xac: {  	_ =	swait.ge [sflag:s0], $0x1000;
	(pc) =	sbr.rel @!p1 .LBB2_3-.Ltmp3, $4  }
0xad: {  	[sflag:s0] =	ssyncset.done $0x0  }
0xae: {  	[sflag:s0] =	ssyncadd.s32 $0xFFFFF000  }
0xaf: {  	_ =	swait.ge [sflag:s0], $0x1000  }
0xb0: {  	s9 =	smov.u32 s7;
	[sflag:s0] =	ssyncset.done $0x0  }
0xb1: {  	s7 =	sadd.s32 s6, s13;
	[sflag:s0] =	ssyncadd.s32 $0xFFFFF000  }
0xb2: {  	[tilespmem:s17], [sflag:$0x3] =	stream.linear.gather [hbm4b:s7+s3], $0x200, $0x38;
	[tilespmem:$0x1CAB0] =	vst v63  }
0xb3: {  	_ =	swait.ge [sflag:s16], $0x200  }
0xb4: {  	[sflag:s16] =	ssyncset.done $0x0  }
0xb5: {  	s11 =	sadd.s32 s6, s12;
	[sflag:s16] =	ssyncadd.s32 $0xFFFFFE00  }
0xb6: {  	[tilespmem:s18], [sflag:$0x3] =	stream.linear.gather [hbm4b:s11+s3], $0x200, $0x38;
	[tilespmem:$0x1CAB0] =	vst v63  }
0xb7: {  	_ =	swait.ge [sflag:s16], $0x200  }
0xb8: {  	[sflag:s16] =	ssyncset.done $0x0  }
0xb9: {  	[sflag:s16] =	ssyncadd.s32 $0xFFFFFE00  }
0xba: {  	[tilespmem:s20], [sflag:$0x1] =	stream.indirect.gather [hbm4b:s4+s19], $0x20, s17, s19, $0xb8;
	[tilespmem:$0x1CAB0] =	vst v63  }
0xbb: {  	_ = 	snop  }
0xbc: {  	[tilespmem:s22], [sflag:$0x1] =	stream.indirect.gather [hbm4b:s4+s19], $0x20, s21, s19, $0xb8;
	[tilespmem:$0x1CAB0] =	vst v63  }
0xbd: {  	_ = 	snop  }
0xbe: {  	[tilespmem:s24], [sflag:$0x1] =	stream.indirect.gather [hbm4b:s4+s19], $0x20, s23, s19, $0xb8;
	[tilespmem:$0x1CAB0] =	vst v63  }
0xbf: {  	_ = 	snop  }
0xc0: {  	[tilespmem:s26], [sflag:$0x1] =	stream.indirect.gather [hbm4b:s4+s19], $0x20, s25, s19, $0xb8;
	[tilespmem:$0x1CAB0] =	vst v63  }
0xc1: {  	_ =	swait.ge [sflag:s28], $0x1000  }
0xc2: {  	[sflag:s28] =	ssyncset.done $0x0  }
0xc3: {  	[sflag:s28] =	ssyncadd.s32 $0xFFFFF000  }
0xc4: {  	_ =	swait.ge [sflag:s28], $0x1000  }
0xc5: {  	[sflag:s28] =	ssyncset.done $0x0  }
0xc6: {  	[sflag:s28] =	ssyncadd.s32 $0xFFFFF000  }
0xc7: {  	_ =	swait.ge [sflag:s28], $0x1000  }
0xc8: {  	[sflag:s28] =	ssyncset.done $0x0  }
0xc9: {  	[sflag:s28] =	ssyncadd.s32 $0xFFFFF000  }
0xca: {  	_ =	swait.ge [sflag:s28], $0x1000  }
0xcb: {  	[sflag:s28] =	ssyncset.done $0x0  }
0xcc: {  	[sflag:s28] =	ssyncadd.s32 $0xFFFFF000  }
0xcd: {  	[spmem:s1] =	stream.indirect.scatter.add.f32 [tilespmem:s20], [sflag:$0x2], $0x20, s18, s19, $0xb8;
	[tilespmem:$0x1CAB0] =	vst v63  }
0xce: {  	_ = 	snop  }
0xcf: {  	[spmem:s1] =	stream.indirect.scatter.add.f32 [tilespmem:s22], [sflag:$0x2], $0x20, s29, s19, $0xb8;
	[tilespmem:$0x1CAB0] =	vst v63  }
0xd0: {  	_ = 	snop  }
0xd1: {  	[spmem:s1] =	stream.indirect.scatter.add.f32 [tilespmem:s24], [sflag:$0x2], $0x20, s30, s19, $0xb8;
	[tilespmem:$0x1CAB0] =	vst v63  }
0xd2: {  	_ = 	snop  }
0xd3: {  	[spmem:s1] =	stream.indirect.scatter.add.f32 [tilespmem:s26], [sflag:$0x2], $0x20, s31, s19, $0xb8;
	[tilespmem:$0x1CAB0] =	vst v63  }
0xd4: {  	_ =	swait.ge [sflag:s0], $0x1000  }
0xd5: {  	[sflag:s0] =	ssyncset.done $0x0  }
0xd6: {  	[sflag:s0] =	ssyncadd.s32 $0xFFFFF000  }
0xd7: {  	_ =	swait.ge [sflag:s0], $0x1000  }
0xd8: {  	[sflag:s0] =	ssyncset.done $0x0  }
0xd9: {  	[sflag:s0] =	ssyncadd.s32 $0xFFFFF000  }
0xda: {  	_ =	swait.ge [sflag:s0], $0x1000  }
0xdb: {  	[sflag:s0] =	ssyncset.done $0x0  }
0xdc: {  	[sflag:s0] =	ssyncadd.s32 $0xFFFFF000  }
.Ltmp4:
0xdd: {  	_ =	swait.ge [sflag:s0], $0x1000;
	(pc) =	sbr.rel .LBB2_8-.Ltmp4, $4  }
0xde: {  	[sflag:s0] =	ssyncset.done $0x0  }
0xdf: {  	[sflag:s0] =	ssyncadd.s32 $0xFFFFF000  }
0xe0: {  	[bflag:$0x0] =	sbarrier.arrive $0xFFFF  }
0xe1: {  	s6 =	rddreg [dreg:$0x3]  }
.LBB2_5:
0xe2: {  	s6 =	rddreg [dreg:$0x5]  }
0xe3: {  	[spmem:s15], [sflag:s14] =	dma.local [hbm:s6], $0x30D4  }
0xe4: {  	_ =	swait.ge [sflag:s16], $0x30D4  }
0xe5: {  	[sflag:s16] =	ssyncset.done $0x0  }
0xe6: {  	[sflag:s16] =	ssyncadd.s32 $0xFFFFCF2C  }
0xe7: {  	s10 =	sadd.s32 $0x0, s13;
	[bflag:$0x0] =	sbarrier.arrive $0xFFFF  }
0xe8: {  	[tilespmem:s17], [sflag:$0x3] =	stream.linear.gather [hbm4b:s10+s3], $0x200, $0x38;
	[tilespmem:$0x1CAB0] =	vst v63  }
0xe9: {  	_ =	swait.ge [sflag:s16], $0x200  }
0xea: {  	[sflag:s16] =	ssyncset.done $0x0  }
0xeb: {  	s11 =	sadd.s32 $0x0, s12;
	[sflag:s16] =	ssyncadd.s32 $0xFFFFFE00  }
0xec: {  	[tilespmem:s18], [sflag:$0x3] =	stream.linear.gather [hbm4b:s11+s3], $0x200, $0x38;
	[tilespmem:$0x1CAB0] =	vst v63  }
0xed: {  	_ =	swait.ge [sflag:s16], $0x200  }
0xee: {  	[sflag:s16] =	ssyncset.done $0x0  }
0xef: {  	[sflag:s16] =	ssyncadd.s32 $0xFFFFFE00  }
0xf0: {  	[tilespmem:s20], [sflag:$0x1] =	stream.indirect.gather [hbm4b:s5+s19], $0x20, s17, s19, $0xb8;
	[tilespmem:$0x1CAB0] =	vst v63  }
0xf1: {  	_ = 	snop  }
0xf2: {  	[tilespmem:s22], [sflag:$0x1] =	stream.indirect.gather [hbm4b:s5+s19], $0x20, s21, s19, $0xb8;
	[tilespmem:$0x1CAB0] =	vst v63  }
0xf3: {  	_ = 	snop  }
0xf4: {  	[tilespmem:s24], [sflag:$0x1] =	stream.indirect.gather [hbm4b:s5+s19], $0x20, s23, s19, $0xb8;
	[tilespmem:$0x1CAB0] =	vst v63  }
0xf5: {  	_ = 	snop  }
0xf6: {  	[tilespmem:s26], [sflag:$0x1] =	stream.indirect.gather [hbm4b:s5+s19], $0x20, s25, s19, $0xb8;
	[tilespmem:$0x1CAB0] =	vst v63  }
0xf7: {  	_ =	swait.ge [sflag:s28], $0x1000  }
0xf8: {  	[sflag:s28] =	ssyncset.done $0x0  }
0xf9: {  	[sflag:s28] =	ssyncadd.s32 $0xFFFFF000  }
0xfa: {  	_ =	swait.ge [sflag:s28], $0x1000  }
0xfb: {  	[sflag:s28] =	ssyncset.done $0x0  }
0xfc: {  	[sflag:s28] =	ssyncadd.s32 $0xFFFFF000  }
0xfd: {  	_ =	swait.ge [sflag:s28], $0x1000  }
0xfe: {  	[sflag:s28] =	ssyncset.done $0x0  }
0xff: {  	[sflag:s28] =	ssyncadd.s32 $0xFFFFF000  }
0x100: {  	_ =	swait.ge [sflag:s28], $0x1000  }
0x101: {  	[sflag:s28] =	ssyncset.done $0x0  }
0x102: {  	[sflag:s28] =	ssyncadd.s32 $0xFFFFF000  }
0x103: {  	[spmem:s1] =	stream.indirect.scatter.add.f32 [tilespmem:s20], [sflag:$0x2], $0x20, s18, s19, $0xb8;
	[tilespmem:$0x1CAB0] =	vst v63  }
0x104: {  	_ = 	snop  }
0x105: {  	[spmem:s1] =	stream.indirect.scatter.add.f32 [tilespmem:s22], [sflag:$0x2], $0x20, s29, s19, $0xb8;
	[tilespmem:$0x1CAB0] =	vst v63  }
0x106: {  	_ = 	snop  }
0x107: {  	[spmem:s1] =	stream.indirect.scatter.add.f32 [tilespmem:s24], [sflag:$0x2], $0x20, s30, s19, $0xb8;
	[tilespmem:$0x1CAB0] =	vst v63  }
0x108: {  	_ = 	snop  }
0x109: {  	[spmem:s1] =	stream.indirect.scatter.add.f32 [tilespmem:s26], [sflag:$0x2], $0x20, s31, s19, $0xb8;
	[tilespmem:$0x1CAB0] =	vst v63  }
0x10a: {  	_ =	swait.ge [sflag:s0], $0x1000  }
0x10b: {  	[sflag:s0] =	ssyncset.done $0x0  }
0x10c: {  	[sflag:s0] =	ssyncadd.s32 $0xFFFFF000  }
0x10d: {  	_ =	swait.ge [sflag:s0], $0x1000  }
0x10e: {  	[sflag:s0] =	ssyncset.done $0x0  }
0x10f: {  	[sflag:s0] =	ssyncadd.s32 $0xFFFFF000  }
0x110: {  	_ =	swait.ge [sflag:s0], $0x1000  }
0x111: {  	[sflag:s0] =	ssyncset.done $0x0  }
0x112: {  	[sflag:s0] =	ssyncadd.s32 $0xFFFFF000  }
0x113: {  	_ =	swait.ge [sflag:s0], $0x1000  }
0x114: {  	s7 =	simm.s32 $0x80;
	s6 =	simm.s32 $0x40;
	[sflag:s0] =	ssyncset.done $0x0  }
.LBB2_6:
0x115: {  	s10 =	sadd.s32 s6, s13  }
0x116: {  	[sflag:s0] =	ssyncadd.s32 $0xFFFFF000;
	s11 =	smov.u32 s7;
	s9 =	sadd.s32 $0x40, s7  }
0x117: {  	[tilespmem:s17], [sflag:$0x3] =	stream.linear.gather [hbm4b:s10+s3], $0x200, $0x38;
	[tilespmem:$0x1CAB0] =	vst v63  }
0x118: {  	p1 =	sne.s32 s7, $0x1840;
	_ =	swait.ge [sflag:s16], $0x200  }
0x119: {  	[sflag:s16] =	ssyncset.done $0x0  }
0x11a: {  	s7 =	sadd.s32 s6, s12;
	s6 =	smov.u32 s11;
	[sflag:s16] =	ssyncadd.s32 $0xFFFFFE00  }
0x11b: {  	[tilespmem:s18], [sflag:$0x3] =	stream.linear.gather [hbm4b:s7+s3], $0x200, $0x38;
	[tilespmem:$0x1CAB0] =	vst v63  }
0x11c: {  	_ =	swait.ge [sflag:s16], $0x200  }
0x11d: {  	[sflag:s16] =	ssyncset.done $0x0  }
0x11e: {  	[sflag:s16] =	ssyncadd.s32 $0xFFFFFE00  }
0x11f: {  	[tilespmem:s20], [sflag:$0x1] =	stream.indirect.gather [hbm4b:s5+s19], $0x20, s17, s19, $0xb8;
	[tilespmem:$0x1CAB0] =	vst v63  }
0x120: {  	_ = 	snop  }
0x121: {  	[tilespmem:s22], [sflag:$0x1] =	stream.indirect.gather [hbm4b:s5+s19], $0x20, s21, s19, $0xb8;
	[tilespmem:$0x1CAB0] =	vst v63  }
0x122: {  	_ = 	snop  }
0x123: {  	[tilespmem:s24], [sflag:$0x1] =	stream.indirect.gather [hbm4b:s5+s19], $0x20, s23, s19, $0xb8;
	[tilespmem:$0x1CAB0] =	vst v63  }
0x124: {  	_ = 	snop  }
0x125: {  	[tilespmem:s26], [sflag:$0x1] =	stream.indirect.gather [hbm4b:s5+s19], $0x20, s25, s19, $0xb8;
	[tilespmem:$0x1CAB0] =	vst v63  }
0x126: {  	_ =	swait.ge [sflag:s28], $0x1000  }
0x127: {  	[sflag:s28] =	ssyncset.done $0x0  }
0x128: {  	[sflag:s28] =	ssyncadd.s32 $0xFFFFF000  }
0x129: {  	_ =	swait.ge [sflag:s28], $0x1000  }
0x12a: {  	[sflag:s28] =	ssyncset.done $0x0  }
0x12b: {  	[sflag:s28] =	ssyncadd.s32 $0xFFFFF000  }
0x12c: {  	_ =	swait.ge [sflag:s28], $0x1000  }
0x12d: {  	[sflag:s28] =	ssyncset.done $0x0  }
0x12e: {  	[sflag:s28] =	ssyncadd.s32 $0xFFFFF000  }
0x12f: {  	_ =	swait.ge [sflag:s28], $0x1000  }
0x130: {  	[sflag:s28] =	ssyncset.done $0x0  }
0x131: {  	[sflag:s28] =	ssyncadd.s32 $0xFFFFF000  }
0x132: {  	[spmem:s1] =	stream.indirect.scatter.add.f32 [tilespmem:s20], [sflag:$0x2], $0x20, s18, s19, $0xb8;
	[tilespmem:$0x1CAB0] =	vst v63  }
0x133: {  	_ = 	snop  }
0x134: {  	[spmem:s1] =	stream.indirect.scatter.add.f32 [tilespmem:s22], [sflag:$0x2], $0x20, s29, s19, $0xb8;
	[tilespmem:$0x1CAB0] =	vst v63  }
0x135: {  	_ = 	snop  }
0x136: {  	[spmem:s1] =	stream.indirect.scatter.add.f32 [tilespmem:s24], [sflag:$0x2], $0x20, s30, s19, $0xb8;
	[tilespmem:$0x1CAB0] =	vst v63  }
0x137: {  	_ = 	snop  }
0x138: {  	[spmem:s1] =	stream.indirect.scatter.add.f32 [tilespmem:s26], [sflag:$0x2], $0x20, s31, s19, $0xb8;
	[tilespmem:$0x1CAB0] =	vst v63  }
0x139: {  	_ =	swait.ge [sflag:s0], $0x1000  }
0x13a: {  	[sflag:s0] =	ssyncset.done $0x0  }
0x13b: {  	[sflag:s0] =	ssyncadd.s32 $0xFFFFF000  }
0x13c: {  	_ =	swait.ge [sflag:s0], $0x1000  }
0x13d: {  	[sflag:s0] =	ssyncset.done $0x0  }
0x13e: {  	[sflag:s0] =	ssyncadd.s32 $0xFFFFF000  }
.Ltmp5:
0x13f: {  	_ =	swait.ge [sflag:s0], $0x1000;
	(pc) =	sbr.rel @p1 .LBB2_6-.Ltmp5, $4  }
0x140: {  	[sflag:s0] =	ssyncset.done $0x0  }
0x141: {  	[sflag:s0] =	ssyncadd.s32 $0xFFFFF000  }
0x142: {  	_ =	swait.ge [sflag:s0], $0x1000  }
0x143: {  	s7 =	smov.u32 s9;
	[sflag:s0] =	ssyncset.done $0x0  }
.Ltmp6:
0x144: {  	_ = 	snop;
	(pc) =	sbr.rel .LBB2_7-.Ltmp6, $1  }
0x145: {  	_ =	sdelay $0x3  }
.LBB2_9:
0x146: {  	_ =	sfence.sel $0x180000  }
0x147: {  	[bflag:$0x0] =	sbarrier.arrive $0xFFFF  }
0x148: {  	_ =	strace $0x90000050  }
0x149: {  	s0 =	stileid.u32;
	[bflag:$0x2] =	sbarrier.arrive $0xFFFF  }
0x14a: {  	p0 =	sne.s32 s0, $0x0;
	s0 =	rddreg [dreg:$0x2]  }
0x14b: {  	s0 =	sadd.s32 @!p0 $0x100000, s0  }
0x14c: {  	[sflag:s0] =	ssyncadd.tile.s32 @!p0 $0x1;
	_ =	shalt  }
.Lfunc_end2:
_tile_overlayer_lowered:
.L_overlay_start_2:
0x14d: {  	(tag) =	ssettag $0x2  }
0x14e: {  	s0 =	rddreg [dreg:$0x0];
	s2 =	stileid.u32  }
0x14f: {  	s1 =	rddreg [dreg:$0x1];
	p0 =	sne.s32 s2, $0x0  }
0x150: {  	s3 =	rddreg [dreg:$0x2];
	[bflag:$0x3] =	sbarrier.arrive $0xFFFF;
	s2 =	simm.s32 @!p0 $0x1C03  }
0x151: {  	[timem:s3], [sflag:s2] =	dma.local @!p0 [hbm:s0], s1  }
0x152: {  	s0 =	simm.s32 @!p0 $0x3  }
0x153: {  	_ =	swait.ge @!p0 [sflag:s0], s1  }
0x154: {  	s1 =	ssub.s32 @!p0 $0x0, s1;
	[sflag:s0] =	ssyncset.done @!p0 $0x0  }
0x155: {  	[sflag:s0] =	ssyncadd.s32 @!p0 s1  }
0x156: {  	[bflag:$0x3] =	sbarrier.arrive $0xFFFF  }
0x157: {  	_ =	shalt  }

// kernel: kernel.26.cloned.1.call-start
scs
__scs_entry_jumppad:
0x0: {  	(pc) =	sbr.rel $0x88, $3  }
0x1: {  	(tag) =	ssettag $0x0;
	lr =	simm.s32 $0x1  }
0x2: {  	[smem:$0x3F8E] =	sst lr;
	_ =	strace $0xD0000000  }
0x3: {  	_ = 	snop  }
0x4: {  	_ = 	snop  }
0x5: {  	_ = 	snop  }
0x6: {  	_ = 	snop  }
0x7: {  	_ = 	snop  }
__scs_overlays_trampoline_lowered:
0x8: {  	[smem:$0x3F9D] =	sst s0  }
0x9: {  	[smem:$0x3F9E] =	sst s1  }
0xa: {  	[smem:$0x3F9F] =	sst s2  }
0xb: {  	[smem:$0x3FA0] =	sst s3  }
0xc: {  	[smem:$0x3FA1] =	sst s4  }
0xd: {  	[smem:$0x3FA2] =	sst s5  }
0xe: {  	[smem:$0x3FA3] =	sst s6  }
0xf: {  	[smem:$0x3FA4] =	sst s7  }
0x10: {  	[smem:$0x3FA5] =	sst s8  }
0x11: {  	[smem:$0x3FA6] =	sst s9;
	s0 =	simm.s32 @!p0 $0x0  }
0x12: {  	s1 =	sld [smem:$0x3F8C];
	s0 =	simm.s32 @p0 $0x1  }
0x13: {  	[smem:$0x3FA7] =	sst s0;
	s0 =	simm.s32 @!p1 $0x0  }
0x14: {  	s2 =	sld [smem:$0x3F8B];
	s0 =	simm.s32 @p1 $0x1  }
0x15: {  	[smem:$0x3FA8] =	sst s0;
	s0 =	simm.s32 @!p2 $0x0  }
0x16: {  	s3 =	sld [smem:$0x3FDB];
	s0 =	simm.s32 @p2 $0x1  }
0x17: {  	s4 =	simm.s32 $0x1BF5;
	[smem:$0x3FAA] =	sst s0  }
0x18: {  	s0 =	sld [smem:$0x3F8D];
	_ =	swait.ge [sflag:s4], $0x0  }
0x19: {  	s7 =	sld [smem:$0x3F8E]  }
0x1a: {  	s8 =	sadd.s32 $0xFFFFE003, lr  }
0x1b: {  	s9 =	sadd.s32 $0xFFFFFEF7, lr;
	s5 =	simm.s32 $0xFFFFFFFF;
	p2 =	slt.u32 s8, $0xFFFFF086  }
0x1c: {  	p1 =	slt.u32 s9, $0xF7A;
	s5 =	simm.s32 @!p2 $0x0  }
0x1d: {  	s5 =	simm.s32 @p1 $0x1;
	p0 =	seq.s32 s7, s2  }
0x1e: {  	s7 =	smul.u32 @!p0 $0xF7A, s2;
	p2 =	seq.s32 @!p0 s5, $0x0  }
0x1f: {  	s9 =	smul.u32 $0xF7A, s1;
	s8 =	simm.s32 @!p0 $0x1BF5;
	p2 =	por !p2, p0  }
0x20: {  	[sflag:s8] =	ssyncset.s32 @!p0 $0xFFFFF086;
	s6 =	sadd.s32 @!p0 s3, s7;
	s7 =	simm.s32 @!p0 $0x108  }
0x21: {  	s3 =	sadd.s32 s3, s9;
	s6 =	sadd.s32 @!p0 $0x88, s6;
	s7 =	simm.s32 @p2 $0x1082  }
0x22: {  	[simem:s7], [sflag:s8] =	dma.local @!p0 [hbm:s6], $0xF7A  }
0x23: {  	s9 =	sor.u32 $0xD0000000, s2;
	s6 =	simm.s32 $0x108;
	_ =	swait.ge @!p0 [sflag:s8], $0x0  }
0x24: {  	s3 =	sadd.s32 $0x88, s3;
	s6 =	simm.s32 @!p1 $0x1082;
	[sflag:s4] =	ssyncset.s32 $0xFFFFF086  }
0x25: {  	[simem:s6], [sflag:s4] =	dma.local [hbm:s3], $0xF7A  }
0x26: {  	[smem:$0x3F8E] =	sst s1;
	(tag) =	ssettag s2;
	_ =	strace s9  }
0x27: {  	s1 =	sld [smem:$0x3F9E]  }
0x28: {  	s2 =	sld [smem:$0x3F9F]  }
0x29: {  	s4 =	sld [smem:$0x3FA1]  }
0x2a: {  	p0 =	seq.s32 s5, $0x0;
	s5 =	sld [smem:$0x3FA2]  }
0x2b: {  	s6 =	sld [smem:$0x3FA3]  }
0x2c: {  	s7 =	sld [smem:$0x3FA4]  }
0x2d: {  	s3 =	simm.s32 $0x108;
	s8 =	sld [smem:$0x3FA5]  }
0x2e: {  	s3 =	simm.s32 @!p0 $0x1082;
	s9 =	sld [smem:$0x3FA6]  }
0x2f: {  	lr =	sadd.s32 s0, s3;
	s0 =	sld [smem:$0x3F9D]  }
0x30: {  	s3 =	sld [smem:$0x3FA0]  }
0x31: {  	[smem:$0x3FA9] =	sst s10  }
0x32: {  	s10 =	sld [smem:$0x3FA7];
	_ =	sdelay $0x3  }
0x33: {  	p0 =	seq.s32 s10, $0x1;
	s10 =	sld [smem:$0x3FA9];
	_ =	sdelay $0x3  }
0x34: {  	[smem:$0x3FA9] =	sst s10  }
0x35: {  	s10 =	sld [smem:$0x3FA8];
	_ =	sdelay $0x3  }
0x36: {  	p1 =	seq.s32 s10, $0x1;
	s10 =	sld [smem:$0x3FA9];
	_ =	sdelay $0x3  }
0x37: {  	[smem:$0x3FA9] =	sst s10  }
0x38: {  	s10 =	sld [smem:$0x3FAA]  }
0x39: {  	_ = 	snop;
	(pc) =	sbr.ind lr, $3  }
0x3a: {  	_ = 	snop  }
0x3b: {  	_ = 	snop  }
0x3c: {  	p2 =	seq.s32 s10, $0x1;
	s10 =	sld [smem:$0x3FA9]  }
0x3d: {  	_ =	shalt  }
0x3e: {  	_ =	shalt  }
0x3f: {  	_ =	shalt  }
0x40: {  	_ =	shalt  }
0x41: {  	_ =	shalt  }
0x42: {  	_ =	shalt  }
0x43: {  	_ =	shalt  }
0x44: {  	_ =	shalt  }
0x45: {  	_ =	shalt  }
0x46: {  	_ =	shalt  }
0x47: {  	_ =	shalt  }
0x48: {  	_ =	shalt  }
0x49: {  	_ =	shalt  }
0x4a: {  	_ =	shalt  }
0x4b: {  	_ =	shalt  }
0x4c: {  	_ =	shalt  }
0x4d: {  	_ =	shalt  }
0x4e: {  	_ =	shalt  }
0x4f: {  	_ =	shalt  }
0x50: {  	_ =	shalt  }
0x51: {  	_ =	shalt  }
0x52: {  	_ =	shalt  }
0x53: {  	_ =	shalt  }
0x54: {  	_ =	shalt  }
0x55: {  	_ =	shalt  }
0x56: {  	_ =	shalt  }
0x57: {  	_ =	shalt  }
0x58: {  	_ =	shalt  }
0x59: {  	_ =	shalt  }
0x5a: {  	_ =	shalt  }
0x5b: {  	_ =	shalt  }
0x5c: {  	_ =	shalt  }
0x5d: {  	_ =	shalt  }
0x5e: {  	_ =	shalt  }
0x5f: {  	_ =	shalt  }
0x60: {  	_ =	shalt  }
0x61: {  	_ =	shalt  }
0x62: {  	_ =	shalt  }
0x63: {  	_ =	shalt  }
0x64: {  	_ =	shalt  }
0x65: {  	_ =	shalt  }
0x66: {  	_ =	shalt  }
0x67: {  	_ =	shalt  }
0x68: {  	_ =	shalt  }
0x69: {  	_ =	shalt  }
0x6a: {  	_ =	shalt  }
0x6b: {  	_ =	shalt  }
0x6c: {  	_ =	shalt  }
0x6d: {  	_ =	shalt  }
0x6e: {  	_ =	shalt  }
0x6f: {  	_ =	shalt  }
0x70: {  	_ =	shalt  }
0x71: {  	_ =	shalt  }
0x72: {  	_ =	shalt  }
0x73: {  	_ =	shalt  }
0x74: {  	_ =	shalt  }
0x75: {  	_ =	shalt  }
0x76: {  	_ =	shalt  }
0x77: {  	_ =	shalt  }
0x78: {  	_ =	shalt  }
0x79: {  	_ =	shalt  }
0x7a: {  	_ =	shalt  }
0x7b: {  	_ =	shalt  }
0x7c: {  	_ =	shalt  }
0x7d: {  	_ =	shalt  }
0x7e: {  	_ =	shalt  }
0x7f: {  	_ =	shalt  }
0x80: {  	_ =	shalt  }
0x81: {  	_ =	shalt  }
0x82: {  	_ =	shalt  }
0x83: {  	_ =	shalt  }
0x84: {  	_ =	shalt  }
0x85: {  	_ =	shalt  }
0x86: {  	_ =	shalt  }
0x87: {  	_ =	shalt  }
.Lfunc_end0:
.L_simem_size_0:
called_computation.4_lowered:
.L_overlay_start_0:
0x88: {  	s2 =	sld [smem:$0x3FD9]  }
0x89: {  	s3 =	sld [smem:$0x3FFE];
	_ =	sdelay $0x1  }
0x8a: {  	s1 =	srdreg.scid  }
0x8b: {  	s0 =	sand.u32 $0x1, s1  }
0x8c: {  	s16 =	sshll.u32 s0, $0xA;
	s2 =	sadd.s32 s3, s2  }
0x8d: {  	s2 =	sadd.s32 s2, s16  }
0x8e: {  	[smem:$0x3FB5] =	sst s2  }
0x8f: {  	_ = 	snop  }
0x90: {  	(tm) =	ssettm $0x1  }
0x91: {  	s17 =	sld [smem:$0x3FFB];
	_ =	sdelay $0x3  }
0x92: {  	_ =	strace s17  }
0x93: {  	s2 =	sld [smem:$0x3FFC];
	_ =	sdelay $0x3  }
0x94: {  	_ =	strace s2  }
0x95: {  	s2 =	sld [smem:$0x3FFD];
	_ =	sdelay $0x3  }
0x96: {  	_ =	strace s2  }
0x97: {  	_ =	strace $0x8FFFFFFF  }
0x98: {  	s18 =	sld [smem:$0x3FDB];
	_ =	sdelay $0x1  }
0x99: {  	s19 =	simm.s32 $_scs_section_size  }
0x9a: {  	s4 =	simm.s32 $_size__tile_overlayer_lowered;
	s5 =	simm.s32 $_tile_overlayer_lowered  }
0x9b: {  	s22 =	simm.s32 $0x1BFF;
	s21 =	sshll.u32 s5, $0x1;
	s2 =	sadd.s32 s19, s18  }
0x9c: {  	s6 =	simm.s32 $0x0;
	s20 =	sshll.u32 s4, $0x1;
	s4 =	sadd.s32 s21, s2  }
0x9d: {  	[timem:s6], [sflag:s22] =	dma.local [hbm:s4], s20  }
0x9e: {  	_ =	swait.ge [sflag:s22], s20  }
0x9f: {  	s3 =	ssub.s32 $0x0, s20;
	[sflag:s22] =	ssyncset.done $0x0  }
0xa0: {  	[sflag:s22] =	ssyncadd.s32 s3;
	_ =	sdelay $0x1  }
0xa1: {  	s23 =	simm.s32 $0x1B8B  }
0xa2: {  	_ =	swait.ge [sflag:s23], $0x1  }
0xa3: {  	[sflag:s23] =	ssyncset.done $0x0  }
0xa4: {  	s25 =	simm.s32 $0x1B8E;
	s24 =	sld [smem:$0x3FFE];
	[sflag:s23] =	ssyncadd.s32 $0xFFFFFFFF  }
0xa5: {  	s26 =	simm.s32 $execute0_lowered;
	[smem:$0x3FD2] =	sst s25  }
0xa6: {  	s4 =	sshll.u32 s26, $0x1;
	_ =	strace $0x80000052;
	[dreg:$0x1] =	wrdreg $0xFFFFFFFF  }
0xa7: {  	s28 =	simm.s32 $_size_execute0_lowered;
	s2 =	sadd.s32 s2, s4;
	[dreg:$0x0] =	wrdreg $0x0  }
0xa8: {  	s4 =	sshll.u32 s28, $0x1;
	[dreg:$0x2] =	wrdreg s2  }
0xa9: {  	[dreg:$0x3] =	wrdreg s4  }
0xaa: {  	[dreg:$0x4] =	wrdreg $0xC0  }
0xab: {  	_ =	task [dreg:s6], $0x5FFFF  }
0xac: {  	[dreg:$0x1] =	wrdreg $0xFFFFFFFF  }
0xad: {  	[dreg:$0x0] =	wrdreg $0x60  }
0xae: {  	[dreg:$0x2] =	wrdreg s24  }
0xaf: {  	[dreg:$0x3] =	wrdreg $0x0  }
0xb0: {  	[dreg:$0x4] =	wrdreg $0x9  }
0xb1: {  	_ =	task.clear_ibuf [dreg:s6], $0x5FFFF;
	_ =	strace $0x90000052  }
0xb2: {  	s29 =	simm.s32 $0x9;
	_ =	strace $0x80000054  }
0xb3: {  	_ =	swait.ge [sflag:s29], $0x1  }
0xb4: {  	[sflag:s29] =	ssyncadd.s32 $0xFFFFFFFF  }
0xb5: {  	_ =	strace $0x90000054  }
0xb6: {  	_ =	sfence  }
0xb7: {  	s30 =	sld [smem:$0x0];
	_ =	sdelay $0x2  }
0xb8: {  	s31 =	sshll.u32 s1, $0xD;
	s1 =	sshrl.u32 s1, $0x2  }
0xb9: {  	s3 =	sand.u32 $0x4000, s31;
	s1 =	sadd.s32 s1, s30  }
0xba: {  	s0 =	sor.u32 s3, s0;
	s1 =	sshll.u32 s1, $0x11  }
0xbb: {  	s0 =	sor.u32 s1, s0  }
0xbc: {  	s0 =	sadd.s32 $0x8F2B, s0  }
0xbd: {  	[sflag:s0] =	ssyncadd.remote.s32 $0x1  }
0xbe: {  	_ =	sfence.sel $0xFFFF  }
0xbf: {  	[dreg:$0x0] =	wrdreg $0xFFFFFFFF;
	(pc) =	sbr.abs _section_cstart, $3  }
0xc0: {  	[dreg:$0x1] =	wrdreg $0xFFFFFFFF  }
0xc1: {  	_ =	task.clear_ibuf [dreg:s6], $0x2FFFF;
	_ =	strace $0x9FFFFFFF  }
0xc2: {  	(tm) =	ssettm $0x7FFFFFFF  }
0xc3: {  	_ =	shalt  }
tec
execute0_lowered:
.L_overlay_start_1:
0x0: {  	(tag) =	ssettag $0x1  }
0x1: {  	s0 =	rddreg [dreg:$0x0]  }
0x2: {  	s1 =	rddreg [dreg:$0x1];
	s3 =	simm.s32 $0x0;
	s10 =	stileid.u32  }
0x3: {  	s2 =	srdreg.scid;
	s16 =	simm.s32 $0x3;
	s17 =	simm.s32 $0x186B0  }
0x4: {  	s18 =	simm.s32 $0x188B0;
	s19 =	simm.s32 $0x80;
	s20 =	simm.s32 $0x18AB0  }
0x5: {  	s28 =	simm.s32 $0x1;
	s29 =	simm.s32 $0x18930;
	s30 =	simm.s32 $0x189B0  }
0x6: {  	s31 =	simm.s32 $0x18A30;
	[smem:$0x7FF] =	sst s3;
	s4 =	sadd.s32 $0x2C9A00, s0  }
0x7: {  	s6 =	smul.u32 $0x1880, s10;
	s2 =	sand.u32 $0x1, s2;
	s5 =	sadd.s32 $0x1DC00, s0  }
0x8: {  	s9 =	smul.u32 $0x186A0, s10;
	s8 =	sadd.s32 $0x7F800, s0;
	s26 =	sshll.u32 s10, $0x6  }
0x9: {  	_ =	strace $0x80000053;
	s7 =	ssub.s32 $0x2, s2;
	[dreg:$0x3] =	wrdreg s8  }
0xa: {  	p0 =	sne.s32 s2, $0x0;
	s14 =	sor.u32 $0x1C03, s26;
	s26 =	simm.s32 $0x1BAB0  }
0xb: {  	s2 =	simm.s32 $0x0;
	s6 =	sadd.s32 s6, s0;
	s21 =	sshrl.u32 s7, $0x1  }
0xc: {  	s0 =	sadd.s32 $0x4EA00, s0;
	s8 =	sshrl.u32 s9, $0x3;
	s23 =	sadd.s32 s9, s1  }
0xd: {  	[dreg:$0x4] =	wrdreg s0;
	s22 =	ssub.s32 s7, s21;
	s24 =	sadd.s32 s5, s8  }
.Ltmp0:
0xe: {  	s25 =	sadd.s32 s4, s8;
	s12 =	sadd.s32 $0x5400, s6;
	(pc) =	sbr.rel .LBB2_1-.Ltmp0, $4  }
0xf: {  	s13 =	sadd.s32 $0x12A800, s6;
	s15 =	sshrl.u32 s23, $0x3;
	[dreg:$0x5] =	wrdreg s24  }
0x10: {  	s21 =	simm.s32 $0x18730;
	s23 =	simm.s32 $0x187B0;
	[dreg:$0x6] =	wrdreg s25  }
0x11: {  	s0 =	smax.u32 s22, $0x1;
	s22 =	simm.s32 $0x19AB0;
	s24 =	simm.s32 $0x1AAB0  }
0x12: {  	s25 =	simm.s32 $0x18830;
	[dreg:$0x7] =	wrdreg s0;
	s0 =	simm.s32 $0x2  }
.LBB2_7:
0x13: {  	s7 =	sadd.s32 s6, s13;
	[sflag:s0] =	ssyncadd.s32 $0xFFFFF000  }
0x14: {  	[tilespmem:s17], [sflag:$0x3] =	stream.linear.gather [hbm4b:s7+s3], $0x200, $0x38;
	[tilespmem:$0x1CAB0] =	vst v63  }
0x15: {  	_ =	swait.ge [sflag:s16], $0x200  }
0x16: {  	[sflag:s16] =	ssyncset.done $0x0  }
0x17: {  	s11 =	sadd.s32 s6, s12;
	[sflag:s16] =	ssyncadd.s32 $0xFFFFFE00  }
0x18: {  	[tilespmem:s18], [sflag:$0x3] =	stream.linear.gather [hbm4b:s11+s3], $0x200, $0x38;
	[tilespmem:$0x1CAB0] =	vst v63  }
0x19: {  	_ =	swait.ge [sflag:s16], $0x200  }
0x1a: {  	[sflag:s16] =	ssyncset.done $0x0  }
0x1b: {  	[sflag:s16] =	ssyncadd.s32 $0xFFFFFE00  }
0x1c: {  	[tilespmem:s20], [sflag:$0x1] =	stream.indirect.gather [hbm4b:s5+s19], $0x20, s17, s19, $0xb8;
	[tilespmem:$0x1CAB0] =	vst v63  }
0x1d: {  	_ = 	snop  }
0x1e: {  	[tilespmem:s22], [sflag:$0x1] =	stream.indirect.gather [hbm4b:s5+s19], $0x20, s21, s19, $0xb8;
	[tilespmem:$0x1CAB0] =	vst v63  }
0x1f: {  	_ = 	snop  }
0x20: {  	[tilespmem:s24], [sflag:$0x1] =	stream.indirect.gather [hbm4b:s5+s19], $0x20, s23, s19, $0xb8;
	[tilespmem:$0x1CAB0] =	vst v63  }
0x21: {  	_ = 	snop  }
0x22: {  	[tilespmem:s26], [sflag:$0x1] =	stream.indirect.gather [hbm4b:s5+s19], $0x20, s25, s19, $0xb8;
	[tilespmem:$0x1CAB0] =	vst v63  }
0x23: {  	_ =	swait.ge [sflag:s28], $0x1000  }
0x24: {  	[sflag:s28] =	ssyncset.done $0x0  }
0x25: {  	[sflag:s28] =	ssyncadd.s32 $0xFFFFF000  }
0x26: {  	_ =	swait.ge [sflag:s28], $0x1000  }
0x27: {  	[sflag:s28] =	ssyncset.done $0x0  }
0x28: {  	[sflag:s28] =	ssyncadd.s32 $0xFFFFF000  }
0x29: {  	_ =	swait.ge [sflag:s28], $0x1000  }
0x2a: {  	[sflag:s28] =	ssyncset.done $0x0  }
0x2b: {  	[sflag:s28] =	ssyncadd.s32 $0xFFFFF000  }
0x2c: {  	_ =	swait.ge [sflag:s28], $0x1000  }
0x2d: {  	[sflag:s28] =	ssyncset.done $0x0  }
0x2e: {  	[sflag:s28] =	ssyncadd.s32 $0xFFFFF000  }
0x2f: {  	[spmem:s1] =	stream.indirect.scatter.add.f32 [tilespmem:s20], [sflag:$0x2], $0x20, s18, s19, $0xb8;
	[tilespmem:$0x1CAB0] =	vst v63  }
0x30: {  	_ = 	snop  }
0x31: {  	[spmem:s1] =	stream.indirect.scatter.add.f32 [tilespmem:s22], [sflag:$0x2], $0x20, s29, s19, $0xb8;
	[tilespmem:$0x1CAB0] =	vst v63  }
0x32: {  	_ = 	snop  }
0x33: {  	[spmem:s1] =	stream.indirect.scatter.add.f32 [tilespmem:s24], [sflag:$0x2], $0x20, s30, s19, $0xb8;
	[tilespmem:$0x1CAB0] =	vst v63  }
0x34: {  	_ = 	snop  }
0x35: {  	[spmem:s1] =	stream.indirect.scatter.add.f32 [tilespmem:s26], [sflag:$0x2], $0x20, s31, s19, $0xb8;
	[tilespmem:$0x1CAB0] =	vst v63  }
0x36: {  	_ =	swait.ge [sflag:s0], $0x1000  }
0x37: {  	[sflag:s0] =	ssyncset.done $0x0  }
0x38: {  	[sflag:s0] =	ssyncadd.s32 $0xFFFFF000  }
0x39: {  	_ =	swait.ge [sflag:s0], $0x1000  }
0x3a: {  	[sflag:s0] =	ssyncset.done $0x0  }
0x3b: {  	[sflag:s0] =	ssyncadd.s32 $0xFFFFF000  }
0x3c: {  	_ =	swait.ge [sflag:s0], $0x1000  }
0x3d: {  	[sflag:s0] =	ssyncset.done $0x0  }
0x3e: {  	[sflag:s0] =	ssyncadd.s32 $0xFFFFF000  }
0x3f: {  	_ =	swait.ge [sflag:s0], $0x1000  }
0x40: {  	[sflag:s0] =	ssyncset.done $0x0  }
0x41: {  	[sflag:s0] =	ssyncadd.s32 $0xFFFFF000  }
0x42: {  	[bflag:$0x0] =	sbarrier.arrive $0xFFFF  }
0x43: {  	s6 =	rddreg [dreg:$0x4]  }
.LBB2_8:
0x44: {  	s6 =	sadd.s32 s6, s8  }
0x45: {  	[hbm:s6], [sflag:s14] =	dma.local [spmem:s15], $0x30D4  }
0x46: {  	_ =	swait.ge [sflag:s16], $0x30D4  }
0x47: {  	s2 =	sadd.s32 $0x1, s2;
	s11 =	rddreg [dreg:$0x7]  }
0x48: {  	p1 =	sne.s32 s2, s11  }
.Ltmp1:
0x49: {  	_ = 	snop;
	(pc) =	sbr.rel @!p1 .LBB2_9-.Ltmp1, $3  }
0x4a: {  	_ =	sdelay $0x1  }
0x4b: {  	[sflag:s16] =	ssyncset.done $0x0  }
0x4c: {  	[sflag:s16] =	ssyncadd.s32 $0xFFFFCF2C  }
.LBB2_1:
.Ltmp2:
0x4d: {  	(pc) =	sbr.rel @p0 .LBB2_5-.Ltmp2, $1  }
0x4e: {  	_ =	sdelay $0x3  }
0x4f: {  	s6 =	rddreg [dreg:$0x6]  }
0x50: {  	[spmem:s15], [sflag:s14] =	dma.local [hbm:s6], $0x30D4  }
0x51: {  	_ =	swait.ge [sflag:s16], $0x30D4  }
0x52: {  	[sflag:s16] =	ssyncset.done $0x0  }
0x53: {  	[sflag:s16] =	ssyncadd.s32 $0xFFFFCF2C  }
0x54: {  	s10 =	sadd.s32 $0x0, s13;
	[bflag:$0x0] =	sbarrier.arrive $0xFFFF  }
0x55: {  	[tilespmem:s17], [sflag:$0x3] =	stream.linear.gather [hbm4b:s10+s3], $0x200, $0x38;
	[tilespmem:$0x1CAB0] =	vst v63  }
0x56: {  	_ =	swait.ge [sflag:s16], $0x200  }
0x57: {  	[sflag:s16] =	ssyncset.done $0x0  }
0x58: {  	s11 =	sadd.s32 $0x0, s12;
	[sflag:s16] =	ssyncadd.s32 $0xFFFFFE00  }
0x59: {  	[tilespmem:s18], [sflag:$0x3] =	stream.linear.gather [hbm4b:s11+s3], $0x200, $0x38;
	[tilespmem:$0x1CAB0] =	vst v63  }
0x5a: {  	_ =	swait.ge [sflag:s16], $0x200  }
0x5b: {  	[sflag:s16] =	ssyncset.done $0x0  }
0x5c: {  	[sflag:s16] =	ssyncadd.s32 $0xFFFFFE00  }
0x5d: {  	[tilespmem:s20], [sflag:$0x1] =	stream.indirect.gather [hbm4b:s4+s19], $0x20, s17, s19, $0xb8;
	[tilespmem:$0x1CAB0] =	vst v63  }
0x5e: {  	_ = 	snop  }
0x5f: {  	[tilespmem:s22], [sflag:$0x1] =	stream.indirect.gather [hbm4b:s4+s19], $0x20, s21, s19, $0xb8;
	[tilespmem:$0x1CAB0] =	vst v63  }
0x60: {  	_ = 	snop  }
0x61: {  	[tilespmem:s24], [sflag:$0x1] =	stream.indirect.gather [hbm4b:s4+s19], $0x20, s23, s19, $0xb8;
	[tilespmem:$0x1CAB0] =	vst v63  }
0x62: {  	_ = 	snop  }
0x63: {  	[tilespmem:s26], [sflag:$0x1] =	stream.indirect.gather [hbm4b:s4+s19], $0x20, s25, s19, $0xb8;
	[tilespmem:$0x1CAB0] =	vst v63  }
0x64: {  	_ =	swait.ge [sflag:s28], $0x1000  }
0x65: {  	[sflag:s28] =	ssyncset.done $0x0  }
0x66: {  	[sflag:s28] =	ssyncadd.s32 $0xFFFFF000  }
0x67: {  	_ =	swait.ge [sflag:s28], $0x1000  }
0x68: {  	[sflag:s28] =	ssyncset.done $0x0  }
0x69: {  	[sflag:s28] =	ssyncadd.s32 $0xFFFFF000  }
0x6a: {  	_ =	swait.ge [sflag:s28], $0x1000  }
0x6b: {  	[sflag:s28] =	ssyncset.done $0x0  }
0x6c: {  	[sflag:s28] =	ssyncadd.s32 $0xFFFFF000  }
0x6d: {  	_ =	swait.ge [sflag:s28], $0x1000  }
0x6e: {  	[sflag:s28] =	ssyncset.done $0x0  }
0x6f: {  	[sflag:s28] =	ssyncadd.s32 $0xFFFFF000  }
0x70: {  	[spmem:s1] =	stream.indirect.scatter.add.f32 [tilespmem:s20], [sflag:$0x2], $0x20, s18, s19, $0xb8;
	[tilespmem:$0x1CAB0] =	vst v63  }
0x71: {  	_ = 	snop  }
0x72: {  	[spmem:s1] =	stream.indirect.scatter.add.f32 [tilespmem:s22], [sflag:$0x2], $0x20, s29, s19, $0xb8;
	[tilespmem:$0x1CAB0] =	vst v63  }
0x73: {  	_ = 	snop  }
0x74: {  	[spmem:s1] =	stream.indirect.scatter.add.f32 [tilespmem:s24], [sflag:$0x2], $0x20, s30, s19, $0xb8;
	[tilespmem:$0x1CAB0] =	vst v63  }
0x75: {  	_ = 	snop  }
0x76: {  	[spmem:s1] =	stream.indirect.scatter.add.f32 [tilespmem:s26], [sflag:$0x2], $0x20, s31, s19, $0xb8;
	[tilespmem:$0x1CAB0] =	vst v63  }
0x77: {  	_ =	swait.ge [sflag:s0], $0x1000  }
0x78: {  	[sflag:s0] =	ssyncset.done $0x0  }
0x79: {  	[sflag:s0] =	ssyncadd.s32 $0xFFFFF000  }
0x7a: {  	_ =	swait.ge [sflag:s0], $0x1000  }
0x7b: {  	[sflag:s0] =	ssyncset.done $0x0  }
0x7c: {  	[sflag:s0] =	ssyncadd.s32 $0xFFFFF000  }
0x7d: {  	_ =	swait.ge [sflag:s0], $0x1000  }
0x7e: {  	[sflag:s0] =	ssyncset.done $0x0  }
0x7f: {  	[sflag:s0] =	ssyncadd.s32 $0xFFFFF000  }
0x80: {  	_ =	swait.ge [sflag:s0], $0x1000  }
0x81: {  	s9 =	simm.s32 $0x80;
	s6 =	simm.s32 $0x40;
	[sflag:s0] =	ssyncset.done $0x0  }
.LBB2_3:
0x82: {  	s10 =	sadd.s32 s6, s13  }
0x83: {  	[sflag:s0] =	ssyncadd.s32 $0xFFFFF000;
	s11 =	smov.u32 s9;
	s7 =	sadd.s32 $0x40, s9  }
0x84: {  	[tilespmem:s17], [sflag:$0x3] =	stream.linear.gather [hbm4b:s10+s3], $0x200, $0x38;
	[tilespmem:$0x1CAB0] =	vst v63  }
0x85: {  	p1 =	seq.s32 s9, $0x1840;
	_ =	swait.ge [sflag:s16], $0x200  }
0x86: {  	[sflag:s16] =	ssyncset.done $0x0  }
0x87: {  	s9 =	sadd.s32 s6, s12;
	s6 =	smov.u32 s11;
	[sflag:s16] =	ssyncadd.s32 $0xFFFFFE00  }
0x88: {  	[tilespmem:s18], [sflag:$0x3] =	stream.linear.gather [hbm4b:s9+s3], $0x200, $0x38;
	[tilespmem:$0x1CAB0] =	vst v63  }
0x89: {  	_ =	swait.ge [sflag:s16], $0x200  }
0x8a: {  	[sflag:s16] =	ssyncset.done $0x0  }
0x8b: {  	[sflag:s16] =	ssyncadd.s32 $0xFFFFFE00  }
0x8c: {  	[tilespmem:s20], [sflag:$0x1] =	stream.indirect.gather [hbm4b:s4+s19], $0x20, s17, s19, $0xb8;
	[tilespmem:$0x1CAB0] =	vst v63  }
0x8d: {  	_ = 	snop  }
0x8e: {  	[tilespmem:s22], [sflag:$0x1] =	stream.indirect.gather [hbm4b:s4+s19], $0x20, s21, s19, $0xb8;
	[tilespmem:$0x1CAB0] =	vst v63  }
0x8f: {  	_ = 	snop  }
0x90: {  	[tilespmem:s24], [sflag:$0x1] =	stream.indirect.gather [hbm4b:s4+s19], $0x20, s23, s19, $0xb8;
	[tilespmem:$0x1CAB0] =	vst v63  }
0x91: {  	_ = 	snop  }
0x92: {  	[tilespmem:s26], [sflag:$0x1] =	stream.indirect.gather [hbm4b:s4+s19], $0x20, s25, s19, $0xb8;
	[tilespmem:$0x1CAB0] =	vst v63  }
0x93: {  	_ =	swait.ge [sflag:s28], $0x1000  }
0x94: {  	[sflag:s28] =	ssyncset.done $0x0  }
0x95: {  	[sflag:s28] =	ssyncadd.s32 $0xFFFFF000  }
0x96: {  	_ =	swait.ge [sflag:s28], $0x1000  }
0x97: {  	[sflag:s28] =	ssyncset.done $0x0  }
0x98: {  	[sflag:s28] =	ssyncadd.s32 $0xFFFFF000  }
0x99: {  	_ =	swait.ge [sflag:s28], $0x1000  }
0x9a: {  	[sflag:s28] =	ssyncset.done $0x0  }
0x9b: {  	[sflag:s28] =	ssyncadd.s32 $0xFFFFF000  }
0x9c: {  	_ =	swait.ge [sflag:s28], $0x1000  }
0x9d: {  	[sflag:s28] =	ssyncset.done $0x0  }
0x9e: {  	[sflag:s28] =	ssyncadd.s32 $0xFFFFF000  }
0x9f: {  	[spmem:s1] =	stream.indirect.scatter.add.f32 [tilespmem:s20], [sflag:$0x2], $0x20, s18, s19, $0xb8;
	[tilespmem:$0x1CAB0] =	vst v63  }
0xa0: {  	_ = 	snop  }
0xa1: {  	[spmem:s1] =	stream.indirect.scatter.add.f32 [tilespmem:s22], [sflag:$0x2], $0x20, s29, s19, $0xb8;
	[tilespmem:$0x1CAB0] =	vst v63  }
0xa2: {  	_ = 	snop  }
0xa3: {  	[spmem:s1] =	stream.indirect.scatter.add.f32 [tilespmem:s24], [sflag:$0x2], $0x20, s30, s19, $0xb8;
	[tilespmem:$0x1CAB0] =	vst v63  }
0xa4: {  	_ = 	snop  }
0xa5: {  	[spmem:s1] =	stream.indirect.scatter.add.f32 [tilespmem:s26], [sflag:$0x2], $0x20, s31, s19, $0xb8;
	[tilespmem:$0x1CAB0] =	vst v63  }
0xa6: {  	_ =	swait.ge [sflag:s0], $0x1000  }
0xa7: {  	[sflag:s0] =	ssyncset.done $0x0  }
0xa8: {  	[sflag:s0] =	ssyncadd.s32 $0xFFFFF000  }
0xa9: {  	_ =	swait.ge [sflag:s0], $0x1000  }
0xaa: {  	[sflag:s0] =	ssyncset.done $0x0  }
0xab: {  	[sflag:s0] =	ssyncadd.s32 $0xFFFFF000  }
.Ltmp3:
0xac: {  	_ =	swait.ge [sflag:s0], $0x1000;
	(pc) =	sbr.rel @!p1 .LBB2_3-.Ltmp3, $4  }
0xad: {  	[sflag:s0] =	ssyncset.done $0x0  }
0xae: {  	[sflag:s0] =	ssyncadd.s32 $0xFFFFF000  }
0xaf: {  	_ =	swait.ge [sflag:s0], $0x1000  }
0xb0: {  	s9 =	smov.u32 s7;
	[sflag:s0] =	ssyncset.done $0x0  }
0xb1: {  	s7 =	sadd.s32 s6, s13;
	[sflag:s0] =	ssyncadd.s32 $0xFFFFF000  }
0xb2: {  	[tilespmem:s17], [sflag:$0x3] =	stream.linear.gather [hbm4b:s7+s3], $0x200, $0x38;
	[tilespmem:$0x1CAB0] =	vst v63  }
0xb3: {  	_ =	swait.ge [sflag:s16], $0x200  }
0xb4: {  	[sflag:s16] =	ssyncset.done $0x0  }
0xb5: {  	s11 =	sadd.s32 s6, s12;
	[sflag:s16] =	ssyncadd.s32 $0xFFFFFE00  }
0xb6: {  	[tilespmem:s18], [sflag:$0x3] =	stream.linear.gather [hbm4b:s11+s3], $0x200, $0x38;
	[tilespmem:$0x1CAB0] =	vst v63  }
0xb7: {  	_ =	swait.ge [sflag:s16], $0x200  }
0xb8: {  	[sflag:s16] =	ssyncset.done $0x0  }
0xb9: {  	[sflag:s16] =	ssyncadd.s32 $0xFFFFFE00  }
0xba: {  	[tilespmem:s20], [sflag:$0x1] =	stream.indirect.gather [hbm4b:s4+s19], $0x20, s17, s19, $0xb8;
	[tilespmem:$0x1CAB0] =	vst v63  }
0xbb: {  	_ = 	snop  }
0xbc: {  	[tilespmem:s22], [sflag:$0x1] =	stream.indirect.gather [hbm4b:s4+s19], $0x20, s21, s19, $0xb8;
	[tilespmem:$0x1CAB0] =	vst v63  }
0xbd: {  	_ = 	snop  }
0xbe: {  	[tilespmem:s24], [sflag:$0x1] =	stream.indirect.gather [hbm4b:s4+s19], $0x20, s23, s19, $0xb8;
	[tilespmem:$0x1CAB0] =	vst v63  }
0xbf: {  	_ = 	snop  }
0xc0: {  	[tilespmem:s26], [sflag:$0x1] =	stream.indirect.gather [hbm4b:s4+s19], $0x20, s25, s19, $0xb8;
	[tilespmem:$0x1CAB0] =	vst v63  }
0xc1: {  	_ =	swait.ge [sflag:s28], $0x1000  }
0xc2: {  	[sflag:s28] =	ssyncset.done $0x0  }
0xc3: {  	[sflag:s28] =	ssyncadd.s32 $0xFFFFF000  }
0xc4: {  	_ =	swait.ge [sflag:s28], $0x1000  }
0xc5: {  	[sflag:s28] =	ssyncset.done $0x0  }
0xc6: {  	[sflag:s28] =	ssyncadd.s32 $0xFFFFF000  }
0xc7: {  	_ =	swait.ge [sflag:s28], $0x1000  }
0xc8: {  	[sflag:s28] =	ssyncset.done $0x0  }
0xc9: {  	[sflag:s28] =	ssyncadd.s32 $0xFFFFF000  }
0xca: {  	_ =	swait.ge [sflag:s28], $0x1000  }
0xcb: {  	[sflag:s28] =	ssyncset.done $0x0  }
0xcc: {  	[sflag:s28] =	ssyncadd.s32 $0xFFFFF000  }
0xcd: {  	[spmem:s1] =	stream.indirect.scatter.add.f32 [tilespmem:s20], [sflag:$0x2], $0x20, s18, s19, $0xb8;
	[tilespmem:$0x1CAB0] =	vst v63  }
0xce: {  	_ = 	snop  }
0xcf: {  	[spmem:s1] =	stream.indirect.scatter.add.f32 [tilespmem:s22], [sflag:$0x2], $0x20, s29, s19, $0xb8;
	[tilespmem:$0x1CAB0] =	vst v63  }
0xd0: {  	_ = 	snop  }
0xd1: {  	[spmem:s1] =	stream.indirect.scatter.add.f32 [tilespmem:s24], [sflag:$0x2], $0x20, s30, s19, $0xb8;
	[tilespmem:$0x1CAB0] =	vst v63  }
0xd2: {  	_ = 	snop  }
0xd3: {  	[spmem:s1] =	stream.indirect.scatter.add.f32 [tilespmem:s26], [sflag:$0x2], $0x20, s31, s19, $0xb8;
	[tilespmem:$0x1CAB0] =	vst v63  }
0xd4: {  	_ =	swait.ge [sflag:s0], $0x1000  }
0xd5: {  	[sflag:s0] =	ssyncset.done $0x0  }
0xd6: {  	[sflag:s0] =	ssyncadd.s32 $0xFFFFF000  }
0xd7: {  	_ =	swait.ge [sflag:s0], $0x1000  }
0xd8: {  	[sflag:s0] =	ssyncset.done $0x0  }
0xd9: {  	[sflag:s0] =	ssyncadd.s32 $0xFFFFF000  }
0xda: {  	_ =	swait.ge [sflag:s0], $0x1000  }
0xdb: {  	[sflag:s0] =	ssyncset.done $0x0  }
0xdc: {  	[sflag:s0] =	ssyncadd.s32 $0xFFFFF000  }
.Ltmp4:
0xdd: {  	_ =	swait.ge [sflag:s0], $0x1000;
	(pc) =	sbr.rel .LBB2_8-.Ltmp4, $4  }
0xde: {  	[sflag:s0] =	ssyncset.done $0x0  }
0xdf: {  	[sflag:s0] =	ssyncadd.s32 $0xFFFFF000  }
0xe0: {  	[bflag:$0x0] =	sbarrier.arrive $0xFFFF  }
0xe1: {  	s6 =	rddreg [dreg:$0x3]  }
.LBB2_5:
0xe2: {  	s6 =	rddreg [dreg:$0x5]  }
0xe3: {  	[spmem:s15], [sflag:s14] =	dma.local [hbm:s6], $0x30D4  }
0xe4: {  	_ =	swait.ge [sflag:s16], $0x30D4  }
0xe5: {  	[sflag:s16] =	ssyncset.done $0x0  }
0xe6: {  	[sflag:s16] =	ssyncadd.s32 $0xFFFFCF2C  }
0xe7: {  	s10 =	sadd.s32 $0x0, s13;
	[bflag:$0x0] =	sbarrier.arrive $0xFFFF  }
0xe8: {  	[tilespmem:s17], [sflag:$0x3] =	stream.linear.gather [hbm4b:s10+s3], $0x200, $0x38;
	[tilespmem:$0x1CAB0] =	vst v63  }
0xe9: {  	_ =	swait.ge [sflag:s16], $0x200  }
0xea: {  	[sflag:s16] =	ssyncset.done $0x0  }
0xeb: {  	s11 =	sadd.s32 $0x0, s12;
	[sflag:s16] =	ssyncadd.s32 $0xFFFFFE00  }
0xec: {  	[tilespmem:s18], [sflag:$0x3] =	stream.linear.gather [hbm4b:s11+s3], $0x200, $0x38;
	[tilespmem:$0x1CAB0] =	vst v63  }
0xed: {  	_ =	swait.ge [sflag:s16], $0x200  }
0xee: {  	[sflag:s16] =	ssyncset.done $0x0  }
0xef: {  	[sflag:s16] =	ssyncadd.s32 $0xFFFFFE00  }
0xf0: {  	[tilespmem:s20], [sflag:$0x1] =	stream.indirect.gather [hbm4b:s5+s19], $0x20, s17, s19, $0xb8;
	[tilespmem:$0x1CAB0] =	vst v63  }
0xf1: {  	_ = 	snop  }
0xf2: {  	[tilespmem:s22], [sflag:$0x1] =	stream.indirect.gather [hbm4b:s5+s19], $0x20, s21, s19, $0xb8;
	[tilespmem:$0x1CAB0] =	vst v63  }
0xf3: {  	_ = 	snop  }
0xf4: {  	[tilespmem:s24], [sflag:$0x1] =	stream.indirect.gather [hbm4b:s5+s19], $0x20, s23, s19, $0xb8;
	[tilespmem:$0x1CAB0] =	vst v63  }
0xf5: {  	_ = 	snop  }
0xf6: {  	[tilespmem:s26], [sflag:$0x1] =	stream.indirect.gather [hbm4b:s5+s19], $0x20, s25, s19, $0xb8;
	[tilespmem:$0x1CAB0] =	vst v63  }
0xf7: {  	_ =	swait.ge [sflag:s28], $0x1000  }
0xf8: {  	[sflag:s28] =	ssyncset.done $0x0  }
0xf9: {  	[sflag:s28] =	ssyncadd.s32 $0xFFFFF000  }
0xfa: {  	_ =	swait.ge [sflag:s28], $0x1000  }
0xfb: {  	[sflag:s28] =	ssyncset.done $0x0  }
0xfc: {  	[sflag:s28] =	ssyncadd.s32 $0xFFFFF000  }
0xfd: {  	_ =	swait.ge [sflag:s28], $0x1000  }
0xfe: {  	[sflag:s28] =	ssyncset.done $0x0  }
0xff: {  	[sflag:s28] =	ssyncadd.s32 $0xFFFFF000  }
0x100: {  	_ =	swait.ge [sflag:s28], $0x1000  }
0x101: {  	[sflag:s28] =	ssyncset.done $0x0  }
0x102: {  	[sflag:s28] =	ssyncadd.s32 $0xFFFFF000  }
0x103: {  	[spmem:s1] =	stream.indirect.scatter.add.f32 [tilespmem:s20], [sflag:$0x2], $0x20, s18, s19, $0xb8;
	[tilespmem:$0x1CAB0] =	vst v63  }
0x104: {  	_ = 	snop  }
0x105: {  	[spmem:s1] =	stream.indirect.scatter.add.f32 [tilespmem:s22], [sflag:$0x2], $0x20, s29, s19, $0xb8;
	[tilespmem:$0x1CAB0] =	vst v63  }
0x106: {  	_ = 	snop  }
0x107: {  	[spmem:s1] =	stream.indirect.scatter.add.f32 [tilespmem:s24], [sflag:$0x2], $0x20, s30, s19, $0xb8;
	[tilespmem:$0x1CAB0] =	vst v63  }
0x108: {  	_ = 	snop  }
0x109: {  	[spmem:s1] =	stream.indirect.scatter.add.f32 [tilespmem:s26], [sflag:$0x2], $0x20, s31, s19, $0xb8;
	[tilespmem:$0x1CAB0] =	vst v63  }
0x10a: {  	_ =	swait.ge [sflag:s0], $0x1000  }
0x10b: {  	[sflag:s0] =	ssyncset.done $0x0  }
0x10c: {  	[sflag:s0] =	ssyncadd.s32 $0xFFFFF000  }
0x10d: {  	_ =	swait.ge [sflag:s0], $0x1000  }
0x10e: {  	[sflag:s0] =	ssyncset.done $0x0  }
0x10f: {  	[sflag:s0] =	ssyncadd.s32 $0xFFFFF000  }
0x110: {  	_ =	swait.ge [sflag:s0], $0x1000  }
0x111: {  	[sflag:s0] =	ssyncset.done $0x0  }
0x112: {  	[sflag:s0] =	ssyncadd.s32 $0xFFFFF000  }
0x113: {  	_ =	swait.ge [sflag:s0], $0x1000  }
0x114: {  	s7 =	simm.s32 $0x80;
	s6 =	simm.s32 $0x40;
	[sflag:s0] =	ssyncset.done $0x0  }
.LBB2_6:
0x115: {  	s10 =	sadd.s32 s6, s13  }
0x116: {  	[sflag:s0] =	ssyncadd.s32 $0xFFFFF000;
	s11 =	smov.u32 s7;
	s9 =	sadd.s32 $0x40, s7  }
0x117: {  	[tilespmem:s17], [sflag:$0x3] =	stream.linear.gather [hbm4b:s10+s3], $0x200, $0x38;
	[tilespmem:$0x1CAB0] =	vst v63  }
0x118: {  	p1 =	sne.s32 s7, $0x1840;
	_ =	swait.ge [sflag:s16], $0x200  }
0x119: {  	[sflag:s16] =	ssyncset.done $0x0  }
0x11a: {  	s7 =	sadd.s32 s6, s12;
	s6 =	smov.u32 s11;
	[sflag:s16] =	ssyncadd.s32 $0xFFFFFE00  }
0x11b: {  	[tilespmem:s18], [sflag:$0x3] =	stream.linear.gather [hbm4b:s7+s3], $0x200, $0x38;
	[tilespmem:$0x1CAB0] =	vst v63  }
0x11c: {  	_ =	swait.ge [sflag:s16], $0x200  }
0x11d: {  	[sflag:s16] =	ssyncset.done $0x0  }
0x11e: {  	[sflag:s16] =	ssyncadd.s32 $0xFFFFFE00  }
0x11f: {  	[tilespmem:s20], [sflag:$0x1] =	stream.indirect.gather [hbm4b:s5+s19], $0x20, s17, s19, $0xb8;
	[tilespmem:$0x1CAB0] =	vst v63  }
0x120: {  	_ = 	snop  }
0x121: {  	[tilespmem:s22], [sflag:$0x1] =	stream.indirect.gather [hbm4b:s5+s19], $0x20, s21, s19, $0xb8;
	[tilespmem:$0x1CAB0] =	vst v63  }
0x122: {  	_ = 	snop  }
0x123: {  	[tilespmem:s24], [sflag:$0x1] =	stream.indirect.gather [hbm4b:s5+s19], $0x20, s23, s19, $0xb8;
	[tilespmem:$0x1CAB0] =	vst v63  }
0x124: {  	_ = 	snop  }
0x125: {  	[tilespmem:s26], [sflag:$0x1] =	stream.indirect.gather [hbm4b:s5+s19], $0x20, s25, s19, $0xb8;
	[tilespmem:$0x1CAB0] =	vst v63  }
0x126: {  	_ =	swait.ge [sflag:s28], $0x1000  }
0x127: {  	[sflag:s28] =	ssyncset.done $0x0  }
0x128: {  	[sflag:s28] =	ssyncadd.s32 $0xFFFFF000  }
0x129: {  	_ =	swait.ge [sflag:s28], $0x1000  }
0x12a: {  	[sflag:s28] =	ssyncset.done $0x0  }
0x12b: {  	[sflag:s28] =	ssyncadd.s32 $0xFFFFF000  }
0x12c: {  	_ =	swait.ge [sflag:s28], $0x1000  }
0x12d: {  	[sflag:s28] =	ssyncset.done $0x0  }
0x12e: {  	[sflag:s28] =	ssyncadd.s32 $0xFFFFF000  }
0x12f: {  	_ =	swait.ge [sflag:s28], $0x1000  }
0x130: {  	[sflag:s28] =	ssyncset.done $0x0  }
0x131: {  	[sflag:s28] =	ssyncadd.s32 $0xFFFFF000  }
0x132: {  	[spmem:s1] =	stream.indirect.scatter.add.f32 [tilespmem:s20], [sflag:$0x2], $0x20, s18, s19, $0xb8;
	[tilespmem:$0x1CAB0] =	vst v63  }
0x133: {  	_ = 	snop  }
0x134: {  	[spmem:s1] =	stream.indirect.scatter.add.f32 [tilespmem:s22], [sflag:$0x2], $0x20, s29, s19, $0xb8;
	[tilespmem:$0x1CAB0] =	vst v63  }
0x135: {  	_ = 	snop  }
0x136: {  	[spmem:s1] =	stream.indirect.scatter.add.f32 [tilespmem:s24], [sflag:$0x2], $0x20, s30, s19, $0xb8;
	[tilespmem:$0x1CAB0] =	vst v63  }
0x137: {  	_ = 	snop  }
0x138: {  	[spmem:s1] =	stream.indirect.scatter.add.f32 [tilespmem:s26], [sflag:$0x2], $0x20, s31, s19, $0xb8;
	[tilespmem:$0x1CAB0] =	vst v63  }
0x139: {  	_ =	swait.ge [sflag:s0], $0x1000  }
0x13a: {  	[sflag:s0] =	ssyncset.done $0x0  }
0x13b: {  	[sflag:s0] =	ssyncadd.s32 $0xFFFFF000  }
0x13c: {  	_ =	swait.ge [sflag:s0], $0x1000  }
0x13d: {  	[sflag:s0] =	ssyncset.done $0x0  }
0x13e: {  	[sflag:s0] =	ssyncadd.s32 $0xFFFFF000  }
.Ltmp5:
0x13f: {  	_ =	swait.ge [sflag:s0], $0x1000;
	(pc) =	sbr.rel @p1 .LBB2_6-.Ltmp5, $4  }
0x140: {  	[sflag:s0] =	ssyncset.done $0x0  }
0x141: {  	[sflag:s0] =	ssyncadd.s32 $0xFFFFF000  }
0x142: {  	_ =	swait.ge [sflag:s0], $0x1000  }
0x143: {  	s7 =	smov.u32 s9;
	[sflag:s0] =	ssyncset.done $0x0  }
.Ltmp6:
0x144: {  	_ = 	snop;
	(pc) =	sbr.rel .LBB2_7-.Ltmp6, $1  }
0x145: {  	_ =	sdelay $0x3  }
.LBB2_9:
0x146: {  	_ =	sfence.sel $0x180000  }
0x147: {  	[bflag:$0x0] =	sbarrier.arrive $0xFFFF  }
0x148: {  	_ =	strace $0x90000053  }
0x149: {  	s0 =	stileid.u32;
	[bflag:$0x2] =	sbarrier.arrive $0xFFFF  }
0x14a: {  	p0 =	sne.s32 s0, $0x0;
	s0 =	rddreg [dreg:$0x2]  }
0x14b: {  	s0 =	sadd.s32 @!p0 $0x100000, s0  }
0x14c: {  	[sflag:s0] =	ssyncadd.tile.s32 @!p0 $0x1;
	_ =	shalt  }
.Lfunc_end2:
_tile_overlayer_lowered:
.L_overlay_start_2:
0x14d: {  	(tag) =	ssettag $0x2  }
0x14e: {  	s0 =	rddreg [dreg:$0x0];
	s2 =	stileid.u32  }
0x14f: {  	s1 =	rddreg [dreg:$0x1];
	p0 =	sne.s32 s2, $0x0  }
0x150: {  	s3 =	rddreg [dreg:$0x2];
	[bflag:$0x3] =	sbarrier.arrive $0xFFFF;
	s2 =	simm.s32 @!p0 $0x1C03  }
0x151: {  	[timem:s3], [sflag:s2] =	dma.local @!p0 [hbm:s0], s1  }
0x152: {  	s0 =	simm.s32 @!p0 $0x3  }
0x153: {  	_ =	swait.ge @!p0 [sflag:s0], s1  }
0x154: {  	s1 =	ssub.s32 @!p0 $0x0, s1;
	[sflag:s0] =	ssyncset.done @!p0 $0x0  }
0x155: {  	[sflag:s0] =	ssyncadd.s32 @!p0 s1  }
0x156: {  	[bflag:$0x3] =	sbarrier.arrive $0xFFFF  }
0x157: {  	_ =	shalt  }

// kernel: kernel.29.cloned.1.call-start
scs
__scs_entry_jumppad:
0x0: {  	(pc) =	sbr.rel $0x88, $3  }
0x1: {  	(tag) =	ssettag $0x0;
	lr =	simm.s32 $0x1  }
0x2: {  	[smem:$0x3F8E] =	sst lr;
	_ =	strace $0xD0000000  }
0x3: {  	_ = 	snop  }
0x4: {  	_ = 	snop  }
0x5: {  	_ = 	snop  }
0x6: {  	_ = 	snop  }
0x7: {  	_ = 	snop  }
__scs_overlays_trampoline_lowered:
0x8: {  	[smem:$0x3F9D] =	sst s0  }
0x9: {  	[smem:$0x3F9E] =	sst s1  }
0xa: {  	[smem:$0x3F9F] =	sst s2  }
0xb: {  	[smem:$0x3FA0] =	sst s3  }
0xc: {  	[smem:$0x3FA1] =	sst s4  }
0xd: {  	[smem:$0x3FA2] =	sst s5  }
0xe: {  	[smem:$0x3FA3] =	sst s6  }
0xf: {  	[smem:$0x3FA4] =	sst s7  }
0x10: {  	[smem:$0x3FA5] =	sst s8  }
0x11: {  	[smem:$0x3FA6] =	sst s9;
	s0 =	simm.s32 @!p0 $0x0  }
0x12: {  	s1 =	sld [smem:$0x3F8C];
	s0 =	simm.s32 @p0 $0x1  }
0x13: {  	[smem:$0x3FA7] =	sst s0;
	s0 =	simm.s32 @!p1 $0x0  }
0x14: {  	s2 =	sld [smem:$0x3F8B];
	s0 =	simm.s32 @p1 $0x1  }
0x15: {  	[smem:$0x3FA8] =	sst s0;
	s0 =	simm.s32 @!p2 $0x0  }
0x16: {  	s3 =	sld [smem:$0x3FDB];
	s0 =	simm.s32 @p2 $0x1  }
0x17: {  	s4 =	simm.s32 $0x1BF5;
	[smem:$0x3FAA] =	sst s0  }
0x18: {  	s0 =	sld [smem:$0x3F8D];
	_ =	swait.ge [sflag:s4], $0x0  }
0x19: {  	s7 =	sld [smem:$0x3F8E]  }
0x1a: {  	s8 =	sadd.s32 $0xFFFFE003, lr  }
0x1b: {  	s9 =	sadd.s32 $0xFFFFFEF7, lr;
	s5 =	simm.s32 $0xFFFFFFFF;
	p2 =	slt.u32 s8, $0xFFFFF086  }
0x1c: {  	p1 =	slt.u32 s9, $0xF7A;
	s5 =	simm.s32 @!p2 $0x0  }
0x1d: {  	s5 =	simm.s32 @p1 $0x1;
	p0 =	seq.s32 s7, s2  }
0x1e: {  	s7 =	smul.u32 @!p0 $0xF7A, s2;
	p2 =	seq.s32 @!p0 s5, $0x0  }
0x1f: {  	s9 =	smul.u32 $0xF7A, s1;
	s8 =	simm.s32 @!p0 $0x1BF5;
	p2 =	por !p2, p0  }
0x20: {  	[sflag:s8] =	ssyncset.s32 @!p0 $0xFFFFF086;
	s6 =	sadd.s32 @!p0 s3, s7;
	s7 =	simm.s32 @!p0 $0x108  }
0x21: {  	s3 =	sadd.s32 s3, s9;
	s6 =	sadd.s32 @!p0 $0x88, s6;
	s7 =	simm.s32 @p2 $0x1082  }
0x22: {  	[simem:s7], [sflag:s8] =	dma.local @!p0 [hbm:s6], $0xF7A  }
0x23: {  	s9 =	sor.u32 $0xD0000000, s2;
	s6 =	simm.s32 $0x108;
	_ =	swait.ge @!p0 [sflag:s8], $0x0  }
0x24: {  	s3 =	sadd.s32 $0x88, s3;
	s6 =	simm.s32 @!p1 $0x1082;
	[sflag:s4] =	ssyncset.s32 $0xFFFFF086  }
0x25: {  	[simem:s6], [sflag:s4] =	dma.local [hbm:s3], $0xF7A  }
0x26: {  	[smem:$0x3F8E] =	sst s1;
	(tag) =	ssettag s2;
	_ =	strace s9  }
0x27: {  	s1 =	sld [smem:$0x3F9E]  }
0x28: {  	s2 =	sld [smem:$0x3F9F]  }
0x29: {  	s4 =	sld [smem:$0x3FA1]  }
0x2a: {  	p0 =	seq.s32 s5, $0x0;
	s5 =	sld [smem:$0x3FA2]  }
0x2b: {  	s6 =	sld [smem:$0x3FA3]  }
0x2c: {  	s7 =	sld [smem:$0x3FA4]  }
0x2d: {  	s3 =	simm.s32 $0x108;
	s8 =	sld [smem:$0x3FA5]  }
0x2e: {  	s3 =	simm.s32 @!p0 $0x1082;
	s9 =	sld [smem:$0x3FA6]  }
0x2f: {  	lr =	sadd.s32 s0, s3;
	s0 =	sld [smem:$0x3F9D]  }
0x30: {  	s3 =	sld [smem:$0x3FA0]  }
0x31: {  	[smem:$0x3FA9] =	sst s10  }
0x32: {  	s10 =	sld [smem:$0x3FA7];
	_ =	sdelay $0x3  }
0x33: {  	p0 =	seq.s32 s10, $0x1;
	s10 =	sld [smem:$0x3FA9];
	_ =	sdelay $0x3  }
0x34: {  	[smem:$0x3FA9] =	sst s10  }
0x35: {  	s10 =	sld [smem:$0x3FA8];
	_ =	sdelay $0x3  }
0x36: {  	p1 =	seq.s32 s10, $0x1;
	s10 =	sld [smem:$0x3FA9];
	_ =	sdelay $0x3  }
0x37: {  	[smem:$0x3FA9] =	sst s10  }
0x38: {  	s10 =	sld [smem:$0x3FAA]  }
0x39: {  	_ = 	snop;
	(pc) =	sbr.ind lr, $3  }
0x3a: {  	_ = 	snop  }
0x3b: {  	_ = 	snop  }
0x3c: {  	p2 =	seq.s32 s10, $0x1;
	s10 =	sld [smem:$0x3FA9]  }
0x3d: {  	_ =	shalt  }
0x3e: {  	_ =	shalt  }
0x3f: {  	_ =	shalt  }
0x40: {  	_ =	shalt  }
0x41: {  	_ =	shalt  }
0x42: {  	_ =	shalt  }
0x43: {  	_ =	shalt  }
0x44: {  	_ =	shalt  }
0x45: {  	_ =	shalt  }
0x46: {  	_ =	shalt  }
0x47: {  	_ =	shalt  }
0x48: {  	_ =	shalt  }
0x49: {  	_ =	shalt  }
0x4a: {  	_ =	shalt  }
0x4b: {  	_ =	shalt  }
0x4c: {  	_ =	shalt  }
0x4d: {  	_ =	shalt  }
0x4e: {  	_ =	shalt  }
0x4f: {  	_ =	shalt  }
0x50: {  	_ =	shalt  }
0x51: {  	_ =	shalt  }
0x52: {  	_ =	shalt  }
0x53: {  	_ =	shalt  }
0x54: {  	_ =	shalt  }
0x55: {  	_ =	shalt  }
0x56: {  	_ =	shalt  }
0x57: {  	_ =	shalt  }
0x58: {  	_ =	shalt  }
0x59: {  	_ =	shalt  }
0x5a: {  	_ =	shalt  }
0x5b: {  	_ =	shalt  }
0x5c: {  	_ =	shalt  }
0x5d: {  	_ =	shalt  }
0x5e: {  	_ =	shalt  }
0x5f: {  	_ =	shalt  }
0x60: {  	_ =	shalt  }
0x61: {  	_ =	shalt  }
0x62: {  	_ =	shalt  }
0x63: {  	_ =	shalt  }
0x64: {  	_ =	shalt  }
0x65: {  	_ =	shalt  }
0x66: {  	_ =	shalt  }
0x67: {  	_ =	shalt  }
0x68: {  	_ =	shalt  }
0x69: {  	_ =	shalt  }
0x6a: {  	_ =	shalt  }
0x6b: {  	_ =	shalt  }
0x6c: {  	_ =	shalt  }
0x6d: {  	_ =	shalt  }
0x6e: {  	_ =	shalt  }
0x6f: {  	_ =	shalt  }
0x70: {  	_ =	shalt  }
0x71: {  	_ =	shalt  }
0x72: {  	_ =	shalt  }
0x73: {  	_ =	shalt  }
0x74: {  	_ =	shalt  }
0x75: {  	_ =	shalt  }
0x76: {  	_ =	shalt  }
0x77: {  	_ =	shalt  }
0x78: {  	_ =	shalt  }
0x79: {  	_ =	shalt  }
0x7a: {  	_ =	shalt  }
0x7b: {  	_ =	shalt  }
0x7c: {  	_ =	shalt  }
0x7d: {  	_ =	shalt  }
0x7e: {  	_ =	shalt  }
0x7f: {  	_ =	shalt  }
0x80: {  	_ =	shalt  }
0x81: {  	_ =	shalt  }
0x82: {  	_ =	shalt  }
0x83: {  	_ =	shalt  }
0x84: {  	_ =	shalt  }
0x85: {  	_ =	shalt  }
0x86: {  	_ =	shalt  }
0x87: {  	_ =	shalt  }
.Lfunc_end0:
.L_simem_size_0:
called_computation.5_lowered:
.L_overlay_start_0:
0x88: {  	s2 =	sld [smem:$0x3FD9]  }
0x89: {  	s3 =	sld [smem:$0x3FFE];
	_ =	sdelay $0x1  }
0x8a: {  	s1 =	srdreg.scid  }
0x8b: {  	s0 =	sand.u32 $0x1, s1  }
0x8c: {  	s17 =	sshll.u32 s0, $0xA;
	s2 =	sadd.s32 s3, s2  }
0x8d: {  	s2 =	sadd.s32 s2, s17  }
0x8e: {  	[smem:$0x3FB5] =	sst s2  }
0x8f: {  	_ = 	snop  }
0x90: {  	s2 =	sld [smem:$0x3FC7];
	(tm) =	ssettm $0x1  }
0x91: {  	s18 =	sld [smem:$0x3FFB];
	_ =	sdelay $0x3  }
0x92: {  	_ =	strace s18  }
0x93: {  	s3 =	sld [smem:$0x3FFC];
	_ =	sdelay $0x3  }
0x94: {  	_ =	strace s3  }
0x95: {  	s3 =	sld [smem:$0x3FFD];
	_ =	sdelay $0x3  }
0x96: {  	_ =	strace s3  }
0x97: {  	_ =	strace $0x8FFFFFFF  }
0x98: {  	s19 =	sld [smem:$0x3FDB];
	_ =	sdelay $0x1  }
0x99: {  	s4 =	simm.s32 $_scs_section_size  }
0x9a: {  	s5 =	simm.s32 $_size__tile_overlayer_lowered;
	s6 =	simm.s32 $_tile_overlayer_lowered  }
0x9b: {  	s22 =	simm.s32 $0x1BFF;
	s21 =	sshll.u32 s6, $0x1;
	s3 =	sadd.s32 s4, s19  }
0x9c: {  	s7 =	simm.s32 $0x0;
	s20 =	sshll.u32 s5, $0x1;
	s5 =	sadd.s32 s21, s3  }
0x9d: {  	[timem:s7], [sflag:s22] =	dma.local [hbm:s5], s20  }
0x9e: {  	_ =	swait.ge [sflag:s22], s20  }
0x9f: {  	s4 =	ssub.s32 $0x0, s20;
	[sflag:s22] =	ssyncset.done $0x0  }
0xa0: {  	[sflag:s22] =	ssyncadd.s32 s4;
	_ =	sdelay $0x1  }
0xa1: {  	s23 =	simm.s32 $0x1B8B  }
0xa2: {  	_ =	swait.ge [sflag:s23], $0x1  }
0xa3: {  	[sflag:s23] =	ssyncset.done $0x0  }
0xa4: {  	s25 =	simm.s32 $0x1B8E;
	s24 =	sld [smem:$0x3FFE];
	[sflag:s23] =	ssyncadd.s32 $0xFFFFFFFF  }
0xa5: {  	s26 =	simm.s32 $execute0_lowered;
	[smem:$0x3FD2] =	sst s25  }
0xa6: {  	s5 =	sshll.u32 s26, $0x1;
	_ =	strace $0x80000055;
	[dreg:$0x1] =	wrdreg $0xFFFFFFFF  }
0xa7: {  	s28 =	simm.s32 $_size_execute0_lowered;
	s3 =	sadd.s32 s3, s5;
	[dreg:$0x0] =	wrdreg $0x0  }
0xa8: {  	s5 =	sshll.u32 s28, $0x1;
	[dreg:$0x2] =	wrdreg s3  }
0xa9: {  	[dreg:$0x3] =	wrdreg s5  }
0xaa: {  	[dreg:$0x4] =	wrdreg $0xC0  }
0xab: {  	_ =	task [dreg:s7], $0x5FFFF  }
0xac: {  	[dreg:$0x1] =	wrdreg $0xFFFFFFFF  }
0xad: {  	[dreg:$0x0] =	wrdreg $0x60  }
0xae: {  	[dreg:$0x2] =	wrdreg s24  }
0xaf: {  	[dreg:$0x3] =	wrdreg s2  }
0xb0: {  	[dreg:$0x4] =	wrdreg $0x0  }
0xb1: {  	[dreg:$0x5] =	wrdreg $0x9  }
0xb2: {  	_ =	task.clear_ibuf [dreg:s7], $0x6FFFF;
	_ =	strace $0x90000055  }
0xb3: {  	s29 =	simm.s32 $0x9;
	_ =	strace $0x80000057  }
0xb4: {  	_ =	swait.ge [sflag:s29], $0x1  }
0xb5: {  	[sflag:s29] =	ssyncadd.s32 $0xFFFFFFFF  }
0xb6: {  	_ =	strace $0x90000057  }
0xb7: {  	_ =	sfence  }
0xb8: {  	s30 =	sld [smem:$0x0];
	_ =	sdelay $0x2  }
0xb9: {  	s31 =	sshll.u32 s1, $0xD;
	s1 =	sshrl.u32 s1, $0x2  }
0xba: {  	s3 =	sand.u32 $0x4000, s31;
	s1 =	sadd.s32 s1, s30  }
0xbb: {  	s0 =	sor.u32 s3, s0;
	s1 =	sshll.u32 s1, $0x11  }
0xbc: {  	s0 =	sor.u32 s1, s0  }
0xbd: {  	s0 =	sadd.s32 $0x8F2B, s0  }
0xbe: {  	[sflag:s0] =	ssyncadd.remote.s32 $0x1  }
0xbf: {  	_ =	sfence.sel $0xFFFF  }
0xc0: {  	[dreg:$0x0] =	wrdreg $0xFFFFFFFF;
	(pc) =	sbr.abs _section_cstart, $3  }
0xc1: {  	[dreg:$0x1] =	wrdreg $0xFFFFFFFF  }
0xc2: {  	_ =	task.clear_ibuf [dreg:s7], $0x2FFFF;
	_ =	strace $0x9FFFFFFF  }
0xc3: {  	(tm) =	ssettm $0x7FFFFFFF  }
tec
execute0_lowered:
.L_overlay_start_1:
0x0: {  	(tag) =	ssettag $0x1  }
0x1: {  	s4 =	rddreg [dreg:$0x0]  }
0x2: {  	s1 =	srdreg.scid;
	s11 =	rddreg [dreg:$0x1]  }
0x3: {  	s0 =	stileid.u32;
	s2 =	rddreg [dreg:$0x2]  }
0x4: {  	s3 =	simm.s32 $0x0;
	s5 =	sand.u32 $0x1, s1;
	s1 =	rddreg [dreg:$0x3]  }
0x5: {  	s17 =	simm.s32 $0x0;
	s6 =	smul.u32 $0x61, s0;
	[smem:$0x7FF] =	sst s3  }
0x6: {  	s25 =	sshll.u32 s0, $0xB;
	s28 =	sshll.u32 s0, $0x8;
	s30 =	sshll.u32 s0, $0x6  }
0x7: {  	s7 =	sshll.u32 s5, $0x4;
	s8 =	smul.u32 $0x610, s5;
	_ =	strace $0x80000056  }
0x8: {  	s12 =	sshll.u32 s5, $0xF;
	s5 =	ssub.s32 $0x2, s5;
	s16 =	sadd.s32 s25, s2  }
0x9: {  	s7 =	sor.u32 s0, s7;
	s26 =	sor.u32 s25, s12;
	s14 =	sshrl.u32 s5, $0x1  }
0xa: {  	s12 =	sadd.s32 s28, s4;
	s9 =	smin.u32 s7, $0x15;
	s6 =	sadd.s32 s6, s8  }
0xb: {  	s14 =	ssub.s32 s5, s14;
	s29 =	smul.u32 $0x61, s7;
	p0 =	slt.u32 s7, $0x15  }
0xc: {  	s7 =	simm.s32 $0x62;
	s5 =	sor.u32 $0x1C01, s30;
	s10 =	sadd.s32 s9, s6  }
0xd: {  	s7 =	simm.s32 @!p0 $0x61;
	s6 =	sshll.u32 s10, $0x7;
	s31 =	sshll.u32 s10, $0x1  }
0xe: {  	s13 =	sadd.s32 s6, s4;
	s6 =	sshrl.u32 s26, $0x3;
	s11 =	sadd.s32 s31, s11  }
0xf: {  	s15 =	sadd.s32 s6, s4;
	s4 =	sadd.s32 $0x67000, s12;
	s6 =	sadd.s32 s9, s29  }
0x10: {  	s9 =	smax.u32 s14, $0x1;
	s10 =	sadd.s32 $0x5400, s13;
	s12 =	sshrl.u32 s16, $0x3  }
0x11: {  	s13 =	simm.s32 $0x1;
	s14 =	simm.s32 $0x800;
	s16 =	simm.s32 $0x10  }
0x12: {  	s7 =	sadd.s32 s7, s6;
	s8 =	sadd.s32 $0x68000, s15;
	s15 =	simm.s32 $0x810  }
.LBB2_1:
0x13: {  	[spmem:s12], [sflag:s5] =	dma.local [hbm:s4], $0x100  }
0x14: {  	_ =	swait.ge [sflag:s13], $0x100  }
0x15: {  	[sflag:s13] =	ssyncset.done $0x0  }
0x16: {  	[sflag:s13] =	ssyncadd.s32 $0xFFFFFF00  }
0x17: {  	[bflag:$0x0] =	sbarrier.arrive $0xFFFF  }
0x18: {  	[tilespmem:s14], [sflag:$0x1] =	stream.linear.gather [hbm4b:s11+s3], $0x10, $0x38;
	[tilespmem:$0xC10] =	vst v63  }
0x19: {  	_ =	swait.ge [sflag:s13], $0x10  }
0x1a: {  	[sflag:s13] =	ssyncset.done $0x0  }
0x1b: {  	s18 =	sadd.s32 $0x1, s6;
	[sflag:s13] =	ssyncadd.s32 $0xFFFFFFF0  }
0x1c: {  	[tilespmem:s15], [sflag:$0x1] =	stream.linear.gather [hbm4b:s10+s3], $0x400, $0x38;
	[tilespmem:$0xC10] =	vst v63  }
0x1d: {  	p0 =	slt.u32 s18, s7;
	_ =	swait.ge [sflag:s13], $0x400  }
.Ltmp0:
0x1e: {  	[sflag:s13] =	ssyncset.done $0x0;
	(pc) =	sbr.rel @!p0 .LBB2_3-.Ltmp0, $4  }
0x1f: {  	[sflag:s13] =	ssyncadd.s32 $0xFFFFFC00  }
0x20: {  	[spmem:s2] =	stream.indirect.scatter.add.f32 [tilespmem:s15], [sflag:$0x1], $0x40, s14, s16, $0xb8;
	[tilespmem:$0xC10] =	vst v63  }
0x21: {  	_ =	swait.ge [sflag:s13], $0x400  }
0x22: {  	s19 =	sadd.s32 $0x2, s11;
	s20 =	smov.u32 s10;
	[sflag:s13] =	ssyncset.done $0x0  }
.LBB2_2:
0x23: {  	s18 =	sadd.s32 $0x1, s18;
	[sflag:s13] =	ssyncadd.s32 $0xFFFFFC00;
	s20 =	sadd.s32 $0x80, s20  }
0x24: {  	[tilespmem:s14], [sflag:$0x1] =	stream.linear.gather [hbm4b:s19+s3], $0x10, $0x38;
	[tilespmem:$0xC10] =	vst v63  }
0x25: {  	p0 =	slt.u32 s18, s7;
	_ =	swait.ge [sflag:s13], $0x10  }
0x26: {  	[sflag:s13] =	ssyncset.done $0x0  }
0x27: {  	[sflag:s13] =	ssyncadd.s32 $0xFFFFFFF0  }
0x28: {  	[tilespmem:s15], [sflag:$0x1] =	stream.linear.gather [hbm4b:s20+s3], $0x400, $0x38;
	[tilespmem:$0xC10] =	vst v63  }
0x29: {  	_ =	swait.ge [sflag:s13], $0x400  }
.Ltmp1:
0x2a: {  	[sflag:s13] =	ssyncset.done $0x0;
	(pc) =	sbr.rel @p0 .LBB2_2-.Ltmp1, $4  }
0x2b: {  	[sflag:s13] =	ssyncadd.s32 $0xFFFFFC00  }
0x2c: {  	[spmem:s2] =	stream.indirect.scatter.add.f32 [tilespmem:s15], [sflag:$0x1], $0x40, s14, s16, $0xb8;
	[tilespmem:$0xC10] =	vst v63  }
0x2d: {  	_ =	swait.ge [sflag:s13], $0x400  }
0x2e: {  	s19 =	sadd.s32 $0x2, s19;
	[sflag:s13] =	ssyncset.done $0x0  }
.LBB2_3:
0x2f: {  	s17 =	sadd.s32 $0x1, s17  }
0x30: {  	[sflag:s13] =	ssyncadd.s32 $0xFFFFFC00;
	p0 =	sne.s32 s17, s9  }
.Ltmp2:
0x31: {  	[bflag:$0x0] =	sbarrier.arrive $0xFFFF;
	(pc) =	sbr.rel @p0 .LBB2_1-.Ltmp2, $4  }
0x32: {  	[hbm:s8], [sflag:s5] =	dma.local [spmem:s12], $0x100  }
0x33: {  	_ =	swait.ge [sflag:s13], $0x100  }
0x34: {  	[sflag:s13] =	ssyncset.done $0x0  }
0x35: {  	[sflag:s13] =	ssyncadd.s32 $0xFFFFFF00  }
0x36: {  	_ =	sfence.sel $0x180000  }
0x37: {  	[bflag:$0x0] =	sbarrier.arrive $0xFFFF  }
0x38: {  	p0 =	sne.s32 s0, $0x0;
	_ =	strace $0x90000056  }
0x39: {  	s0 =	sadd.s32 @!p0 $0x100000, s1;
	[bflag:$0x2] =	sbarrier.arrive $0xFFFF  }
0x3a: {  	[sflag:s0] =	ssyncadd.tile.s32 @!p0 $0x1;
	_ =	shalt  }
.Lfunc_end2:
_tile_overlayer_lowered:
.L_overlay_start_2:
0x3b: {  	(tag) =	ssettag $0x2  }
0x3c: {  	s0 =	rddreg [dreg:$0x0];
	s2 =	stileid.u32  }
0x3d: {  	s1 =	rddreg [dreg:$0x1];
	p0 =	sne.s32 s2, $0x0  }
0x3e: {  	s3 =	rddreg [dreg:$0x2];
	[bflag:$0x3] =	sbarrier.arrive $0xFFFF;
	s2 =	simm.s32 @!p0 $0x1C01  }
0x3f: {  	[timem:s3], [sflag:s2] =	dma.local @!p0 [hbm:s0], s1  }
0x40: {  	s0 =	simm.s32 @!p0 $0x1  }
0x41: {  	_ =	swait.ge @!p0 [sflag:s0], s1  }
0x42: {  	s1 =	ssub.s32 @!p0 $0x0, s1;
	[sflag:s0] =	ssyncset.done @!p0 $0x0  }
0x43: {  	[sflag:s0] =	ssyncadd.s32 @!p0 s1  }
0x44: {  	[bflag:$0x3] =	sbarrier.arrive $0xFFFF  }
0x45: {  	_ =	shalt  }

</sc_bundles>
